<compile_context>
chip_gen: v7x
topology: tpu7x:2x2x1
jax: 0.10.2.dev20260603
libtpu: 0.0.44.dev20260713+nightly
codegen_flags: <defaults>
</compile_context>

<pallas_src>
import functools

import jax
import jax.numpy as jnp
from jax import lax
from jax.experimental import pallas as pl
from jax.experimental.pallas import tpu as pltpu
from jax.experimental.pallas import tpu_sc as plsc

_CHANNEL = 4096
_NUM_FREQ = 4096
_LEN_SEQ = 4096
_N = 8

_L = 16
_NS = 16
_REP = 16
_WCHUNKS = _NUM_FREQ // _L
_CCHUNKS = _LEN_SEQ // _L
_CHUNK_ROWS = _CHANNEL // _N


@functools.partial(
    pl.kernel,
    mesh=plsc.VectorSubcoreMesh(core_axis_name="c", subcore_axis_name="s",
                                num_cores=1),
    out_type=jax.ShapeDtypeStruct((_N, _LEN_SEQ), jnp.float32),
    scratch_types=[
        pltpu.VMEM((_NUM_FREQ,), jnp.float32),
        pltpu.VMEM((1, _LEN_SEQ), jnp.float32),
        pltpu.VMEM((_L,), jnp.int32),
        pltpu.SemaphoreType.DMA,
        pltpu.SemaphoreType.DMA,
    ],
)
def _sc_select(filters_hbm, weights_hbm, sel_hbm, w_v, buf_v, idxs_v,
               sem_in, sem_out):
    cid = lax.axis_index("c")
    sid = lax.axis_index("s")
    wid = cid * _NS + sid
    my_k = wid

    @pl.when(wid < _N)
    def _active():
        pltpu.sync_copy(weights_hbm, w_v)

        lane = lax.iota(jnp.int32, 16)
        neg_inf = jnp.float32(-jnp.inf)

        def perm16(v, idx):
            return lax.gather(
                v, idx[:, None],
                lax.GatherDimensionNumbers(offset_dims=(),
                                           collapsed_slice_dims=(0,),
                                           start_index_map=(0,)),
                (1,), mode=lax.GatherScatterMode.PROMISE_IN_BOUNDS)

        lane_f = lane.astype(jnp.float32)
        one = jnp.ones((_L,), jnp.float32)
        zero = jnp.zeros((_L,), jnp.float32)
        my_idx_vec = jnp.zeros((_L,), jnp.float32)
        my_val_vec = jnp.zeros((_L,), jnp.float32)
        prev_i = jnp.full((_L,), -1.0, jnp.float32)
        for k in range(_N):
            def amax_body(c, carry):
                bv, bi = carry
                s = pl.ds(c * _L, _L)
                idx = jnp.float32(c * _L) + lane_f
                v = jnp.where(idx == prev_i, neg_inf, w_v[s])
                w_v[s] = v
                p = v > bv
                return jnp.where(p, v, bv), jnp.where(p, idx, bi)

            bv, bi = lax.fori_loop(
                0, _WCHUNKS, amax_body,
                (jnp.full((_L,), neg_inf), jnp.zeros((_L,), jnp.float32)),
                unroll=8)
            for shift in (1, 2, 4, 8):
                pidx = lax.bitwise_xor(lane, shift)
                pv = perm16(bv, pidx)
                pi = perm16(bi, pidx)
                gt = jnp.where(pv > bv, one, zero)
                eq = jnp.where(pv == bv, one, zero)
                lt = jnp.where(pi < bi, one, zero)
                take = (gt + eq * lt) > zero
                bv = jnp.where(take, pv, bv)
                bi = jnp.where(take, pi, bi)
            prev_i = bi
            pkv = jnp.full((_L,), jnp.float32(my_k == k))
            my_idx_vec = pkv * bi + (one - pkv) * my_idx_vec
            my_val_vec = pkv * bv + (one - pkv) * my_val_vec

        idxs_v[...] = my_idx_vec.astype(jnp.int32)
        pltpu.async_copy(filters_hbm.at[idxs_v.at[pl.ds(0, 1)]],
                         buf_v, sem_in).wait()

        def scale_body(c, carry):
            s = pl.ds(c * _L, _L)
            buf_v[0, s] = buf_v[0, s] * my_val_vec
            return carry

        lax.fori_loop(0, _CCHUNKS, scale_body, 0, unroll=8)

        pltpu.async_copy(buf_v, sel_hbm.at[pl.ds(my_k, 1)], sem_out).wait()


_TC_BLOCK_ROWS = 256


def _tc_broadcast_body(sel_ref, out_ref):
    out_ref[...] = jnp.broadcast_to(sel_ref[0], (_TC_BLOCK_ROWS, _LEN_SEQ))


_tc_broadcast = pl.pallas_call(
    _tc_broadcast_body,
    grid=(_CHANNEL // _TC_BLOCK_ROWS,),
    in_specs=[pl.BlockSpec(
        (1, 1, _LEN_SEQ),
        lambda i: (i // (_CHUNK_ROWS // _TC_BLOCK_ROWS), 0, 0))],
    out_specs=pl.BlockSpec((_TC_BLOCK_ROWS, _LEN_SEQ), lambda i: (i, 0)),
    out_shape=jax.ShapeDtypeStruct((_CHANNEL, _LEN_SEQ), jnp.float32),
)


def kernel(filters, weights):
    sel = _sc_select(filters, weights)
    return _tc_broadcast(sel.reshape(_N, 1, _LEN_SEQ))

# --- scband reference (transcript-rebuilt; emitter-appended) ---
"""Pipeline reference for scband-filter-selector-13889924235484 (READ-ONLY COPY).

The authoritative reference and input builder live on the scoring server;
editing this copy changes nothing except your own understanding.
"""

import jax, jax.numpy as jnp
import numpy as np

CHANNEL = 4096
NUM_FREQ = 4096
LEN_SEQ = 4096
N = 8


def setup_inputs(seed: int = 0) -> dict:
    key = jax.random.key(seed)
    k1, k2 = jax.random.split(key)
    filters = jax.random.normal(k1, (NUM_FREQ, LEN_SEQ), dtype=jnp.float32)
    # learned parameter: initialized to ones as in the torch module
    weights = jnp.ones((NUM_FREQ,), dtype=jnp.float32)
    return {"filters": filters, "weights": weights}


def reference(filters, weights):
    # weighted = filters * weights.view(-1, 1)
    weighted = filters * weights[:, None]
    # _, top_indices = torch.topk(weights, n)
    _, top_indices = jax.lax.top_k(weights, N)
    # selected = weighted[top_indices]
    selected = jnp.take(weighted, top_indices, axis=0)
    # chunked broadcast-write into weight_filter[channel, len_seq]
    chunk_size = CHANNEL // N
    repeats = np.full((N,), chunk_size, dtype=np.int32)
    repeats[-1] = CHANNEL - (N - 1) * chunk_size
    weight_filter = jnp.repeat(selected, jnp.asarray(repeats), axis=0, total_repeat_length=CHANNEL)
    return weight_filter

if __name__ == "__main__":
    import jax
    _d = setup_inputs()
    print(jax.jit(kernel)(*tuple(_d.values())))

</pallas_src>

<mosaic_0001>
#map = affine_map<(d0, d1) -> (0, 0)>
#map1 = affine_map<(d0, d1) -> (0)>
module attributes {stable_mosaic.version = 14 : i64} {
  func.func @_sc_select(%arg0: i32, %arg1: i32, %arg2: memref<4096x4096xf32, #tpu.memory_space<hbm>>, %arg3: memref<4096xf32, #tpu.memory_space<hbm>>, %arg4: memref<8x4096xf32, #tpu.memory_space<hbm>>, %arg5: memref<4096xf32, #tpu.memory_space<vmem>>, %arg6: memref<1x4096xf32, #tpu.memory_space<vmem>>, %arg7: memref<16xi32, #tpu.memory_space<vmem>>, %arg8: memref<!tpu.dma_semaphore, #tpu.memory_space<semaphore_mem>>, %arg9: memref<!tpu.dma_semaphore, #tpu.memory_space<semaphore_mem>>) attributes {dimension_semantics = [#tpu.dimension_semantics<core_parallel>, #tpu.dimension_semantics<subcore_parallel>], iteration_bounds = array<i64: 1, 16>, scalar_prefetch = 0 : i64, scratch_operands = 5 : i64, tpu.core_type = #tpu.core_type<sc_vector_subcore>, window_params = [{transform_indices = #map}, {transform_indices = #map1}, {transform_indices = #map}]} {
    %mul3A = arith.constant 16 : i32
    %mul3A_0 = arith.muli %arg0, %mul3A : i32
    %add3A = arith.addi %mul3A_0, %arg1 : i32
    %lt3A = arith.constant 8 : i32
    %lt3A_1 = arith.cmpi slt, %add3A, %lt3A : i32
    %convert_element_type3A = arith.extui %lt3A_1 : i1 to i32
    %cond3A = arith.constant 0 : i32
    %cond3A_2 = arith.cmpi ne, %convert_element_type3A, %cond3A : i32
    scf.if %cond3A_2 {
      "tpu.region"() ({
        %run_scoped3A = tpu.sem_alloc : memref<!tpu.dma_semaphore, #tpu.memory_space<semaphore_mem>>
        tpu.enqueue_dma source(%arg3 : memref<4096xf32, #tpu.memory_space<hbm>>) target(%arg5 : memref<4096xf32, #tpu.memory_space<vmem>>) target_semaphore(%run_scoped3A : memref<!tpu.dma_semaphore, #tpu.memory_space<semaphore_mem>>)
        tpu.wait_dma2 semaphore(%run_scoped3A : memref<!tpu.dma_semaphore, #tpu.memory_space<semaphore_mem>>) src(%arg3 : memref<4096xf32, #tpu.memory_space<hbm>>) dst(%arg5 : memref<4096xf32, #tpu.memory_space<vmem>>)
        tpu.yield
      }) : () -> ()
      %iota3A = tpu.iota {dimensions = array<i32: 0>} : vector<16xi32>
      %convert_element_type3A_3 = arith.sitofp %iota3A : vector<16xi32> to vector<16xf32>
      %broadcast_in_dim3A = arith.constant 1.000000e+00 : f32
      %broadcast_in_dim3A_4 = vector.broadcast %broadcast_in_dim3A : f32 to vector<16xf32>
      %broadcast_in_dim3A_5 = arith.constant 0.000000e+00 : f32
      %broadcast_in_dim3A_6 = vector.broadcast %broadcast_in_dim3A_5 : f32 to vector<16xf32>
      %broadcast_in_dim3A_7 = arith.constant 0.000000e+00 : f32
      %broadcast_in_dim3A_8 = vector.broadcast %broadcast_in_dim3A_7 : f32 to vector<16xf32>
      %broadcast_in_dim3A_9 = arith.constant 0.000000e+00 : f32
      %broadcast_in_dim3A_10 = vector.broadcast %broadcast_in_dim3A_9 : f32 to vector<16xf32>
      %broadcast_in_dim3A_11 = arith.constant -1.000000e+00 : f32
      %broadcast_in_dim3A_12 = vector.broadcast %broadcast_in_dim3A_11 : f32 to vector<16xf32>
      %broadcast_in_dim3A_13 = arith.constant 0xFF800000 : f32
      %broadcast_in_dim3A_14 = vector.broadcast %broadcast_in_dim3A_13 : f32 to vector<16xf32>
      %broadcast_in_dim3A_15 = arith.constant 0.000000e+00 : f32
      %broadcast_in_dim3A_16 = vector.broadcast %broadcast_in_dim3A_15 : f32 to vector<16xf32>
      %scan3A = arith.constant 0xFF800000 : f32
      %scan3A_17 = arith.constant 0 : i32
      %scan3A_18 = arith.constant 256 : i32
      %scan3A_19 = arith.addi %scan3A_17, %scan3A_18 : i32
      %scan3A_20 = arith.constant 8 : i32
      %scan3A_21:2 = scf.for %scan3A_864 = %scan3A_17 to %scan3A_19 step %scan3A_20 iter_args(%scan3A_865 = %broadcast_in_dim3A_14, %scan3A_866 = %broadcast_in_dim3A_16) -> (vector<16xf32>, vector<16xf32>)  : i32 {
        %mul3A_867 = arith.constant 16 : i32
        %mul3A_868 = arith.muli %scan3A_864, %mul3A_867 : i32
        %mul3A_869 = arith.constant 16 : i32
        %mul3A_870 = arith.muli %scan3A_864, %mul3A_869 : i32
        %convert_element_type3A_871 = arith.sitofp %mul3A_870 : i32 to f32
        %add3A_872 = vector.broadcast %convert_element_type3A_871 : f32 to vector<16xf32>
        %add3A_873 = arith.addf %add3A_872, %convert_element_type3A_3 : vector<16xf32>
        %eq3A_874 = arith.cmpf oeq, %add3A_873, %broadcast_in_dim3A_12 : vector<16xf32>
        %get3A = arith.index_cast %mul3A_868 : i32 to index
        %get3A_875 = tpu.vector_load %arg5[%get3A] {strides = array<i32>} : memref<4096xf32, #tpu.memory_space<vmem>>, vector<16xf32>,
        %get3A_876 = vector.shape_cast %get3A_875 : vector<16xf32> to vector<16xf32>
        %broadcast_in_dim3A_877 = vector.broadcast %scan3A : f32 to vector<16xf32>
        %select_n3A_878 = arith.select %eq3A_874, %broadcast_in_dim3A_877, %get3A_876 : vector<16xi1>, vector<16xf32>
        %swap3A_879 = arith.index_cast %mul3A_868 : i32 to index
        %swap3A_880 = tpu.vector_load %arg5[%swap3A_879] {strides = array<i32>} : memref<4096xf32, #tpu.memory_space<vmem>>, vector<16xf32>,
        %swap3A_881 = vector.shape_cast %swap3A_880 : vector<16xf32> to vector<16xf32>
        %swap3A_882 = vector.shape_cast %select_n3A_878 : vector<16xf32> to vector<16xf32>
        tpu.vector_store %arg5[%swap3A_879], %swap3A_882 {strides = array<i32>} : memref<4096xf32, #tpu.memory_space<vmem>>, vector<16xf32>,
        %gt3A_883 = arith.cmpf ogt, %select_n3A_878, %scan3A_865 : vector<16xf32>
        %select_n3A_884 = arith.select %gt3A_883, %select_n3A_878, %scan3A_865 : vector<16xi1>, vector<16xf32>
        %select_n3A_885 = arith.select %gt3A_883, %add3A_873, %scan3A_866 : vector<16xi1>, vector<16xf32>
        %scan3A_886 = arith.constant 1 : i32
        %scan3A_887 = arith.addi %scan3A_864, %scan3A_886 : i32
        %mul3A_888 = arith.constant 16 : i32
        %mul3A_889 = arith.muli %scan3A_887, %mul3A_888 : i32
        %mul3A_890 = arith.constant 16 : i32
        %mul3A_891 = arith.muli %scan3A_887, %mul3A_890 : i32
        %convert_element_type3A_892 = arith.sitofp %mul3A_891 : i32 to f32
        %add3A_893 = vector.broadcast %convert_element_type3A_892 : f32 to vector<16xf32>
        %add3A_894 = arith.addf %add3A_893, %convert_element_type3A_3 : vector<16xf32>
        %eq3A_895 = arith.cmpf oeq, %add3A_894, %broadcast_in_dim3A_12 : vector<16xf32>
        %get3A_896 = arith.index_cast %mul3A_889 : i32 to index
        %get3A_897 = tpu.vector_load %arg5[%get3A_896] {strides = array<i32>} : memref<4096xf32, #tpu.memory_space<vmem>>, vector<16xf32>,
        %get3A_898 = vector.shape_cast %get3A_897 : vector<16xf32> to vector<16xf32>
        %broadcast_in_dim3A_899 = vector.broadcast %scan3A : f32 to vector<16xf32>
        %select_n3A_900 = arith.select %eq3A_895, %broadcast_in_dim3A_899, %get3A_898 : vector<16xi1>, vector<16xf32>
        %swap3A_901 = arith.index_cast %mul3A_889 : i32 to index
        %swap3A_902 = tpu.vector_load %arg5[%swap3A_901] {strides = array<i32>} : memref<4096xf32, #tpu.memory_space<vmem>>, vector<16xf32>,
        %swap3A_903 = vector.shape_cast %swap3A_902 : vector<16xf32> to vector<16xf32>
        %swap3A_904 = vector.shape_cast %select_n3A_900 : vector<16xf32> to vector<16xf32>
        tpu.vector_store %arg5[%swap3A_901], %swap3A_904 {strides = array<i32>} : memref<4096xf32, #tpu.memory_space<vmem>>, vector<16xf32>,
        %gt3A_905 = arith.cmpf ogt, %select_n3A_900, %select_n3A_884 : vector<16xf32>
        %select_n3A_906 = arith.select %gt3A_905, %select_n3A_900, %select_n3A_884 : vector<16xi1>, vector<16xf32>
        %select_n3A_907 = arith.select %gt3A_905, %add3A_894, %select_n3A_885 : vector<16xi1>, vector<16xf32>
        %scan3A_908 = arith.constant 2 : i32
        %scan3A_909 = arith.addi %scan3A_864, %scan3A_908 : i32
        %mul3A_910 = arith.constant 16 : i32
        %mul3A_911 = arith.muli %scan3A_909, %mul3A_910 : i32
        %mul3A_912 = arith.constant 16 : i32
        %mul3A_913 = arith.muli %scan3A_909, %mul3A_912 : i32
        %convert_element_type3A_914 = arith.sitofp %mul3A_913 : i32 to f32
        %add3A_915 = vector.broadcast %convert_element_type3A_914 : f32 to vector<16xf32>
        %add3A_916 = arith.addf %add3A_915, %convert_element_type3A_3 : vector<16xf32>
        %eq3A_917 = arith.cmpf oeq, %add3A_916, %broadcast_in_dim3A_12 : vector<16xf32>
        %get3A_918 = arith.index_cast %mul3A_911 : i32 to index
        %get3A_919 = tpu.vector_load %arg5[%get3A_918] {strides = array<i32>} : memref<4096xf32, #tpu.memory_space<vmem>>, vector<16xf32>,
        %get3A_920 = vector.shape_cast %get3A_919 : vector<16xf32> to vector<16xf32>
        %broadcast_in_dim3A_921 = vector.broadcast %scan3A : f32 to vector<16xf32>
        %select_n3A_922 = arith.select %eq3A_917, %broadcast_in_dim3A_921, %get3A_920 : vector<16xi1>, vector<16xf32>
        %swap3A_923 = arith.index_cast %mul3A_911 : i32 to index
        %swap3A_924 = tpu.vector_load %arg5[%swap3A_923] {strides = array<i32>} : memref<4096xf32, #tpu.memory_space<vmem>>, vector<16xf32>,
        %swap3A_925 = vector.shape_cast %swap3A_924 : vector<16xf32> to vector<16xf32>
        %swap3A_926 = vector.shape_cast %select_n3A_922 : vector<16xf32> to vector<16xf32>
        tpu.vector_store %arg5[%swap3A_923], %swap3A_926 {strides = array<i32>} : memref<4096xf32, #tpu.memory_space<vmem>>, vector<16xf32>,
        %gt3A_927 = arith.cmpf ogt, %select_n3A_922, %select_n3A_906 : vector<16xf32>
        %select_n3A_928 = arith.select %gt3A_927, %select_n3A_922, %select_n3A_906 : vector<16xi1>, vector<16xf32>
        %select_n3A_929 = arith.select %gt3A_927, %add3A_916, %select_n3A_907 : vector<16xi1>, vector<16xf32>
        %scan3A_930 = arith.constant 3 : i32
        %scan3A_931 = arith.addi %scan3A_864, %scan3A_930 : i32
        %mul3A_932 = arith.constant 16 : i32
        %mul3A_933 = arith.muli %scan3A_931, %mul3A_932 : i32
        %mul3A_934 = arith.constant 16 : i32
        %mul3A_935 = arith.muli %scan3A_931, %mul3A_934 : i32
        %convert_element_type3A_936 = arith.sitofp %mul3A_935 : i32 to f32
        %add3A_937 = vector.broadcast %convert_element_type3A_936 : f32 to vector<16xf32>
        %add3A_938 = arith.addf %add3A_937, %convert_element_type3A_3 : vector<16xf32>
        %eq3A_939 = arith.cmpf oeq, %add3A_938, %broadcast_in_dim3A_12 : vector<16xf32>
        %get3A_940 = arith.index_cast %mul3A_933 : i32 to index
        %get3A_941 = tpu.vector_load %arg5[%get3A_940] {strides = array<i32>} : memref<4096xf32, #tpu.memory_space<vmem>>, vector<16xf32>,
        %get3A_942 = vector.shape_cast %get3A_941 : vector<16xf32> to vector<16xf32>
        %broadcast_in_dim3A_943 = vector.broadcast %scan3A : f32 to vector<16xf32>
        %select_n3A_944 = arith.select %eq3A_939, %broadcast_in_dim3A_943, %get3A_942 : vector<16xi1>, vector<16xf32>
        %swap3A_945 = arith.index_cast %mul3A_933 : i32 to index
        %swap3A_946 = tpu.vector_load %arg5[%swap3A_945] {strides = array<i32>} : memref<4096xf32, #tpu.memory_space<vmem>>, vector<16xf32>,
        %swap3A_947 = vector.shape_cast %swap3A_946 : vector<16xf32> to vector<16xf32>
        %swap3A_948 = vector.shape_cast %select_n3A_944 : vector<16xf32> to vector<16xf32>
        tpu.vector_store %arg5[%swap3A_945], %swap3A_948 {strides = array<i32>} : memref<4096xf32, #tpu.memory_space<vmem>>, vector<16xf32>,
        %gt3A_949 = arith.cmpf ogt, %select_n3A_944, %select_n3A_928 : vector<16xf32>
        %select_n3A_950 = arith.select %gt3A_949, %select_n3A_944, %select_n3A_928 : vector<16xi1>, vector<16xf32>
        %select_n3A_951 = arith.select %gt3A_949, %add3A_938, %select_n3A_929 : vector<16xi1>, vector<16xf32>
        %scan3A_952 = arith.constant 4 : i32
        %scan3A_953 = arith.addi %scan3A_864, %scan3A_952 : i32
        %mul3A_954 = arith.constant 16 : i32
        %mul3A_955 = arith.muli %scan3A_953, %mul3A_954 : i32
        %mul3A_956 = arith.constant 16 : i32
        %mul3A_957 = arith.muli %scan3A_953, %mul3A_956 : i32
        %convert_element_type3A_958 = arith.sitofp %mul3A_957 : i32 to f32
        %add3A_959 = vector.broadcast %convert_element_type3A_958 : f32 to vector<16xf32>
        %add3A_960 = arith.addf %add3A_959, %convert_element_type3A_3 : vector<16xf32>
        %eq3A_961 = arith.cmpf oeq, %add3A_960, %broadcast_in_dim3A_12 : vector<16xf32>
        %get3A_962 = arith.index_cast %mul3A_955 : i32 to index
        %get3A_963 = tpu.vector_load %arg5[%get3A_962] {strides = array<i32>} : memref<4096xf32, #tpu.memory_space<vmem>>, vector<16xf32>,
        %get3A_964 = vector.shape_cast %get3A_963 : vector<16xf32> to vector<16xf32>
        %broadcast_in_dim3A_965 = vector.broadcast %scan3A : f32 to vector<16xf32>
        %select_n3A_966 = arith.select %eq3A_961, %broadcast_in_dim3A_965, %get3A_964 : vector<16xi1>, vector<16xf32>
        %swap3A_967 = arith.index_cast %mul3A_955 : i32 to index
        %swap3A_968 = tpu.vector_load %arg5[%swap3A_967] {strides = array<i32>} : memref<4096xf32, #tpu.memory_space<vmem>>, vector<16xf32>,
        %swap3A_969 = vector.shape_cast %swap3A_968 : vector<16xf32> to vector<16xf32>
        %swap3A_970 = vector.shape_cast %select_n3A_966 : vector<16xf32> to vector<16xf32>
        tpu.vector_store %arg5[%swap3A_967], %swap3A_970 {strides = array<i32>} : memref<4096xf32, #tpu.memory_space<vmem>>, vector<16xf32>,
        %gt3A_971 = arith.cmpf ogt, %select_n3A_966, %select_n3A_950 : vector<16xf32>
        %select_n3A_972 = arith.select %gt3A_971, %select_n3A_966, %select_n3A_950 : vector<16xi1>, vector<16xf32>
        %select_n3A_973 = arith.select %gt3A_971, %add3A_960, %select_n3A_951 : vector<16xi1>, vector<16xf32>
        %scan3A_974 = arith.constant 5 : i32
        %scan3A_975 = arith.addi %scan3A_864, %scan3A_974 : i32
        %mul3A_976 = arith.constant 16 : i32
        %mul3A_977 = arith.muli %scan3A_975, %mul3A_976 : i32
        %mul3A_978 = arith.constant 16 : i32
        %mul3A_979 = arith.muli %scan3A_975, %mul3A_978 : i32
        %convert_element_type3A_980 = arith.sitofp %mul3A_979 : i32 to f32
        %add3A_981 = vector.broadcast %convert_element_type3A_980 : f32 to vector<16xf32>
        %add3A_982 = arith.addf %add3A_981, %convert_element_type3A_3 : vector<16xf32>
        %eq3A_983 = arith.cmpf oeq, %add3A_982, %broadcast_in_dim3A_12 : vector<16xf32>
        %get3A_984 = arith.index_cast %mul3A_977 : i32 to index
        %get3A_985 = tpu.vector_load %arg5[%get3A_984] {strides = array<i32>} : memref<4096xf32, #tpu.memory_space<vmem>>, vector<16xf32>,
        %get3A_986 = vector.shape_cast %get3A_985 : vector<16xf32> to vector<16xf32>
        %broadcast_in_dim3A_987 = vector.broadcast %scan3A : f32 to vector<16xf32>
        %select_n3A_988 = arith.select %eq3A_983, %broadcast_in_dim3A_987, %get3A_986 : vector<16xi1>, vector<16xf32>
        %swap3A_989 = arith.index_cast %mul3A_977 : i32 to index
        %swap3A_990 = tpu.vector_load %arg5[%swap3A_989] {strides = array<i32>} : memref<4096xf32, #tpu.memory_space<vmem>>, vector<16xf32>,
        %swap3A_991 = vector.shape_cast %swap3A_990 : vector<16xf32> to vector<16xf32>
        %swap3A_992 = vector.shape_cast %select_n3A_988 : vector<16xf32> to vector<16xf32>
        tpu.vector_store %arg5[%swap3A_989], %swap3A_992 {strides = array<i32>} : memref<4096xf32, #tpu.memory_space<vmem>>, vector<16xf32>,
        %gt3A_993 = arith.cmpf ogt, %select_n3A_988, %select_n3A_972 : vector<16xf32>
        %select_n3A_994 = arith.select %gt3A_993, %select_n3A_988, %select_n3A_972 : vector<16xi1>, vector<16xf32>
        %select_n3A_995 = arith.select %gt3A_993, %add3A_982, %select_n3A_973 : vector<16xi1>, vector<16xf32>
        %scan3A_996 = arith.constant 6 : i32
        %scan3A_997 = arith.addi %scan3A_864, %scan3A_996 : i32
        %mul3A_998 = arith.constant 16 : i32
        %mul3A_999 = arith.muli %scan3A_997, %mul3A_998 : i32
        %mul3A_1000 = arith.constant 16 : i32
        %mul3A_1001 = arith.muli %scan3A_997, %mul3A_1000 : i32
        %convert_element_type3A_1002 = arith.sitofp %mul3A_1001 : i32 to f32
        %add3A_1003 = vector.broadcast %convert_element_type3A_1002 : f32 to vector<16xf32>
        %add3A_1004 = arith.addf %add3A_1003, %convert_element_type3A_3 : vector<16xf32>
        %eq3A_1005 = arith.cmpf oeq, %add3A_1004, %broadcast_in_dim3A_12 : vector<16xf32>
        %get3A_1006 = arith.index_cast %mul3A_999 : i32 to index
        %get3A_1007 = tpu.vector_load %arg5[%get3A_1006] {strides = array<i32>} : memref<4096xf32, #tpu.memory_space<vmem>>, vector<16xf32>,
        %get3A_1008 = vector.shape_cast %get3A_1007 : vector<16xf32> to vector<16xf32>
        %broadcast_in_dim3A_1009 = vector.broadcast %scan3A : f32 to vector<16xf32>
        %select_n3A_1010 = arith.select %eq3A_1005, %broadcast_in_dim3A_1009, %get3A_1008 : vector<16xi1>, vector<16xf32>
        %swap3A_1011 = arith.index_cast %mul3A_999 : i32 to index
        %swap3A_1012 = tpu.vector_load %arg5[%swap3A_1011] {strides = array<i32>} : memref<4096xf32, #tpu.memory_space<vmem>>, vector<16xf32>,
        %swap3A_1013 = vector.shape_cast %swap3A_1012 : vector<16xf32> to vector<16xf32>
        %swap3A_1014 = vector.shape_cast %select_n3A_1010 : vector<16xf32> to vector<16xf32>
        tpu.vector_store %arg5[%swap3A_1011], %swap3A_1014 {strides = array<i32>} : memref<4096xf32, #tpu.memory_space<vmem>>, vector<16xf32>,
        %gt3A_1015 = arith.cmpf ogt, %select_n3A_1010, %select_n3A_994 : vector<16xf32>
        %select_n3A_1016 = arith.select %gt3A_1015, %select_n3A_1010, %select_n3A_994 : vector<16xi1>, vector<16xf32>
        %select_n3A_1017 = arith.select %gt3A_1015, %add3A_1004, %select_n3A_995 : vector<16xi1>, vector<16xf32>
        %scan3A_1018 = arith.constant 7 : i32
        %scan3A_1019 = arith.addi %scan3A_864, %scan3A_1018 : i32
        %mul3A_1020 = arith.constant 16 : i32
        %mul3A_1021 = arith.muli %scan3A_1019, %mul3A_1020 : i32
        %mul3A_1022 = arith.constant 16 : i32
        %mul3A_1023 = arith.muli %scan3A_1019, %mul3A_1022 : i32
        %convert_element_type3A_1024 = arith.sitofp %mul3A_1023 : i32 to f32
        %add3A_1025 = vector.broadcast %convert_element_type3A_1024 : f32 to vector<16xf32>
        %add3A_1026 = arith.addf %add3A_1025, %convert_element_type3A_3 : vector<16xf32>
        %eq3A_1027 = arith.cmpf oeq, %add3A_1026, %broadcast_in_dim3A_12 : vector<16xf32>
        %get3A_1028 = arith.index_cast %mul3A_1021 : i32 to index
        %get3A_1029 = tpu.vector_load %arg5[%get3A_1028] {strides = array<i32>} : memref<4096xf32, #tpu.memory_space<vmem>>, vector<16xf32>,
        %get3A_1030 = vector.shape_cast %get3A_1029 : vector<16xf32> to vector<16xf32>
        %broadcast_in_dim3A_1031 = vector.broadcast %scan3A : f32 to vector<16xf32>
        %select_n3A_1032 = arith.select %eq3A_1027, %broadcast_in_dim3A_1031, %get3A_1030 : vector<16xi1>, vector<16xf32>
        %swap3A_1033 = arith.index_cast %mul3A_1021 : i32 to index
        %swap3A_1034 = tpu.vector_load %arg5[%swap3A_1033] {strides = array<i32>} : memref<4096xf32, #tpu.memory_space<vmem>>, vector<16xf32>,
        %swap3A_1035 = vector.shape_cast %swap3A_1034 : vector<16xf32> to vector<16xf32>
        %swap3A_1036 = vector.shape_cast %select_n3A_1032 : vector<16xf32> to vector<16xf32>
        tpu.vector_store %arg5[%swap3A_1033], %swap3A_1036 {strides = array<i32>} : memref<4096xf32, #tpu.memory_space<vmem>>, vector<16xf32>,
        %gt3A_1037 = arith.cmpf ogt, %select_n3A_1032, %select_n3A_1016 : vector<16xf32>
        %select_n3A_1038 = arith.select %gt3A_1037, %select_n3A_1032, %select_n3A_1016 : vector<16xi1>, vector<16xf32>
        %select_n3A_1039 = arith.select %gt3A_1037, %add3A_1026, %select_n3A_1017 : vector<16xi1>, vector<16xf32>
        scf.yield %select_n3A_1038, %select_n3A_1039 : vector<16xf32>, vector<16xf32>
      }
      %scan3A_22 = arith.constant 256 : i32
      %xor3A = arith.constant 1 : i32
      %xor3A_23 = vector.broadcast %xor3A : i32 to vector<16xi32>
      %xor3A_24 = arith.xori %iota3A, %xor3A_23 : vector<16xi32>
      %broadcast_in_dim3A_25 = vector.shape_cast %xor3A_24 : vector<16xi32> to vector<16x1xi32>
      %gather3A = vector.shape_cast %broadcast_in_dim3A_25 : vector<16x1xi32> to vector<16xi32>
      %gather3A_26 = tpu.dynamic_gather %scan3A_21#0[%gather3A] in [0] : vector<16xf32>, vector<16xi32> -> vector<16xf32>
      %broadcast_in_dim3A_27 = vector.shape_cast %xor3A_24 : vector<16xi32> to vector<16x1xi32>
      %gather3A_28 = vector.shape_cast %broadcast_in_dim3A_27 : vector<16x1xi32> to vector<16xi32>
      %gather3A_29 = tpu.dynamic_gather %scan3A_21#1[%gather3A_28] in [0] : vector<16xf32>, vector<16xi32> -> vector<16xf32>
      %gt3A = arith.cmpf ogt, %gather3A_26, %scan3A_21#0 : vector<16xf32>
      %select_n3A = arith.select %gt3A, %broadcast_in_dim3A_4, %broadcast_in_dim3A_6 : vector<16xi1>, vector<16xf32>
      %eq3A = arith.cmpf oeq, %gather3A_26, %scan3A_21#0 : vector<16xf32>
      %select_n3A_30 = arith.select %eq3A, %broadcast_in_dim3A_4, %broadcast_in_dim3A_6 : vector<16xi1>, vector<16xf32>
      %lt3A_31 = arith.cmpf olt, %gather3A_29, %scan3A_21#1 : vector<16xf32>
      %select_n3A_32 = arith.select %lt3A_31, %broadcast_in_dim3A_4, %broadcast_in_dim3A_6 : vector<16xi1>, vector<16xf32>
      %mul3A_33 = arith.mulf %select_n3A_30, %select_n3A_32 : vector<16xf32>
      %add3A_34 = arith.addf %select_n3A, %mul3A_33 : vector<16xf32>
      %gt3A_35 = arith.cmpf ogt, %add3A_34, %broadcast_in_dim3A_6 : vector<16xf32>
      %select_n3A_36 = arith.select %gt3A_35, %gather3A_26, %scan3A_21#0 : vector<16xi1>, vector<16xf32>
      %select_n3A_37 = arith.select %gt3A_35, %gather3A_29, %scan3A_21#1 : vector<16xi1>, vector<16xf32>
      %xor3A_38 = arith.constant 2 : i32
      %xor3A_39 = vector.broadcast %xor3A_38 : i32 to vector<16xi32>
      %xor3A_40 = arith.xori %iota3A, %xor3A_39 : vector<16xi32>
      %broadcast_in_dim3A_41 = vector.shape_cast %xor3A_40 : vector<16xi32> to vector<16x1xi32>
      %gather3A_42 = vector.shape_cast %broadcast_in_dim3A_41 : vector<16x1xi32> to vector<16xi32>
      %gather3A_43 = tpu.dynamic_gather %select_n3A_36[%gather3A_42] in [0] : vector<16xf32>, vector<16xi32> -> vector<16xf32>
      %broadcast_in_dim3A_44 = vector.shape_cast %xor3A_40 : vector<16xi32> to vector<16x1xi32>
      %gather3A_45 = vector.shape_cast %broadcast_in_dim3A_44 : vector<16x1xi32> to vector<16xi32>
      %gather3A_46 = tpu.dynamic_gather %select_n3A_37[%gather3A_45] in [0] : vector<16xf32>, vector<16xi32> -> vector<16xf32>
      %gt3A_47 = arith.cmpf ogt, %gather3A_43, %select_n3A_36 : vector<16xf32>
      %select_n3A_48 = arith.select %gt3A_47, %broadcast_in_dim3A_4, %broadcast_in_dim3A_6 : vector<16xi1>, vector<16xf32>
      %eq3A_49 = arith.cmpf oeq, %gather3A_43, %select_n3A_36 : vector<16xf32>
      %select_n3A_50 = arith.select %eq3A_49, %broadcast_in_dim3A_4, %broadcast_in_dim3A_6 : vector<16xi1>, vector<16xf32>
      %lt3A_51 = arith.cmpf olt, %gather3A_46, %select_n3A_37 : vector<16xf32>
      %select_n3A_52 = arith.select %lt3A_51, %broadcast_in_dim3A_4, %broadcast_in_dim3A_6 : vector<16xi1>, vector<16xf32>
      %mul3A_53 = arith.mulf %select_n3A_50, %select_n3A_52 : vector<16xf32>
      %add3A_54 = arith.addf %select_n3A_48, %mul3A_53 : vector<16xf32>
      %gt3A_55 = arith.cmpf ogt, %add3A_54, %broadcast_in_dim3A_6 : vector<16xf32>
      %select_n3A_56 = arith.select %gt3A_55, %gather3A_43, %select_n3A_36 : vector<16xi1>, vector<16xf32>
      %select_n3A_57 = arith.select %gt3A_55, %gather3A_46, %select_n3A_37 : vector<16xi1>, vector<16xf32>
      %xor3A_58 = arith.constant 4 : i32
      %xor3A_59 = vector.broadcast %xor3A_58 : i32 to vector<16xi32>
      %xor3A_60 = arith.xori %iota3A, %xor3A_59 : vector<16xi32>
      %broadcast_in_dim3A_61 = vector.shape_cast %xor3A_60 : vector<16xi32> to vector<16x1xi32>
      %gather3A_62 = vector.shape_cast %broadcast_in_dim3A_61 : vector<16x1xi32> to vector<16xi32>
      %gather3A_63 = tpu.dynamic_gather %select_n3A_56[%gather3A_62] in [0] : vector<16xf32>, vector<16xi32> -> vector<16xf32>
      %broadcast_in_dim3A_64 = vector.shape_cast %xor3A_60 : vector<16xi32> to vector<16x1xi32>
      %gather3A_65 = vector.shape_cast %broadcast_in_dim3A_64 : vector<16x1xi32> to vector<16xi32>
      %gather3A_66 = tpu.dynamic_gather %select_n3A_57[%gather3A_65] in [0] : vector<16xf32>, vector<16xi32> -> vector<16xf32>
      %gt3A_67 = arith.cmpf ogt, %gather3A_63, %select_n3A_56 : vector<16xf32>
      %select_n3A_68 = arith.select %gt3A_67, %broadcast_in_dim3A_4, %broadcast_in_dim3A_6 : vector<16xi1>, vector<16xf32>
      %eq3A_69 = arith.cmpf oeq, %gather3A_63, %select_n3A_56 : vector<16xf32>
      %select_n3A_70 = arith.select %eq3A_69, %broadcast_in_dim3A_4, %broadcast_in_dim3A_6 : vector<16xi1>, vector<16xf32>
      %lt3A_71 = arith.cmpf olt, %gather3A_66, %select_n3A_57 : vector<16xf32>
      %select_n3A_72 = arith.select %lt3A_71, %broadcast_in_dim3A_4, %broadcast_in_dim3A_6 : vector<16xi1>, vector<16xf32>
      %mul3A_73 = arith.mulf %select_n3A_70, %select_n3A_72 : vector<16xf32>
      %add3A_74 = arith.addf %select_n3A_68, %mul3A_73 : vector<16xf32>
      %gt3A_75 = arith.cmpf ogt, %add3A_74, %broadcast_in_dim3A_6 : vector<16xf32>
      %select_n3A_76 = arith.select %gt3A_75, %gather3A_63, %select_n3A_56 : vector<16xi1>, vector<16xf32>
      %select_n3A_77 = arith.select %gt3A_75, %gather3A_66, %select_n3A_57 : vector<16xi1>, vector<16xf32>
      %xor3A_78 = arith.constant 8 : i32
      %xor3A_79 = vector.broadcast %xor3A_78 : i32 to vector<16xi32>
      %xor3A_80 = arith.xori %iota3A, %xor3A_79 : vector<16xi32>
      %broadcast_in_dim3A_81 = vector.shape_cast %xor3A_80 : vector<16xi32> to vector<16x1xi32>
      %gather3A_82 = vector.shape_cast %broadcast_in_dim3A_81 : vector<16x1xi32> to vector<16xi32>
      %gather3A_83 = tpu.dynamic_gather %select_n3A_76[%gather3A_82] in [0] : vector<16xf32>, vector<16xi32> -> vector<16xf32>
      %broadcast_in_dim3A_84 = vector.shape_cast %xor3A_80 : vector<16xi32> to vector<16x1xi32>
      %gather3A_85 = vector.shape_cast %broadcast_in_dim3A_84 : vector<16x1xi32> to vector<16xi32>
      %gather3A_86 = tpu.dynamic_gather %select_n3A_77[%gather3A_85] in [0] : vector<16xf32>, vector<16xi32> -> vector<16xf32>
      %gt3A_87 = arith.cmpf ogt, %gather3A_83, %select_n3A_76 : vector<16xf32>
      %select_n3A_88 = arith.select %gt3A_87, %broadcast_in_dim3A_4, %broadcast_in_dim3A_6 : vector<16xi1>, vector<16xf32>
      %eq3A_89 = arith.cmpf oeq, %gather3A_83, %select_n3A_76 : vector<16xf32>
      %select_n3A_90 = arith.select %eq3A_89, %broadcast_in_dim3A_4, %broadcast_in_dim3A_6 : vector<16xi1>, vector<16xf32>
      %lt3A_91 = arith.cmpf olt, %gather3A_86, %select_n3A_77 : vector<16xf32>
      %select_n3A_92 = arith.select %lt3A_91, %broadcast_in_dim3A_4, %broadcast_in_dim3A_6 : vector<16xi1>, vector<16xf32>
      %mul3A_93 = arith.mulf %select_n3A_90, %select_n3A_92 : vector<16xf32>
      %add3A_94 = arith.addf %select_n3A_88, %mul3A_93 : vector<16xf32>
      %gt3A_95 = arith.cmpf ogt, %add3A_94, %broadcast_in_dim3A_6 : vector<16xf32>
      %select_n3A_96 = arith.select %gt3A_95, %gather3A_83, %select_n3A_76 : vector<16xi1>, vector<16xf32>
      %select_n3A_97 = arith.select %gt3A_95, %gather3A_86, %select_n3A_77 : vector<16xi1>, vector<16xf32>
      %eq3A_98 = arith.constant 0 : i32
      %eq3A_99 = arith.cmpi eq, %add3A, %eq3A_98 : i32
      %convert_element_type3A_100 = arith.extui %eq3A_99 : i1 to i32
      %convert_element_type3A_101 = arith.sitofp %convert_element_type3A_100 : i32 to f32
      %broadcast_in_dim3A_102 = vector.broadcast %convert_element_type3A_101 : f32 to vector<16xf32>
      %mul3A_103 = arith.mulf %broadcast_in_dim3A_102, %select_n3A_97 : vector<16xf32>
      %sub3A = arith.subf %broadcast_in_dim3A_4, %broadcast_in_dim3A_102 : vector<16xf32>
      %mul3A_104 = arith.mulf %sub3A, %broadcast_in_dim3A_8 : vector<16xf32>
      %add3A_105 = arith.addf %mul3A_103, %mul3A_104 : vector<16xf32>
      %mul3A_106 = arith.mulf %broadcast_in_dim3A_102, %select_n3A_96 : vector<16xf32>
      %sub3A_107 = arith.subf %broadcast_in_dim3A_4, %broadcast_in_dim3A_102 : vector<16xf32>
      %mul3A_108 = arith.mulf %sub3A_107, %broadcast_in_dim3A_10 : vector<16xf32>
      %add3A_109 = arith.addf %mul3A_106, %mul3A_108 : vector<16xf32>
      %broadcast_in_dim3A_110 = arith.constant 0xFF800000 : f32
      %broadcast_in_dim3A_111 = vector.broadcast %broadcast_in_dim3A_110 : f32 to vector<16xf32>
      %broadcast_in_dim3A_112 = arith.constant 0.000000e+00 : f32
      %broadcast_in_dim3A_113 = vector.broadcast %broadcast_in_dim3A_112 : f32 to vector<16xf32>
      %scan3A_114 = arith.constant 0xFF800000 : f32
      %scan3A_115 = arith.constant 0 : i32
      %scan3A_116 = arith.constant 256 : i32
      %scan3A_117 = arith.addi %scan3A_115, %scan3A_116 : i32
      %scan3A_118 = arith.constant 8 : i32
      %scan3A_119:2 = scf.for %scan3A_864 = %scan3A_115 to %scan3A_117 step %scan3A_118 iter_args(%scan3A_865 = %broadcast_in_dim3A_111, %scan3A_866 = %broadcast_in_dim3A_113) -> (vector<16xf32>, vector<16xf32>)  : i32 {
        %mul3A_867 = arith.constant 16 : i32
        %mul3A_868 = arith.muli %scan3A_864, %mul3A_867 : i32
        %mul3A_869 = arith.constant 16 : i32
        %mul3A_870 = arith.muli %scan3A_864, %mul3A_869 : i32
        %convert_element_type3A_871 = arith.sitofp %mul3A_870 : i32 to f32
        %add3A_872 = vector.broadcast %convert_element_type3A_871 : f32 to vector<16xf32>
        %add3A_873 = arith.addf %add3A_872, %convert_element_type3A_3 : vector<16xf32>
        %eq3A_874 = arith.cmpf oeq, %add3A_873, %select_n3A_97 : vector<16xf32>
        %get3A = arith.index_cast %mul3A_868 : i32 to index
        %get3A_875 = tpu.vector_load %arg5[%get3A] {strides = array<i32>} : memref<4096xf32, #tpu.memory_space<vmem>>, vector<16xf32>,
        %get3A_876 = vector.shape_cast %get3A_875 : vector<16xf32> to vector<16xf32>
        %broadcast_in_dim3A_877 = vector.broadcast %scan3A_114 : f32 to vector<16xf32>
        %select_n3A_878 = arith.select %eq3A_874, %broadcast_in_dim3A_877, %get3A_876 : vector<16xi1>, vector<16xf32>
        %swap3A_879 = arith.index_cast %mul3A_868 : i32 to index
        %swap3A_880 = tpu.vector_load %arg5[%swap3A_879] {strides = array<i32>} : memref<4096xf32, #tpu.memory_space<vmem>>, vector<16xf32>,
        %swap3A_881 = vector.shape_cast %swap3A_880 : vector<16xf32> to vector<16xf32>
        %swap3A_882 = vector.shape_cast %select_n3A_878 : vector<16xf32> to vector<16xf32>
        tpu.vector_store %arg5[%swap3A_879], %swap3A_882 {strides = array<i32>} : memref<4096xf32, #tpu.memory_space<vmem>>, vector<16xf32>,
        %gt3A_883 = arith.cmpf ogt, %select_n3A_878, %scan3A_865 : vector<16xf32>
        %select_n3A_884 = arith.select %gt3A_883, %select_n3A_878, %scan3A_865 : vector<16xi1>, vector<16xf32>
        %select_n3A_885 = arith.select %gt3A_883, %add3A_873, %scan3A_866 : vector<16xi1>, vector<16xf32>
        %scan3A_886 = arith.constant 1 : i32
        %scan3A_887 = arith.addi %scan3A_864, %scan3A_886 : i32
        %mul3A_888 = arith.constant 16 : i32
        %mul3A_889 = arith.muli %scan3A_887, %mul3A_888 : i32
        %mul3A_890 = arith.constant 16 : i32
        %mul3A_891 = arith.muli %scan3A_887, %mul3A_890 : i32
        %convert_element_type3A_892 = arith.sitofp %mul3A_891 : i32 to f32
        %add3A_893 = vector.broadcast %convert_element_type3A_892 : f32 to vector<16xf32>
        %add3A_894 = arith.addf %add3A_893, %convert_element_type3A_3 : vector<16xf32>
        %eq3A_895 = arith.cmpf oeq, %add3A_894, %select_n3A_97 : vector<16xf32>
        %get3A_896 = arith.index_cast %mul3A_889 : i32 to index
        %get3A_897 = tpu.vector_load %arg5[%get3A_896] {strides = array<i32>} : memref<4096xf32, #tpu.memory_space<vmem>>, vector<16xf32>,
        %get3A_898 = vector.shape_cast %get3A_897 : vector<16xf32> to vector<16xf32>
        %broadcast_in_dim3A_899 = vector.broadcast %scan3A_114 : f32 to vector<16xf32>
        %select_n3A_900 = arith.select %eq3A_895, %broadcast_in_dim3A_899, %get3A_898 : vector<16xi1>, vector<16xf32>
        %swap3A_901 = arith.index_cast %mul3A_889 : i32 to index
        %swap3A_902 = tpu.vector_load %arg5[%swap3A_901] {strides = array<i32>} : memref<4096xf32, #tpu.memory_space<vmem>>, vector<16xf32>,
        %swap3A_903 = vector.shape_cast %swap3A_902 : vector<16xf32> to vector<16xf32>
        %swap3A_904 = vector.shape_cast %select_n3A_900 : vector<16xf32> to vector<16xf32>
        tpu.vector_store %arg5[%swap3A_901], %swap3A_904 {strides = array<i32>} : memref<4096xf32, #tpu.memory_space<vmem>>, vector<16xf32>,
        %gt3A_905 = arith.cmpf ogt, %select_n3A_900, %select_n3A_884 : vector<16xf32>
        %select_n3A_906 = arith.select %gt3A_905, %select_n3A_900, %select_n3A_884 : vector<16xi1>, vector<16xf32>
        %select_n3A_907 = arith.select %gt3A_905, %add3A_894, %select_n3A_885 : vector<16xi1>, vector<16xf32>
        %scan3A_908 = arith.constant 2 : i32
        %scan3A_909 = arith.addi %scan3A_864, %scan3A_908 : i32
        %mul3A_910 = arith.constant 16 : i32
        %mul3A_911 = arith.muli %scan3A_909, %mul3A_910 : i32
        %mul3A_912 = arith.constant 16 : i32
        %mul3A_913 = arith.muli %scan3A_909, %mul3A_912 : i32
        %convert_element_type3A_914 = arith.sitofp %mul3A_913 : i32 to f32
        %add3A_915 = vector.broadcast %convert_element_type3A_914 : f32 to vector<16xf32>
        %add3A_916 = arith.addf %add3A_915, %convert_element_type3A_3 : vector<16xf32>
        %eq3A_917 = arith.cmpf oeq, %add3A_916, %select_n3A_97 : vector<16xf32>
        %get3A_918 = arith.index_cast %mul3A_911 : i32 to index
        %get3A_919 = tpu.vector_load %arg5[%get3A_918] {strides = array<i32>} : memref<4096xf32, #tpu.memory_space<vmem>>, vector<16xf32>,
        %get3A_920 = vector.shape_cast %get3A_919 : vector<16xf32> to vector<16xf32>
        %broadcast_in_dim3A_921 = vector.broadcast %scan3A_114 : f32 to vector<16xf32>
        %select_n3A_922 = arith.select %eq3A_917, %broadcast_in_dim3A_921, %get3A_920 : vector<16xi1>, vector<16xf32>
        %swap3A_923 = arith.index_cast %mul3A_911 : i32 to index
        %swap3A_924 = tpu.vector_load %arg5[%swap3A_923] {strides = array<i32>} : memref<4096xf32, #tpu.memory_space<vmem>>, vector<16xf32>,
        %swap3A_925 = vector.shape_cast %swap3A_924 : vector<16xf32> to vector<16xf32>
        %swap3A_926 = vector.shape_cast %select_n3A_922 : vector<16xf32> to vector<16xf32>
        tpu.vector_store %arg5[%swap3A_923], %swap3A_926 {strides = array<i32>} : memref<4096xf32, #tpu.memory_space<vmem>>, vector<16xf32>,
        %gt3A_927 = arith.cmpf ogt, %select_n3A_922, %select_n3A_906 : vector<16xf32>
        %select_n3A_928 = arith.select %gt3A_927, %select_n3A_922, %select_n3A_906 : vector<16xi1>, vector<16xf32>
        %select_n3A_929 = arith.select %gt3A_927, %add3A_916, %select_n3A_907 : vector<16xi1>, vector<16xf32>
        %scan3A_930 = arith.constant 3 : i32
        %scan3A_931 = arith.addi %scan3A_864, %scan3A_930 : i32
        %mul3A_932 = arith.constant 16 : i32
        %mul3A_933 = arith.muli %scan3A_931, %mul3A_932 : i32
        %mul3A_934 = arith.constant 16 : i32
        %mul3A_935 = arith.muli %scan3A_931, %mul3A_934 : i32
        %convert_element_type3A_936 = arith.sitofp %mul3A_935 : i32 to f32
        %add3A_937 = vector.broadcast %convert_element_type3A_936 : f32 to vector<16xf32>
        %add3A_938 = arith.addf %add3A_937, %convert_element_type3A_3 : vector<16xf32>
        %eq3A_939 = arith.cmpf oeq, %add3A_938, %select_n3A_97 : vector<16xf32>
        %get3A_940 = arith.index_cast %mul3A_933 : i32 to index
        %get3A_941 = tpu.vector_load %arg5[%get3A_940] {strides = array<i32>} : memref<4096xf32, #tpu.memory_space<vmem>>, vector<16xf32>,
        %get3A_942 = vector.shape_cast %get3A_941 : vector<16xf32> to vector<16xf32>
        %broadcast_in_dim3A_943 = vector.broadcast %scan3A_114 : f32 to vector<16xf32>
        %select_n3A_944 = arith.select %eq3A_939, %broadcast_in_dim3A_943, %get3A_942 : vector<16xi1>, vector<16xf32>
        %swap3A_945 = arith.index_cast %mul3A_933 : i32 to index
        %swap3A_946 = tpu.vector_load %arg5[%swap3A_945] {strides = array<i32>} : memref<4096xf32, #tpu.memory_space<vmem>>, vector<16xf32>,
        %swap3A_947 = vector.shape_cast %swap3A_946 : vector<16xf32> to vector<16xf32>
        %swap3A_948 = vector.shape_cast %select_n3A_944 : vector<16xf32> to vector<16xf32>
        tpu.vector_store %arg5[%swap3A_945], %swap3A_948 {strides = array<i32>} : memref<4096xf32, #tpu.memory_space<vmem>>, vector<16xf32>,
        %gt3A_949 = arith.cmpf ogt, %select_n3A_944, %select_n3A_928 : vector<16xf32>
        %select_n3A_950 = arith.select %gt3A_949, %select_n3A_944, %select_n3A_928 : vector<16xi1>, vector<16xf32>
        %select_n3A_951 = arith.select %gt3A_949, %add3A_938, %select_n3A_929 : vector<16xi1>, vector<16xf32>
        %scan3A_952 = arith.constant 4 : i32
        %scan3A_953 = arith.addi %scan3A_864, %scan3A_952 : i32
        %mul3A_954 = arith.constant 16 : i32
        %mul3A_955 = arith.muli %scan3A_953, %mul3A_954 : i32
        %mul3A_956 = arith.constant 16 : i32
        %mul3A_957 = arith.muli %scan3A_953, %mul3A_956 : i32
        %convert_element_type3A_958 = arith.sitofp %mul3A_957 : i32 to f32
        %add3A_959 = vector.broadcast %convert_element_type3A_958 : f32 to vector<16xf32>
        %add3A_960 = arith.addf %add3A_959, %convert_element_type3A_3 : vector<16xf32>
        %eq3A_961 = arith.cmpf oeq, %add3A_960, %select_n3A_97 : vector<16xf32>
        %get3A_962 = arith.index_cast %mul3A_955 : i32 to index
        %get3A_963 = tpu.vector_load %arg5[%get3A_962] {strides = array<i32>} : memref<4096xf32, #tpu.memory_space<vmem>>, vector<16xf32>,
        %get3A_964 = vector.shape_cast %get3A_963 : vector<16xf32> to vector<16xf32>
        %broadcast_in_dim3A_965 = vector.broadcast %scan3A_114 : f32 to vector<16xf32>
        %select_n3A_966 = arith.select %eq3A_961, %broadcast_in_dim3A_965, %get3A_964 : vector<16xi1>, vector<16xf32>
        %swap3A_967 = arith.index_cast %mul3A_955 : i32 to index
        %swap3A_968 = tpu.vector_load %arg5[%swap3A_967] {strides = array<i32>} : memref<4096xf32, #tpu.memory_space<vmem>>, vector<16xf32>,
        %swap3A_969 = vector.shape_cast %swap3A_968 : vector<16xf32> to vector<16xf32>
        %swap3A_970 = vector.shape_cast %select_n3A_966 : vector<16xf32> to vector<16xf32>
        tpu.vector_store %arg5[%swap3A_967], %swap3A_970 {strides = array<i32>} : memref<4096xf32, #tpu.memory_space<vmem>>, vector<16xf32>,
        %gt3A_971 = arith.cmpf ogt, %select_n3A_966, %select_n3A_950 : vector<16xf32>
        %select_n3A_972 = arith.select %gt3A_971, %select_n3A_966, %select_n3A_950 : vector<16xi1>, vector<16xf32>
        %select_n3A_973 = arith.select %gt3A_971, %add3A_960, %select_n3A_951 : vector<16xi1>, vector<16xf32>
        %scan3A_974 = arith.constant 5 : i32
        %scan3A_975 = arith.addi %scan3A_864, %scan3A_974 : i32
        %mul3A_976 = arith.constant 16 : i32
        %mul3A_977 = arith.muli %scan3A_975, %mul3A_976 : i32
        %mul3A_978 = arith.constant 16 : i32
        %mul3A_979 = arith.muli %scan3A_975, %mul3A_978 : i32
        %convert_element_type3A_980 = arith.sitofp %mul3A_979 : i32 to f32
        %add3A_981 = vector.broadcast %convert_element_type3A_980 : f32 to vector<16xf32>
        %add3A_982 = arith.addf %add3A_981, %convert_element_type3A_3 : vector<16xf32>
        %eq3A_983 = arith.cmpf oeq, %add3A_982, %select_n3A_97 : vector<16xf32>
        %get3A_984 = arith.index_cast %mul3A_977 : i32 to index
        %get3A_985 = tpu.vector_load %arg5[%get3A_984] {strides = array<i32>} : memref<4096xf32, #tpu.memory_space<vmem>>, vector<16xf32>,
        %get3A_986 = vector.shape_cast %get3A_985 : vector<16xf32> to vector<16xf32>
        %broadcast_in_dim3A_987 = vector.broadcast %scan3A_114 : f32 to vector<16xf32>
        %select_n3A_988 = arith.select %eq3A_983, %broadcast_in_dim3A_987, %get3A_986 : vector<16xi1>, vector<16xf32>
        %swap3A_989 = arith.index_cast %mul3A_977 : i32 to index
        %swap3A_990 = tpu.vector_load %arg5[%swap3A_989] {strides = array<i32>} : memref<4096xf32, #tpu.memory_space<vmem>>, vector<16xf32>,
        %swap3A_991 = vector.shape_cast %swap3A_990 : vector<16xf32> to vector<16xf32>
        %swap3A_992 = vector.shape_cast %select_n3A_988 : vector<16xf32> to vector<16xf32>
        tpu.vector_store %arg5[%swap3A_989], %swap3A_992 {strides = array<i32>} : memref<4096xf32, #tpu.memory_space<vmem>>, vector<16xf32>,
        %gt3A_993 = arith.cmpf ogt, %select_n3A_988, %select_n3A_972 : vector<16xf32>
        %select_n3A_994 = arith.select %gt3A_993, %select_n3A_988, %select_n3A_972 : vector<16xi1>, vector<16xf32>
        %select_n3A_995 = arith.select %gt3A_993, %add3A_982, %select_n3A_973 : vector<16xi1>, vector<16xf32>
        %scan3A_996 = arith.constant 6 : i32
        %scan3A_997 = arith.addi %scan3A_864, %scan3A_996 : i32
        %mul3A_998 = arith.constant 16 : i32
        %mul3A_999 = arith.muli %scan3A_997, %mul3A_998 : i32
        %mul3A_1000 = arith.constant 16 : i32
        %mul3A_1001 = arith.muli %scan3A_997, %mul3A_1000 : i32
        %convert_element_type3A_1002 = arith.sitofp %mul3A_1001 : i32 to f32
        %add3A_1003 = vector.broadcast %convert_element_type3A_1002 : f32 to vector<16xf32>
        %add3A_1004 = arith.addf %add3A_1003, %convert_element_type3A_3 : vector<16xf32>
        %eq3A_1005 = arith.cmpf oeq, %add3A_1004, %select_n3A_97 : vector<16xf32>
        %get3A_1006 = arith.index_cast %mul3A_999 : i32 to index
        %get3A_1007 = tpu.vector_load %arg5[%get3A_1006] {strides = array<i32>} : memref<4096xf32, #tpu.memory_space<vmem>>, vector<16xf32>,
        %get3A_1008 = vector.shape_cast %get3A_1007 : vector<16xf32> to vector<16xf32>
        %broadcast_in_dim3A_1009 = vector.broadcast %scan3A_114 : f32 to vector<16xf32>
        %select_n3A_1010 = arith.select %eq3A_1005, %broadcast_in_dim3A_1009, %get3A_1008 : vector<16xi1>, vector<16xf32>
        %swap3A_1011 = arith.index_cast %mul3A_999 : i32 to index
        %swap3A_1012 = tpu.vector_load %arg5[%swap3A_1011] {strides = array<i32>} : memref<4096xf32, #tpu.memory_space<vmem>>, vector<16xf32>,
        %swap3A_1013 = vector.shape_cast %swap3A_1012 : vector<16xf32> to vector<16xf32>
        %swap3A_1014 = vector.shape_cast %select_n3A_1010 : vector<16xf32> to vector<16xf32>
        tpu.vector_store %arg5[%swap3A_1011], %swap3A_1014 {strides = array<i32>} : memref<4096xf32, #tpu.memory_space<vmem>>, vector<16xf32>,
        %gt3A_1015 = arith.cmpf ogt, %select_n3A_1010, %select_n3A_994 : vector<16xf32>
        %select_n3A_1016 = arith.select %gt3A_1015, %select_n3A_1010, %select_n3A_994 : vector<16xi1>, vector<16xf32>
        %select_n3A_1017 = arith.select %gt3A_1015, %add3A_1004, %select_n3A_995 : vector<16xi1>, vector<16xf32>
        %scan3A_1018 = arith.constant 7 : i32
        %scan3A_1019 = arith.addi %scan3A_864, %scan3A_1018 : i32
        %mul3A_1020 = arith.constant 16 : i32
        %mul3A_1021 = arith.muli %scan3A_1019, %mul3A_1020 : i32
        %mul3A_1022 = arith.constant 16 : i32
        %mul3A_1023 = arith.muli %scan3A_1019, %mul3A_1022 : i32
        %convert_element_type3A_1024 = arith.sitofp %mul3A_1023 : i32 to f32
        %add3A_1025 = vector.broadcast %convert_element_type3A_1024 : f32 to vector<16xf32>
        %add3A_1026 = arith.addf %add3A_1025, %convert_element_type3A_3 : vector<16xf32>
        %eq3A_1027 = arith.cmpf oeq, %add3A_1026, %select_n3A_97 : vector<16xf32>
        %get3A_1028 = arith.index_cast %mul3A_1021 : i32 to index
        %get3A_1029 = tpu.vector_load %arg5[%get3A_1028] {strides = array<i32>} : memref<4096xf32, #tpu.memory_space<vmem>>, vector<16xf32>,
        %get3A_1030 = vector.shape_cast %get3A_1029 : vector<16xf32> to vector<16xf32>
        %broadcast_in_dim3A_1031 = vector.broadcast %scan3A_114 : f32 to vector<16xf32>
        %select_n3A_1032 = arith.select %eq3A_1027, %broadcast_in_dim3A_1031, %get3A_1030 : vector<16xi1>, vector<16xf32>
        %swap3A_1033 = arith.index_cast %mul3A_1021 : i32 to index
        %swap3A_1034 = tpu.vector_load %arg5[%swap3A_1033] {strides = array<i32>} : memref<4096xf32, #tpu.memory_space<vmem>>, vector<16xf32>,
        %swap3A_1035 = vector.shape_cast %swap3A_1034 : vector<16xf32> to vector<16xf32>
        %swap3A_1036 = vector.shape_cast %select_n3A_1032 : vector<16xf32> to vector<16xf32>
        tpu.vector_store %arg5[%swap3A_1033], %swap3A_1036 {strides = array<i32>} : memref<4096xf32, #tpu.memory_space<vmem>>, vector<16xf32>,
        %gt3A_1037 = arith.cmpf ogt, %select_n3A_1032, %select_n3A_1016 : vector<16xf32>
        %select_n3A_1038 = arith.select %gt3A_1037, %select_n3A_1032, %select_n3A_1016 : vector<16xi1>, vector<16xf32>
        %select_n3A_1039 = arith.select %gt3A_1037, %add3A_1026, %select_n3A_1017 : vector<16xi1>, vector<16xf32>
        scf.yield %select_n3A_1038, %select_n3A_1039 : vector<16xf32>, vector<16xf32>
      }
      %scan3A_120 = arith.constant 256 : i32
      %xor3A_121 = arith.constant 1 : i32
      %xor3A_122 = vector.broadcast %xor3A_121 : i32 to vector<16xi32>
      %xor3A_123 = arith.xori %iota3A, %xor3A_122 : vector<16xi32>
      %broadcast_in_dim3A_124 = vector.shape_cast %xor3A_123 : vector<16xi32> to vector<16x1xi32>
      %gather3A_125 = vector.shape_cast %broadcast_in_dim3A_124 : vector<16x1xi32> to vector<16xi32>
      %gather3A_126 = tpu.dynamic_gather %scan3A_119#0[%gather3A_125] in [0] : vector<16xf32>, vector<16xi32> -> vector<16xf32>
      %broadcast_in_dim3A_127 = vector.shape_cast %xor3A_123 : vector<16xi32> to vector<16x1xi32>
      %gather3A_128 = vector.shape_cast %broadcast_in_dim3A_127 : vector<16x1xi32> to vector<16xi32>
      %gather3A_129 = tpu.dynamic_gather %scan3A_119#1[%gather3A_128] in [0] : vector<16xf32>, vector<16xi32> -> vector<16xf32>
      %gt3A_130 = arith.cmpf ogt, %gather3A_126, %scan3A_119#0 : vector<16xf32>
      %select_n3A_131 = arith.select %gt3A_130, %broadcast_in_dim3A_4, %broadcast_in_dim3A_6 : vector<16xi1>, vector<16xf32>
      %eq3A_132 = arith.cmpf oeq, %gather3A_126, %scan3A_119#0 : vector<16xf32>
      %select_n3A_133 = arith.select %eq3A_132, %broadcast_in_dim3A_4, %broadcast_in_dim3A_6 : vector<16xi1>, vector<16xf32>
      %lt3A_134 = arith.cmpf olt, %gather3A_129, %scan3A_119#1 : vector<16xf32>
      %select_n3A_135 = arith.select %lt3A_134, %broadcast_in_dim3A_4, %broadcast_in_dim3A_6 : vector<16xi1>, vector<16xf32>
      %mul3A_136 = arith.mulf %select_n3A_133, %select_n3A_135 : vector<16xf32>
      %add3A_137 = arith.addf %select_n3A_131, %mul3A_136 : vector<16xf32>
      %gt3A_138 = arith.cmpf ogt, %add3A_137, %broadcast_in_dim3A_6 : vector<16xf32>
      %select_n3A_139 = arith.select %gt3A_138, %gather3A_126, %scan3A_119#0 : vector<16xi1>, vector<16xf32>
      %select_n3A_140 = arith.select %gt3A_138, %gather3A_129, %scan3A_119#1 : vector<16xi1>, vector<16xf32>
      %xor3A_141 = arith.constant 2 : i32
      %xor3A_142 = vector.broadcast %xor3A_141 : i32 to vector<16xi32>
      %xor3A_143 = arith.xori %iota3A, %xor3A_142 : vector<16xi32>
      %broadcast_in_dim3A_144 = vector.shape_cast %xor3A_143 : vector<16xi32> to vector<16x1xi32>
      %gather3A_145 = vector.shape_cast %broadcast_in_dim3A_144 : vector<16x1xi32> to vector<16xi32>
      %gather3A_146 = tpu.dynamic_gather %select_n3A_139[%gather3A_145] in [0] : vector<16xf32>, vector<16xi32> -> vector<16xf32>
      %broadcast_in_dim3A_147 = vector.shape_cast %xor3A_143 : vector<16xi32> to vector<16x1xi32>
      %gather3A_148 = vector.shape_cast %broadcast_in_dim3A_147 : vector<16x1xi32> to vector<16xi32>
      %gather3A_149 = tpu.dynamic_gather %select_n3A_140[%gather3A_148] in [0] : vector<16xf32>, vector<16xi32> -> vector<16xf32>
      %gt3A_150 = arith.cmpf ogt, %gather3A_146, %select_n3A_139 : vector<16xf32>
      %select_n3A_151 = arith.select %gt3A_150, %broadcast_in_dim3A_4, %broadcast_in_dim3A_6 : vector<16xi1>, vector<16xf32>
      %eq3A_152 = arith.cmpf oeq, %gather3A_146, %select_n3A_139 : vector<16xf32>
      %select_n3A_153 = arith.select %eq3A_152, %broadcast_in_dim3A_4, %broadcast_in_dim3A_6 : vector<16xi1>, vector<16xf32>
      %lt3A_154 = arith.cmpf olt, %gather3A_149, %select_n3A_140 : vector<16xf32>
      %select_n3A_155 = arith.select %lt3A_154, %broadcast_in_dim3A_4, %broadcast_in_dim3A_6 : vector<16xi1>, vector<16xf32>
      %mul3A_156 = arith.mulf %select_n3A_153, %select_n3A_155 : vector<16xf32>
      %add3A_157 = arith.addf %select_n3A_151, %mul3A_156 : vector<16xf32>
      %gt3A_158 = arith.cmpf ogt, %add3A_157, %broadcast_in_dim3A_6 : vector<16xf32>
      %select_n3A_159 = arith.select %gt3A_158, %gather3A_146, %select_n3A_139 : vector<16xi1>, vector<16xf32>
      %select_n3A_160 = arith.select %gt3A_158, %gather3A_149, %select_n3A_140 : vector<16xi1>, vector<16xf32>
      %xor3A_161 = arith.constant 4 : i32
      %xor3A_162 = vector.broadcast %xor3A_161 : i32 to vector<16xi32>
      %xor3A_163 = arith.xori %iota3A, %xor3A_162 : vector<16xi32>
      %broadcast_in_dim3A_164 = vector.shape_cast %xor3A_163 : vector<16xi32> to vector<16x1xi32>
      %gather3A_165 = vector.shape_cast %broadcast_in_dim3A_164 : vector<16x1xi32> to vector<16xi32>
      %gather3A_166 = tpu.dynamic_gather %select_n3A_159[%gather3A_165] in [0] : vector<16xf32>, vector<16xi32> -> vector<16xf32>
      %broadcast_in_dim3A_167 = vector.shape_cast %xor3A_163 : vector<16xi32> to vector<16x1xi32>
      %gather3A_168 = vector.shape_cast %broadcast_in_dim3A_167 : vector<16x1xi32> to vector<16xi32>
      %gather3A_169 = tpu.dynamic_gather %select_n3A_160[%gather3A_168] in [0] : vector<16xf32>, vector<16xi32> -> vector<16xf32>
      %gt3A_170 = arith.cmpf ogt, %gather3A_166, %select_n3A_159 : vector<16xf32>
      %select_n3A_171 = arith.select %gt3A_170, %broadcast_in_dim3A_4, %broadcast_in_dim3A_6 : vector<16xi1>, vector<16xf32>
      %eq3A_172 = arith.cmpf oeq, %gather3A_166, %select_n3A_159 : vector<16xf32>
      %select_n3A_173 = arith.select %eq3A_172, %broadcast_in_dim3A_4, %broadcast_in_dim3A_6 : vector<16xi1>, vector<16xf32>
      %lt3A_174 = arith.cmpf olt, %gather3A_169, %select_n3A_160 : vector<16xf32>
      %select_n3A_175 = arith.select %lt3A_174, %broadcast_in_dim3A_4, %broadcast_in_dim3A_6 : vector<16xi1>, vector<16xf32>
      %mul3A_176 = arith.mulf %select_n3A_173, %select_n3A_175 : vector<16xf32>
      %add3A_177 = arith.addf %select_n3A_171, %mul3A_176 : vector<16xf32>
      %gt3A_178 = arith.cmpf ogt, %add3A_177, %broadcast_in_dim3A_6 : vector<16xf32>
      %select_n3A_179 = arith.select %gt3A_178, %gather3A_166, %select_n3A_159 : vector<16xi1>, vector<16xf32>
      %select_n3A_180 = arith.select %gt3A_178, %gather3A_169, %select_n3A_160 : vector<16xi1>, vector<16xf32>
      %xor3A_181 = arith.constant 8 : i32
      %xor3A_182 = vector.broadcast %xor3A_181 : i32 to vector<16xi32>
      %xor3A_183 = arith.xori %iota3A, %xor3A_182 : vector<16xi32>
      %broadcast_in_dim3A_184 = vector.shape_cast %xor3A_183 : vector<16xi32> to vector<16x1xi32>
      %gather3A_185 = vector.shape_cast %broadcast_in_dim3A_184 : vector<16x1xi32> to vector<16xi32>
      %gather3A_186 = tpu.dynamic_gather %select_n3A_179[%gather3A_185] in [0] : vector<16xf32>, vector<16xi32> -> vector<16xf32>
      %broadcast_in_dim3A_187 = vector.shape_cast %xor3A_183 : vector<16xi32> to vector<16x1xi32>
      %gather3A_188 = vector.shape_cast %broadcast_in_dim3A_187 : vector<16x1xi32> to vector<16xi32>
      %gather3A_189 = tpu.dynamic_gather %select_n3A_180[%gather3A_188] in [0] : vector<16xf32>, vector<16xi32> -> vector<16xf32>
      %gt3A_190 = arith.cmpf ogt, %gather3A_186, %select_n3A_179 : vector<16xf32>
      %select_n3A_191 = arith.select %gt3A_190, %broadcast_in_dim3A_4, %broadcast_in_dim3A_6 : vector<16xi1>, vector<16xf32>
      %eq3A_192 = arith.cmpf oeq, %gather3A_186, %select_n3A_179 : vector<16xf32>
      %select_n3A_193 = arith.select %eq3A_192, %broadcast_in_dim3A_4, %broadcast_in_dim3A_6 : vector<16xi1>, vector<16xf32>
      %lt3A_194 = arith.cmpf olt, %gather3A_189, %select_n3A_180 : vector<16xf32>
      %select_n3A_195 = arith.select %lt3A_194, %broadcast_in_dim3A_4, %broadcast_in_dim3A_6 : vector<16xi1>, vector<16xf32>
      %mul3A_196 = arith.mulf %select_n3A_193, %select_n3A_195 : vector<16xf32>
      %add3A_197 = arith.addf %select_n3A_191, %mul3A_196 : vector<16xf32>
      %gt3A_198 = arith.cmpf ogt, %add3A_197, %broadcast_in_dim3A_6 : vector<16xf32>
      %select_n3A_199 = arith.select %gt3A_198, %gather3A_186, %select_n3A_179 : vector<16xi1>, vector<16xf32>
      %select_n3A_200 = arith.select %gt3A_198, %gather3A_189, %select_n3A_180 : vector<16xi1>, vector<16xf32>
      %eq3A_201 = arith.constant 1 : i32
      %eq3A_202 = arith.cmpi eq, %add3A, %eq3A_201 : i32
      %convert_element_type3A_203 = arith.extui %eq3A_202 : i1 to i32
      %convert_element_type3A_204 = arith.sitofp %convert_element_type3A_203 : i32 to f32
      %broadcast_in_dim3A_205 = vector.broadcast %convert_element_type3A_204 : f32 to vector<16xf32>
      %mul3A_206 = arith.mulf %broadcast_in_dim3A_205, %select_n3A_200 : vector<16xf32>
      %sub3A_207 = arith.subf %broadcast_in_dim3A_4, %broadcast_in_dim3A_205 : vector<16xf32>
      %mul3A_208 = arith.mulf %sub3A_207, %add3A_105 : vector<16xf32>
      %add3A_209 = arith.addf %mul3A_206, %mul3A_208 : vector<16xf32>
      %mul3A_210 = arith.mulf %broadcast_in_dim3A_205, %select_n3A_199 : vector<16xf32>
      %sub3A_211 = arith.subf %broadcast_in_dim3A_4, %broadcast_in_dim3A_205 : vector<16xf32>
      %mul3A_212 = arith.mulf %sub3A_211, %add3A_109 : vector<16xf32>
      %add3A_213 = arith.addf %mul3A_210, %mul3A_212 : vector<16xf32>
      %broadcast_in_dim3A_214 = arith.constant 0xFF800000 : f32
      %broadcast_in_dim3A_215 = vector.broadcast %broadcast_in_dim3A_214 : f32 to vector<16xf32>
      %broadcast_in_dim3A_216 = arith.constant 0.000000e+00 : f32
      %broadcast_in_dim3A_217 = vector.broadcast %broadcast_in_dim3A_216 : f32 to vector<16xf32>
      %scan3A_218 = arith.constant 0xFF800000 : f32
      %scan3A_219 = arith.constant 0 : i32
      %scan3A_220 = arith.constant 256 : i32
      %scan3A_221 = arith.addi %scan3A_219, %scan3A_220 : i32
      %scan3A_222 = arith.constant 8 : i32
      %scan3A_223:2 = scf.for %scan3A_864 = %scan3A_219 to %scan3A_221 step %scan3A_222 iter_args(%scan3A_865 = %broadcast_in_dim3A_215, %scan3A_866 = %broadcast_in_dim3A_217) -> (vector<16xf32>, vector<16xf32>)  : i32 {
        %mul3A_867 = arith.constant 16 : i32
        %mul3A_868 = arith.muli %scan3A_864, %mul3A_867 : i32
        %mul3A_869 = arith.constant 16 : i32
        %mul3A_870 = arith.muli %scan3A_864, %mul3A_869 : i32
        %convert_element_type3A_871 = arith.sitofp %mul3A_870 : i32 to f32
        %add3A_872 = vector.broadcast %convert_element_type3A_871 : f32 to vector<16xf32>
        %add3A_873 = arith.addf %add3A_872, %convert_element_type3A_3 : vector<16xf32>
        %eq3A_874 = arith.cmpf oeq, %add3A_873, %select_n3A_200 : vector<16xf32>
        %get3A = arith.index_cast %mul3A_868 : i32 to index
        %get3A_875 = tpu.vector_load %arg5[%get3A] {strides = array<i32>} : memref<4096xf32, #tpu.memory_space<vmem>>, vector<16xf32>,
        %get3A_876 = vector.shape_cast %get3A_875 : vector<16xf32> to vector<16xf32>
        %broadcast_in_dim3A_877 = vector.broadcast %scan3A_218 : f32 to vector<16xf32>
        %select_n3A_878 = arith.select %eq3A_874, %broadcast_in_dim3A_877, %get3A_876 : vector<16xi1>, vector<16xf32>
        %swap3A_879 = arith.index_cast %mul3A_868 : i32 to index
        %swap3A_880 = tpu.vector_load %arg5[%swap3A_879] {strides = array<i32>} : memref<4096xf32, #tpu.memory_space<vmem>>, vector<16xf32>,
        %swap3A_881 = vector.shape_cast %swap3A_880 : vector<16xf32> to vector<16xf32>
        %swap3A_882 = vector.shape_cast %select_n3A_878 : vector<16xf32> to vector<16xf32>
        tpu.vector_store %arg5[%swap3A_879], %swap3A_882 {strides = array<i32>} : memref<4096xf32, #tpu.memory_space<vmem>>, vector<16xf32>,
        %gt3A_883 = arith.cmpf ogt, %select_n3A_878, %scan3A_865 : vector<16xf32>
        %select_n3A_884 = arith.select %gt3A_883, %select_n3A_878, %scan3A_865 : vector<16xi1>, vector<16xf32>
        %select_n3A_885 = arith.select %gt3A_883, %add3A_873, %scan3A_866 : vector<16xi1>, vector<16xf32>
        %scan3A_886 = arith.constant 1 : i32
        %scan3A_887 = arith.addi %scan3A_864, %scan3A_886 : i32
        %mul3A_888 = arith.constant 16 : i32
        %mul3A_889 = arith.muli %scan3A_887, %mul3A_888 : i32
        %mul3A_890 = arith.constant 16 : i32
        %mul3A_891 = arith.muli %scan3A_887, %mul3A_890 : i32
        %convert_element_type3A_892 = arith.sitofp %mul3A_891 : i32 to f32
        %add3A_893 = vector.broadcast %convert_element_type3A_892 : f32 to vector<16xf32>
        %add3A_894 = arith.addf %add3A_893, %convert_element_type3A_3 : vector<16xf32>
        %eq3A_895 = arith.cmpf oeq, %add3A_894, %select_n3A_200 : vector<16xf32>
        %get3A_896 = arith.index_cast %mul3A_889 : i32 to index
        %get3A_897 = tpu.vector_load %arg5[%get3A_896] {strides = array<i32>} : memref<4096xf32, #tpu.memory_space<vmem>>, vector<16xf32>,
        %get3A_898 = vector.shape_cast %get3A_897 : vector<16xf32> to vector<16xf32>
        %broadcast_in_dim3A_899 = vector.broadcast %scan3A_218 : f32 to vector<16xf32>
        %select_n3A_900 = arith.select %eq3A_895, %broadcast_in_dim3A_899, %get3A_898 : vector<16xi1>, vector<16xf32>
        %swap3A_901 = arith.index_cast %mul3A_889 : i32 to index
        %swap3A_902 = tpu.vector_load %arg5[%swap3A_901] {strides = array<i32>} : memref<4096xf32, #tpu.memory_space<vmem>>, vector<16xf32>,
        %swap3A_903 = vector.shape_cast %swap3A_902 : vector<16xf32> to vector<16xf32>
        %swap3A_904 = vector.shape_cast %select_n3A_900 : vector<16xf32> to vector<16xf32>
        tpu.vector_store %arg5[%swap3A_901], %swap3A_904 {strides = array<i32>} : memref<4096xf32, #tpu.memory_space<vmem>>, vector<16xf32>,
        %gt3A_905 = arith.cmpf ogt, %select_n3A_900, %select_n3A_884 : vector<16xf32>
        %select_n3A_906 = arith.select %gt3A_905, %select_n3A_900, %select_n3A_884 : vector<16xi1>, vector<16xf32>
        %select_n3A_907 = arith.select %gt3A_905, %add3A_894, %select_n3A_885 : vector<16xi1>, vector<16xf32>
        %scan3A_908 = arith.constant 2 : i32
        %scan3A_909 = arith.addi %scan3A_864, %scan3A_908 : i32
        %mul3A_910 = arith.constant 16 : i32
        %mul3A_911 = arith.muli %scan3A_909, %mul3A_910 : i32
        %mul3A_912 = arith.constant 16 : i32
        %mul3A_913 = arith.muli %scan3A_909, %mul3A_912 : i32
        %convert_element_type3A_914 = arith.sitofp %mul3A_913 : i32 to f32
        %add3A_915 = vector.broadcast %convert_element_type3A_914 : f32 to vector<16xf32>
        %add3A_916 = arith.addf %add3A_915, %convert_element_type3A_3 : vector<16xf32>
        %eq3A_917 = arith.cmpf oeq, %add3A_916, %select_n3A_200 : vector<16xf32>
        %get3A_918 = arith.index_cast %mul3A_911 : i32 to index
        %get3A_919 = tpu.vector_load %arg5[%get3A_918] {strides = array<i32>} : memref<4096xf32, #tpu.memory_space<vmem>>, vector<16xf32>,
        %get3A_920 = vector.shape_cast %get3A_919 : vector<16xf32> to vector<16xf32>
        %broadcast_in_dim3A_921 = vector.broadcast %scan3A_218 : f32 to vector<16xf32>
        %select_n3A_922 = arith.select %eq3A_917, %broadcast_in_dim3A_921, %get3A_920 : vector<16xi1>, vector<16xf32>
        %swap3A_923 = arith.index_cast %mul3A_911 : i32 to index
        %swap3A_924 = tpu.vector_load %arg5[%swap3A_923] {strides = array<i32>} : memref<4096xf32, #tpu.memory_space<vmem>>, vector<16xf32>,
        %swap3A_925 = vector.shape_cast %swap3A_924 : vector<16xf32> to vector<16xf32>
        %swap3A_926 = vector.shape_cast %select_n3A_922 : vector<16xf32> to vector<16xf32>
        tpu.vector_store %arg5[%swap3A_923], %swap3A_926 {strides = array<i32>} : memref<4096xf32, #tpu.memory_space<vmem>>, vector<16xf32>,
        %gt3A_927 = arith.cmpf ogt, %select_n3A_922, %select_n3A_906 : vector<16xf32>
        %select_n3A_928 = arith.select %gt3A_927, %select_n3A_922, %select_n3A_906 : vector<16xi1>, vector<16xf32>
        %select_n3A_929 = arith.select %gt3A_927, %add3A_916, %select_n3A_907 : vector<16xi1>, vector<16xf32>
        %scan3A_930 = arith.constant 3 : i32
        %scan3A_931 = arith.addi %scan3A_864, %scan3A_930 : i32
        %mul3A_932 = arith.constant 16 : i32
        %mul3A_933 = arith.muli %scan3A_931, %mul3A_932 : i32
        %mul3A_934 = arith.constant 16 : i32
        %mul3A_935 = arith.muli %scan3A_931, %mul3A_934 : i32
        %convert_element_type3A_936 = arith.sitofp %mul3A_935 : i32 to f32
        %add3A_937 = vector.broadcast %convert_element_type3A_936 : f32 to vector<16xf32>
        %add3A_938 = arith.addf %add3A_937, %convert_element_type3A_3 : vector<16xf32>
        %eq3A_939 = arith.cmpf oeq, %add3A_938, %select_n3A_200 : vector<16xf32>
        %get3A_940 = arith.index_cast %mul3A_933 : i32 to index
        %get3A_941 = tpu.vector_load %arg5[%get3A_940] {strides = array<i32>} : memref<4096xf32, #tpu.memory_space<vmem>>, vector<16xf32>,
        %get3A_942 = vector.shape_cast %get3A_941 : vector<16xf32> to vector<16xf32>
        %broadcast_in_dim3A_943 = vector.broadcast %scan3A_218 : f32 to vector<16xf32>
        %select_n3A_944 = arith.select %eq3A_939, %broadcast_in_dim3A_943, %get3A_942 : vector<16xi1>, vector<16xf32>
        %swap3A_945 = arith.index_cast %mul3A_933 : i32 to index
        %swap3A_946 = tpu.vector_load %arg5[%swap3A_945] {strides = array<i32>} : memref<4096xf32, #tpu.memory_space<vmem>>, vector<16xf32>,
        %swap3A_947 = vector.shape_cast %swap3A_946 : vector<16xf32> to vector<16xf32>
        %swap3A_948 = vector.shape_cast %select_n3A_944 : vector<16xf32> to vector<16xf32>
        tpu.vector_store %arg5[%swap3A_945], %swap3A_948 {strides = array<i32>} : memref<4096xf32, #tpu.memory_space<vmem>>, vector<16xf32>,
        %gt3A_949 = arith.cmpf ogt, %select_n3A_944, %select_n3A_928 : vector<16xf32>
        %select_n3A_950 = arith.select %gt3A_949, %select_n3A_944, %select_n3A_928 : vector<16xi1>, vector<16xf32>
        %select_n3A_951 = arith.select %gt3A_949, %add3A_938, %select_n3A_929 : vector<16xi1>, vector<16xf32>
        %scan3A_952 = arith.constant 4 : i32
        %scan3A_953 = arith.addi %scan3A_864, %scan3A_952 : i32
        %mul3A_954 = arith.constant 16 : i32
        %mul3A_955 = arith.muli %scan3A_953, %mul3A_954 : i32
        %mul3A_956 = arith.constant 16 : i32
        %mul3A_957 = arith.muli %scan3A_953, %mul3A_956 : i32
        %convert_element_type3A_958 = arith.sitofp %mul3A_957 : i32 to f32
        %add3A_959 = vector.broadcast %convert_element_type3A_958 : f32 to vector<16xf32>
        %add3A_960 = arith.addf %add3A_959, %convert_element_type3A_3 : vector<16xf32>
        %eq3A_961 = arith.cmpf oeq, %add3A_960, %select_n3A_200 : vector<16xf32>
        %get3A_962 = arith.index_cast %mul3A_955 : i32 to index
        %get3A_963 = tpu.vector_load %arg5[%get3A_962] {strides = array<i32>} : memref<4096xf32, #tpu.memory_space<vmem>>, vector<16xf32>,
        %get3A_964 = vector.shape_cast %get3A_963 : vector<16xf32> to vector<16xf32>
        %broadcast_in_dim3A_965 = vector.broadcast %scan3A_218 : f32 to vector<16xf32>
        %select_n3A_966 = arith.select %eq3A_961, %broadcast_in_dim3A_965, %get3A_964 : vector<16xi1>, vector<16xf32>
        %swap3A_967 = arith.index_cast %mul3A_955 : i32 to index
        %swap3A_968 = tpu.vector_load %arg5[%swap3A_967] {strides = array<i32>} : memref<4096xf32, #tpu.memory_space<vmem>>, vector<16xf32>,
        %swap3A_969 = vector.shape_cast %swap3A_968 : vector<16xf32> to vector<16xf32>
        %swap3A_970 = vector.shape_cast %select_n3A_966 : vector<16xf32> to vector<16xf32>
        tpu.vector_store %arg5[%swap3A_967], %swap3A_970 {strides = array<i32>} : memref<4096xf32, #tpu.memory_space<vmem>>, vector<16xf32>,
        %gt3A_971 = arith.cmpf ogt, %select_n3A_966, %select_n3A_950 : vector<16xf32>
        %select_n3A_972 = arith.select %gt3A_971, %select_n3A_966, %select_n3A_950 : vector<16xi1>, vector<16xf32>
        %select_n3A_973 = arith.select %gt3A_971, %add3A_960, %select_n3A_951 : vector<16xi1>, vector<16xf32>
        %scan3A_974 = arith.constant 5 : i32
        %scan3A_975 = arith.addi %scan3A_864, %scan3A_974 : i32
        %mul3A_976 = arith.constant 16 : i32
        %mul3A_977 = arith.muli %scan3A_975, %mul3A_976 : i32
        %mul3A_978 = arith.constant 16 : i32
        %mul3A_979 = arith.muli %scan3A_975, %mul3A_978 : i32
        %convert_element_type3A_980 = arith.sitofp %mul3A_979 : i32 to f32
        %add3A_981 = vector.broadcast %convert_element_type3A_980 : f32 to vector<16xf32>
        %add3A_982 = arith.addf %add3A_981, %convert_element_type3A_3 : vector<16xf32>
        %eq3A_983 = arith.cmpf oeq, %add3A_982, %select_n3A_200 : vector<16xf32>
        %get3A_984 = arith.index_cast %mul3A_977 : i32 to index
        %get3A_985 = tpu.vector_load %arg5[%get3A_984] {strides = array<i32>} : memref<4096xf32, #tpu.memory_space<vmem>>, vector<16xf32>,
        %get3A_986 = vector.shape_cast %get3A_985 : vector<16xf32> to vector<16xf32>
        %broadcast_in_dim3A_987 = vector.broadcast %scan3A_218 : f32 to vector<16xf32>
        %select_n3A_988 = arith.select %eq3A_983, %broadcast_in_dim3A_987, %get3A_986 : vector<16xi1>, vector<16xf32>
        %swap3A_989 = arith.index_cast %mul3A_977 : i32 to index
        %swap3A_990 = tpu.vector_load %arg5[%swap3A_989] {strides = array<i32>} : memref<4096xf32, #tpu.memory_space<vmem>>, vector<16xf32>,
        %swap3A_991 = vector.shape_cast %swap3A_990 : vector<16xf32> to vector<16xf32>
        %swap3A_992 = vector.shape_cast %select_n3A_988 : vector<16xf32> to vector<16xf32>
        tpu.vector_store %arg5[%swap3A_989], %swap3A_992 {strides = array<i32>} : memref<4096xf32, #tpu.memory_space<vmem>>, vector<16xf32>,
        %gt3A_993 = arith.cmpf ogt, %select_n3A_988, %select_n3A_972 : vector<16xf32>
        %select_n3A_994 = arith.select %gt3A_993, %select_n3A_988, %select_n3A_972 : vector<16xi1>, vector<16xf32>
        %select_n3A_995 = arith.select %gt3A_993, %add3A_982, %select_n3A_973 : vector<16xi1>, vector<16xf32>
        %scan3A_996 = arith.constant 6 : i32
        %scan3A_997 = arith.addi %scan3A_864, %scan3A_996 : i32
        %mul3A_998 = arith.constant 16 : i32
        %mul3A_999 = arith.muli %scan3A_997, %mul3A_998 : i32
        %mul3A_1000 = arith.constant 16 : i32
        %mul3A_1001 = arith.muli %scan3A_997, %mul3A_1000 : i32
        %convert_element_type3A_1002 = arith.sitofp %mul3A_1001 : i32 to f32
        %add3A_1003 = vector.broadcast %convert_element_type3A_1002 : f32 to vector<16xf32>
        %add3A_1004 = arith.addf %add3A_1003, %convert_element_type3A_3 : vector<16xf32>
        %eq3A_1005 = arith.cmpf oeq, %add3A_1004, %select_n3A_200 : vector<16xf32>
        %get3A_1006 = arith.index_cast %mul3A_999 : i32 to index
        %get3A_1007 = tpu.vector_load %arg5[%get3A_1006] {strides = array<i32>} : memref<4096xf32, #tpu.memory_space<vmem>>, vector<16xf32>,
        %get3A_1008 = vector.shape_cast %get3A_1007 : vector<16xf32> to vector<16xf32>
        %broadcast_in_dim3A_1009 = vector.broadcast %scan3A_218 : f32 to vector<16xf32>
        %select_n3A_1010 = arith.select %eq3A_1005, %broadcast_in_dim3A_1009, %get3A_1008 : vector<16xi1>, vector<16xf32>
        %swap3A_1011 = arith.index_cast %mul3A_999 : i32 to index
        %swap3A_1012 = tpu.vector_load %arg5[%swap3A_1011] {strides = array<i32>} : memref<4096xf32, #tpu.memory_space<vmem>>, vector<16xf32>,
        %swap3A_1013 = vector.shape_cast %swap3A_1012 : vector<16xf32> to vector<16xf32>
        %swap3A_1014 = vector.shape_cast %select_n3A_1010 : vector<16xf32> to vector<16xf32>
        tpu.vector_store %arg5[%swap3A_1011], %swap3A_1014 {strides = array<i32>} : memref<4096xf32, #tpu.memory_space<vmem>>, vector<16xf32>,
        %gt3A_1015 = arith.cmpf ogt, %select_n3A_1010, %select_n3A_994 : vector<16xf32>
        %select_n3A_1016 = arith.select %gt3A_1015, %select_n3A_1010, %select_n3A_994 : vector<16xi1>, vector<16xf32>
        %select_n3A_1017 = arith.select %gt3A_1015, %add3A_1004, %select_n3A_995 : vector<16xi1>, vector<16xf32>
        %scan3A_1018 = arith.constant 7 : i32
        %scan3A_1019 = arith.addi %scan3A_864, %scan3A_1018 : i32
        %mul3A_1020 = arith.constant 16 : i32
        %mul3A_1021 = arith.muli %scan3A_1019, %mul3A_1020 : i32
        %mul3A_1022 = arith.constant 16 : i32
        %mul3A_1023 = arith.muli %scan3A_1019, %mul3A_1022 : i32
        %convert_element_type3A_1024 = arith.sitofp %mul3A_1023 : i32 to f32
        %add3A_1025 = vector.broadcast %convert_element_type3A_1024 : f32 to vector<16xf32>
        %add3A_1026 = arith.addf %add3A_1025, %convert_element_type3A_3 : vector<16xf32>
        %eq3A_1027 = arith.cmpf oeq, %add3A_1026, %select_n3A_200 : vector<16xf32>
        %get3A_1028 = arith.index_cast %mul3A_1021 : i32 to index
        %get3A_1029 = tpu.vector_load %arg5[%get3A_1028] {strides = array<i32>} : memref<4096xf32, #tpu.memory_space<vmem>>, vector<16xf32>,
        %get3A_1030 = vector.shape_cast %get3A_1029 : vector<16xf32> to vector<16xf32>
        %broadcast_in_dim3A_1031 = vector.broadcast %scan3A_218 : f32 to vector<16xf32>
        %select_n3A_1032 = arith.select %eq3A_1027, %broadcast_in_dim3A_1031, %get3A_1030 : vector<16xi1>, vector<16xf32>
        %swap3A_1033 = arith.index_cast %mul3A_1021 : i32 to index
        %swap3A_1034 = tpu.vector_load %arg5[%swap3A_1033] {strides = array<i32>} : memref<4096xf32, #tpu.memory_space<vmem>>, vector<16xf32>,
        %swap3A_1035 = vector.shape_cast %swap3A_1034 : vector<16xf32> to vector<16xf32>
        %swap3A_1036 = vector.shape_cast %select_n3A_1032 : vector<16xf32> to vector<16xf32>
        tpu.vector_store %arg5[%swap3A_1033], %swap3A_1036 {strides = array<i32>} : memref<4096xf32, #tpu.memory_space<vmem>>, vector<16xf32>,
        %gt3A_1037 = arith.cmpf ogt, %select_n3A_1032, %select_n3A_1016 : vector<16xf32>
        %select_n3A_1038 = arith.select %gt3A_1037, %select_n3A_1032, %select_n3A_1016 : vector<16xi1>, vector<16xf32>
        %select_n3A_1039 = arith.select %gt3A_1037, %add3A_1026, %select_n3A_1017 : vector<16xi1>, vector<16xf32>
        scf.yield %select_n3A_1038, %select_n3A_1039 : vector<16xf32>, vector<16xf32>
      }
      %scan3A_224 = arith.constant 256 : i32
      %xor3A_225 = arith.constant 1 : i32
      %xor3A_226 = vector.broadcast %xor3A_225 : i32 to vector<16xi32>
      %xor3A_227 = arith.xori %iota3A, %xor3A_226 : vector<16xi32>
      %broadcast_in_dim3A_228 = vector.shape_cast %xor3A_227 : vector<16xi32> to vector<16x1xi32>
      %gather3A_229 = vector.shape_cast %broadcast_in_dim3A_228 : vector<16x1xi32> to vector<16xi32>
      %gather3A_230 = tpu.dynamic_gather %scan3A_223#0[%gather3A_229] in [0] : vector<16xf32>, vector<16xi32> -> vector<16xf32>
      %broadcast_in_dim3A_231 = vector.shape_cast %xor3A_227 : vector<16xi32> to vector<16x1xi32>
      %gather3A_232 = vector.shape_cast %broadcast_in_dim3A_231 : vector<16x1xi32> to vector<16xi32>
      %gather3A_233 = tpu.dynamic_gather %scan3A_223#1[%gather3A_232] in [0] : vector<16xf32>, vector<16xi32> -> vector<16xf32>
      %gt3A_234 = arith.cmpf ogt, %gather3A_230, %scan3A_223#0 : vector<16xf32>
      %select_n3A_235 = arith.select %gt3A_234, %broadcast_in_dim3A_4, %broadcast_in_dim3A_6 : vector<16xi1>, vector<16xf32>
      %eq3A_236 = arith.cmpf oeq, %gather3A_230, %scan3A_223#0 : vector<16xf32>
      %select_n3A_237 = arith.select %eq3A_236, %broadcast_in_dim3A_4, %broadcast_in_dim3A_6 : vector<16xi1>, vector<16xf32>
      %lt3A_238 = arith.cmpf olt, %gather3A_233, %scan3A_223#1 : vector<16xf32>
      %select_n3A_239 = arith.select %lt3A_238, %broadcast_in_dim3A_4, %broadcast_in_dim3A_6 : vector<16xi1>, vector<16xf32>
      %mul3A_240 = arith.mulf %select_n3A_237, %select_n3A_239 : vector<16xf32>
      %add3A_241 = arith.addf %select_n3A_235, %mul3A_240 : vector<16xf32>
      %gt3A_242 = arith.cmpf ogt, %add3A_241, %broadcast_in_dim3A_6 : vector<16xf32>
      %select_n3A_243 = arith.select %gt3A_242, %gather3A_230, %scan3A_223#0 : vector<16xi1>, vector<16xf32>
      %select_n3A_244 = arith.select %gt3A_242, %gather3A_233, %scan3A_223#1 : vector<16xi1>, vector<16xf32>
      %xor3A_245 = arith.constant 2 : i32
      %xor3A_246 = vector.broadcast %xor3A_245 : i32 to vector<16xi32>
      %xor3A_247 = arith.xori %iota3A, %xor3A_246 : vector<16xi32>
      %broadcast_in_dim3A_248 = vector.shape_cast %xor3A_247 : vector<16xi32> to vector<16x1xi32>
      %gather3A_249 = vector.shape_cast %broadcast_in_dim3A_248 : vector<16x1xi32> to vector<16xi32>
      %gather3A_250 = tpu.dynamic_gather %select_n3A_243[%gather3A_249] in [0] : vector<16xf32>, vector<16xi32> -> vector<16xf32>
      %broadcast_in_dim3A_251 = vector.shape_cast %xor3A_247 : vector<16xi32> to vector<16x1xi32>
      %gather3A_252 = vector.shape_cast %broadcast_in_dim3A_251 : vector<16x1xi32> to vector<16xi32>
      %gather3A_253 = tpu.dynamic_gather %select_n3A_244[%gather3A_252] in [0] : vector<16xf32>, vector<16xi32> -> vector<16xf32>
      %gt3A_254 = arith.cmpf ogt, %gather3A_250, %select_n3A_243 : vector<16xf32>
      %select_n3A_255 = arith.select %gt3A_254, %broadcast_in_dim3A_4, %broadcast_in_dim3A_6 : vector<16xi1>, vector<16xf32>
      %eq3A_256 = arith.cmpf oeq, %gather3A_250, %select_n3A_243 : vector<16xf32>
      %select_n3A_257 = arith.select %eq3A_256, %broadcast_in_dim3A_4, %broadcast_in_dim3A_6 : vector<16xi1>, vector<16xf32>
      %lt3A_258 = arith.cmpf olt, %gather3A_253, %select_n3A_244 : vector<16xf32>
      %select_n3A_259 = arith.select %lt3A_258, %broadcast_in_dim3A_4, %broadcast_in_dim3A_6 : vector<16xi1>, vector<16xf32>
      %mul3A_260 = arith.mulf %select_n3A_257, %select_n3A_259 : vector<16xf32>
      %add3A_261 = arith.addf %select_n3A_255, %mul3A_260 : vector<16xf32>
      %gt3A_262 = arith.cmpf ogt, %add3A_261, %broadcast_in_dim3A_6 : vector<16xf32>
      %select_n3A_263 = arith.select %gt3A_262, %gather3A_250, %select_n3A_243 : vector<16xi1>, vector<16xf32>
      %select_n3A_264 = arith.select %gt3A_262, %gather3A_253, %select_n3A_244 : vector<16xi1>, vector<16xf32>
      %xor3A_265 = arith.constant 4 : i32
      %xor3A_266 = vector.broadcast %xor3A_265 : i32 to vector<16xi32>
      %xor3A_267 = arith.xori %iota3A, %xor3A_266 : vector<16xi32>
      %broadcast_in_dim3A_268 = vector.shape_cast %xor3A_267 : vector<16xi32> to vector<16x1xi32>
      %gather3A_269 = vector.shape_cast %broadcast_in_dim3A_268 : vector<16x1xi32> to vector<16xi32>
      %gather3A_270 = tpu.dynamic_gather %select_n3A_263[%gather3A_269] in [0] : vector<16xf32>, vector<16xi32> -> vector<16xf32>
      %broadcast_in_dim3A_271 = vector.shape_cast %xor3A_267 : vector<16xi32> to vector<16x1xi32>
      %gather3A_272 = vector.shape_cast %broadcast_in_dim3A_271 : vector<16x1xi32> to vector<16xi32>
      %gather3A_273 = tpu.dynamic_gather %select_n3A_264[%gather3A_272] in [0] : vector<16xf32>, vector<16xi32> -> vector<16xf32>
      %gt3A_274 = arith.cmpf ogt, %gather3A_270, %select_n3A_263 : vector<16xf32>
      %select_n3A_275 = arith.select %gt3A_274, %broadcast_in_dim3A_4, %broadcast_in_dim3A_6 : vector<16xi1>, vector<16xf32>
      %eq3A_276 = arith.cmpf oeq, %gather3A_270, %select_n3A_263 : vector<16xf32>
      %select_n3A_277 = arith.select %eq3A_276, %broadcast_in_dim3A_4, %broadcast_in_dim3A_6 : vector<16xi1>, vector<16xf32>
      %lt3A_278 = arith.cmpf olt, %gather3A_273, %select_n3A_264 : vector<16xf32>
      %select_n3A_279 = arith.select %lt3A_278, %broadcast_in_dim3A_4, %broadcast_in_dim3A_6 : vector<16xi1>, vector<16xf32>
      %mul3A_280 = arith.mulf %select_n3A_277, %select_n3A_279 : vector<16xf32>
      %add3A_281 = arith.addf %select_n3A_275, %mul3A_280 : vector<16xf32>
      %gt3A_282 = arith.cmpf ogt, %add3A_281, %broadcast_in_dim3A_6 : vector<16xf32>
      %select_n3A_283 = arith.select %gt3A_282, %gather3A_270, %select_n3A_263 : vector<16xi1>, vector<16xf32>
      %select_n3A_284 = arith.select %gt3A_282, %gather3A_273, %select_n3A_264 : vector<16xi1>, vector<16xf32>
      %xor3A_285 = arith.constant 8 : i32
      %xor3A_286 = vector.broadcast %xor3A_285 : i32 to vector<16xi32>
      %xor3A_287 = arith.xori %iota3A, %xor3A_286 : vector<16xi32>
      %broadcast_in_dim3A_288 = vector.shape_cast %xor3A_287 : vector<16xi32> to vector<16x1xi32>
      %gather3A_289 = vector.shape_cast %broadcast_in_dim3A_288 : vector<16x1xi32> to vector<16xi32>
      %gather3A_290 = tpu.dynamic_gather %select_n3A_283[%gather3A_289] in [0] : vector<16xf32>, vector<16xi32> -> vector<16xf32>
      %broadcast_in_dim3A_291 = vector.shape_cast %xor3A_287 : vector<16xi32> to vector<16x1xi32>
      %gather3A_292 = vector.shape_cast %broadcast_in_dim3A_291 : vector<16x1xi32> to vector<16xi32>
      %gather3A_293 = tpu.dynamic_gather %select_n3A_284[%gather3A_292] in [0] : vector<16xf32>, vector<16xi32> -> vector<16xf32>
      %gt3A_294 = arith.cmpf ogt, %gather3A_290, %select_n3A_283 : vector<16xf32>
      %select_n3A_295 = arith.select %gt3A_294, %broadcast_in_dim3A_4, %broadcast_in_dim3A_6 : vector<16xi1>, vector<16xf32>
      %eq3A_296 = arith.cmpf oeq, %gather3A_290, %select_n3A_283 : vector<16xf32>
      %select_n3A_297 = arith.select %eq3A_296, %broadcast_in_dim3A_4, %broadcast_in_dim3A_6 : vector<16xi1>, vector<16xf32>
      %lt3A_298 = arith.cmpf olt, %gather3A_293, %select_n3A_284 : vector<16xf32>
      %select_n3A_299 = arith.select %lt3A_298, %broadcast_in_dim3A_4, %broadcast_in_dim3A_6 : vector<16xi1>, vector<16xf32>
      %mul3A_300 = arith.mulf %select_n3A_297, %select_n3A_299 : vector<16xf32>
      %add3A_301 = arith.addf %select_n3A_295, %mul3A_300 : vector<16xf32>
      %gt3A_302 = arith.cmpf ogt, %add3A_301, %broadcast_in_dim3A_6 : vector<16xf32>
      %select_n3A_303 = arith.select %gt3A_302, %gather3A_290, %select_n3A_283 : vector<16xi1>, vector<16xf32>
      %select_n3A_304 = arith.select %gt3A_302, %gather3A_293, %select_n3A_284 : vector<16xi1>, vector<16xf32>
      %eq3A_305 = arith.constant 2 : i32
      %eq3A_306 = arith.cmpi eq, %add3A, %eq3A_305 : i32
      %convert_element_type3A_307 = arith.extui %eq3A_306 : i1 to i32
      %convert_element_type3A_308 = arith.sitofp %convert_element_type3A_307 : i32 to f32
      %broadcast_in_dim3A_309 = vector.broadcast %convert_element_type3A_308 : f32 to vector<16xf32>
      %mul3A_310 = arith.mulf %broadcast_in_dim3A_309, %select_n3A_304 : vector<16xf32>
      %sub3A_311 = arith.subf %broadcast_in_dim3A_4, %broadcast_in_dim3A_309 : vector<16xf32>
      %mul3A_312 = arith.mulf %sub3A_311, %add3A_209 : vector<16xf32>
      %add3A_313 = arith.addf %mul3A_310, %mul3A_312 : vector<16xf32>
      %mul3A_314 = arith.mulf %broadcast_in_dim3A_309, %select_n3A_303 : vector<16xf32>
      %sub3A_315 = arith.subf %broadcast_in_dim3A_4, %broadcast_in_dim3A_309 : vector<16xf32>
      %mul3A_316 = arith.mulf %sub3A_315, %add3A_213 : vector<16xf32>
      %add3A_317 = arith.addf %mul3A_314, %mul3A_316 : vector<16xf32>
      %broadcast_in_dim3A_318 = arith.constant 0xFF800000 : f32
      %broadcast_in_dim3A_319 = vector.broadcast %broadcast_in_dim3A_318 : f32 to vector<16xf32>
      %broadcast_in_dim3A_320 = arith.constant 0.000000e+00 : f32
      %broadcast_in_dim3A_321 = vector.broadcast %broadcast_in_dim3A_320 : f32 to vector<16xf32>
      %scan3A_322 = arith.constant 0xFF800000 : f32
      %scan3A_323 = arith.constant 0 : i32
      %scan3A_324 = arith.constant 256 : i32
      %scan3A_325 = arith.addi %scan3A_323, %scan3A_324 : i32
      %scan3A_326 = arith.constant 8 : i32
      %scan3A_327:2 = scf.for %scan3A_864 = %scan3A_323 to %scan3A_325 step %scan3A_326 iter_args(%scan3A_865 = %broadcast_in_dim3A_319, %scan3A_866 = %broadcast_in_dim3A_321) -> (vector<16xf32>, vector<16xf32>)  : i32 {
        %mul3A_867 = arith.constant 16 : i32
        %mul3A_868 = arith.muli %scan3A_864, %mul3A_867 : i32
        %mul3A_869 = arith.constant 16 : i32
        %mul3A_870 = arith.muli %scan3A_864, %mul3A_869 : i32
        %convert_element_type3A_871 = arith.sitofp %mul3A_870 : i32 to f32
        %add3A_872 = vector.broadcast %convert_element_type3A_871 : f32 to vector<16xf32>
        %add3A_873 = arith.addf %add3A_872, %convert_element_type3A_3 : vector<16xf32>
        %eq3A_874 = arith.cmpf oeq, %add3A_873, %select_n3A_304 : vector<16xf32>
        %get3A = arith.index_cast %mul3A_868 : i32 to index
        %get3A_875 = tpu.vector_load %arg5[%get3A] {strides = array<i32>} : memref<4096xf32, #tpu.memory_space<vmem>>, vector<16xf32>,
        %get3A_876 = vector.shape_cast %get3A_875 : vector<16xf32> to vector<16xf32>
        %broadcast_in_dim3A_877 = vector.broadcast %scan3A_322 : f32 to vector<16xf32>
        %select_n3A_878 = arith.select %eq3A_874, %broadcast_in_dim3A_877, %get3A_876 : vector<16xi1>, vector<16xf32>
        %swap3A_879 = arith.index_cast %mul3A_868 : i32 to index
        %swap3A_880 = tpu.vector_load %arg5[%swap3A_879] {strides = array<i32>} : memref<4096xf32, #tpu.memory_space<vmem>>, vector<16xf32>,
        %swap3A_881 = vector.shape_cast %swap3A_880 : vector<16xf32> to vector<16xf32>
        %swap3A_882 = vector.shape_cast %select_n3A_878 : vector<16xf32> to vector<16xf32>
        tpu.vector_store %arg5[%swap3A_879], %swap3A_882 {strides = array<i32>} : memref<4096xf32, #tpu.memory_space<vmem>>, vector<16xf32>,
        %gt3A_883 = arith.cmpf ogt, %select_n3A_878, %scan3A_865 : vector<16xf32>
        %select_n3A_884 = arith.select %gt3A_883, %select_n3A_878, %scan3A_865 : vector<16xi1>, vector<16xf32>
        %select_n3A_885 = arith.select %gt3A_883, %add3A_873, %scan3A_866 : vector<16xi1>, vector<16xf32>
        %scan3A_886 = arith.constant 1 : i32
        %scan3A_887 = arith.addi %scan3A_864, %scan3A_886 : i32
        %mul3A_888 = arith.constant 16 : i32
        %mul3A_889 = arith.muli %scan3A_887, %mul3A_888 : i32
        %mul3A_890 = arith.constant 16 : i32
        %mul3A_891 = arith.muli %scan3A_887, %mul3A_890 : i32
        %convert_element_type3A_892 = arith.sitofp %mul3A_891 : i32 to f32
        %add3A_893 = vector.broadcast %convert_element_type3A_892 : f32 to vector<16xf32>
        %add3A_894 = arith.addf %add3A_893, %convert_element_type3A_3 : vector<16xf32>
        %eq3A_895 = arith.cmpf oeq, %add3A_894, %select_n3A_304 : vector<16xf32>
        %get3A_896 = arith.index_cast %mul3A_889 : i32 to index
        %get3A_897 = tpu.vector_load %arg5[%get3A_896] {strides = array<i32>} : memref<4096xf32, #tpu.memory_space<vmem>>, vector<16xf32>,
        %get3A_898 = vector.shape_cast %get3A_897 : vector<16xf32> to vector<16xf32>
        %broadcast_in_dim3A_899 = vector.broadcast %scan3A_322 : f32 to vector<16xf32>
        %select_n3A_900 = arith.select %eq3A_895, %broadcast_in_dim3A_899, %get3A_898 : vector<16xi1>, vector<16xf32>
        %swap3A_901 = arith.index_cast %mul3A_889 : i32 to index
        %swap3A_902 = tpu.vector_load %arg5[%swap3A_901] {strides = array<i32>} : memref<4096xf32, #tpu.memory_space<vmem>>, vector<16xf32>,
        %swap3A_903 = vector.shape_cast %swap3A_902 : vector<16xf32> to vector<16xf32>
        %swap3A_904 = vector.shape_cast %select_n3A_900 : vector<16xf32> to vector<16xf32>
        tpu.vector_store %arg5[%swap3A_901], %swap3A_904 {strides = array<i32>} : memref<4096xf32, #tpu.memory_space<vmem>>, vector<16xf32>,
        %gt3A_905 = arith.cmpf ogt, %select_n3A_900, %select_n3A_884 : vector<16xf32>
        %select_n3A_906 = arith.select %gt3A_905, %select_n3A_900, %select_n3A_884 : vector<16xi1>, vector<16xf32>
        %select_n3A_907 = arith.select %gt3A_905, %add3A_894, %select_n3A_885 : vector<16xi1>, vector<16xf32>
        %scan3A_908 = arith.constant 2 : i32
        %scan3A_909 = arith.addi %scan3A_864, %scan3A_908 : i32
        %mul3A_910 = arith.constant 16 : i32
        %mul3A_911 = arith.muli %scan3A_909, %mul3A_910 : i32
        %mul3A_912 = arith.constant 16 : i32
        %mul3A_913 = arith.muli %scan3A_909, %mul3A_912 : i32
        %convert_element_type3A_914 = arith.sitofp %mul3A_913 : i32 to f32
        %add3A_915 = vector.broadcast %convert_element_type3A_914 : f32 to vector<16xf32>
        %add3A_916 = arith.addf %add3A_915, %convert_element_type3A_3 : vector<16xf32>
        %eq3A_917 = arith.cmpf oeq, %add3A_916, %select_n3A_304 : vector<16xf32>
        %get3A_918 = arith.index_cast %mul3A_911 : i32 to index
        %get3A_919 = tpu.vector_load %arg5[%get3A_918] {strides = array<i32>} : memref<4096xf32, #tpu.memory_space<vmem>>, vector<16xf32>,
        %get3A_920 = vector.shape_cast %get3A_919 : vector<16xf32> to vector<16xf32>
        %broadcast_in_dim3A_921 = vector.broadcast %scan3A_322 : f32 to vector<16xf32>
        %select_n3A_922 = arith.select %eq3A_917, %broadcast_in_dim3A_921, %get3A_920 : vector<16xi1>, vector<16xf32>
        %swap3A_923 = arith.index_cast %mul3A_911 : i32 to index
        %swap3A_924 = tpu.vector_load %arg5[%swap3A_923] {strides = array<i32>} : memref<4096xf32, #tpu.memory_space<vmem>>, vector<16xf32>,
        %swap3A_925 = vector.shape_cast %swap3A_924 : vector<16xf32> to vector<16xf32>
        %swap3A_926 = vector.shape_cast %select_n3A_922 : vector<16xf32> to vector<16xf32>
        tpu.vector_store %arg5[%swap3A_923], %swap3A_926 {strides = array<i32>} : memref<4096xf32, #tpu.memory_space<vmem>>, vector<16xf32>,
        %gt3A_927 = arith.cmpf ogt, %select_n3A_922, %select_n3A_906 : vector<16xf32>
        %select_n3A_928 = arith.select %gt3A_927, %select_n3A_922, %select_n3A_906 : vector<16xi1>, vector<16xf32>
        %select_n3A_929 = arith.select %gt3A_927, %add3A_916, %select_n3A_907 : vector<16xi1>, vector<16xf32>
        %scan3A_930 = arith.constant 3 : i32
        %scan3A_931 = arith.addi %scan3A_864, %scan3A_930 : i32
        %mul3A_932 = arith.constant 16 : i32
        %mul3A_933 = arith.muli %scan3A_931, %mul3A_932 : i32
        %mul3A_934 = arith.constant 16 : i32
        %mul3A_935 = arith.muli %scan3A_931, %mul3A_934 : i32
        %convert_element_type3A_936 = arith.sitofp %mul3A_935 : i32 to f32
        %add3A_937 = vector.broadcast %convert_element_type3A_936 : f32 to vector<16xf32>
        %add3A_938 = arith.addf %add3A_937, %convert_element_type3A_3 : vector<16xf32>
        %eq3A_939 = arith.cmpf oeq, %add3A_938, %select_n3A_304 : vector<16xf32>
        %get3A_940 = arith.index_cast %mul3A_933 : i32 to index
        %get3A_941 = tpu.vector_load %arg5[%get3A_940] {strides = array<i32>} : memref<4096xf32, #tpu.memory_space<vmem>>, vector<16xf32>,
        %get3A_942 = vector.shape_cast %get3A_941 : vector<16xf32> to vector<16xf32>
        %broadcast_in_dim3A_943 = vector.broadcast %scan3A_322 : f32 to vector<16xf32>
        %select_n3A_944 = arith.select %eq3A_939, %broadcast_in_dim3A_943, %get3A_942 : vector<16xi1>, vector<16xf32>
        %swap3A_945 = arith.index_cast %mul3A_933 : i32 to index
        %swap3A_946 = tpu.vector_load %arg5[%swap3A_945] {strides = array<i32>} : memref<4096xf32, #tpu.memory_space<vmem>>, vector<16xf32>,
        %swap3A_947 = vector.shape_cast %swap3A_946 : vector<16xf32> to vector<16xf32>
        %swap3A_948 = vector.shape_cast %select_n3A_944 : vector<16xf32> to vector<16xf32>
        tpu.vector_store %arg5[%swap3A_945], %swap3A_948 {strides = array<i32>} : memref<4096xf32, #tpu.memory_space<vmem>>, vector<16xf32>,
        %gt3A_949 = arith.cmpf ogt, %select_n3A_944, %select_n3A_928 : vector<16xf32>
        %select_n3A_950 = arith.select %gt3A_949, %select_n3A_944, %select_n3A_928 : vector<16xi1>, vector<16xf32>
        %select_n3A_951 = arith.select %gt3A_949, %add3A_938, %select_n3A_929 : vector<16xi1>, vector<16xf32>
        %scan3A_952 = arith.constant 4 : i32
        %scan3A_953 = arith.addi %scan3A_864, %scan3A_952 : i32
        %mul3A_954 = arith.constant 16 : i32
        %mul3A_955 = arith.muli %scan3A_953, %mul3A_954 : i32
        %mul3A_956 = arith.constant 16 : i32
        %mul3A_957 = arith.muli %scan3A_953, %mul3A_956 : i32
        %convert_element_type3A_958 = arith.sitofp %mul3A_957 : i32 to f32
        %add3A_959 = vector.broadcast %convert_element_type3A_958 : f32 to vector<16xf32>
        %add3A_960 = arith.addf %add3A_959, %convert_element_type3A_3 : vector<16xf32>
        %eq3A_961 = arith.cmpf oeq, %add3A_960, %select_n3A_304 : vector<16xf32>
        %get3A_962 = arith.index_cast %mul3A_955 : i32 to index
        %get3A_963 = tpu.vector_load %arg5[%get3A_962] {strides = array<i32>} : memref<4096xf32, #tpu.memory_space<vmem>>, vector<16xf32>,
        %get3A_964 = vector.shape_cast %get3A_963 : vector<16xf32> to vector<16xf32>
        %broadcast_in_dim3A_965 = vector.broadcast %scan3A_322 : f32 to vector<16xf32>
        %select_n3A_966 = arith.select %eq3A_961, %broadcast_in_dim3A_965, %get3A_964 : vector<16xi1>, vector<16xf32>
        %swap3A_967 = arith.index_cast %mul3A_955 : i32 to index
        %swap3A_968 = tpu.vector_load %arg5[%swap3A_967] {strides = array<i32>} : memref<4096xf32, #tpu.memory_space<vmem>>, vector<16xf32>,
        %swap3A_969 = vector.shape_cast %swap3A_968 : vector<16xf32> to vector<16xf32>
        %swap3A_970 = vector.shape_cast %select_n3A_966 : vector<16xf32> to vector<16xf32>
        tpu.vector_store %arg5[%swap3A_967], %swap3A_970 {strides = array<i32>} : memref<4096xf32, #tpu.memory_space<vmem>>, vector<16xf32>,
        %gt3A_971 = arith.cmpf ogt, %select_n3A_966, %select_n3A_950 : vector<16xf32>
        %select_n3A_972 = arith.select %gt3A_971, %select_n3A_966, %select_n3A_950 : vector<16xi1>, vector<16xf32>
        %select_n3A_973 = arith.select %gt3A_971, %add3A_960, %select_n3A_951 : vector<16xi1>, vector<16xf32>
        %scan3A_974 = arith.constant 5 : i32
        %scan3A_975 = arith.addi %scan3A_864, %scan3A_974 : i32
        %mul3A_976 = arith.constant 16 : i32
        %mul3A_977 = arith.muli %scan3A_975, %mul3A_976 : i32
        %mul3A_978 = arith.constant 16 : i32
        %mul3A_979 = arith.muli %scan3A_975, %mul3A_978 : i32
        %convert_element_type3A_980 = arith.sitofp %mul3A_979 : i32 to f32
        %add3A_981 = vector.broadcast %convert_element_type3A_980 : f32 to vector<16xf32>
        %add3A_982 = arith.addf %add3A_981, %convert_element_type3A_3 : vector<16xf32>
        %eq3A_983 = arith.cmpf oeq, %add3A_982, %select_n3A_304 : vector<16xf32>
        %get3A_984 = arith.index_cast %mul3A_977 : i32 to index
        %get3A_985 = tpu.vector_load %arg5[%get3A_984] {strides = array<i32>} : memref<4096xf32, #tpu.memory_space<vmem>>, vector<16xf32>,
        %get3A_986 = vector.shape_cast %get3A_985 : vector<16xf32> to vector<16xf32>
        %broadcast_in_dim3A_987 = vector.broadcast %scan3A_322 : f32 to vector<16xf32>
        %select_n3A_988 = arith.select %eq3A_983, %broadcast_in_dim3A_987, %get3A_986 : vector<16xi1>, vector<16xf32>
        %swap3A_989 = arith.index_cast %mul3A_977 : i32 to index
        %swap3A_990 = tpu.vector_load %arg5[%swap3A_989] {strides = array<i32>} : memref<4096xf32, #tpu.memory_space<vmem>>, vector<16xf32>,
        %swap3A_991 = vector.shape_cast %swap3A_990 : vector<16xf32> to vector<16xf32>
        %swap3A_992 = vector.shape_cast %select_n3A_988 : vector<16xf32> to vector<16xf32>
        tpu.vector_store %arg5[%swap3A_989], %swap3A_992 {strides = array<i32>} : memref<4096xf32, #tpu.memory_space<vmem>>, vector<16xf32>,
        %gt3A_993 = arith.cmpf ogt, %select_n3A_988, %select_n3A_972 : vector<16xf32>
        %select_n3A_994 = arith.select %gt3A_993, %select_n3A_988, %select_n3A_972 : vector<16xi1>, vector<16xf32>
        %select_n3A_995 = arith.select %gt3A_993, %add3A_982, %select_n3A_973 : vector<16xi1>, vector<16xf32>
        %scan3A_996 = arith.constant 6 : i32
        %scan3A_997 = arith.addi %scan3A_864, %scan3A_996 : i32
        %mul3A_998 = arith.constant 16 : i32
        %mul3A_999 = arith.muli %scan3A_997, %mul3A_998 : i32
        %mul3A_1000 = arith.constant 16 : i32
        %mul3A_1001 = arith.muli %scan3A_997, %mul3A_1000 : i32
        %convert_element_type3A_1002 = arith.sitofp %mul3A_1001 : i32 to f32
        %add3A_1003 = vector.broadcast %convert_element_type3A_1002 : f32 to vector<16xf32>
        %add3A_1004 = arith.addf %add3A_1003, %convert_element_type3A_3 : vector<16xf32>
        %eq3A_1005 = arith.cmpf oeq, %add3A_1004, %select_n3A_304 : vector<16xf32>
        %get3A_1006 = arith.index_cast %mul3A_999 : i32 to index
        %get3A_1007 = tpu.vector_load %arg5[%get3A_1006] {strides = array<i32>} : memref<4096xf32, #tpu.memory_space<vmem>>, vector<16xf32>,
        %get3A_1008 = vector.shape_cast %get3A_1007 : vector<16xf32> to vector<16xf32>
        %broadcast_in_dim3A_1009 = vector.broadcast %scan3A_322 : f32 to vector<16xf32>
        %select_n3A_1010 = arith.select %eq3A_1005, %broadcast_in_dim3A_1009, %get3A_1008 : vector<16xi1>, vector<16xf32>
        %swap3A_1011 = arith.index_cast %mul3A_999 : i32 to index
        %swap3A_1012 = tpu.vector_load %arg5[%swap3A_1011] {strides = array<i32>} : memref<4096xf32, #tpu.memory_space<vmem>>, vector<16xf32>,
        %swap3A_1013 = vector.shape_cast %swap3A_1012 : vector<16xf32> to vector<16xf32>
        %swap3A_1014 = vector.shape_cast %select_n3A_1010 : vector<16xf32> to vector<16xf32>
        tpu.vector_store %arg5[%swap3A_1011], %swap3A_1014 {strides = array<i32>} : memref<4096xf32, #tpu.memory_space<vmem>>, vector<16xf32>,
        %gt3A_1015 = arith.cmpf ogt, %select_n3A_1010, %select_n3A_994 : vector<16xf32>
        %select_n3A_1016 = arith.select %gt3A_1015, %select_n3A_1010, %select_n3A_994 : vector<16xi1>, vector<16xf32>
        %select_n3A_1017 = arith.select %gt3A_1015, %add3A_1004, %select_n3A_995 : vector<16xi1>, vector<16xf32>
        %scan3A_1018 = arith.constant 7 : i32
        %scan3A_1019 = arith.addi %scan3A_864, %scan3A_1018 : i32
        %mul3A_1020 = arith.constant 16 : i32
        %mul3A_1021 = arith.muli %scan3A_1019, %mul3A_1020 : i32
        %mul3A_1022 = arith.constant 16 : i32
        %mul3A_1023 = arith.muli %scan3A_1019, %mul3A_1022 : i32
        %convert_element_type3A_1024 = arith.sitofp %mul3A_1023 : i32 to f32
        %add3A_1025 = vector.broadcast %convert_element_type3A_1024 : f32 to vector<16xf32>
        %add3A_1026 = arith.addf %add3A_1025, %convert_element_type3A_3 : vector<16xf32>
        %eq3A_1027 = arith.cmpf oeq, %add3A_1026, %select_n3A_304 : vector<16xf32>
        %get3A_1028 = arith.index_cast %mul3A_1021 : i32 to index
        %get3A_1029 = tpu.vector_load %arg5[%get3A_1028] {strides = array<i32>} : memref<4096xf32, #tpu.memory_space<vmem>>, vector<16xf32>,
        %get3A_1030 = vector.shape_cast %get3A_1029 : vector<16xf32> to vector<16xf32>
        %broadcast_in_dim3A_1031 = vector.broadcast %scan3A_322 : f32 to vector<16xf32>
        %select_n3A_1032 = arith.select %eq3A_1027, %broadcast_in_dim3A_1031, %get3A_1030 : vector<16xi1>, vector<16xf32>
        %swap3A_1033 = arith.index_cast %mul3A_1021 : i32 to index
        %swap3A_1034 = tpu.vector_load %arg5[%swap3A_1033] {strides = array<i32>} : memref<4096xf32, #tpu.memory_space<vmem>>, vector<16xf32>,
        %swap3A_1035 = vector.shape_cast %swap3A_1034 : vector<16xf32> to vector<16xf32>
        %swap3A_1036 = vector.shape_cast %select_n3A_1032 : vector<16xf32> to vector<16xf32>
        tpu.vector_store %arg5[%swap3A_1033], %swap3A_1036 {strides = array<i32>} : memref<4096xf32, #tpu.memory_space<vmem>>, vector<16xf32>,
        %gt3A_1037 = arith.cmpf ogt, %select_n3A_1032, %select_n3A_1016 : vector<16xf32>
        %select_n3A_1038 = arith.select %gt3A_1037, %select_n3A_1032, %select_n3A_1016 : vector<16xi1>, vector<16xf32>
        %select_n3A_1039 = arith.select %gt3A_1037, %add3A_1026, %select_n3A_1017 : vector<16xi1>, vector<16xf32>
        scf.yield %select_n3A_1038, %select_n3A_1039 : vector<16xf32>, vector<16xf32>
      }
      %scan3A_328 = arith.constant 256 : i32
      %xor3A_329 = arith.constant 1 : i32
      %xor3A_330 = vector.broadcast %xor3A_329 : i32 to vector<16xi32>
      %xor3A_331 = arith.xori %iota3A, %xor3A_330 : vector<16xi32>
      %broadcast_in_dim3A_332 = vector.shape_cast %xor3A_331 : vector<16xi32> to vector<16x1xi32>
      %gather3A_333 = vector.shape_cast %broadcast_in_dim3A_332 : vector<16x1xi32> to vector<16xi32>
      %gather3A_334 = tpu.dynamic_gather %scan3A_327#0[%gather3A_333] in [0] : vector<16xf32>, vector<16xi32> -> vector<16xf32>
      %broadcast_in_dim3A_335 = vector.shape_cast %xor3A_331 : vector<16xi32> to vector<16x1xi32>
      %gather3A_336 = vector.shape_cast %broadcast_in_dim3A_335 : vector<16x1xi32> to vector<16xi32>
      %gather3A_337 = tpu.dynamic_gather %scan3A_327#1[%gather3A_336] in [0] : vector<16xf32>, vector<16xi32> -> vector<16xf32>
      %gt3A_338 = arith.cmpf ogt, %gather3A_334, %scan3A_327#0 : vector<16xf32>
      %select_n3A_339 = arith.select %gt3A_338, %broadcast_in_dim3A_4, %broadcast_in_dim3A_6 : vector<16xi1>, vector<16xf32>
      %eq3A_340 = arith.cmpf oeq, %gather3A_334, %scan3A_327#0 : vector<16xf32>
      %select_n3A_341 = arith.select %eq3A_340, %broadcast_in_dim3A_4, %broadcast_in_dim3A_6 : vector<16xi1>, vector<16xf32>
      %lt3A_342 = arith.cmpf olt, %gather3A_337, %scan3A_327#1 : vector<16xf32>
      %select_n3A_343 = arith.select %lt3A_342, %broadcast_in_dim3A_4, %broadcast_in_dim3A_6 : vector<16xi1>, vector<16xf32>
      %mul3A_344 = arith.mulf %select_n3A_341, %select_n3A_343 : vector<16xf32>
      %add3A_345 = arith.addf %select_n3A_339, %mul3A_344 : vector<16xf32>
      %gt3A_346 = arith.cmpf ogt, %add3A_345, %broadcast_in_dim3A_6 : vector<16xf32>
      %select_n3A_347 = arith.select %gt3A_346, %gather3A_334, %scan3A_327#0 : vector<16xi1>, vector<16xf32>
      %select_n3A_348 = arith.select %gt3A_346, %gather3A_337, %scan3A_327#1 : vector<16xi1>, vector<16xf32>
      %xor3A_349 = arith.constant 2 : i32
      %xor3A_350 = vector.broadcast %xor3A_349 : i32 to vector<16xi32>
      %xor3A_351 = arith.xori %iota3A, %xor3A_350 : vector<16xi32>
      %broadcast_in_dim3A_352 = vector.shape_cast %xor3A_351 : vector<16xi32> to vector<16x1xi32>
      %gather3A_353 = vector.shape_cast %broadcast_in_dim3A_352 : vector<16x1xi32> to vector<16xi32>
      %gather3A_354 = tpu.dynamic_gather %select_n3A_347[%gather3A_353] in [0] : vector<16xf32>, vector<16xi32> -> vector<16xf32>
      %broadcast_in_dim3A_355 = vector.shape_cast %xor3A_351 : vector<16xi32> to vector<16x1xi32>
      %gather3A_356 = vector.shape_cast %broadcast_in_dim3A_355 : vector<16x1xi32> to vector<16xi32>
      %gather3A_357 = tpu.dynamic_gather %select_n3A_348[%gather3A_356] in [0] : vector<16xf32>, vector<16xi32> -> vector<16xf32>
      %gt3A_358 = arith.cmpf ogt, %gather3A_354, %select_n3A_347 : vector<16xf32>
      %select_n3A_359 = arith.select %gt3A_358, %broadcast_in_dim3A_4, %broadcast_in_dim3A_6 : vector<16xi1>, vector<16xf32>
      %eq3A_360 = arith.cmpf oeq, %gather3A_354, %select_n3A_347 : vector<16xf32>
      %select_n3A_361 = arith.select %eq3A_360, %broadcast_in_dim3A_4, %broadcast_in_dim3A_6 : vector<16xi1>, vector<16xf32>
      %lt3A_362 = arith.cmpf olt, %gather3A_357, %select_n3A_348 : vector<16xf32>
      %select_n3A_363 = arith.select %lt3A_362, %broadcast_in_dim3A_4, %broadcast_in_dim3A_6 : vector<16xi1>, vector<16xf32>
      %mul3A_364 = arith.mulf %select_n3A_361, %select_n3A_363 : vector<16xf32>
      %add3A_365 = arith.addf %select_n3A_359, %mul3A_364 : vector<16xf32>
      %gt3A_366 = arith.cmpf ogt, %add3A_365, %broadcast_in_dim3A_6 : vector<16xf32>
      %select_n3A_367 = arith.select %gt3A_366, %gather3A_354, %select_n3A_347 : vector<16xi1>, vector<16xf32>
      %select_n3A_368 = arith.select %gt3A_366, %gather3A_357, %select_n3A_348 : vector<16xi1>, vector<16xf32>
      %xor3A_369 = arith.constant 4 : i32
      %xor3A_370 = vector.broadcast %xor3A_369 : i32 to vector<16xi32>
      %xor3A_371 = arith.xori %iota3A, %xor3A_370 : vector<16xi32>
      %broadcast_in_dim3A_372 = vector.shape_cast %xor3A_371 : vector<16xi32> to vector<16x1xi32>
      %gather3A_373 = vector.shape_cast %broadcast_in_dim3A_372 : vector<16x1xi32> to vector<16xi32>
      %gather3A_374 = tpu.dynamic_gather %select_n3A_367[%gather3A_373] in [0] : vector<16xf32>, vector<16xi32> -> vector<16xf32>
      %broadcast_in_dim3A_375 = vector.shape_cast %xor3A_371 : vector<16xi32> to vector<16x1xi32>
      %gather3A_376 = vector.shape_cast %broadcast_in_dim3A_375 : vector<16x1xi32> to vector<16xi32>
      %gather3A_377 = tpu.dynamic_gather %select_n3A_368[%gather3A_376] in [0] : vector<16xf32>, vector<16xi32> -> vector<16xf32>
      %gt3A_378 = arith.cmpf ogt, %gather3A_374, %select_n3A_367 : vector<16xf32>
      %select_n3A_379 = arith.select %gt3A_378, %broadcast_in_dim3A_4, %broadcast_in_dim3A_6 : vector<16xi1>, vector<16xf32>
      %eq3A_380 = arith.cmpf oeq, %gather3A_374, %select_n3A_367 : vector<16xf32>
      %select_n3A_381 = arith.select %eq3A_380, %broadcast_in_dim3A_4, %broadcast_in_dim3A_6 : vector<16xi1>, vector<16xf32>
      %lt3A_382 = arith.cmpf olt, %gather3A_377, %select_n3A_368 : vector<16xf32>
      %select_n3A_383 = arith.select %lt3A_382, %broadcast_in_dim3A_4, %broadcast_in_dim3A_6 : vector<16xi1>, vector<16xf32>
      %mul3A_384 = arith.mulf %select_n3A_381, %select_n3A_383 : vector<16xf32>
      %add3A_385 = arith.addf %select_n3A_379, %mul3A_384 : vector<16xf32>
      %gt3A_386 = arith.cmpf ogt, %add3A_385, %broadcast_in_dim3A_6 : vector<16xf32>
      %select_n3A_387 = arith.select %gt3A_386, %gather3A_374, %select_n3A_367 : vector<16xi1>, vector<16xf32>
      %select_n3A_388 = arith.select %gt3A_386, %gather3A_377, %select_n3A_368 : vector<16xi1>, vector<16xf32>
      %xor3A_389 = arith.constant 8 : i32
      %xor3A_390 = vector.broadcast %xor3A_389 : i32 to vector<16xi32>
      %xor3A_391 = arith.xori %iota3A, %xor3A_390 : vector<16xi32>
      %broadcast_in_dim3A_392 = vector.shape_cast %xor3A_391 : vector<16xi32> to vector<16x1xi32>
      %gather3A_393 = vector.shape_cast %broadcast_in_dim3A_392 : vector<16x1xi32> to vector<16xi32>
      %gather3A_394 = tpu.dynamic_gather %select_n3A_387[%gather3A_393] in [0] : vector<16xf32>, vector<16xi32> -> vector<16xf32>
      %broadcast_in_dim3A_395 = vector.shape_cast %xor3A_391 : vector<16xi32> to vector<16x1xi32>
      %gather3A_396 = vector.shape_cast %broadcast_in_dim3A_395 : vector<16x1xi32> to vector<16xi32>
      %gather3A_397 = tpu.dynamic_gather %select_n3A_388[%gather3A_396] in [0] : vector<16xf32>, vector<16xi32> -> vector<16xf32>
      %gt3A_398 = arith.cmpf ogt, %gather3A_394, %select_n3A_387 : vector<16xf32>
      %select_n3A_399 = arith.select %gt3A_398, %broadcast_in_dim3A_4, %broadcast_in_dim3A_6 : vector<16xi1>, vector<16xf32>
      %eq3A_400 = arith.cmpf oeq, %gather3A_394, %select_n3A_387 : vector<16xf32>
      %select_n3A_401 = arith.select %eq3A_400, %broadcast_in_dim3A_4, %broadcast_in_dim3A_6 : vector<16xi1>, vector<16xf32>
      %lt3A_402 = arith.cmpf olt, %gather3A_397, %select_n3A_388 : vector<16xf32>
      %select_n3A_403 = arith.select %lt3A_402, %broadcast_in_dim3A_4, %broadcast_in_dim3A_6 : vector<16xi1>, vector<16xf32>
      %mul3A_404 = arith.mulf %select_n3A_401, %select_n3A_403 : vector<16xf32>
      %add3A_405 = arith.addf %select_n3A_399, %mul3A_404 : vector<16xf32>
      %gt3A_406 = arith.cmpf ogt, %add3A_405, %broadcast_in_dim3A_6 : vector<16xf32>
      %select_n3A_407 = arith.select %gt3A_406, %gather3A_394, %select_n3A_387 : vector<16xi1>, vector<16xf32>
      %select_n3A_408 = arith.select %gt3A_406, %gather3A_397, %select_n3A_388 : vector<16xi1>, vector<16xf32>
      %eq3A_409 = arith.constant 3 : i32
      %eq3A_410 = arith.cmpi eq, %add3A, %eq3A_409 : i32
      %convert_element_type3A_411 = arith.extui %eq3A_410 : i1 to i32
      %convert_element_type3A_412 = arith.sitofp %convert_element_type3A_411 : i32 to f32
      %broadcast_in_dim3A_413 = vector.broadcast %convert_element_type3A_412 : f32 to vector<16xf32>
      %mul3A_414 = arith.mulf %broadcast_in_dim3A_413, %select_n3A_408 : vector<16xf32>
      %sub3A_415 = arith.subf %broadcast_in_dim3A_4, %broadcast_in_dim3A_413 : vector<16xf32>
      %mul3A_416 = arith.mulf %sub3A_415, %add3A_313 : vector<16xf32>
      %add3A_417 = arith.addf %mul3A_414, %mul3A_416 : vector<16xf32>
      %mul3A_418 = arith.mulf %broadcast_in_dim3A_413, %select_n3A_407 : vector<16xf32>
      %sub3A_419 = arith.subf %broadcast_in_dim3A_4, %broadcast_in_dim3A_413 : vector<16xf32>
      %mul3A_420 = arith.mulf %sub3A_419, %add3A_317 : vector<16xf32>
      %add3A_421 = arith.addf %mul3A_418, %mul3A_420 : vector<16xf32>
      %broadcast_in_dim3A_422 = arith.constant 0xFF800000 : f32
      %broadcast_in_dim3A_423 = vector.broadcast %broadcast_in_dim3A_422 : f32 to vector<16xf32>
      %broadcast_in_dim3A_424 = arith.constant 0.000000e+00 : f32
      %broadcast_in_dim3A_425 = vector.broadcast %broadcast_in_dim3A_424 : f32 to vector<16xf32>
      %scan3A_426 = arith.constant 0xFF800000 : f32
      %scan3A_427 = arith.constant 0 : i32
      %scan3A_428 = arith.constant 256 : i32
      %scan3A_429 = arith.addi %scan3A_427, %scan3A_428 : i32
      %scan3A_430 = arith.constant 8 : i32
      %scan3A_431:2 = scf.for %scan3A_864 = %scan3A_427 to %scan3A_429 step %scan3A_430 iter_args(%scan3A_865 = %broadcast_in_dim3A_423, %scan3A_866 = %broadcast_in_dim3A_425) -> (vector<16xf32>, vector<16xf32>)  : i32 {
        %mul3A_867 = arith.constant 16 : i32
        %mul3A_868 = arith.muli %scan3A_864, %mul3A_867 : i32
        %mul3A_869 = arith.constant 16 : i32
        %mul3A_870 = arith.muli %scan3A_864, %mul3A_869 : i32
        %convert_element_type3A_871 = arith.sitofp %mul3A_870 : i32 to f32
        %add3A_872 = vector.broadcast %convert_element_type3A_871 : f32 to vector<16xf32>
        %add3A_873 = arith.addf %add3A_872, %convert_element_type3A_3 : vector<16xf32>
        %eq3A_874 = arith.cmpf oeq, %add3A_873, %select_n3A_408 : vector<16xf32>
        %get3A = arith.index_cast %mul3A_868 : i32 to index
        %get3A_875 = tpu.vector_load %arg5[%get3A] {strides = array<i32>} : memref<4096xf32, #tpu.memory_space<vmem>>, vector<16xf32>,
        %get3A_876 = vector.shape_cast %get3A_875 : vector<16xf32> to vector<16xf32>
        %broadcast_in_dim3A_877 = vector.broadcast %scan3A_426 : f32 to vector<16xf32>
        %select_n3A_878 = arith.select %eq3A_874, %broadcast_in_dim3A_877, %get3A_876 : vector<16xi1>, vector<16xf32>
        %swap3A_879 = arith.index_cast %mul3A_868 : i32 to index
        %swap3A_880 = tpu.vector_load %arg5[%swap3A_879] {strides = array<i32>} : memref<4096xf32, #tpu.memory_space<vmem>>, vector<16xf32>,
        %swap3A_881 = vector.shape_cast %swap3A_880 : vector<16xf32> to vector<16xf32>
        %swap3A_882 = vector.shape_cast %select_n3A_878 : vector<16xf32> to vector<16xf32>
        tpu.vector_store %arg5[%swap3A_879], %swap3A_882 {strides = array<i32>} : memref<4096xf32, #tpu.memory_space<vmem>>, vector<16xf32>,
        %gt3A_883 = arith.cmpf ogt, %select_n3A_878, %scan3A_865 : vector<16xf32>
        %select_n3A_884 = arith.select %gt3A_883, %select_n3A_878, %scan3A_865 : vector<16xi1>, vector<16xf32>
        %select_n3A_885 = arith.select %gt3A_883, %add3A_873, %scan3A_866 : vector<16xi1>, vector<16xf32>
        %scan3A_886 = arith.constant 1 : i32
        %scan3A_887 = arith.addi %scan3A_864, %scan3A_886 : i32
        %mul3A_888 = arith.constant 16 : i32
        %mul3A_889 = arith.muli %scan3A_887, %mul3A_888 : i32
        %mul3A_890 = arith.constant 16 : i32
        %mul3A_891 = arith.muli %scan3A_887, %mul3A_890 : i32
        %convert_element_type3A_892 = arith.sitofp %mul3A_891 : i32 to f32
        %add3A_893 = vector.broadcast %convert_element_type3A_892 : f32 to vector<16xf32>
        %add3A_894 = arith.addf %add3A_893, %convert_element_type3A_3 : vector<16xf32>
        %eq3A_895 = arith.cmpf oeq, %add3A_894, %select_n3A_408 : vector<16xf32>
        %get3A_896 = arith.index_cast %mul3A_889 : i32 to index
        %get3A_897 = tpu.vector_load %arg5[%get3A_896] {strides = array<i32>} : memref<4096xf32, #tpu.memory_space<vmem>>, vector<16xf32>,
        %get3A_898 = vector.shape_cast %get3A_897 : vector<16xf32> to vector<16xf32>
        %broadcast_in_dim3A_899 = vector.broadcast %scan3A_426 : f32 to vector<16xf32>
        %select_n3A_900 = arith.select %eq3A_895, %broadcast_in_dim3A_899, %get3A_898 : vector<16xi1>, vector<16xf32>
        %swap3A_901 = arith.index_cast %mul3A_889 : i32 to index
        %swap3A_902 = tpu.vector_load %arg5[%swap3A_901] {strides = array<i32>} : memref<4096xf32, #tpu.memory_space<vmem>>, vector<16xf32>,
        %swap3A_903 = vector.shape_cast %swap3A_902 : vector<16xf32> to vector<16xf32>
        %swap3A_904 = vector.shape_cast %select_n3A_900 : vector<16xf32> to vector<16xf32>
        tpu.vector_store %arg5[%swap3A_901], %swap3A_904 {strides = array<i32>} : memref<4096xf32, #tpu.memory_space<vmem>>, vector<16xf32>,
        %gt3A_905 = arith.cmpf ogt, %select_n3A_900, %select_n3A_884 : vector<16xf32>
        %select_n3A_906 = arith.select %gt3A_905, %select_n3A_900, %select_n3A_884 : vector<16xi1>, vector<16xf32>
        %select_n3A_907 = arith.select %gt3A_905, %add3A_894, %select_n3A_885 : vector<16xi1>, vector<16xf32>
        %scan3A_908 = arith.constant 2 : i32
        %scan3A_909 = arith.addi %scan3A_864, %scan3A_908 : i32
        %mul3A_910 = arith.constant 16 : i32
        %mul3A_911 = arith.muli %scan3A_909, %mul3A_910 : i32
        %mul3A_912 = arith.constant 16 : i32
        %mul3A_913 = arith.muli %scan3A_909, %mul3A_912 : i32
        %convert_element_type3A_914 = arith.sitofp %mul3A_913 : i32 to f32
        %add3A_915 = vector.broadcast %convert_element_type3A_914 : f32 to vector<16xf32>
        %add3A_916 = arith.addf %add3A_915, %convert_element_type3A_3 : vector<16xf32>
        %eq3A_917 = arith.cmpf oeq, %add3A_916, %select_n3A_408 : vector<16xf32>
        %get3A_918 = arith.index_cast %mul3A_911 : i32 to index
        %get3A_919 = tpu.vector_load %arg5[%get3A_918] {strides = array<i32>} : memref<4096xf32, #tpu.memory_space<vmem>>, vector<16xf32>,
        %get3A_920 = vector.shape_cast %get3A_919 : vector<16xf32> to vector<16xf32>
        %broadcast_in_dim3A_921 = vector.broadcast %scan3A_426 : f32 to vector<16xf32>
        %select_n3A_922 = arith.select %eq3A_917, %broadcast_in_dim3A_921, %get3A_920 : vector<16xi1>, vector<16xf32>
        %swap3A_923 = arith.index_cast %mul3A_911 : i32 to index
        %swap3A_924 = tpu.vector_load %arg5[%swap3A_923] {strides = array<i32>} : memref<4096xf32, #tpu.memory_space<vmem>>, vector<16xf32>,
        %swap3A_925 = vector.shape_cast %swap3A_924 : vector<16xf32> to vector<16xf32>
        %swap3A_926 = vector.shape_cast %select_n3A_922 : vector<16xf32> to vector<16xf32>
        tpu.vector_store %arg5[%swap3A_923], %swap3A_926 {strides = array<i32>} : memref<4096xf32, #tpu.memory_space<vmem>>, vector<16xf32>,
        %gt3A_927 = arith.cmpf ogt, %select_n3A_922, %select_n3A_906 : vector<16xf32>
        %select_n3A_928 = arith.select %gt3A_927, %select_n3A_922, %select_n3A_906 : vector<16xi1>, vector<16xf32>
        %select_n3A_929 = arith.select %gt3A_927, %add3A_916, %select_n3A_907 : vector<16xi1>, vector<16xf32>
        %scan3A_930 = arith.constant 3 : i32
        %scan3A_931 = arith.addi %scan3A_864, %scan3A_930 : i32
        %mul3A_932 = arith.constant 16 : i32
        %mul3A_933 = arith.muli %scan3A_931, %mul3A_932 : i32
        %mul3A_934 = arith.constant 16 : i32
        %mul3A_935 = arith.muli %scan3A_931, %mul3A_934 : i32
        %convert_element_type3A_936 = arith.sitofp %mul3A_935 : i32 to f32
        %add3A_937 = vector.broadcast %convert_element_type3A_936 : f32 to vector<16xf32>
        %add3A_938 = arith.addf %add3A_937, %convert_element_type3A_3 : vector<16xf32>
        %eq3A_939 = arith.cmpf oeq, %add3A_938, %select_n3A_408 : vector<16xf32>
        %get3A_940 = arith.index_cast %mul3A_933 : i32 to index
        %get3A_941 = tpu.vector_load %arg5[%get3A_940] {strides = array<i32>} : memref<4096xf32, #tpu.memory_space<vmem>>, vector<16xf32>,
        %get3A_942 = vector.shape_cast %get3A_941 : vector<16xf32> to vector<16xf32>
        %broadcast_in_dim3A_943 = vector.broadcast %scan3A_426 : f32 to vector<16xf32>
        %select_n3A_944 = arith.select %eq3A_939, %broadcast_in_dim3A_943, %get3A_942 : vector<16xi1>, vector<16xf32>
        %swap3A_945 = arith.index_cast %mul3A_933 : i32 to index
        %swap3A_946 = tpu.vector_load %arg5[%swap3A_945] {strides = array<i32>} : memref<4096xf32, #tpu.memory_space<vmem>>, vector<16xf32>,
        %swap3A_947 = vector.shape_cast %swap3A_946 : vector<16xf32> to vector<16xf32>
        %swap3A_948 = vector.shape_cast %select_n3A_944 : vector<16xf32> to vector<16xf32>
        tpu.vector_store %arg5[%swap3A_945], %swap3A_948 {strides = array<i32>} : memref<4096xf32, #tpu.memory_space<vmem>>, vector<16xf32>,
        %gt3A_949 = arith.cmpf ogt, %select_n3A_944, %select_n3A_928 : vector<16xf32>
        %select_n3A_950 = arith.select %gt3A_949, %select_n3A_944, %select_n3A_928 : vector<16xi1>, vector<16xf32>
        %select_n3A_951 = arith.select %gt3A_949, %add3A_938, %select_n3A_929 : vector<16xi1>, vector<16xf32>
        %scan3A_952 = arith.constant 4 : i32
        %scan3A_953 = arith.addi %scan3A_864, %scan3A_952 : i32
        %mul3A_954 = arith.constant 16 : i32
        %mul3A_955 = arith.muli %scan3A_953, %mul3A_954 : i32
        %mul3A_956 = arith.constant 16 : i32
        %mul3A_957 = arith.muli %scan3A_953, %mul3A_956 : i32
        %convert_element_type3A_958 = arith.sitofp %mul3A_957 : i32 to f32
        %add3A_959 = vector.broadcast %convert_element_type3A_958 : f32 to vector<16xf32>
        %add3A_960 = arith.addf %add3A_959, %convert_element_type3A_3 : vector<16xf32>
        %eq3A_961 = arith.cmpf oeq, %add3A_960, %select_n3A_408 : vector<16xf32>
        %get3A_962 = arith.index_cast %mul3A_955 : i32 to index
        %get3A_963 = tpu.vector_load %arg5[%get3A_962] {strides = array<i32>} : memref<4096xf32, #tpu.memory_space<vmem>>, vector<16xf32>,
        %get3A_964 = vector.shape_cast %get3A_963 : vector<16xf32> to vector<16xf32>
        %broadcast_in_dim3A_965 = vector.broadcast %scan3A_426 : f32 to vector<16xf32>
        %select_n3A_966 = arith.select %eq3A_961, %broadcast_in_dim3A_965, %get3A_964 : vector<16xi1>, vector<16xf32>
        %swap3A_967 = arith.index_cast %mul3A_955 : i32 to index
        %swap3A_968 = tpu.vector_load %arg5[%swap3A_967] {strides = array<i32>} : memref<4096xf32, #tpu.memory_space<vmem>>, vector<16xf32>,
        %swap3A_969 = vector.shape_cast %swap3A_968 : vector<16xf32> to vector<16xf32>
        %swap3A_970 = vector.shape_cast %select_n3A_966 : vector<16xf32> to vector<16xf32>
        tpu.vector_store %arg5[%swap3A_967], %swap3A_970 {strides = array<i32>} : memref<4096xf32, #tpu.memory_space<vmem>>, vector<16xf32>,
        %gt3A_971 = arith.cmpf ogt, %select_n3A_966, %select_n3A_950 : vector<16xf32>
        %select_n3A_972 = arith.select %gt3A_971, %select_n3A_966, %select_n3A_950 : vector<16xi1>, vector<16xf32>
        %select_n3A_973 = arith.select %gt3A_971, %add3A_960, %select_n3A_951 : vector<16xi1>, vector<16xf32>
        %scan3A_974 = arith.constant 5 : i32
        %scan3A_975 = arith.addi %scan3A_864, %scan3A_974 : i32
        %mul3A_976 = arith.constant 16 : i32
        %mul3A_977 = arith.muli %scan3A_975, %mul3A_976 : i32
        %mul3A_978 = arith.constant 16 : i32
        %mul3A_979 = arith.muli %scan3A_975, %mul3A_978 : i32
        %convert_element_type3A_980 = arith.sitofp %mul3A_979 : i32 to f32
        %add3A_981 = vector.broadcast %convert_element_type3A_980 : f32 to vector<16xf32>
        %add3A_982 = arith.addf %add3A_981, %convert_element_type3A_3 : vector<16xf32>
        %eq3A_983 = arith.cmpf oeq, %add3A_982, %select_n3A_408 : vector<16xf32>
        %get3A_984 = arith.index_cast %mul3A_977 : i32 to index
        %get3A_985 = tpu.vector_load %arg5[%get3A_984] {strides = array<i32>} : memref<4096xf32, #tpu.memory_space<vmem>>, vector<16xf32>,
        %get3A_986 = vector.shape_cast %get3A_985 : vector<16xf32> to vector<16xf32>
        %broadcast_in_dim3A_987 = vector.broadcast %scan3A_426 : f32 to vector<16xf32>
        %select_n3A_988 = arith.select %eq3A_983, %broadcast_in_dim3A_987, %get3A_986 : vector<16xi1>, vector<16xf32>
        %swap3A_989 = arith.index_cast %mul3A_977 : i32 to index
        %swap3A_990 = tpu.vector_load %arg5[%swap3A_989] {strides = array<i32>} : memref<4096xf32, #tpu.memory_space<vmem>>, vector<16xf32>,
        %swap3A_991 = vector.shape_cast %swap3A_990 : vector<16xf32> to vector<16xf32>
        %swap3A_992 = vector.shape_cast %select_n3A_988 : vector<16xf32> to vector<16xf32>
        tpu.vector_store %arg5[%swap3A_989], %swap3A_992 {strides = array<i32>} : memref<4096xf32, #tpu.memory_space<vmem>>, vector<16xf32>,
        %gt3A_993 = arith.cmpf ogt, %select_n3A_988, %select_n3A_972 : vector<16xf32>
        %select_n3A_994 = arith.select %gt3A_993, %select_n3A_988, %select_n3A_972 : vector<16xi1>, vector<16xf32>
        %select_n3A_995 = arith.select %gt3A_993, %add3A_982, %select_n3A_973 : vector<16xi1>, vector<16xf32>
        %scan3A_996 = arith.constant 6 : i32
        %scan3A_997 = arith.addi %scan3A_864, %scan3A_996 : i32
        %mul3A_998 = arith.constant 16 : i32
        %mul3A_999 = arith.muli %scan3A_997, %mul3A_998 : i32
        %mul3A_1000 = arith.constant 16 : i32
        %mul3A_1001 = arith.muli %scan3A_997, %mul3A_1000 : i32
        %convert_element_type3A_1002 = arith.sitofp %mul3A_1001 : i32 to f32
        %add3A_1003 = vector.broadcast %convert_element_type3A_1002 : f32 to vector<16xf32>
        %add3A_1004 = arith.addf %add3A_1003, %convert_element_type3A_3 : vector<16xf32>
        %eq3A_1005 = arith.cmpf oeq, %add3A_1004, %select_n3A_408 : vector<16xf32>
        %get3A_1006 = arith.index_cast %mul3A_999 : i32 to index
        %get3A_1007 = tpu.vector_load %arg5[%get3A_1006] {strides = array<i32>} : memref<4096xf32, #tpu.memory_space<vmem>>, vector<16xf32>,
        %get3A_1008 = vector.shape_cast %get3A_1007 : vector<16xf32> to vector<16xf32>
        %broadcast_in_dim3A_1009 = vector.broadcast %scan3A_426 : f32 to vector<16xf32>
        %select_n3A_1010 = arith.select %eq3A_1005, %broadcast_in_dim3A_1009, %get3A_1008 : vector<16xi1>, vector<16xf32>
        %swap3A_1011 = arith.index_cast %mul3A_999 : i32 to index
        %swap3A_1012 = tpu.vector_load %arg5[%swap3A_1011] {strides = array<i32>} : memref<4096xf32, #tpu.memory_space<vmem>>, vector<16xf32>,
        %swap3A_1013 = vector.shape_cast %swap3A_1012 : vector<16xf32> to vector<16xf32>
        %swap3A_1014 = vector.shape_cast %select_n3A_1010 : vector<16xf32> to vector<16xf32>
        tpu.vector_store %arg5[%swap3A_1011], %swap3A_1014 {strides = array<i32>} : memref<4096xf32, #tpu.memory_space<vmem>>, vector<16xf32>,
        %gt3A_1015 = arith.cmpf ogt, %select_n3A_1010, %select_n3A_994 : vector<16xf32>
        %select_n3A_1016 = arith.select %gt3A_1015, %select_n3A_1010, %select_n3A_994 : vector<16xi1>, vector<16xf32>
        %select_n3A_1017 = arith.select %gt3A_1015, %add3A_1004, %select_n3A_995 : vector<16xi1>, vector<16xf32>
        %scan3A_1018 = arith.constant 7 : i32
        %scan3A_1019 = arith.addi %scan3A_864, %scan3A_1018 : i32
        %mul3A_1020 = arith.constant 16 : i32
        %mul3A_1021 = arith.muli %scan3A_1019, %mul3A_1020 : i32
        %mul3A_1022 = arith.constant 16 : i32
        %mul3A_1023 = arith.muli %scan3A_1019, %mul3A_1022 : i32
        %convert_element_type3A_1024 = arith.sitofp %mul3A_1023 : i32 to f32
        %add3A_1025 = vector.broadcast %convert_element_type3A_1024 : f32 to vector<16xf32>
        %add3A_1026 = arith.addf %add3A_1025, %convert_element_type3A_3 : vector<16xf32>
        %eq3A_1027 = arith.cmpf oeq, %add3A_1026, %select_n3A_408 : vector<16xf32>
        %get3A_1028 = arith.index_cast %mul3A_1021 : i32 to index
        %get3A_1029 = tpu.vector_load %arg5[%get3A_1028] {strides = array<i32>} : memref<4096xf32, #tpu.memory_space<vmem>>, vector<16xf32>,
        %get3A_1030 = vector.shape_cast %get3A_1029 : vector<16xf32> to vector<16xf32>
        %broadcast_in_dim3A_1031 = vector.broadcast %scan3A_426 : f32 to vector<16xf32>
        %select_n3A_1032 = arith.select %eq3A_1027, %broadcast_in_dim3A_1031, %get3A_1030 : vector<16xi1>, vector<16xf32>
        %swap3A_1033 = arith.index_cast %mul3A_1021 : i32 to index
        %swap3A_1034 = tpu.vector_load %arg5[%swap3A_1033] {strides = array<i32>} : memref<4096xf32, #tpu.memory_space<vmem>>, vector<16xf32>,
        %swap3A_1035 = vector.shape_cast %swap3A_1034 : vector<16xf32> to vector<16xf32>
        %swap3A_1036 = vector.shape_cast %select_n3A_1032 : vector<16xf32> to vector<16xf32>
        tpu.vector_store %arg5[%swap3A_1033], %swap3A_1036 {strides = array<i32>} : memref<4096xf32, #tpu.memory_space<vmem>>, vector<16xf32>,
        %gt3A_1037 = arith.cmpf ogt, %select_n3A_1032, %select_n3A_1016 : vector<16xf32>
        %select_n3A_1038 = arith.select %gt3A_1037, %select_n3A_1032, %select_n3A_1016 : vector<16xi1>, vector<16xf32>
        %select_n3A_1039 = arith.select %gt3A_1037, %add3A_1026, %select_n3A_1017 : vector<16xi1>, vector<16xf32>
        scf.yield %select_n3A_1038, %select_n3A_1039 : vector<16xf32>, vector<16xf32>
      }
      %scan3A_432 = arith.constant 256 : i32
      %xor3A_433 = arith.constant 1 : i32
      %xor3A_434 = vector.broadcast %xor3A_433 : i32 to vector<16xi32>
      %xor3A_435 = arith.xori %iota3A, %xor3A_434 : vector<16xi32>
      %broadcast_in_dim3A_436 = vector.shape_cast %xor3A_435 : vector<16xi32> to vector<16x1xi32>
      %gather3A_437 = vector.shape_cast %broadcast_in_dim3A_436 : vector<16x1xi32> to vector<16xi32>
      %gather3A_438 = tpu.dynamic_gather %scan3A_431#0[%gather3A_437] in [0] : vector<16xf32>, vector<16xi32> -> vector<16xf32>
      %broadcast_in_dim3A_439 = vector.shape_cast %xor3A_435 : vector<16xi32> to vector<16x1xi32>
      %gather3A_440 = vector.shape_cast %broadcast_in_dim3A_439 : vector<16x1xi32> to vector<16xi32>
      %gather3A_441 = tpu.dynamic_gather %scan3A_431#1[%gather3A_440] in [0] : vector<16xf32>, vector<16xi32> -> vector<16xf32>
      %gt3A_442 = arith.cmpf ogt, %gather3A_438, %scan3A_431#0 : vector<16xf32>
      %select_n3A_443 = arith.select %gt3A_442, %broadcast_in_dim3A_4, %broadcast_in_dim3A_6 : vector<16xi1>, vector<16xf32>
      %eq3A_444 = arith.cmpf oeq, %gather3A_438, %scan3A_431#0 : vector<16xf32>
      %select_n3A_445 = arith.select %eq3A_444, %broadcast_in_dim3A_4, %broadcast_in_dim3A_6 : vector<16xi1>, vector<16xf32>
      %lt3A_446 = arith.cmpf olt, %gather3A_441, %scan3A_431#1 : vector<16xf32>
      %select_n3A_447 = arith.select %lt3A_446, %broadcast_in_dim3A_4, %broadcast_in_dim3A_6 : vector<16xi1>, vector<16xf32>
      %mul3A_448 = arith.mulf %select_n3A_445, %select_n3A_447 : vector<16xf32>
      %add3A_449 = arith.addf %select_n3A_443, %mul3A_448 : vector<16xf32>
      %gt3A_450 = arith.cmpf ogt, %add3A_449, %broadcast_in_dim3A_6 : vector<16xf32>
      %select_n3A_451 = arith.select %gt3A_450, %gather3A_438, %scan3A_431#0 : vector<16xi1>, vector<16xf32>
      %select_n3A_452 = arith.select %gt3A_450, %gather3A_441, %scan3A_431#1 : vector<16xi1>, vector<16xf32>
      %xor3A_453 = arith.constant 2 : i32
      %xor3A_454 = vector.broadcast %xor3A_453 : i32 to vector<16xi32>
      %xor3A_455 = arith.xori %iota3A, %xor3A_454 : vector<16xi32>
      %broadcast_in_dim3A_456 = vector.shape_cast %xor3A_455 : vector<16xi32> to vector<16x1xi32>
      %gather3A_457 = vector.shape_cast %broadcast_in_dim3A_456 : vector<16x1xi32> to vector<16xi32>
      %gather3A_458 = tpu.dynamic_gather %select_n3A_451[%gather3A_457] in [0] : vector<16xf32>, vector<16xi32> -> vector<16xf32>
      %broadcast_in_dim3A_459 = vector.shape_cast %xor3A_455 : vector<16xi32> to vector<16x1xi32>
      %gather3A_460 = vector.shape_cast %broadcast_in_dim3A_459 : vector<16x1xi32> to vector<16xi32>
      %gather3A_461 = tpu.dynamic_gather %select_n3A_452[%gather3A_460] in [0] : vector<16xf32>, vector<16xi32> -> vector<16xf32>
      %gt3A_462 = arith.cmpf ogt, %gather3A_458, %select_n3A_451 : vector<16xf32>
      %select_n3A_463 = arith.select %gt3A_462, %broadcast_in_dim3A_4, %broadcast_in_dim3A_6 : vector<16xi1>, vector<16xf32>
      %eq3A_464 = arith.cmpf oeq, %gather3A_458, %select_n3A_451 : vector<16xf32>
      %select_n3A_465 = arith.select %eq3A_464, %broadcast_in_dim3A_4, %broadcast_in_dim3A_6 : vector<16xi1>, vector<16xf32>
      %lt3A_466 = arith.cmpf olt, %gather3A_461, %select_n3A_452 : vector<16xf32>
      %select_n3A_467 = arith.select %lt3A_466, %broadcast_in_dim3A_4, %broadcast_in_dim3A_6 : vector<16xi1>, vector<16xf32>
      %mul3A_468 = arith.mulf %select_n3A_465, %select_n3A_467 : vector<16xf32>
      %add3A_469 = arith.addf %select_n3A_463, %mul3A_468 : vector<16xf32>
      %gt3A_470 = arith.cmpf ogt, %add3A_469, %broadcast_in_dim3A_6 : vector<16xf32>
      %select_n3A_471 = arith.select %gt3A_470, %gather3A_458, %select_n3A_451 : vector<16xi1>, vector<16xf32>
      %select_n3A_472 = arith.select %gt3A_470, %gather3A_461, %select_n3A_452 : vector<16xi1>, vector<16xf32>
      %xor3A_473 = arith.constant 4 : i32
      %xor3A_474 = vector.broadcast %xor3A_473 : i32 to vector<16xi32>
      %xor3A_475 = arith.xori %iota3A, %xor3A_474 : vector<16xi32>
      %broadcast_in_dim3A_476 = vector.shape_cast %xor3A_475 : vector<16xi32> to vector<16x1xi32>
      %gather3A_477 = vector.shape_cast %broadcast_in_dim3A_476 : vector<16x1xi32> to vector<16xi32>
      %gather3A_478 = tpu.dynamic_gather %select_n3A_471[%gather3A_477] in [0] : vector<16xf32>, vector<16xi32> -> vector<16xf32>
      %broadcast_in_dim3A_479 = vector.shape_cast %xor3A_475 : vector<16xi32> to vector<16x1xi32>
      %gather3A_480 = vector.shape_cast %broadcast_in_dim3A_479 : vector<16x1xi32> to vector<16xi32>
      %gather3A_481 = tpu.dynamic_gather %select_n3A_472[%gather3A_480] in [0] : vector<16xf32>, vector<16xi32> -> vector<16xf32>
      %gt3A_482 = arith.cmpf ogt, %gather3A_478, %select_n3A_471 : vector<16xf32>
      %select_n3A_483 = arith.select %gt3A_482, %broadcast_in_dim3A_4, %broadcast_in_dim3A_6 : vector<16xi1>, vector<16xf32>
      %eq3A_484 = arith.cmpf oeq, %gather3A_478, %select_n3A_471 : vector<16xf32>
      %select_n3A_485 = arith.select %eq3A_484, %broadcast_in_dim3A_4, %broadcast_in_dim3A_6 : vector<16xi1>, vector<16xf32>
      %lt3A_486 = arith.cmpf olt, %gather3A_481, %select_n3A_472 : vector<16xf32>
      %select_n3A_487 = arith.select %lt3A_486, %broadcast_in_dim3A_4, %broadcast_in_dim3A_6 : vector<16xi1>, vector<16xf32>
      %mul3A_488 = arith.mulf %select_n3A_485, %select_n3A_487 : vector<16xf32>
      %add3A_489 = arith.addf %select_n3A_483, %mul3A_488 : vector<16xf32>
      %gt3A_490 = arith.cmpf ogt, %add3A_489, %broadcast_in_dim3A_6 : vector<16xf32>
      %select_n3A_491 = arith.select %gt3A_490, %gather3A_478, %select_n3A_471 : vector<16xi1>, vector<16xf32>
      %select_n3A_492 = arith.select %gt3A_490, %gather3A_481, %select_n3A_472 : vector<16xi1>, vector<16xf32>
      %xor3A_493 = arith.constant 8 : i32
      %xor3A_494 = vector.broadcast %xor3A_493 : i32 to vector<16xi32>
      %xor3A_495 = arith.xori %iota3A, %xor3A_494 : vector<16xi32>
      %broadcast_in_dim3A_496 = vector.shape_cast %xor3A_495 : vector<16xi32> to vector<16x1xi32>
      %gather3A_497 = vector.shape_cast %broadcast_in_dim3A_496 : vector<16x1xi32> to vector<16xi32>
      %gather3A_498 = tpu.dynamic_gather %select_n3A_491[%gather3A_497] in [0] : vector<16xf32>, vector<16xi32> -> vector<16xf32>
      %broadcast_in_dim3A_499 = vector.shape_cast %xor3A_495 : vector<16xi32> to vector<16x1xi32>
      %gather3A_500 = vector.shape_cast %broadcast_in_dim3A_499 : vector<16x1xi32> to vector<16xi32>
      %gather3A_501 = tpu.dynamic_gather %select_n3A_492[%gather3A_500] in [0] : vector<16xf32>, vector<16xi32> -> vector<16xf32>
      %gt3A_502 = arith.cmpf ogt, %gather3A_498, %select_n3A_491 : vector<16xf32>
      %select_n3A_503 = arith.select %gt3A_502, %broadcast_in_dim3A_4, %broadcast_in_dim3A_6 : vector<16xi1>, vector<16xf32>
      %eq3A_504 = arith.cmpf oeq, %gather3A_498, %select_n3A_491 : vector<16xf32>
      %select_n3A_505 = arith.select %eq3A_504, %broadcast_in_dim3A_4, %broadcast_in_dim3A_6 : vector<16xi1>, vector<16xf32>
      %lt3A_506 = arith.cmpf olt, %gather3A_501, %select_n3A_492 : vector<16xf32>
      %select_n3A_507 = arith.select %lt3A_506, %broadcast_in_dim3A_4, %broadcast_in_dim3A_6 : vector<16xi1>, vector<16xf32>
      %mul3A_508 = arith.mulf %select_n3A_505, %select_n3A_507 : vector<16xf32>
      %add3A_509 = arith.addf %select_n3A_503, %mul3A_508 : vector<16xf32>
      %gt3A_510 = arith.cmpf ogt, %add3A_509, %broadcast_in_dim3A_6 : vector<16xf32>
      %select_n3A_511 = arith.select %gt3A_510, %gather3A_498, %select_n3A_491 : vector<16xi1>, vector<16xf32>
      %select_n3A_512 = arith.select %gt3A_510, %gather3A_501, %select_n3A_492 : vector<16xi1>, vector<16xf32>
      %eq3A_513 = arith.constant 4 : i32
      %eq3A_514 = arith.cmpi eq, %add3A, %eq3A_513 : i32
      %convert_element_type3A_515 = arith.extui %eq3A_514 : i1 to i32
      %convert_element_type3A_516 = arith.sitofp %convert_element_type3A_515 : i32 to f32
      %broadcast_in_dim3A_517 = vector.broadcast %convert_element_type3A_516 : f32 to vector<16xf32>
      %mul3A_518 = arith.mulf %broadcast_in_dim3A_517, %select_n3A_512 : vector<16xf32>
      %sub3A_519 = arith.subf %broadcast_in_dim3A_4, %broadcast_in_dim3A_517 : vector<16xf32>
      %mul3A_520 = arith.mulf %sub3A_519, %add3A_417 : vector<16xf32>
      %add3A_521 = arith.addf %mul3A_518, %mul3A_520 : vector<16xf32>
      %mul3A_522 = arith.mulf %broadcast_in_dim3A_517, %select_n3A_511 : vector<16xf32>
      %sub3A_523 = arith.subf %broadcast_in_dim3A_4, %broadcast_in_dim3A_517 : vector<16xf32>
      %mul3A_524 = arith.mulf %sub3A_523, %add3A_421 : vector<16xf32>
      %add3A_525 = arith.addf %mul3A_522, %mul3A_524 : vector<16xf32>
      %broadcast_in_dim3A_526 = arith.constant 0xFF800000 : f32
      %broadcast_in_dim3A_527 = vector.broadcast %broadcast_in_dim3A_526 : f32 to vector<16xf32>
      %broadcast_in_dim3A_528 = arith.constant 0.000000e+00 : f32
      %broadcast_in_dim3A_529 = vector.broadcast %broadcast_in_dim3A_528 : f32 to vector<16xf32>
      %scan3A_530 = arith.constant 0xFF800000 : f32
      %scan3A_531 = arith.constant 0 : i32
      %scan3A_532 = arith.constant 256 : i32
      %scan3A_533 = arith.addi %scan3A_531, %scan3A_532 : i32
      %scan3A_534 = arith.constant 8 : i32
      %scan3A_535:2 = scf.for %scan3A_864 = %scan3A_531 to %scan3A_533 step %scan3A_534 iter_args(%scan3A_865 = %broadcast_in_dim3A_527, %scan3A_866 = %broadcast_in_dim3A_529) -> (vector<16xf32>, vector<16xf32>)  : i32 {
        %mul3A_867 = arith.constant 16 : i32
        %mul3A_868 = arith.muli %scan3A_864, %mul3A_867 : i32
        %mul3A_869 = arith.constant 16 : i32
        %mul3A_870 = arith.muli %scan3A_864, %mul3A_869 : i32
        %convert_element_type3A_871 = arith.sitofp %mul3A_870 : i32 to f32
        %add3A_872 = vector.broadcast %convert_element_type3A_871 : f32 to vector<16xf32>
        %add3A_873 = arith.addf %add3A_872, %convert_element_type3A_3 : vector<16xf32>
        %eq3A_874 = arith.cmpf oeq, %add3A_873, %select_n3A_512 : vector<16xf32>
        %get3A = arith.index_cast %mul3A_868 : i32 to index
        %get3A_875 = tpu.vector_load %arg5[%get3A] {strides = array<i32>} : memref<4096xf32, #tpu.memory_space<vmem>>, vector<16xf32>,
        %get3A_876 = vector.shape_cast %get3A_875 : vector<16xf32> to vector<16xf32>
        %broadcast_in_dim3A_877 = vector.broadcast %scan3A_530 : f32 to vector<16xf32>
        %select_n3A_878 = arith.select %eq3A_874, %broadcast_in_dim3A_877, %get3A_876 : vector<16xi1>, vector<16xf32>
        %swap3A_879 = arith.index_cast %mul3A_868 : i32 to index
        %swap3A_880 = tpu.vector_load %arg5[%swap3A_879] {strides = array<i32>} : memref<4096xf32, #tpu.memory_space<vmem>>, vector<16xf32>,
        %swap3A_881 = vector.shape_cast %swap3A_880 : vector<16xf32> to vector<16xf32>
        %swap3A_882 = vector.shape_cast %select_n3A_878 : vector<16xf32> to vector<16xf32>
        tpu.vector_store %arg5[%swap3A_879], %swap3A_882 {strides = array<i32>} : memref<4096xf32, #tpu.memory_space<vmem>>, vector<16xf32>,
        %gt3A_883 = arith.cmpf ogt, %select_n3A_878, %scan3A_865 : vector<16xf32>
        %select_n3A_884 = arith.select %gt3A_883, %select_n3A_878, %scan3A_865 : vector<16xi1>, vector<16xf32>
        %select_n3A_885 = arith.select %gt3A_883, %add3A_873, %scan3A_866 : vector<16xi1>, vector<16xf32>
        %scan3A_886 = arith.constant 1 : i32
        %scan3A_887 = arith.addi %scan3A_864, %scan3A_886 : i32
        %mul3A_888 = arith.constant 16 : i32
        %mul3A_889 = arith.muli %scan3A_887, %mul3A_888 : i32
        %mul3A_890 = arith.constant 16 : i32
        %mul3A_891 = arith.muli %scan3A_887, %mul3A_890 : i32
        %convert_element_type3A_892 = arith.sitofp %mul3A_891 : i32 to f32
        %add3A_893 = vector.broadcast %convert_element_type3A_892 : f32 to vector<16xf32>
        %add3A_894 = arith.addf %add3A_893, %convert_element_type3A_3 : vector<16xf32>
        %eq3A_895 = arith.cmpf oeq, %add3A_894, %select_n3A_512 : vector<16xf32>
        %get3A_896 = arith.index_cast %mul3A_889 : i32 to index
        %get3A_897 = tpu.vector_load %arg5[%get3A_896] {strides = array<i32>} : memref<4096xf32, #tpu.memory_space<vmem>>, vector<16xf32>,
        %get3A_898 = vector.shape_cast %get3A_897 : vector<16xf32> to vector<16xf32>
        %broadcast_in_dim3A_899 = vector.broadcast %scan3A_530 : f32 to vector<16xf32>
        %select_n3A_900 = arith.select %eq3A_895, %broadcast_in_dim3A_899, %get3A_898 : vector<16xi1>, vector<16xf32>
        %swap3A_901 = arith.index_cast %mul3A_889 : i32 to index
        %swap3A_902 = tpu.vector_load %arg5[%swap3A_901] {strides = array<i32>} : memref<4096xf32, #tpu.memory_space<vmem>>, vector<16xf32>,
        %swap3A_903 = vector.shape_cast %swap3A_902 : vector<16xf32> to vector<16xf32>
        %swap3A_904 = vector.shape_cast %select_n3A_900 : vector<16xf32> to vector<16xf32>
        tpu.vector_store %arg5[%swap3A_901], %swap3A_904 {strides = array<i32>} : memref<4096xf32, #tpu.memory_space<vmem>>, vector<16xf32>,
        %gt3A_905 = arith.cmpf ogt, %select_n3A_900, %select_n3A_884 : vector<16xf32>
        %select_n3A_906 = arith.select %gt3A_905, %select_n3A_900, %select_n3A_884 : vector<16xi1>, vector<16xf32>
        %select_n3A_907 = arith.select %gt3A_905, %add3A_894, %select_n3A_885 : vector<16xi1>, vector<16xf32>
        %scan3A_908 = arith.constant 2 : i32
        %scan3A_909 = arith.addi %scan3A_864, %scan3A_908 : i32
        %mul3A_910 = arith.constant 16 : i32
        %mul3A_911 = arith.muli %scan3A_909, %mul3A_910 : i32
        %mul3A_912 = arith.constant 16 : i32
        %mul3A_913 = arith.muli %scan3A_909, %mul3A_912 : i32
        %convert_element_type3A_914 = arith.sitofp %mul3A_913 : i32 to f32
        %add3A_915 = vector.broadcast %convert_element_type3A_914 : f32 to vector<16xf32>
        %add3A_916 = arith.addf %add3A_915, %convert_element_type3A_3 : vector<16xf32>
        %eq3A_917 = arith.cmpf oeq, %add3A_916, %select_n3A_512 : vector<16xf32>
        %get3A_918 = arith.index_cast %mul3A_911 : i32 to index
        %get3A_919 = tpu.vector_load %arg5[%get3A_918] {strides = array<i32>} : memref<4096xf32, #tpu.memory_space<vmem>>, vector<16xf32>,
        %get3A_920 = vector.shape_cast %get3A_919 : vector<16xf32> to vector<16xf32>
        %broadcast_in_dim3A_921 = vector.broadcast %scan3A_530 : f32 to vector<16xf32>
        %select_n3A_922 = arith.select %eq3A_917, %broadcast_in_dim3A_921, %get3A_920 : vector<16xi1>, vector<16xf32>
        %swap3A_923 = arith.index_cast %mul3A_911 : i32 to index
        %swap3A_924 = tpu.vector_load %arg5[%swap3A_923] {strides = array<i32>} : memref<4096xf32, #tpu.memory_space<vmem>>, vector<16xf32>,
        %swap3A_925 = vector.shape_cast %swap3A_924 : vector<16xf32> to vector<16xf32>
        %swap3A_926 = vector.shape_cast %select_n3A_922 : vector<16xf32> to vector<16xf32>
        tpu.vector_store %arg5[%swap3A_923], %swap3A_926 {strides = array<i32>} : memref<4096xf32, #tpu.memory_space<vmem>>, vector<16xf32>,
        %gt3A_927 = arith.cmpf ogt, %select_n3A_922, %select_n3A_906 : vector<16xf32>
        %select_n3A_928 = arith.select %gt3A_927, %select_n3A_922, %select_n3A_906 : vector<16xi1>, vector<16xf32>
        %select_n3A_929 = arith.select %gt3A_927, %add3A_916, %select_n3A_907 : vector<16xi1>, vector<16xf32>
        %scan3A_930 = arith.constant 3 : i32
        %scan3A_931 = arith.addi %scan3A_864, %scan3A_930 : i32
        %mul3A_932 = arith.constant 16 : i32
        %mul3A_933 = arith.muli %scan3A_931, %mul3A_932 : i32
        %mul3A_934 = arith.constant 16 : i32
        %mul3A_935 = arith.muli %scan3A_931, %mul3A_934 : i32
        %convert_element_type3A_936 = arith.sitofp %mul3A_935 : i32 to f32
        %add3A_937 = vector.broadcast %convert_element_type3A_936 : f32 to vector<16xf32>
        %add3A_938 = arith.addf %add3A_937, %convert_element_type3A_3 : vector<16xf32>
        %eq3A_939 = arith.cmpf oeq, %add3A_938, %select_n3A_512 : vector<16xf32>
        %get3A_940 = arith.index_cast %mul3A_933 : i32 to index
        %get3A_941 = tpu.vector_load %arg5[%get3A_940] {strides = array<i32>} : memref<4096xf32, #tpu.memory_space<vmem>>, vector<16xf32>,
        %get3A_942 = vector.shape_cast %get3A_941 : vector<16xf32> to vector<16xf32>
        %broadcast_in_dim3A_943 = vector.broadcast %scan3A_530 : f32 to vector<16xf32>
        %select_n3A_944 = arith.select %eq3A_939, %broadcast_in_dim3A_943, %get3A_942 : vector<16xi1>, vector<16xf32>
        %swap3A_945 = arith.index_cast %mul3A_933 : i32 to index
        %swap3A_946 = tpu.vector_load %arg5[%swap3A_945] {strides = array<i32>} : memref<4096xf32, #tpu.memory_space<vmem>>, vector<16xf32>,
        %swap3A_947 = vector.shape_cast %swap3A_946 : vector<16xf32> to vector<16xf32>
        %swap3A_948 = vector.shape_cast %select_n3A_944 : vector<16xf32> to vector<16xf32>
        tpu.vector_store %arg5[%swap3A_945], %swap3A_948 {strides = array<i32>} : memref<4096xf32, #tpu.memory_space<vmem>>, vector<16xf32>,
        %gt3A_949 = arith.cmpf ogt, %select_n3A_944, %select_n3A_928 : vector<16xf32>
        %select_n3A_950 = arith.select %gt3A_949, %select_n3A_944, %select_n3A_928 : vector<16xi1>, vector<16xf32>
        %select_n3A_951 = arith.select %gt3A_949, %add3A_938, %select_n3A_929 : vector<16xi1>, vector<16xf32>
        %scan3A_952 = arith.constant 4 : i32
        %scan3A_953 = arith.addi %scan3A_864, %scan3A_952 : i32
        %mul3A_954 = arith.constant 16 : i32
        %mul3A_955 = arith.muli %scan3A_953, %mul3A_954 : i32
        %mul3A_956 = arith.constant 16 : i32
        %mul3A_957 = arith.muli %scan3A_953, %mul3A_956 : i32
        %convert_element_type3A_958 = arith.sitofp %mul3A_957 : i32 to f32
        %add3A_959 = vector.broadcast %convert_element_type3A_958 : f32 to vector<16xf32>
        %add3A_960 = arith.addf %add3A_959, %convert_element_type3A_3 : vector<16xf32>
        %eq3A_961 = arith.cmpf oeq, %add3A_960, %select_n3A_512 : vector<16xf32>
        %get3A_962 = arith.index_cast %mul3A_955 : i32 to index
        %get3A_963 = tpu.vector_load %arg5[%get3A_962] {strides = array<i32>} : memref<4096xf32, #tpu.memory_space<vmem>>, vector<16xf32>,
        %get3A_964 = vector.shape_cast %get3A_963 : vector<16xf32> to vector<16xf32>
        %broadcast_in_dim3A_965 = vector.broadcast %scan3A_530 : f32 to vector<16xf32>
        %select_n3A_966 = arith.select %eq3A_961, %broadcast_in_dim3A_965, %get3A_964 : vector<16xi1>, vector<16xf32>
        %swap3A_967 = arith.index_cast %mul3A_955 : i32 to index
        %swap3A_968 = tpu.vector_load %arg5[%swap3A_967] {strides = array<i32>} : memref<4096xf32, #tpu.memory_space<vmem>>, vector<16xf32>,
        %swap3A_969 = vector.shape_cast %swap3A_968 : vector<16xf32> to vector<16xf32>
        %swap3A_970 = vector.shape_cast %select_n3A_966 : vector<16xf32> to vector<16xf32>
        tpu.vector_store %arg5[%swap3A_967], %swap3A_970 {strides = array<i32>} : memref<4096xf32, #tpu.memory_space<vmem>>, vector<16xf32>,
        %gt3A_971 = arith.cmpf ogt, %select_n3A_966, %select_n3A_950 : vector<16xf32>
        %select_n3A_972 = arith.select %gt3A_971, %select_n3A_966, %select_n3A_950 : vector<16xi1>, vector<16xf32>
        %select_n3A_973 = arith.select %gt3A_971, %add3A_960, %select_n3A_951 : vector<16xi1>, vector<16xf32>
        %scan3A_974 = arith.constant 5 : i32
        %scan3A_975 = arith.addi %scan3A_864, %scan3A_974 : i32
        %mul3A_976 = arith.constant 16 : i32
        %mul3A_977 = arith.muli %scan3A_975, %mul3A_976 : i32
        %mul3A_978 = arith.constant 16 : i32
        %mul3A_979 = arith.muli %scan3A_975, %mul3A_978 : i32
        %convert_element_type3A_980 = arith.sitofp %mul3A_979 : i32 to f32
        %add3A_981 = vector.broadcast %convert_element_type3A_980 : f32 to vector<16xf32>
        %add3A_982 = arith.addf %add3A_981, %convert_element_type3A_3 : vector<16xf32>
        %eq3A_983 = arith.cmpf oeq, %add3A_982, %select_n3A_512 : vector<16xf32>
        %get3A_984 = arith.index_cast %mul3A_977 : i32 to index
        %get3A_985 = tpu.vector_load %arg5[%get3A_984] {strides = array<i32>} : memref<4096xf32, #tpu.memory_space<vmem>>, vector<16xf32>,
        %get3A_986 = vector.shape_cast %get3A_985 : vector<16xf32> to vector<16xf32>
        %broadcast_in_dim3A_987 = vector.broadcast %scan3A_530 : f32 to vector<16xf32>
        %select_n3A_988 = arith.select %eq3A_983, %broadcast_in_dim3A_987, %get3A_986 : vector<16xi1>, vector<16xf32>
        %swap3A_989 = arith.index_cast %mul3A_977 : i32 to index
        %swap3A_990 = tpu.vector_load %arg5[%swap3A_989] {strides = array<i32>} : memref<4096xf32, #tpu.memory_space<vmem>>, vector<16xf32>,
        %swap3A_991 = vector.shape_cast %swap3A_990 : vector<16xf32> to vector<16xf32>
        %swap3A_992 = vector.shape_cast %select_n3A_988 : vector<16xf32> to vector<16xf32>
        tpu.vector_store %arg5[%swap3A_989], %swap3A_992 {strides = array<i32>} : memref<4096xf32, #tpu.memory_space<vmem>>, vector<16xf32>,
        %gt3A_993 = arith.cmpf ogt, %select_n3A_988, %select_n3A_972 : vector<16xf32>
        %select_n3A_994 = arith.select %gt3A_993, %select_n3A_988, %select_n3A_972 : vector<16xi1>, vector<16xf32>
        %select_n3A_995 = arith.select %gt3A_993, %add3A_982, %select_n3A_973 : vector<16xi1>, vector<16xf32>
        %scan3A_996 = arith.constant 6 : i32
        %scan3A_997 = arith.addi %scan3A_864, %scan3A_996 : i32
        %mul3A_998 = arith.constant 16 : i32
        %mul3A_999 = arith.muli %scan3A_997, %mul3A_998 : i32
        %mul3A_1000 = arith.constant 16 : i32
        %mul3A_1001 = arith.muli %scan3A_997, %mul3A_1000 : i32
        %convert_element_type3A_1002 = arith.sitofp %mul3A_1001 : i32 to f32
        %add3A_1003 = vector.broadcast %convert_element_type3A_1002 : f32 to vector<16xf32>
        %add3A_1004 = arith.addf %add3A_1003, %convert_element_type3A_3 : vector<16xf32>
        %eq3A_1005 = arith.cmpf oeq, %add3A_1004, %select_n3A_512 : vector<16xf32>
        %get3A_1006 = arith.index_cast %mul3A_999 : i32 to index
        %get3A_1007 = tpu.vector_load %arg5[%get3A_1006] {strides = array<i32>} : memref<4096xf32, #tpu.memory_space<vmem>>, vector<16xf32>,
        %get3A_1008 = vector.shape_cast %get3A_1007 : vector<16xf32> to vector<16xf32>
        %broadcast_in_dim3A_1009 = vector.broadcast %scan3A_530 : f32 to vector<16xf32>
        %select_n3A_1010 = arith.select %eq3A_1005, %broadcast_in_dim3A_1009, %get3A_1008 : vector<16xi1>, vector<16xf32>
        %swap3A_1011 = arith.index_cast %mul3A_999 : i32 to index
        %swap3A_1012 = tpu.vector_load %arg5[%swap3A_1011] {strides = array<i32>} : memref<4096xf32, #tpu.memory_space<vmem>>, vector<16xf32>,
        %swap3A_1013 = vector.shape_cast %swap3A_1012 : vector<16xf32> to vector<16xf32>
        %swap3A_1014 = vector.shape_cast %select_n3A_1010 : vector<16xf32> to vector<16xf32>
        tpu.vector_store %arg5[%swap3A_1011], %swap3A_1014 {strides = array<i32>} : memref<4096xf32, #tpu.memory_space<vmem>>, vector<16xf32>,
        %gt3A_1015 = arith.cmpf ogt, %select_n3A_1010, %select_n3A_994 : vector<16xf32>
        %select_n3A_1016 = arith.select %gt3A_1015, %select_n3A_1010, %select_n3A_994 : vector<16xi1>, vector<16xf32>
        %select_n3A_1017 = arith.select %gt3A_1015, %add3A_1004, %select_n3A_995 : vector<16xi1>, vector<16xf32>
        %scan3A_1018 = arith.constant 7 : i32
        %scan3A_1019 = arith.addi %scan3A_864, %scan3A_1018 : i32
        %mul3A_1020 = arith.constant 16 : i32
        %mul3A_1021 = arith.muli %scan3A_1019, %mul3A_1020 : i32
        %mul3A_1022 = arith.constant 16 : i32
        %mul3A_1023 = arith.muli %scan3A_1019, %mul3A_1022 : i32
        %convert_element_type3A_1024 = arith.sitofp %mul3A_1023 : i32 to f32
        %add3A_1025 = vector.broadcast %convert_element_type3A_1024 : f32 to vector<16xf32>
        %add3A_1026 = arith.addf %add3A_1025, %convert_element_type3A_3 : vector<16xf32>
        %eq3A_1027 = arith.cmpf oeq, %add3A_1026, %select_n3A_512 : vector<16xf32>
        %get3A_1028 = arith.index_cast %mul3A_1021 : i32 to index
        %get3A_1029 = tpu.vector_load %arg5[%get3A_1028] {strides = array<i32>} : memref<4096xf32, #tpu.memory_space<vmem>>, vector<16xf32>,
        %get3A_1030 = vector.shape_cast %get3A_1029 : vector<16xf32> to vector<16xf32>
        %broadcast_in_dim3A_1031 = vector.broadcast %scan3A_530 : f32 to vector<16xf32>
        %select_n3A_1032 = arith.select %eq3A_1027, %broadcast_in_dim3A_1031, %get3A_1030 : vector<16xi1>, vector<16xf32>
        %swap3A_1033 = arith.index_cast %mul3A_1021 : i32 to index
        %swap3A_1034 = tpu.vector_load %arg5[%swap3A_1033] {strides = array<i32>} : memref<4096xf32, #tpu.memory_space<vmem>>, vector<16xf32>,
        %swap3A_1035 = vector.shape_cast %swap3A_1034 : vector<16xf32> to vector<16xf32>
        %swap3A_1036 = vector.shape_cast %select_n3A_1032 : vector<16xf32> to vector<16xf32>
        tpu.vector_store %arg5[%swap3A_1033], %swap3A_1036 {strides = array<i32>} : memref<4096xf32, #tpu.memory_space<vmem>>, vector<16xf32>,
        %gt3A_1037 = arith.cmpf ogt, %select_n3A_1032, %select_n3A_1016 : vector<16xf32>
        %select_n3A_1038 = arith.select %gt3A_1037, %select_n3A_1032, %select_n3A_1016 : vector<16xi1>, vector<16xf32>
        %select_n3A_1039 = arith.select %gt3A_1037, %add3A_1026, %select_n3A_1017 : vector<16xi1>, vector<16xf32>
        scf.yield %select_n3A_1038, %select_n3A_1039 : vector<16xf32>, vector<16xf32>
      }
      %scan3A_536 = arith.constant 256 : i32
      %xor3A_537 = arith.constant 1 : i32
      %xor3A_538 = vector.broadcast %xor3A_537 : i32 to vector<16xi32>
      %xor3A_539 = arith.xori %iota3A, %xor3A_538 : vector<16xi32>
      %broadcast_in_dim3A_540 = vector.shape_cast %xor3A_539 : vector<16xi32> to vector<16x1xi32>
      %gather3A_541 = vector.shape_cast %broadcast_in_dim3A_540 : vector<16x1xi32> to vector<16xi32>
      %gather3A_542 = tpu.dynamic_gather %scan3A_535#0[%gather3A_541] in [0] : vector<16xf32>, vector<16xi32> -> vector<16xf32>
      %broadcast_in_dim3A_543 = vector.shape_cast %xor3A_539 : vector<16xi32> to vector<16x1xi32>
      %gather3A_544 = vector.shape_cast %broadcast_in_dim3A_543 : vector<16x1xi32> to vector<16xi32>
      %gather3A_545 = tpu.dynamic_gather %scan3A_535#1[%gather3A_544] in [0] : vector<16xf32>, vector<16xi32> -> vector<16xf32>
      %gt3A_546 = arith.cmpf ogt, %gather3A_542, %scan3A_535#0 : vector<16xf32>
      %select_n3A_547 = arith.select %gt3A_546, %broadcast_in_dim3A_4, %broadcast_in_dim3A_6 : vector<16xi1>, vector<16xf32>
      %eq3A_548 = arith.cmpf oeq, %gather3A_542, %scan3A_535#0 : vector<16xf32>
      %select_n3A_549 = arith.select %eq3A_548, %broadcast_in_dim3A_4, %broadcast_in_dim3A_6 : vector<16xi1>, vector<16xf32>
      %lt3A_550 = arith.cmpf olt, %gather3A_545, %scan3A_535#1 : vector<16xf32>
      %select_n3A_551 = arith.select %lt3A_550, %broadcast_in_dim3A_4, %broadcast_in_dim3A_6 : vector<16xi1>, vector<16xf32>
      %mul3A_552 = arith.mulf %select_n3A_549, %select_n3A_551 : vector<16xf32>
      %add3A_553 = arith.addf %select_n3A_547, %mul3A_552 : vector<16xf32>
      %gt3A_554 = arith.cmpf ogt, %add3A_553, %broadcast_in_dim3A_6 : vector<16xf32>
      %select_n3A_555 = arith.select %gt3A_554, %gather3A_542, %scan3A_535#0 : vector<16xi1>, vector<16xf32>
      %select_n3A_556 = arith.select %gt3A_554, %gather3A_545, %scan3A_535#1 : vector<16xi1>, vector<16xf32>
      %xor3A_557 = arith.constant 2 : i32
      %xor3A_558 = vector.broadcast %xor3A_557 : i32 to vector<16xi32>
      %xor3A_559 = arith.xori %iota3A, %xor3A_558 : vector<16xi32>
      %broadcast_in_dim3A_560 = vector.shape_cast %xor3A_559 : vector<16xi32> to vector<16x1xi32>
      %gather3A_561 = vector.shape_cast %broadcast_in_dim3A_560 : vector<16x1xi32> to vector<16xi32>
      %gather3A_562 = tpu.dynamic_gather %select_n3A_555[%gather3A_561] in [0] : vector<16xf32>, vector<16xi32> -> vector<16xf32>
      %broadcast_in_dim3A_563 = vector.shape_cast %xor3A_559 : vector<16xi32> to vector<16x1xi32>
      %gather3A_564 = vector.shape_cast %broadcast_in_dim3A_563 : vector<16x1xi32> to vector<16xi32>
      %gather3A_565 = tpu.dynamic_gather %select_n3A_556[%gather3A_564] in [0] : vector<16xf32>, vector<16xi32> -> vector<16xf32>
      %gt3A_566 = arith.cmpf ogt, %gather3A_562, %select_n3A_555 : vector<16xf32>
      %select_n3A_567 = arith.select %gt3A_566, %broadcast_in_dim3A_4, %broadcast_in_dim3A_6 : vector<16xi1>, vector<16xf32>
      %eq3A_568 = arith.cmpf oeq, %gather3A_562, %select_n3A_555 : vector<16xf32>
      %select_n3A_569 = arith.select %eq3A_568, %broadcast_in_dim3A_4, %broadcast_in_dim3A_6 : vector<16xi1>, vector<16xf32>
      %lt3A_570 = arith.cmpf olt, %gather3A_565, %select_n3A_556 : vector<16xf32>
      %select_n3A_571 = arith.select %lt3A_570, %broadcast_in_dim3A_4, %broadcast_in_dim3A_6 : vector<16xi1>, vector<16xf32>
      %mul3A_572 = arith.mulf %select_n3A_569, %select_n3A_571 : vector<16xf32>
      %add3A_573 = arith.addf %select_n3A_567, %mul3A_572 : vector<16xf32>
      %gt3A_574 = arith.cmpf ogt, %add3A_573, %broadcast_in_dim3A_6 : vector<16xf32>
      %select_n3A_575 = arith.select %gt3A_574, %gather3A_562, %select_n3A_555 : vector<16xi1>, vector<16xf32>
      %select_n3A_576 = arith.select %gt3A_574, %gather3A_565, %select_n3A_556 : vector<16xi1>, vector<16xf32>
      %xor3A_577 = arith.constant 4 : i32
      %xor3A_578 = vector.broadcast %xor3A_577 : i32 to vector<16xi32>
      %xor3A_579 = arith.xori %iota3A, %xor3A_578 : vector<16xi32>
      %broadcast_in_dim3A_580 = vector.shape_cast %xor3A_579 : vector<16xi32> to vector<16x1xi32>
      %gather3A_581 = vector.shape_cast %broadcast_in_dim3A_580 : vector<16x1xi32> to vector<16xi32>
      %gather3A_582 = tpu.dynamic_gather %select_n3A_575[%gather3A_581] in [0] : vector<16xf32>, vector<16xi32> -> vector<16xf32>
      %broadcast_in_dim3A_583 = vector.shape_cast %xor3A_579 : vector<16xi32> to vector<16x1xi32>
      %gather3A_584 = vector.shape_cast %broadcast_in_dim3A_583 : vector<16x1xi32> to vector<16xi32>
      %gather3A_585 = tpu.dynamic_gather %select_n3A_576[%gather3A_584] in [0] : vector<16xf32>, vector<16xi32> -> vector<16xf32>
      %gt3A_586 = arith.cmpf ogt, %gather3A_582, %select_n3A_575 : vector<16xf32>
      %select_n3A_587 = arith.select %gt3A_586, %broadcast_in_dim3A_4, %broadcast_in_dim3A_6 : vector<16xi1>, vector<16xf32>
      %eq3A_588 = arith.cmpf oeq, %gather3A_582, %select_n3A_575 : vector<16xf32>
      %select_n3A_589 = arith.select %eq3A_588, %broadcast_in_dim3A_4, %broadcast_in_dim3A_6 : vector<16xi1>, vector<16xf32>
      %lt3A_590 = arith.cmpf olt, %gather3A_585, %select_n3A_576 : vector<16xf32>
      %select_n3A_591 = arith.select %lt3A_590, %broadcast_in_dim3A_4, %broadcast_in_dim3A_6 : vector<16xi1>, vector<16xf32>
      %mul3A_592 = arith.mulf %select_n3A_589, %select_n3A_591 : vector<16xf32>
      %add3A_593 = arith.addf %select_n3A_587, %mul3A_592 : vector<16xf32>
      %gt3A_594 = arith.cmpf ogt, %add3A_593, %broadcast_in_dim3A_6 : vector<16xf32>
      %select_n3A_595 = arith.select %gt3A_594, %gather3A_582, %select_n3A_575 : vector<16xi1>, vector<16xf32>
      %select_n3A_596 = arith.select %gt3A_594, %gather3A_585, %select_n3A_576 : vector<16xi1>, vector<16xf32>
      %xor3A_597 = arith.constant 8 : i32
      %xor3A_598 = vector.broadcast %xor3A_597 : i32 to vector<16xi32>
      %xor3A_599 = arith.xori %iota3A, %xor3A_598 : vector<16xi32>
      %broadcast_in_dim3A_600 = vector.shape_cast %xor3A_599 : vector<16xi32> to vector<16x1xi32>
      %gather3A_601 = vector.shape_cast %broadcast_in_dim3A_600 : vector<16x1xi32> to vector<16xi32>
      %gather3A_602 = tpu.dynamic_gather %select_n3A_595[%gather3A_601] in [0] : vector<16xf32>, vector<16xi32> -> vector<16xf32>
      %broadcast_in_dim3A_603 = vector.shape_cast %xor3A_599 : vector<16xi32> to vector<16x1xi32>
      %gather3A_604 = vector.shape_cast %broadcast_in_dim3A_603 : vector<16x1xi32> to vector<16xi32>
      %gather3A_605 = tpu.dynamic_gather %select_n3A_596[%gather3A_604] in [0] : vector<16xf32>, vector<16xi32> -> vector<16xf32>
      %gt3A_606 = arith.cmpf ogt, %gather3A_602, %select_n3A_595 : vector<16xf32>
      %select_n3A_607 = arith.select %gt3A_606, %broadcast_in_dim3A_4, %broadcast_in_dim3A_6 : vector<16xi1>, vector<16xf32>
      %eq3A_608 = arith.cmpf oeq, %gather3A_602, %select_n3A_595 : vector<16xf32>
      %select_n3A_609 = arith.select %eq3A_608, %broadcast_in_dim3A_4, %broadcast_in_dim3A_6 : vector<16xi1>, vector<16xf32>
      %lt3A_610 = arith.cmpf olt, %gather3A_605, %select_n3A_596 : vector<16xf32>
      %select_n3A_611 = arith.select %lt3A_610, %broadcast_in_dim3A_4, %broadcast_in_dim3A_6 : vector<16xi1>, vector<16xf32>
      %mul3A_612 = arith.mulf %select_n3A_609, %select_n3A_611 : vector<16xf32>
      %add3A_613 = arith.addf %select_n3A_607, %mul3A_612 : vector<16xf32>
      %gt3A_614 = arith.cmpf ogt, %add3A_613, %broadcast_in_dim3A_6 : vector<16xf32>
      %select_n3A_615 = arith.select %gt3A_614, %gather3A_602, %select_n3A_595 : vector<16xi1>, vector<16xf32>
      %select_n3A_616 = arith.select %gt3A_614, %gather3A_605, %select_n3A_596 : vector<16xi1>, vector<16xf32>
      %eq3A_617 = arith.constant 5 : i32
      %eq3A_618 = arith.cmpi eq, %add3A, %eq3A_617 : i32
      %convert_element_type3A_619 = arith.extui %eq3A_618 : i1 to i32
      %convert_element_type3A_620 = arith.sitofp %convert_element_type3A_619 : i32 to f32
      %broadcast_in_dim3A_621 = vector.broadcast %convert_element_type3A_620 : f32 to vector<16xf32>
      %mul3A_622 = arith.mulf %broadcast_in_dim3A_621, %select_n3A_616 : vector<16xf32>
      %sub3A_623 = arith.subf %broadcast_in_dim3A_4, %broadcast_in_dim3A_621 : vector<16xf32>
      %mul3A_624 = arith.mulf %sub3A_623, %add3A_521 : vector<16xf32>
      %add3A_625 = arith.addf %mul3A_622, %mul3A_624 : vector<16xf32>
      %mul3A_626 = arith.mulf %broadcast_in_dim3A_621, %select_n3A_615 : vector<16xf32>
      %sub3A_627 = arith.subf %broadcast_in_dim3A_4, %broadcast_in_dim3A_621 : vector<16xf32>
      %mul3A_628 = arith.mulf %sub3A_627, %add3A_525 : vector<16xf32>
      %add3A_629 = arith.addf %mul3A_626, %mul3A_628 : vector<16xf32>
      %broadcast_in_dim3A_630 = arith.constant 0xFF800000 : f32
      %broadcast_in_dim3A_631 = vector.broadcast %broadcast_in_dim3A_630 : f32 to vector<16xf32>
      %broadcast_in_dim3A_632 = arith.constant 0.000000e+00 : f32
      %broadcast_in_dim3A_633 = vector.broadcast %broadcast_in_dim3A_632 : f32 to vector<16xf32>
      %scan3A_634 = arith.constant 0xFF800000 : f32
      %scan3A_635 = arith.constant 0 : i32
      %scan3A_636 = arith.constant 256 : i32
      %scan3A_637 = arith.addi %scan3A_635, %scan3A_636 : i32
      %scan3A_638 = arith.constant 8 : i32
      %scan3A_639:2 = scf.for %scan3A_864 = %scan3A_635 to %scan3A_637 step %scan3A_638 iter_args(%scan3A_865 = %broadcast_in_dim3A_631, %scan3A_866 = %broadcast_in_dim3A_633) -> (vector<16xf32>, vector<16xf32>)  : i32 {
        %mul3A_867 = arith.constant 16 : i32
        %mul3A_868 = arith.muli %scan3A_864, %mul3A_867 : i32
        %mul3A_869 = arith.constant 16 : i32
        %mul3A_870 = arith.muli %scan3A_864, %mul3A_869 : i32
        %convert_element_type3A_871 = arith.sitofp %mul3A_870 : i32 to f32
        %add3A_872 = vector.broadcast %convert_element_type3A_871 : f32 to vector<16xf32>
        %add3A_873 = arith.addf %add3A_872, %convert_element_type3A_3 : vector<16xf32>
        %eq3A_874 = arith.cmpf oeq, %add3A_873, %select_n3A_616 : vector<16xf32>
        %get3A = arith.index_cast %mul3A_868 : i32 to index
        %get3A_875 = tpu.vector_load %arg5[%get3A] {strides = array<i32>} : memref<4096xf32, #tpu.memory_space<vmem>>, vector<16xf32>,
        %get3A_876 = vector.shape_cast %get3A_875 : vector<16xf32> to vector<16xf32>
        %broadcast_in_dim3A_877 = vector.broadcast %scan3A_634 : f32 to vector<16xf32>
        %select_n3A_878 = arith.select %eq3A_874, %broadcast_in_dim3A_877, %get3A_876 : vector<16xi1>, vector<16xf32>
        %swap3A_879 = arith.index_cast %mul3A_868 : i32 to index
        %swap3A_880 = tpu.vector_load %arg5[%swap3A_879] {strides = array<i32>} : memref<4096xf32, #tpu.memory_space<vmem>>, vector<16xf32>,
        %swap3A_881 = vector.shape_cast %swap3A_880 : vector<16xf32> to vector<16xf32>
        %swap3A_882 = vector.shape_cast %select_n3A_878 : vector<16xf32> to vector<16xf32>
        tpu.vector_store %arg5[%swap3A_879], %swap3A_882 {strides = array<i32>} : memref<4096xf32, #tpu.memory_space<vmem>>, vector<16xf32>,
        %gt3A_883 = arith.cmpf ogt, %select_n3A_878, %scan3A_865 : vector<16xf32>
        %select_n3A_884 = arith.select %gt3A_883, %select_n3A_878, %scan3A_865 : vector<16xi1>, vector<16xf32>
        %select_n3A_885 = arith.select %gt3A_883, %add3A_873, %scan3A_866 : vector<16xi1>, vector<16xf32>
        %scan3A_886 = arith.constant 1 : i32
        %scan3A_887 = arith.addi %scan3A_864, %scan3A_886 : i32
        %mul3A_888 = arith.constant 16 : i32
        %mul3A_889 = arith.muli %scan3A_887, %mul3A_888 : i32
        %mul3A_890 = arith.constant 16 : i32
        %mul3A_891 = arith.muli %scan3A_887, %mul3A_890 : i32
        %convert_element_type3A_892 = arith.sitofp %mul3A_891 : i32 to f32
        %add3A_893 = vector.broadcast %convert_element_type3A_892 : f32 to vector<16xf32>
        %add3A_894 = arith.addf %add3A_893, %convert_element_type3A_3 : vector<16xf32>
        %eq3A_895 = arith.cmpf oeq, %add3A_894, %select_n3A_616 : vector<16xf32>
        %get3A_896 = arith.index_cast %mul3A_889 : i32 to index
        %get3A_897 = tpu.vector_load %arg5[%get3A_896] {strides = array<i32>} : memref<4096xf32, #tpu.memory_space<vmem>>, vector<16xf32>,
        %get3A_898 = vector.shape_cast %get3A_897 : vector<16xf32> to vector<16xf32>
        %broadcast_in_dim3A_899 = vector.broadcast %scan3A_634 : f32 to vector<16xf32>
        %select_n3A_900 = arith.select %eq3A_895, %broadcast_in_dim3A_899, %get3A_898 : vector<16xi1>, vector<16xf32>
        %swap3A_901 = arith.index_cast %mul3A_889 : i32 to index
        %swap3A_902 = tpu.vector_load %arg5[%swap3A_901] {strides = array<i32>} : memref<4096xf32, #tpu.memory_space<vmem>>, vector<16xf32>,
        %swap3A_903 = vector.shape_cast %swap3A_902 : vector<16xf32> to vector<16xf32>
        %swap3A_904 = vector.shape_cast %select_n3A_900 : vector<16xf32> to vector<16xf32>
        tpu.vector_store %arg5[%swap3A_901], %swap3A_904 {strides = array<i32>} : memref<4096xf32, #tpu.memory_space<vmem>>, vector<16xf32>,
        %gt3A_905 = arith.cmpf ogt, %select_n3A_900, %select_n3A_884 : vector<16xf32>
        %select_n3A_906 = arith.select %gt3A_905, %select_n3A_900, %select_n3A_884 : vector<16xi1>, vector<16xf32>
        %select_n3A_907 = arith.select %gt3A_905, %add3A_894, %select_n3A_885 : vector<16xi1>, vector<16xf32>
        %scan3A_908 = arith.constant 2 : i32
        %scan3A_909 = arith.addi %scan3A_864, %scan3A_908 : i32
        %mul3A_910 = arith.constant 16 : i32
        %mul3A_911 = arith.muli %scan3A_909, %mul3A_910 : i32
        %mul3A_912 = arith.constant 16 : i32
        %mul3A_913 = arith.muli %scan3A_909, %mul3A_912 : i32
        %convert_element_type3A_914 = arith.sitofp %mul3A_913 : i32 to f32
        %add3A_915 = vector.broadcast %convert_element_type3A_914 : f32 to vector<16xf32>
        %add3A_916 = arith.addf %add3A_915, %convert_element_type3A_3 : vector<16xf32>
        %eq3A_917 = arith.cmpf oeq, %add3A_916, %select_n3A_616 : vector<16xf32>
        %get3A_918 = arith.index_cast %mul3A_911 : i32 to index
        %get3A_919 = tpu.vector_load %arg5[%get3A_918] {strides = array<i32>} : memref<4096xf32, #tpu.memory_space<vmem>>, vector<16xf32>,
        %get3A_920 = vector.shape_cast %get3A_919 : vector<16xf32> to vector<16xf32>
        %broadcast_in_dim3A_921 = vector.broadcast %scan3A_634 : f32 to vector<16xf32>
        %select_n3A_922 = arith.select %eq3A_917, %broadcast_in_dim3A_921, %get3A_920 : vector<16xi1>, vector<16xf32>
        %swap3A_923 = arith.index_cast %mul3A_911 : i32 to index
        %swap3A_924 = tpu.vector_load %arg5[%swap3A_923] {strides = array<i32>} : memref<4096xf32, #tpu.memory_space<vmem>>, vector<16xf32>,
        %swap3A_925 = vector.shape_cast %swap3A_924 : vector<16xf32> to vector<16xf32>
        %swap3A_926 = vector.shape_cast %select_n3A_922 : vector<16xf32> to vector<16xf32>
        tpu.vector_store %arg5[%swap3A_923], %swap3A_926 {strides = array<i32>} : memref<4096xf32, #tpu.memory_space<vmem>>, vector<16xf32>,
        %gt3A_927 = arith.cmpf ogt, %select_n3A_922, %select_n3A_906 : vector<16xf32>
        %select_n3A_928 = arith.select %gt3A_927, %select_n3A_922, %select_n3A_906 : vector<16xi1>, vector<16xf32>
        %select_n3A_929 = arith.select %gt3A_927, %add3A_916, %select_n3A_907 : vector<16xi1>, vector<16xf32>
        %scan3A_930 = arith.constant 3 : i32
        %scan3A_931 = arith.addi %scan3A_864, %scan3A_930 : i32
        %mul3A_932 = arith.constant 16 : i32
        %mul3A_933 = arith.muli %scan3A_931, %mul3A_932 : i32
        %mul3A_934 = arith.constant 16 : i32
        %mul3A_935 = arith.muli %scan3A_931, %mul3A_934 : i32
        %convert_element_type3A_936 = arith.sitofp %mul3A_935 : i32 to f32
        %add3A_937 = vector.broadcast %convert_element_type3A_936 : f32 to vector<16xf32>
        %add3A_938 = arith.addf %add3A_937, %convert_element_type3A_3 : vector<16xf32>
        %eq3A_939 = arith.cmpf oeq, %add3A_938, %select_n3A_616 : vector<16xf32>
        %get3A_940 = arith.index_cast %mul3A_933 : i32 to index
        %get3A_941 = tpu.vector_load %arg5[%get3A_940] {strides = array<i32>} : memref<4096xf32, #tpu.memory_space<vmem>>, vector<16xf32>,
        %get3A_942 = vector.shape_cast %get3A_941 : vector<16xf32> to vector<16xf32>
        %broadcast_in_dim3A_943 = vector.broadcast %scan3A_634 : f32 to vector<16xf32>
        %select_n3A_944 = arith.select %eq3A_939, %broadcast_in_dim3A_943, %get3A_942 : vector<16xi1>, vector<16xf32>
        %swap3A_945 = arith.index_cast %mul3A_933 : i32 to index
        %swap3A_946 = tpu.vector_load %arg5[%swap3A_945] {strides = array<i32>} : memref<4096xf32, #tpu.memory_space<vmem>>, vector<16xf32>,
        %swap3A_947 = vector.shape_cast %swap3A_946 : vector<16xf32> to vector<16xf32>
        %swap3A_948 = vector.shape_cast %select_n3A_944 : vector<16xf32> to vector<16xf32>
        tpu.vector_store %arg5[%swap3A_945], %swap3A_948 {strides = array<i32>} : memref<4096xf32, #tpu.memory_space<vmem>>, vector<16xf32>,
        %gt3A_949 = arith.cmpf ogt, %select_n3A_944, %select_n3A_928 : vector<16xf32>
        %select_n3A_950 = arith.select %gt3A_949, %select_n3A_944, %select_n3A_928 : vector<16xi1>, vector<16xf32>
        %select_n3A_951 = arith.select %gt3A_949, %add3A_938, %select_n3A_929 : vector<16xi1>, vector<16xf32>
        %scan3A_952 = arith.constant 4 : i32
        %scan3A_953 = arith.addi %scan3A_864, %scan3A_952 : i32
        %mul3A_954 = arith.constant 16 : i32
        %mul3A_955 = arith.muli %scan3A_953, %mul3A_954 : i32
        %mul3A_956 = arith.constant 16 : i32
        %mul3A_957 = arith.muli %scan3A_953, %mul3A_956 : i32
        %convert_element_type3A_958 = arith.sitofp %mul3A_957 : i32 to f32
        %add3A_959 = vector.broadcast %convert_element_type3A_958 : f32 to vector<16xf32>
        %add3A_960 = arith.addf %add3A_959, %convert_element_type3A_3 : vector<16xf32>
        %eq3A_961 = arith.cmpf oeq, %add3A_960, %select_n3A_616 : vector<16xf32>
        %get3A_962 = arith.index_cast %mul3A_955 : i32 to index
        %get3A_963 = tpu.vector_load %arg5[%get3A_962] {strides = array<i32>} : memref<4096xf32, #tpu.memory_space<vmem>>, vector<16xf32>,
        %get3A_964 = vector.shape_cast %get3A_963 : vector<16xf32> to vector<16xf32>
        %broadcast_in_dim3A_965 = vector.broadcast %scan3A_634 : f32 to vector<16xf32>
        %select_n3A_966 = arith.select %eq3A_961, %broadcast_in_dim3A_965, %get3A_964 : vector<16xi1>, vector<16xf32>
        %swap3A_967 = arith.index_cast %mul3A_955 : i32 to index
        %swap3A_968 = tpu.vector_load %arg5[%swap3A_967] {strides = array<i32>} : memref<4096xf32, #tpu.memory_space<vmem>>, vector<16xf32>,
        %swap3A_969 = vector.shape_cast %swap3A_968 : vector<16xf32> to vector<16xf32>
        %swap3A_970 = vector.shape_cast %select_n3A_966 : vector<16xf32> to vector<16xf32>
        tpu.vector_store %arg5[%swap3A_967], %swap3A_970 {strides = array<i32>} : memref<4096xf32, #tpu.memory_space<vmem>>, vector<16xf32>,
        %gt3A_971 = arith.cmpf ogt, %select_n3A_966, %select_n3A_950 : vector<16xf32>
        %select_n3A_972 = arith.select %gt3A_971, %select_n3A_966, %select_n3A_950 : vector<16xi1>, vector<16xf32>
        %select_n3A_973 = arith.select %gt3A_971, %add3A_960, %select_n3A_951 : vector<16xi1>, vector<16xf32>
        %scan3A_974 = arith.constant 5 : i32
        %scan3A_975 = arith.addi %scan3A_864, %scan3A_974 : i32
        %mul3A_976 = arith.constant 16 : i32
        %mul3A_977 = arith.muli %scan3A_975, %mul3A_976 : i32
        %mul3A_978 = arith.constant 16 : i32
        %mul3A_979 = arith.muli %scan3A_975, %mul3A_978 : i32
        %convert_element_type3A_980 = arith.sitofp %mul3A_979 : i32 to f32
        %add3A_981 = vector.broadcast %convert_element_type3A_980 : f32 to vector<16xf32>
        %add3A_982 = arith.addf %add3A_981, %convert_element_type3A_3 : vector<16xf32>
        %eq3A_983 = arith.cmpf oeq, %add3A_982, %select_n3A_616 : vector<16xf32>
        %get3A_984 = arith.index_cast %mul3A_977 : i32 to index
        %get3A_985 = tpu.vector_load %arg5[%get3A_984] {strides = array<i32>} : memref<4096xf32, #tpu.memory_space<vmem>>, vector<16xf32>,
        %get3A_986 = vector.shape_cast %get3A_985 : vector<16xf32> to vector<16xf32>
        %broadcast_in_dim3A_987 = vector.broadcast %scan3A_634 : f32 to vector<16xf32>
        %select_n3A_988 = arith.select %eq3A_983, %broadcast_in_dim3A_987, %get3A_986 : vector<16xi1>, vector<16xf32>
        %swap3A_989 = arith.index_cast %mul3A_977 : i32 to index
        %swap3A_990 = tpu.vector_load %arg5[%swap3A_989] {strides = array<i32>} : memref<4096xf32, #tpu.memory_space<vmem>>, vector<16xf32>,
        %swap3A_991 = vector.shape_cast %swap3A_990 : vector<16xf32> to vector<16xf32>
        %swap3A_992 = vector.shape_cast %select_n3A_988 : vector<16xf32> to vector<16xf32>
        tpu.vector_store %arg5[%swap3A_989], %swap3A_992 {strides = array<i32>} : memref<4096xf32, #tpu.memory_space<vmem>>, vector<16xf32>,
        %gt3A_993 = arith.cmpf ogt, %select_n3A_988, %select_n3A_972 : vector<16xf32>
        %select_n3A_994 = arith.select %gt3A_993, %select_n3A_988, %select_n3A_972 : vector<16xi1>, vector<16xf32>
        %select_n3A_995 = arith.select %gt3A_993, %add3A_982, %select_n3A_973 : vector<16xi1>, vector<16xf32>
        %scan3A_996 = arith.constant 6 : i32
        %scan3A_997 = arith.addi %scan3A_864, %scan3A_996 : i32
        %mul3A_998 = arith.constant 16 : i32
        %mul3A_999 = arith.muli %scan3A_997, %mul3A_998 : i32
        %mul3A_1000 = arith.constant 16 : i32
        %mul3A_1001 = arith.muli %scan3A_997, %mul3A_1000 : i32
        %convert_element_type3A_1002 = arith.sitofp %mul3A_1001 : i32 to f32
        %add3A_1003 = vector.broadcast %convert_element_type3A_1002 : f32 to vector<16xf32>
        %add3A_1004 = arith.addf %add3A_1003, %convert_element_type3A_3 : vector<16xf32>
        %eq3A_1005 = arith.cmpf oeq, %add3A_1004, %select_n3A_616 : vector<16xf32>
        %get3A_1006 = arith.index_cast %mul3A_999 : i32 to index
        %get3A_1007 = tpu.vector_load %arg5[%get3A_1006] {strides = array<i32>} : memref<4096xf32, #tpu.memory_space<vmem>>, vector<16xf32>,
        %get3A_1008 = vector.shape_cast %get3A_1007 : vector<16xf32> to vector<16xf32>
        %broadcast_in_dim3A_1009 = vector.broadcast %scan3A_634 : f32 to vector<16xf32>
        %select_n3A_1010 = arith.select %eq3A_1005, %broadcast_in_dim3A_1009, %get3A_1008 : vector<16xi1>, vector<16xf32>
        %swap3A_1011 = arith.index_cast %mul3A_999 : i32 to index
        %swap3A_1012 = tpu.vector_load %arg5[%swap3A_1011] {strides = array<i32>} : memref<4096xf32, #tpu.memory_space<vmem>>, vector<16xf32>,
        %swap3A_1013 = vector.shape_cast %swap3A_1012 : vector<16xf32> to vector<16xf32>
        %swap3A_1014 = vector.shape_cast %select_n3A_1010 : vector<16xf32> to vector<16xf32>
        tpu.vector_store %arg5[%swap3A_1011], %swap3A_1014 {strides = array<i32>} : memref<4096xf32, #tpu.memory_space<vmem>>, vector<16xf32>,
        %gt3A_1015 = arith.cmpf ogt, %select_n3A_1010, %select_n3A_994 : vector<16xf32>
        %select_n3A_1016 = arith.select %gt3A_1015, %select_n3A_1010, %select_n3A_994 : vector<16xi1>, vector<16xf32>
        %select_n3A_1017 = arith.select %gt3A_1015, %add3A_1004, %select_n3A_995 : vector<16xi1>, vector<16xf32>
        %scan3A_1018 = arith.constant 7 : i32
        %scan3A_1019 = arith.addi %scan3A_864, %scan3A_1018 : i32
        %mul3A_1020 = arith.constant 16 : i32
        %mul3A_1021 = arith.muli %scan3A_1019, %mul3A_1020 : i32
        %mul3A_1022 = arith.constant 16 : i32
        %mul3A_1023 = arith.muli %scan3A_1019, %mul3A_1022 : i32
        %convert_element_type3A_1024 = arith.sitofp %mul3A_1023 : i32 to f32
        %add3A_1025 = vector.broadcast %convert_element_type3A_1024 : f32 to vector<16xf32>
        %add3A_1026 = arith.addf %add3A_1025, %convert_element_type3A_3 : vector<16xf32>
        %eq3A_1027 = arith.cmpf oeq, %add3A_1026, %select_n3A_616 : vector<16xf32>
        %get3A_1028 = arith.index_cast %mul3A_1021 : i32 to index
        %get3A_1029 = tpu.vector_load %arg5[%get3A_1028] {strides = array<i32>} : memref<4096xf32, #tpu.memory_space<vmem>>, vector<16xf32>,
        %get3A_1030 = vector.shape_cast %get3A_1029 : vector<16xf32> to vector<16xf32>
        %broadcast_in_dim3A_1031 = vector.broadcast %scan3A_634 : f32 to vector<16xf32>
        %select_n3A_1032 = arith.select %eq3A_1027, %broadcast_in_dim3A_1031, %get3A_1030 : vector<16xi1>, vector<16xf32>
        %swap3A_1033 = arith.index_cast %mul3A_1021 : i32 to index
        %swap3A_1034 = tpu.vector_load %arg5[%swap3A_1033] {strides = array<i32>} : memref<4096xf32, #tpu.memory_space<vmem>>, vector<16xf32>,
        %swap3A_1035 = vector.shape_cast %swap3A_1034 : vector<16xf32> to vector<16xf32>
        %swap3A_1036 = vector.shape_cast %select_n3A_1032 : vector<16xf32> to vector<16xf32>
        tpu.vector_store %arg5[%swap3A_1033], %swap3A_1036 {strides = array<i32>} : memref<4096xf32, #tpu.memory_space<vmem>>, vector<16xf32>,
        %gt3A_1037 = arith.cmpf ogt, %select_n3A_1032, %select_n3A_1016 : vector<16xf32>
        %select_n3A_1038 = arith.select %gt3A_1037, %select_n3A_1032, %select_n3A_1016 : vector<16xi1>, vector<16xf32>
        %select_n3A_1039 = arith.select %gt3A_1037, %add3A_1026, %select_n3A_1017 : vector<16xi1>, vector<16xf32>
        scf.yield %select_n3A_1038, %select_n3A_1039 : vector<16xf32>, vector<16xf32>
      }
      %scan3A_640 = arith.constant 256 : i32
      %xor3A_641 = arith.constant 1 : i32
      %xor3A_642 = vector.broadcast %xor3A_641 : i32 to vector<16xi32>
      %xor3A_643 = arith.xori %iota3A, %xor3A_642 : vector<16xi32>
      %broadcast_in_dim3A_644 = vector.shape_cast %xor3A_643 : vector<16xi32> to vector<16x1xi32>
      %gather3A_645 = vector.shape_cast %broadcast_in_dim3A_644 : vector<16x1xi32> to vector<16xi32>
      %gather3A_646 = tpu.dynamic_gather %scan3A_639#0[%gather3A_645] in [0] : vector<16xf32>, vector<16xi32> -> vector<16xf32>
      %broadcast_in_dim3A_647 = vector.shape_cast %xor3A_643 : vector<16xi32> to vector<16x1xi32>
      %gather3A_648 = vector.shape_cast %broadcast_in_dim3A_647 : vector<16x1xi32> to vector<16xi32>
      %gather3A_649 = tpu.dynamic_gather %scan3A_639#1[%gather3A_648] in [0] : vector<16xf32>, vector<16xi32> -> vector<16xf32>
      %gt3A_650 = arith.cmpf ogt, %gather3A_646, %scan3A_639#0 : vector<16xf32>
      %select_n3A_651 = arith.select %gt3A_650, %broadcast_in_dim3A_4, %broadcast_in_dim3A_6 : vector<16xi1>, vector<16xf32>
      %eq3A_652 = arith.cmpf oeq, %gather3A_646, %scan3A_639#0 : vector<16xf32>
      %select_n3A_653 = arith.select %eq3A_652, %broadcast_in_dim3A_4, %broadcast_in_dim3A_6 : vector<16xi1>, vector<16xf32>
      %lt3A_654 = arith.cmpf olt, %gather3A_649, %scan3A_639#1 : vector<16xf32>
      %select_n3A_655 = arith.select %lt3A_654, %broadcast_in_dim3A_4, %broadcast_in_dim3A_6 : vector<16xi1>, vector<16xf32>
      %mul3A_656 = arith.mulf %select_n3A_653, %select_n3A_655 : vector<16xf32>
      %add3A_657 = arith.addf %select_n3A_651, %mul3A_656 : vector<16xf32>
      %gt3A_658 = arith.cmpf ogt, %add3A_657, %broadcast_in_dim3A_6 : vector<16xf32>
      %select_n3A_659 = arith.select %gt3A_658, %gather3A_646, %scan3A_639#0 : vector<16xi1>, vector<16xf32>
      %select_n3A_660 = arith.select %gt3A_658, %gather3A_649, %scan3A_639#1 : vector<16xi1>, vector<16xf32>
      %xor3A_661 = arith.constant 2 : i32
      %xor3A_662 = vector.broadcast %xor3A_661 : i32 to vector<16xi32>
      %xor3A_663 = arith.xori %iota3A, %xor3A_662 : vector<16xi32>
      %broadcast_in_dim3A_664 = vector.shape_cast %xor3A_663 : vector<16xi32> to vector<16x1xi32>
      %gather3A_665 = vector.shape_cast %broadcast_in_dim3A_664 : vector<16x1xi32> to vector<16xi32>
      %gather3A_666 = tpu.dynamic_gather %select_n3A_659[%gather3A_665] in [0] : vector<16xf32>, vector<16xi32> -> vector<16xf32>
      %broadcast_in_dim3A_667 = vector.shape_cast %xor3A_663 : vector<16xi32> to vector<16x1xi32>
      %gather3A_668 = vector.shape_cast %broadcast_in_dim3A_667 : vector<16x1xi32> to vector<16xi32>
      %gather3A_669 = tpu.dynamic_gather %select_n3A_660[%gather3A_668] in [0] : vector<16xf32>, vector<16xi32> -> vector<16xf32>
      %gt3A_670 = arith.cmpf ogt, %gather3A_666, %select_n3A_659 : vector<16xf32>
      %select_n3A_671 = arith.select %gt3A_670, %broadcast_in_dim3A_4, %broadcast_in_dim3A_6 : vector<16xi1>, vector<16xf32>
      %eq3A_672 = arith.cmpf oeq, %gather3A_666, %select_n3A_659 : vector<16xf32>
      %select_n3A_673 = arith.select %eq3A_672, %broadcast_in_dim3A_4, %broadcast_in_dim3A_6 : vector<16xi1>, vector<16xf32>
      %lt3A_674 = arith.cmpf olt, %gather3A_669, %select_n3A_660 : vector<16xf32>
      %select_n3A_675 = arith.select %lt3A_674, %broadcast_in_dim3A_4, %broadcast_in_dim3A_6 : vector<16xi1>, vector<16xf32>
      %mul3A_676 = arith.mulf %select_n3A_673, %select_n3A_675 : vector<16xf32>
      %add3A_677 = arith.addf %select_n3A_671, %mul3A_676 : vector<16xf32>
      %gt3A_678 = arith.cmpf ogt, %add3A_677, %broadcast_in_dim3A_6 : vector<16xf32>
      %select_n3A_679 = arith.select %gt3A_678, %gather3A_666, %select_n3A_659 : vector<16xi1>, vector<16xf32>
      %select_n3A_680 = arith.select %gt3A_678, %gather3A_669, %select_n3A_660 : vector<16xi1>, vector<16xf32>
      %xor3A_681 = arith.constant 4 : i32
      %xor3A_682 = vector.broadcast %xor3A_681 : i32 to vector<16xi32>
      %xor3A_683 = arith.xori %iota3A, %xor3A_682 : vector<16xi32>
      %broadcast_in_dim3A_684 = vector.shape_cast %xor3A_683 : vector<16xi32> to vector<16x1xi32>
      %gather3A_685 = vector.shape_cast %broadcast_in_dim3A_684 : vector<16x1xi32> to vector<16xi32>
      %gather3A_686 = tpu.dynamic_gather %select_n3A_679[%gather3A_685] in [0] : vector<16xf32>, vector<16xi32> -> vector<16xf32>
      %broadcast_in_dim3A_687 = vector.shape_cast %xor3A_683 : vector<16xi32> to vector<16x1xi32>
      %gather3A_688 = vector.shape_cast %broadcast_in_dim3A_687 : vector<16x1xi32> to vector<16xi32>
      %gather3A_689 = tpu.dynamic_gather %select_n3A_680[%gather3A_688] in [0] : vector<16xf32>, vector<16xi32> -> vector<16xf32>
      %gt3A_690 = arith.cmpf ogt, %gather3A_686, %select_n3A_679 : vector<16xf32>
      %select_n3A_691 = arith.select %gt3A_690, %broadcast_in_dim3A_4, %broadcast_in_dim3A_6 : vector<16xi1>, vector<16xf32>
      %eq3A_692 = arith.cmpf oeq, %gather3A_686, %select_n3A_679 : vector<16xf32>
      %select_n3A_693 = arith.select %eq3A_692, %broadcast_in_dim3A_4, %broadcast_in_dim3A_6 : vector<16xi1>, vector<16xf32>
      %lt3A_694 = arith.cmpf olt, %gather3A_689, %select_n3A_680 : vector<16xf32>
      %select_n3A_695 = arith.select %lt3A_694, %broadcast_in_dim3A_4, %broadcast_in_dim3A_6 : vector<16xi1>, vector<16xf32>
      %mul3A_696 = arith.mulf %select_n3A_693, %select_n3A_695 : vector<16xf32>
      %add3A_697 = arith.addf %select_n3A_691, %mul3A_696 : vector<16xf32>
      %gt3A_698 = arith.cmpf ogt, %add3A_697, %broadcast_in_dim3A_6 : vector<16xf32>
      %select_n3A_699 = arith.select %gt3A_698, %gather3A_686, %select_n3A_679 : vector<16xi1>, vector<16xf32>
      %select_n3A_700 = arith.select %gt3A_698, %gather3A_689, %select_n3A_680 : vector<16xi1>, vector<16xf32>
      %xor3A_701 = arith.constant 8 : i32
      %xor3A_702 = vector.broadcast %xor3A_701 : i32 to vector<16xi32>
      %xor3A_703 = arith.xori %iota3A, %xor3A_702 : vector<16xi32>
      %broadcast_in_dim3A_704 = vector.shape_cast %xor3A_703 : vector<16xi32> to vector<16x1xi32>
      %gather3A_705 = vector.shape_cast %broadcast_in_dim3A_704 : vector<16x1xi32> to vector<16xi32>
      %gather3A_706 = tpu.dynamic_gather %select_n3A_699[%gather3A_705] in [0] : vector<16xf32>, vector<16xi32> -> vector<16xf32>
      %broadcast_in_dim3A_707 = vector.shape_cast %xor3A_703 : vector<16xi32> to vector<16x1xi32>
      %gather3A_708 = vector.shape_cast %broadcast_in_dim3A_707 : vector<16x1xi32> to vector<16xi32>
      %gather3A_709 = tpu.dynamic_gather %select_n3A_700[%gather3A_708] in [0] : vector<16xf32>, vector<16xi32> -> vector<16xf32>
      %gt3A_710 = arith.cmpf ogt, %gather3A_706, %select_n3A_699 : vector<16xf32>
      %select_n3A_711 = arith.select %gt3A_710, %broadcast_in_dim3A_4, %broadcast_in_dim3A_6 : vector<16xi1>, vector<16xf32>
      %eq3A_712 = arith.cmpf oeq, %gather3A_706, %select_n3A_699 : vector<16xf32>
      %select_n3A_713 = arith.select %eq3A_712, %broadcast_in_dim3A_4, %broadcast_in_dim3A_6 : vector<16xi1>, vector<16xf32>
      %lt3A_714 = arith.cmpf olt, %gather3A_709, %select_n3A_700 : vector<16xf32>
      %select_n3A_715 = arith.select %lt3A_714, %broadcast_in_dim3A_4, %broadcast_in_dim3A_6 : vector<16xi1>, vector<16xf32>
      %mul3A_716 = arith.mulf %select_n3A_713, %select_n3A_715 : vector<16xf32>
      %add3A_717 = arith.addf %select_n3A_711, %mul3A_716 : vector<16xf32>
      %gt3A_718 = arith.cmpf ogt, %add3A_717, %broadcast_in_dim3A_6 : vector<16xf32>
      %select_n3A_719 = arith.select %gt3A_718, %gather3A_706, %select_n3A_699 : vector<16xi1>, vector<16xf32>
      %select_n3A_720 = arith.select %gt3A_718, %gather3A_709, %select_n3A_700 : vector<16xi1>, vector<16xf32>
      %eq3A_721 = arith.constant 6 : i32
      %eq3A_722 = arith.cmpi eq, %add3A, %eq3A_721 : i32
      %convert_element_type3A_723 = arith.extui %eq3A_722 : i1 to i32
      %convert_element_type3A_724 = arith.sitofp %convert_element_type3A_723 : i32 to f32
      %broadcast_in_dim3A_725 = vector.broadcast %convert_element_type3A_724 : f32 to vector<16xf32>
      %mul3A_726 = arith.mulf %broadcast_in_dim3A_725, %select_n3A_720 : vector<16xf32>
      %sub3A_727 = arith.subf %broadcast_in_dim3A_4, %broadcast_in_dim3A_725 : vector<16xf32>
      %mul3A_728 = arith.mulf %sub3A_727, %add3A_625 : vector<16xf32>
      %add3A_729 = arith.addf %mul3A_726, %mul3A_728 : vector<16xf32>
      %mul3A_730 = arith.mulf %broadcast_in_dim3A_725, %select_n3A_719 : vector<16xf32>
      %sub3A_731 = arith.subf %broadcast_in_dim3A_4, %broadcast_in_dim3A_725 : vector<16xf32>
      %mul3A_732 = arith.mulf %sub3A_731, %add3A_629 : vector<16xf32>
      %add3A_733 = arith.addf %mul3A_730, %mul3A_732 : vector<16xf32>
      %broadcast_in_dim3A_734 = arith.constant 0xFF800000 : f32
      %broadcast_in_dim3A_735 = vector.broadcast %broadcast_in_dim3A_734 : f32 to vector<16xf32>
      %broadcast_in_dim3A_736 = arith.constant 0.000000e+00 : f32
      %broadcast_in_dim3A_737 = vector.broadcast %broadcast_in_dim3A_736 : f32 to vector<16xf32>
      %scan3A_738 = arith.constant 0xFF800000 : f32
      %scan3A_739 = arith.constant 0 : i32
      %scan3A_740 = arith.constant 256 : i32
      %scan3A_741 = arith.addi %scan3A_739, %scan3A_740 : i32
      %scan3A_742 = arith.constant 8 : i32
      %scan3A_743:2 = scf.for %scan3A_864 = %scan3A_739 to %scan3A_741 step %scan3A_742 iter_args(%scan3A_865 = %broadcast_in_dim3A_735, %scan3A_866 = %broadcast_in_dim3A_737) -> (vector<16xf32>, vector<16xf32>)  : i32 {
        %mul3A_867 = arith.constant 16 : i32
        %mul3A_868 = arith.muli %scan3A_864, %mul3A_867 : i32
        %mul3A_869 = arith.constant 16 : i32
        %mul3A_870 = arith.muli %scan3A_864, %mul3A_869 : i32
        %convert_element_type3A_871 = arith.sitofp %mul3A_870 : i32 to f32
        %add3A_872 = vector.broadcast %convert_element_type3A_871 : f32 to vector<16xf32>
        %add3A_873 = arith.addf %add3A_872, %convert_element_type3A_3 : vector<16xf32>
        %eq3A_874 = arith.cmpf oeq, %add3A_873, %select_n3A_720 : vector<16xf32>
        %get3A = arith.index_cast %mul3A_868 : i32 to index
        %get3A_875 = tpu.vector_load %arg5[%get3A] {strides = array<i32>} : memref<4096xf32, #tpu.memory_space<vmem>>, vector<16xf32>,
        %get3A_876 = vector.shape_cast %get3A_875 : vector<16xf32> to vector<16xf32>
        %broadcast_in_dim3A_877 = vector.broadcast %scan3A_738 : f32 to vector<16xf32>
        %select_n3A_878 = arith.select %eq3A_874, %broadcast_in_dim3A_877, %get3A_876 : vector<16xi1>, vector<16xf32>
        %swap3A_879 = arith.index_cast %mul3A_868 : i32 to index
        %swap3A_880 = tpu.vector_load %arg5[%swap3A_879] {strides = array<i32>} : memref<4096xf32, #tpu.memory_space<vmem>>, vector<16xf32>,
        %swap3A_881 = vector.shape_cast %swap3A_880 : vector<16xf32> to vector<16xf32>
        %swap3A_882 = vector.shape_cast %select_n3A_878 : vector<16xf32> to vector<16xf32>
        tpu.vector_store %arg5[%swap3A_879], %swap3A_882 {strides = array<i32>} : memref<4096xf32, #tpu.memory_space<vmem>>, vector<16xf32>,
        %gt3A_883 = arith.cmpf ogt, %select_n3A_878, %scan3A_865 : vector<16xf32>
        %select_n3A_884 = arith.select %gt3A_883, %select_n3A_878, %scan3A_865 : vector<16xi1>, vector<16xf32>
        %select_n3A_885 = arith.select %gt3A_883, %add3A_873, %scan3A_866 : vector<16xi1>, vector<16xf32>
        %scan3A_886 = arith.constant 1 : i32
        %scan3A_887 = arith.addi %scan3A_864, %scan3A_886 : i32
        %mul3A_888 = arith.constant 16 : i32
        %mul3A_889 = arith.muli %scan3A_887, %mul3A_888 : i32
        %mul3A_890 = arith.constant 16 : i32
        %mul3A_891 = arith.muli %scan3A_887, %mul3A_890 : i32
        %convert_element_type3A_892 = arith.sitofp %mul3A_891 : i32 to f32
        %add3A_893 = vector.broadcast %convert_element_type3A_892 : f32 to vector<16xf32>
        %add3A_894 = arith.addf %add3A_893, %convert_element_type3A_3 : vector<16xf32>
        %eq3A_895 = arith.cmpf oeq, %add3A_894, %select_n3A_720 : vector<16xf32>
        %get3A_896 = arith.index_cast %mul3A_889 : i32 to index
        %get3A_897 = tpu.vector_load %arg5[%get3A_896] {strides = array<i32>} : memref<4096xf32, #tpu.memory_space<vmem>>, vector<16xf32>,
        %get3A_898 = vector.shape_cast %get3A_897 : vector<16xf32> to vector<16xf32>
        %broadcast_in_dim3A_899 = vector.broadcast %scan3A_738 : f32 to vector<16xf32>
        %select_n3A_900 = arith.select %eq3A_895, %broadcast_in_dim3A_899, %get3A_898 : vector<16xi1>, vector<16xf32>
        %swap3A_901 = arith.index_cast %mul3A_889 : i32 to index
        %swap3A_902 = tpu.vector_load %arg5[%swap3A_901] {strides = array<i32>} : memref<4096xf32, #tpu.memory_space<vmem>>, vector<16xf32>,
        %swap3A_903 = vector.shape_cast %swap3A_902 : vector<16xf32> to vector<16xf32>
        %swap3A_904 = vector.shape_cast %select_n3A_900 : vector<16xf32> to vector<16xf32>
        tpu.vector_store %arg5[%swap3A_901], %swap3A_904 {strides = array<i32>} : memref<4096xf32, #tpu.memory_space<vmem>>, vector<16xf32>,
        %gt3A_905 = arith.cmpf ogt, %select_n3A_900, %select_n3A_884 : vector<16xf32>
        %select_n3A_906 = arith.select %gt3A_905, %select_n3A_900, %select_n3A_884 : vector<16xi1>, vector<16xf32>
        %select_n3A_907 = arith.select %gt3A_905, %add3A_894, %select_n3A_885 : vector<16xi1>, vector<16xf32>
        %scan3A_908 = arith.constant 2 : i32
        %scan3A_909 = arith.addi %scan3A_864, %scan3A_908 : i32
        %mul3A_910 = arith.constant 16 : i32
        %mul3A_911 = arith.muli %scan3A_909, %mul3A_910 : i32
        %mul3A_912 = arith.constant 16 : i32
        %mul3A_913 = arith.muli %scan3A_909, %mul3A_912 : i32
        %convert_element_type3A_914 = arith.sitofp %mul3A_913 : i32 to f32
        %add3A_915 = vector.broadcast %convert_element_type3A_914 : f32 to vector<16xf32>
        %add3A_916 = arith.addf %add3A_915, %convert_element_type3A_3 : vector<16xf32>
        %eq3A_917 = arith.cmpf oeq, %add3A_916, %select_n3A_720 : vector<16xf32>
        %get3A_918 = arith.index_cast %mul3A_911 : i32 to index
        %get3A_919 = tpu.vector_load %arg5[%get3A_918] {strides = array<i32>} : memref<4096xf32, #tpu.memory_space<vmem>>, vector<16xf32>,
        %get3A_920 = vector.shape_cast %get3A_919 : vector<16xf32> to vector<16xf32>
        %broadcast_in_dim3A_921 = vector.broadcast %scan3A_738 : f32 to vector<16xf32>
        %select_n3A_922 = arith.select %eq3A_917, %broadcast_in_dim3A_921, %get3A_920 : vector<16xi1>, vector<16xf32>
        %swap3A_923 = arith.index_cast %mul3A_911 : i32 to index
        %swap3A_924 = tpu.vector_load %arg5[%swap3A_923] {strides = array<i32>} : memref<4096xf32, #tpu.memory_space<vmem>>, vector<16xf32>,
        %swap3A_925 = vector.shape_cast %swap3A_924 : vector<16xf32> to vector<16xf32>
        %swap3A_926 = vector.shape_cast %select_n3A_922 : vector<16xf32> to vector<16xf32>
        tpu.vector_store %arg5[%swap3A_923], %swap3A_926 {strides = array<i32>} : memref<4096xf32, #tpu.memory_space<vmem>>, vector<16xf32>,
        %gt3A_927 = arith.cmpf ogt, %select_n3A_922, %select_n3A_906 : vector<16xf32>
        %select_n3A_928 = arith.select %gt3A_927, %select_n3A_922, %select_n3A_906 : vector<16xi1>, vector<16xf32>
        %select_n3A_929 = arith.select %gt3A_927, %add3A_916, %select_n3A_907 : vector<16xi1>, vector<16xf32>
        %scan3A_930 = arith.constant 3 : i32
        %scan3A_931 = arith.addi %scan3A_864, %scan3A_930 : i32
        %mul3A_932 = arith.constant 16 : i32
        %mul3A_933 = arith.muli %scan3A_931, %mul3A_932 : i32
        %mul3A_934 = arith.constant 16 : i32
        %mul3A_935 = arith.muli %scan3A_931, %mul3A_934 : i32
        %convert_element_type3A_936 = arith.sitofp %mul3A_935 : i32 to f32
        %add3A_937 = vector.broadcast %convert_element_type3A_936 : f32 to vector<16xf32>
        %add3A_938 = arith.addf %add3A_937, %convert_element_type3A_3 : vector<16xf32>
        %eq3A_939 = arith.cmpf oeq, %add3A_938, %select_n3A_720 : vector<16xf32>
        %get3A_940 = arith.index_cast %mul3A_933 : i32 to index
        %get3A_941 = tpu.vector_load %arg5[%get3A_940] {strides = array<i32>} : memref<4096xf32, #tpu.memory_space<vmem>>, vector<16xf32>,
        %get3A_942 = vector.shape_cast %get3A_941 : vector<16xf32> to vector<16xf32>
        %broadcast_in_dim3A_943 = vector.broadcast %scan3A_738 : f32 to vector<16xf32>
        %select_n3A_944 = arith.select %eq3A_939, %broadcast_in_dim3A_943, %get3A_942 : vector<16xi1>, vector<16xf32>
        %swap3A_945 = arith.index_cast %mul3A_933 : i32 to index
        %swap3A_946 = tpu.vector_load %arg5[%swap3A_945] {strides = array<i32>} : memref<4096xf32, #tpu.memory_space<vmem>>, vector<16xf32>,
        %swap3A_947 = vector.shape_cast %swap3A_946 : vector<16xf32> to vector<16xf32>
        %swap3A_948 = vector.shape_cast %select_n3A_944 : vector<16xf32> to vector<16xf32>
        tpu.vector_store %arg5[%swap3A_945], %swap3A_948 {strides = array<i32>} : memref<4096xf32, #tpu.memory_space<vmem>>, vector<16xf32>,
        %gt3A_949 = arith.cmpf ogt, %select_n3A_944, %select_n3A_928 : vector<16xf32>
        %select_n3A_950 = arith.select %gt3A_949, %select_n3A_944, %select_n3A_928 : vector<16xi1>, vector<16xf32>
        %select_n3A_951 = arith.select %gt3A_949, %add3A_938, %select_n3A_929 : vector<16xi1>, vector<16xf32>
        %scan3A_952 = arith.constant 4 : i32
        %scan3A_953 = arith.addi %scan3A_864, %scan3A_952 : i32
        %mul3A_954 = arith.constant 16 : i32
        %mul3A_955 = arith.muli %scan3A_953, %mul3A_954 : i32
        %mul3A_956 = arith.constant 16 : i32
        %mul3A_957 = arith.muli %scan3A_953, %mul3A_956 : i32
        %convert_element_type3A_958 = arith.sitofp %mul3A_957 : i32 to f32
        %add3A_959 = vector.broadcast %convert_element_type3A_958 : f32 to vector<16xf32>
        %add3A_960 = arith.addf %add3A_959, %convert_element_type3A_3 : vector<16xf32>
        %eq3A_961 = arith.cmpf oeq, %add3A_960, %select_n3A_720 : vector<16xf32>
        %get3A_962 = arith.index_cast %mul3A_955 : i32 to index
        %get3A_963 = tpu.vector_load %arg5[%get3A_962] {strides = array<i32>} : memref<4096xf32, #tpu.memory_space<vmem>>, vector<16xf32>,
        %get3A_964 = vector.shape_cast %get3A_963 : vector<16xf32> to vector<16xf32>
        %broadcast_in_dim3A_965 = vector.broadcast %scan3A_738 : f32 to vector<16xf32>
        %select_n3A_966 = arith.select %eq3A_961, %broadcast_in_dim3A_965, %get3A_964 : vector<16xi1>, vector<16xf32>
        %swap3A_967 = arith.index_cast %mul3A_955 : i32 to index
        %swap3A_968 = tpu.vector_load %arg5[%swap3A_967] {strides = array<i32>} : memref<4096xf32, #tpu.memory_space<vmem>>, vector<16xf32>,
        %swap3A_969 = vector.shape_cast %swap3A_968 : vector<16xf32> to vector<16xf32>
        %swap3A_970 = vector.shape_cast %select_n3A_966 : vector<16xf32> to vector<16xf32>
        tpu.vector_store %arg5[%swap3A_967], %swap3A_970 {strides = array<i32>} : memref<4096xf32, #tpu.memory_space<vmem>>, vector<16xf32>,
        %gt3A_971 = arith.cmpf ogt, %select_n3A_966, %select_n3A_950 : vector<16xf32>
        %select_n3A_972 = arith.select %gt3A_971, %select_n3A_966, %select_n3A_950 : vector<16xi1>, vector<16xf32>
        %select_n3A_973 = arith.select %gt3A_971, %add3A_960, %select_n3A_951 : vector<16xi1>, vector<16xf32>
        %scan3A_974 = arith.constant 5 : i32
        %scan3A_975 = arith.addi %scan3A_864, %scan3A_974 : i32
        %mul3A_976 = arith.constant 16 : i32
        %mul3A_977 = arith.muli %scan3A_975, %mul3A_976 : i32
        %mul3A_978 = arith.constant 16 : i32
        %mul3A_979 = arith.muli %scan3A_975, %mul3A_978 : i32
        %convert_element_type3A_980 = arith.sitofp %mul3A_979 : i32 to f32
        %add3A_981 = vector.broadcast %convert_element_type3A_980 : f32 to vector<16xf32>
        %add3A_982 = arith.addf %add3A_981, %convert_element_type3A_3 : vector<16xf32>
        %eq3A_983 = arith.cmpf oeq, %add3A_982, %select_n3A_720 : vector<16xf32>
        %get3A_984 = arith.index_cast %mul3A_977 : i32 to index
        %get3A_985 = tpu.vector_load %arg5[%get3A_984] {strides = array<i32>} : memref<4096xf32, #tpu.memory_space<vmem>>, vector<16xf32>,
        %get3A_986 = vector.shape_cast %get3A_985 : vector<16xf32> to vector<16xf32>
        %broadcast_in_dim3A_987 = vector.broadcast %scan3A_738 : f32 to vector<16xf32>
        %select_n3A_988 = arith.select %eq3A_983, %broadcast_in_dim3A_987, %get3A_986 : vector<16xi1>, vector<16xf32>
        %swap3A_989 = arith.index_cast %mul3A_977 : i32 to index
        %swap3A_990 = tpu.vector_load %arg5[%swap3A_989] {strides = array<i32>} : memref<4096xf32, #tpu.memory_space<vmem>>, vector<16xf32>,
        %swap3A_991 = vector.shape_cast %swap3A_990 : vector<16xf32> to vector<16xf32>
        %swap3A_992 = vector.shape_cast %select_n3A_988 : vector<16xf32> to vector<16xf32>
        tpu.vector_store %arg5[%swap3A_989], %swap3A_992 {strides = array<i32>} : memref<4096xf32, #tpu.memory_space<vmem>>, vector<16xf32>,
        %gt3A_993 = arith.cmpf ogt, %select_n3A_988, %select_n3A_972 : vector<16xf32>
        %select_n3A_994 = arith.select %gt3A_993, %select_n3A_988, %select_n3A_972 : vector<16xi1>, vector<16xf32>
        %select_n3A_995 = arith.select %gt3A_993, %add3A_982, %select_n3A_973 : vector<16xi1>, vector<16xf32>
        %scan3A_996 = arith.constant 6 : i32
        %scan3A_997 = arith.addi %scan3A_864, %scan3A_996 : i32
        %mul3A_998 = arith.constant 16 : i32
        %mul3A_999 = arith.muli %scan3A_997, %mul3A_998 : i32
        %mul3A_1000 = arith.constant 16 : i32
        %mul3A_1001 = arith.muli %scan3A_997, %mul3A_1000 : i32
        %convert_element_type3A_1002 = arith.sitofp %mul3A_1001 : i32 to f32
        %add3A_1003 = vector.broadcast %convert_element_type3A_1002 : f32 to vector<16xf32>
        %add3A_1004 = arith.addf %add3A_1003, %convert_element_type3A_3 : vector<16xf32>
        %eq3A_1005 = arith.cmpf oeq, %add3A_1004, %select_n3A_720 : vector<16xf32>
        %get3A_1006 = arith.index_cast %mul3A_999 : i32 to index
        %get3A_1007 = tpu.vector_load %arg5[%get3A_1006] {strides = array<i32>} : memref<4096xf32, #tpu.memory_space<vmem>>, vector<16xf32>,
        %get3A_1008 = vector.shape_cast %get3A_1007 : vector<16xf32> to vector<16xf32>
        %broadcast_in_dim3A_1009 = vector.broadcast %scan3A_738 : f32 to vector<16xf32>
        %select_n3A_1010 = arith.select %eq3A_1005, %broadcast_in_dim3A_1009, %get3A_1008 : vector<16xi1>, vector<16xf32>
        %swap3A_1011 = arith.index_cast %mul3A_999 : i32 to index
        %swap3A_1012 = tpu.vector_load %arg5[%swap3A_1011] {strides = array<i32>} : memref<4096xf32, #tpu.memory_space<vmem>>, vector<16xf32>,
        %swap3A_1013 = vector.shape_cast %swap3A_1012 : vector<16xf32> to vector<16xf32>
        %swap3A_1014 = vector.shape_cast %select_n3A_1010 : vector<16xf32> to vector<16xf32>
        tpu.vector_store %arg5[%swap3A_1011], %swap3A_1014 {strides = array<i32>} : memref<4096xf32, #tpu.memory_space<vmem>>, vector<16xf32>,
        %gt3A_1015 = arith.cmpf ogt, %select_n3A_1010, %select_n3A_994 : vector<16xf32>
        %select_n3A_1016 = arith.select %gt3A_1015, %select_n3A_1010, %select_n3A_994 : vector<16xi1>, vector<16xf32>
        %select_n3A_1017 = arith.select %gt3A_1015, %add3A_1004, %select_n3A_995 : vector<16xi1>, vector<16xf32>
        %scan3A_1018 = arith.constant 7 : i32
        %scan3A_1019 = arith.addi %scan3A_864, %scan3A_1018 : i32
        %mul3A_1020 = arith.constant 16 : i32
        %mul3A_1021 = arith.muli %scan3A_1019, %mul3A_1020 : i32
        %mul3A_1022 = arith.constant 16 : i32
        %mul3A_1023 = arith.muli %scan3A_1019, %mul3A_1022 : i32
        %convert_element_type3A_1024 = arith.sitofp %mul3A_1023 : i32 to f32
        %add3A_1025 = vector.broadcast %convert_element_type3A_1024 : f32 to vector<16xf32>
        %add3A_1026 = arith.addf %add3A_1025, %convert_element_type3A_3 : vector<16xf32>
        %eq3A_1027 = arith.cmpf oeq, %add3A_1026, %select_n3A_720 : vector<16xf32>
        %get3A_1028 = arith.index_cast %mul3A_1021 : i32 to index
        %get3A_1029 = tpu.vector_load %arg5[%get3A_1028] {strides = array<i32>} : memref<4096xf32, #tpu.memory_space<vmem>>, vector<16xf32>,
        %get3A_1030 = vector.shape_cast %get3A_1029 : vector<16xf32> to vector<16xf32>
        %broadcast_in_dim3A_1031 = vector.broadcast %scan3A_738 : f32 to vector<16xf32>
        %select_n3A_1032 = arith.select %eq3A_1027, %broadcast_in_dim3A_1031, %get3A_1030 : vector<16xi1>, vector<16xf32>
        %swap3A_1033 = arith.index_cast %mul3A_1021 : i32 to index
        %swap3A_1034 = tpu.vector_load %arg5[%swap3A_1033] {strides = array<i32>} : memref<4096xf32, #tpu.memory_space<vmem>>, vector<16xf32>,
        %swap3A_1035 = vector.shape_cast %swap3A_1034 : vector<16xf32> to vector<16xf32>
        %swap3A_1036 = vector.shape_cast %select_n3A_1032 : vector<16xf32> to vector<16xf32>
        tpu.vector_store %arg5[%swap3A_1033], %swap3A_1036 {strides = array<i32>} : memref<4096xf32, #tpu.memory_space<vmem>>, vector<16xf32>,
        %gt3A_1037 = arith.cmpf ogt, %select_n3A_1032, %select_n3A_1016 : vector<16xf32>
        %select_n3A_1038 = arith.select %gt3A_1037, %select_n3A_1032, %select_n3A_1016 : vector<16xi1>, vector<16xf32>
        %select_n3A_1039 = arith.select %gt3A_1037, %add3A_1026, %select_n3A_1017 : vector<16xi1>, vector<16xf32>
        scf.yield %select_n3A_1038, %select_n3A_1039 : vector<16xf32>, vector<16xf32>
      }
      %scan3A_744 = arith.constant 256 : i32
      %xor3A_745 = arith.constant 1 : i32
      %xor3A_746 = vector.broadcast %xor3A_745 : i32 to vector<16xi32>
      %xor3A_747 = arith.xori %iota3A, %xor3A_746 : vector<16xi32>
      %broadcast_in_dim3A_748 = vector.shape_cast %xor3A_747 : vector<16xi32> to vector<16x1xi32>
      %gather3A_749 = vector.shape_cast %broadcast_in_dim3A_748 : vector<16x1xi32> to vector<16xi32>
      %gather3A_750 = tpu.dynamic_gather %scan3A_743#0[%gather3A_749] in [0] : vector<16xf32>, vector<16xi32> -> vector<16xf32>
      %broadcast_in_dim3A_751 = vector.shape_cast %xor3A_747 : vector<16xi32> to vector<16x1xi32>
      %gather3A_752 = vector.shape_cast %broadcast_in_dim3A_751 : vector<16x1xi32> to vector<16xi32>
      %gather3A_753 = tpu.dynamic_gather %scan3A_743#1[%gather3A_752] in [0] : vector<16xf32>, vector<16xi32> -> vector<16xf32>
      %gt3A_754 = arith.cmpf ogt, %gather3A_750, %scan3A_743#0 : vector<16xf32>
      %select_n3A_755 = arith.select %gt3A_754, %broadcast_in_dim3A_4, %broadcast_in_dim3A_6 : vector<16xi1>, vector<16xf32>
      %eq3A_756 = arith.cmpf oeq, %gather3A_750, %scan3A_743#0 : vector<16xf32>
      %select_n3A_757 = arith.select %eq3A_756, %broadcast_in_dim3A_4, %broadcast_in_dim3A_6 : vector<16xi1>, vector<16xf32>
      %lt3A_758 = arith.cmpf olt, %gather3A_753, %scan3A_743#1 : vector<16xf32>
      %select_n3A_759 = arith.select %lt3A_758, %broadcast_in_dim3A_4, %broadcast_in_dim3A_6 : vector<16xi1>, vector<16xf32>
      %mul3A_760 = arith.mulf %select_n3A_757, %select_n3A_759 : vector<16xf32>
      %add3A_761 = arith.addf %select_n3A_755, %mul3A_760 : vector<16xf32>
      %gt3A_762 = arith.cmpf ogt, %add3A_761, %broadcast_in_dim3A_6 : vector<16xf32>
      %select_n3A_763 = arith.select %gt3A_762, %gather3A_750, %scan3A_743#0 : vector<16xi1>, vector<16xf32>
      %select_n3A_764 = arith.select %gt3A_762, %gather3A_753, %scan3A_743#1 : vector<16xi1>, vector<16xf32>
      %xor3A_765 = arith.constant 2 : i32
      %xor3A_766 = vector.broadcast %xor3A_765 : i32 to vector<16xi32>
      %xor3A_767 = arith.xori %iota3A, %xor3A_766 : vector<16xi32>
      %broadcast_in_dim3A_768 = vector.shape_cast %xor3A_767 : vector<16xi32> to vector<16x1xi32>
      %gather3A_769 = vector.shape_cast %broadcast_in_dim3A_768 : vector<16x1xi32> to vector<16xi32>
      %gather3A_770 = tpu.dynamic_gather %select_n3A_763[%gather3A_769] in [0] : vector<16xf32>, vector<16xi32> -> vector<16xf32>
      %broadcast_in_dim3A_771 = vector.shape_cast %xor3A_767 : vector<16xi32> to vector<16x1xi32>
      %gather3A_772 = vector.shape_cast %broadcast_in_dim3A_771 : vector<16x1xi32> to vector<16xi32>
      %gather3A_773 = tpu.dynamic_gather %select_n3A_764[%gather3A_772] in [0] : vector<16xf32>, vector<16xi32> -> vector<16xf32>
      %gt3A_774 = arith.cmpf ogt, %gather3A_770, %select_n3A_763 : vector<16xf32>
      %select_n3A_775 = arith.select %gt3A_774, %broadcast_in_dim3A_4, %broadcast_in_dim3A_6 : vector<16xi1>, vector<16xf32>
      %eq3A_776 = arith.cmpf oeq, %gather3A_770, %select_n3A_763 : vector<16xf32>
      %select_n3A_777 = arith.select %eq3A_776, %broadcast_in_dim3A_4, %broadcast_in_dim3A_6 : vector<16xi1>, vector<16xf32>
      %lt3A_778 = arith.cmpf olt, %gather3A_773, %select_n3A_764 : vector<16xf32>
      %select_n3A_779 = arith.select %lt3A_778, %broadcast_in_dim3A_4, %broadcast_in_dim3A_6 : vector<16xi1>, vector<16xf32>
      %mul3A_780 = arith.mulf %select_n3A_777, %select_n3A_779 : vector<16xf32>
      %add3A_781 = arith.addf %select_n3A_775, %mul3A_780 : vector<16xf32>
      %gt3A_782 = arith.cmpf ogt, %add3A_781, %broadcast_in_dim3A_6 : vector<16xf32>
      %select_n3A_783 = arith.select %gt3A_782, %gather3A_770, %select_n3A_763 : vector<16xi1>, vector<16xf32>
      %select_n3A_784 = arith.select %gt3A_782, %gather3A_773, %select_n3A_764 : vector<16xi1>, vector<16xf32>
      %xor3A_785 = arith.constant 4 : i32
      %xor3A_786 = vector.broadcast %xor3A_785 : i32 to vector<16xi32>
      %xor3A_787 = arith.xori %iota3A, %xor3A_786 : vector<16xi32>
      %broadcast_in_dim3A_788 = vector.shape_cast %xor3A_787 : vector<16xi32> to vector<16x1xi32>
      %gather3A_789 = vector.shape_cast %broadcast_in_dim3A_788 : vector<16x1xi32> to vector<16xi32>
      %gather3A_790 = tpu.dynamic_gather %select_n3A_783[%gather3A_789] in [0] : vector<16xf32>, vector<16xi32> -> vector<16xf32>
      %broadcast_in_dim3A_791 = vector.shape_cast %xor3A_787 : vector<16xi32> to vector<16x1xi32>
      %gather3A_792 = vector.shape_cast %broadcast_in_dim3A_791 : vector<16x1xi32> to vector<16xi32>
      %gather3A_793 = tpu.dynamic_gather %select_n3A_784[%gather3A_792] in [0] : vector<16xf32>, vector<16xi32> -> vector<16xf32>
      %gt3A_794 = arith.cmpf ogt, %gather3A_790, %select_n3A_783 : vector<16xf32>
      %select_n3A_795 = arith.select %gt3A_794, %broadcast_in_dim3A_4, %broadcast_in_dim3A_6 : vector<16xi1>, vector<16xf32>
      %eq3A_796 = arith.cmpf oeq, %gather3A_790, %select_n3A_783 : vector<16xf32>
      %select_n3A_797 = arith.select %eq3A_796, %broadcast_in_dim3A_4, %broadcast_in_dim3A_6 : vector<16xi1>, vector<16xf32>
      %lt3A_798 = arith.cmpf olt, %gather3A_793, %select_n3A_784 : vector<16xf32>
      %select_n3A_799 = arith.select %lt3A_798, %broadcast_in_dim3A_4, %broadcast_in_dim3A_6 : vector<16xi1>, vector<16xf32>
      %mul3A_800 = arith.mulf %select_n3A_797, %select_n3A_799 : vector<16xf32>
      %add3A_801 = arith.addf %select_n3A_795, %mul3A_800 : vector<16xf32>
      %gt3A_802 = arith.cmpf ogt, %add3A_801, %broadcast_in_dim3A_6 : vector<16xf32>
      %select_n3A_803 = arith.select %gt3A_802, %gather3A_790, %select_n3A_783 : vector<16xi1>, vector<16xf32>
      %select_n3A_804 = arith.select %gt3A_802, %gather3A_793, %select_n3A_784 : vector<16xi1>, vector<16xf32>
      %xor3A_805 = arith.constant 8 : i32
      %xor3A_806 = vector.broadcast %xor3A_805 : i32 to vector<16xi32>
      %xor3A_807 = arith.xori %iota3A, %xor3A_806 : vector<16xi32>
      %broadcast_in_dim3A_808 = vector.shape_cast %xor3A_807 : vector<16xi32> to vector<16x1xi32>
      %gather3A_809 = vector.shape_cast %broadcast_in_dim3A_808 : vector<16x1xi32> to vector<16xi32>
      %gather3A_810 = tpu.dynamic_gather %select_n3A_803[%gather3A_809] in [0] : vector<16xf32>, vector<16xi32> -> vector<16xf32>
      %broadcast_in_dim3A_811 = vector.shape_cast %xor3A_807 : vector<16xi32> to vector<16x1xi32>
      %gather3A_812 = vector.shape_cast %broadcast_in_dim3A_811 : vector<16x1xi32> to vector<16xi32>
      %gather3A_813 = tpu.dynamic_gather %select_n3A_804[%gather3A_812] in [0] : vector<16xf32>, vector<16xi32> -> vector<16xf32>
      %gt3A_814 = arith.cmpf ogt, %gather3A_810, %select_n3A_803 : vector<16xf32>
      %select_n3A_815 = arith.select %gt3A_814, %broadcast_in_dim3A_4, %broadcast_in_dim3A_6 : vector<16xi1>, vector<16xf32>
      %eq3A_816 = arith.cmpf oeq, %gather3A_810, %select_n3A_803 : vector<16xf32>
      %select_n3A_817 = arith.select %eq3A_816, %broadcast_in_dim3A_4, %broadcast_in_dim3A_6 : vector<16xi1>, vector<16xf32>
      %lt3A_818 = arith.cmpf olt, %gather3A_813, %select_n3A_804 : vector<16xf32>
      %select_n3A_819 = arith.select %lt3A_818, %broadcast_in_dim3A_4, %broadcast_in_dim3A_6 : vector<16xi1>, vector<16xf32>
      %mul3A_820 = arith.mulf %select_n3A_817, %select_n3A_819 : vector<16xf32>
      %add3A_821 = arith.addf %select_n3A_815, %mul3A_820 : vector<16xf32>
      %gt3A_822 = arith.cmpf ogt, %add3A_821, %broadcast_in_dim3A_6 : vector<16xf32>
      %select_n3A_823 = arith.select %gt3A_822, %gather3A_810, %select_n3A_803 : vector<16xi1>, vector<16xf32>
      %select_n3A_824 = arith.select %gt3A_822, %gather3A_813, %select_n3A_804 : vector<16xi1>, vector<16xf32>
      %eq3A_825 = arith.constant 7 : i32
      %eq3A_826 = arith.cmpi eq, %add3A, %eq3A_825 : i32
      %convert_element_type3A_827 = arith.extui %eq3A_826 : i1 to i32
      %convert_element_type3A_828 = arith.sitofp %convert_element_type3A_827 : i32 to f32
      %broadcast_in_dim3A_829 = vector.broadcast %convert_element_type3A_828 : f32 to vector<16xf32>
      %mul3A_830 = arith.mulf %broadcast_in_dim3A_829, %select_n3A_824 : vector<16xf32>
      %sub3A_831 = arith.subf %broadcast_in_dim3A_4, %broadcast_in_dim3A_829 : vector<16xf32>
      %mul3A_832 = arith.mulf %sub3A_831, %add3A_729 : vector<16xf32>
      %add3A_833 = arith.addf %mul3A_830, %mul3A_832 : vector<16xf32>
      %mul3A_834 = arith.mulf %broadcast_in_dim3A_829, %select_n3A_823 : vector<16xf32>
      %sub3A_835 = arith.subf %broadcast_in_dim3A_4, %broadcast_in_dim3A_829 : vector<16xf32>
      %mul3A_836 = arith.mulf %sub3A_835, %add3A_733 : vector<16xf32>
      %add3A_837 = arith.addf %mul3A_834, %mul3A_836 : vector<16xf32>
      %convert_element_type3A_838 = arith.fptosi %add3A_833 : vector<16xf32> to vector<16xi32>
      %swap3A = arith.constant 0 : index
      %swap3A_839 = tpu.vector_load %arg7[%swap3A] {strides = array<i32>} : memref<16xi32, #tpu.memory_space<vmem>>, vector<16xi32>,
      %swap3A_840 = vector.shape_cast %swap3A_839 : vector<16xi32> to vector<16xi32>
      %swap3A_841 = vector.shape_cast %convert_element_type3A_838 : vector<16xi32> to vector<16xi32>
      tpu.vector_store %arg7[%swap3A], %swap3A_841 {strides = array<i32>} : memref<16xi32, #tpu.memory_space<vmem>>, vector<16xi32>,
      %dma_start3A = arith.constant 0 : i32
      %dma_start3A_842 = tpu.memref_slice %arg7[%dma_start3A] : memref<16xi32, #tpu.memory_space<vmem>> -> memref<1xi32, #tpu.memory_space<vmem>>
      %dma_start3A_843 = arith.constant 0 : i32
      %dma_start3A_844 = arith.constant 0 : i32
      %dma_start3A_845 = tpu.memref_slice %arg2[%dma_start3A_843, %dma_start3A_844] : memref<4096x4096xf32, #tpu.memory_space<hbm>> -> memref<4096x4096xf32, #tpu.memory_space<hbm>>
      tpu.enqueue_indirect_dma source(%dma_start3A_845 : memref<4096x4096xf32, #tpu.memory_space<hbm>>) target(%arg6 : memref<1x4096xf32, #tpu.memory_space<vmem>>) offsets(%dma_start3A_842 : memref<1xi32, #tpu.memory_space<vmem>>) semaphore(%arg8 : memref<!tpu.dma_semaphore, #tpu.memory_space<semaphore_mem>>)
      %dma_wait3A = arith.constant 0 : i32
      %dma_wait3A_846 = tpu.memref_slice %arg7[%dma_wait3A] : memref<16xi32, #tpu.memory_space<vmem>> -> memref<1xi32, #tpu.memory_space<vmem>>
      %dma_wait3A_847 = arith.constant 0 : i32
      %dma_wait3A_848 = arith.constant 0 : i32
      %dma_wait3A_849 = tpu.memref_slice %arg2[%dma_wait3A_847, %dma_wait3A_848] : memref<4096x4096xf32, #tpu.memory_space<hbm>> -> memref<4096x4096xf32, #tpu.memory_space<hbm>>
      tpu.wait_indirect_dma semaphore(%arg8 : memref<!tpu.dma_semaphore, #tpu.memory_space<semaphore_mem>>) src(%dma_wait3A_849 : memref<4096x4096xf32, #tpu.memory_space<hbm>>) dst(%arg6 : memref<1x4096xf32, #tpu.memory_space<vmem>>)
      %scan3A_850 = arith.constant 0 : i32
      %scan3A_851 = arith.constant 0 : i32
      %scan3A_852 = arith.constant 256 : i32
      %scan3A_853 = arith.addi %scan3A_851, %scan3A_852 : i32
      %scan3A_854 = arith.constant 8 : i32
      scf.for %scan3A_864 = %scan3A_851 to %scan3A_853 step %scan3A_854  : i32 {
        %mul3A_865 = arith.constant 16 : i32
        %mul3A_866 = arith.muli %scan3A_864, %mul3A_865 : i32
        %get3A = arith.constant 0 : i32
        %get3A_867 = arith.index_cast %get3A : i32 to index
        %get3A_868 = arith.index_cast %mul3A_866 : i32 to index
        %get3A_869 = tpu.vector_load %arg6[%get3A_867, %get3A_868] {strides = array<i32>} : memref<1x4096xf32, #tpu.memory_space<vmem>>, vector<1x16xf32>,
        %get3A_870 = vector.shape_cast %get3A_869 : vector<1x16xf32> to vector<16xf32>
        %mul3A_871 = arith.mulf %get3A_870, %add3A_837 : vector<16xf32>
        %swap3A_872 = arith.constant 0 : i32
        %swap3A_873 = arith.index_cast %swap3A_872 : i32 to index
        %swap3A_874 = arith.index_cast %mul3A_866 : i32 to index
        %swap3A_875 = tpu.vector_load %arg6[%swap3A_873, %swap3A_874] {strides = array<i32>} : memref<1x4096xf32, #tpu.memory_space<vmem>>, vector<1x16xf32>,
        %swap3A_876 = vector.shape_cast %swap3A_875 : vector<1x16xf32> to vector<16xf32>
        %swap3A_877 = vector.shape_cast %mul3A_871 : vector<16xf32> to vector<1x16xf32>
        tpu.vector_store %arg6[%swap3A_873, %swap3A_874], %swap3A_877 {strides = array<i32>} : memref<1x4096xf32, #tpu.memory_space<vmem>>, vector<1x16xf32>,
        %scan3A_878 = arith.constant 1 : i32
        %scan3A_879 = arith.addi %scan3A_864, %scan3A_878 : i32
        %mul3A_880 = arith.constant 16 : i32
        %mul3A_881 = arith.muli %scan3A_879, %mul3A_880 : i32
        %get3A_882 = arith.constant 0 : i32
        %get3A_883 = arith.index_cast %get3A_882 : i32 to index
        %get3A_884 = arith.index_cast %mul3A_881 : i32 to index
        %get3A_885 = tpu.vector_load %arg6[%get3A_883, %get3A_884] {strides = array<i32>} : memref<1x4096xf32, #tpu.memory_space<vmem>>, vector<1x16xf32>,
        %get3A_886 = vector.shape_cast %get3A_885 : vector<1x16xf32> to vector<16xf32>
        %mul3A_887 = arith.mulf %get3A_886, %add3A_837 : vector<16xf32>
        %swap3A_888 = arith.constant 0 : i32
        %swap3A_889 = arith.index_cast %swap3A_888 : i32 to index
        %swap3A_890 = arith.index_cast %mul3A_881 : i32 to index
        %swap3A_891 = tpu.vector_load %arg6[%swap3A_889, %swap3A_890] {strides = array<i32>} : memref<1x4096xf32, #tpu.memory_space<vmem>>, vector<1x16xf32>,
        %swap3A_892 = vector.shape_cast %swap3A_891 : vector<1x16xf32> to vector<16xf32>
        %swap3A_893 = vector.shape_cast %mul3A_887 : vector<16xf32> to vector<1x16xf32>
        tpu.vector_store %arg6[%swap3A_889, %swap3A_890], %swap3A_893 {strides = array<i32>} : memref<1x4096xf32, #tpu.memory_space<vmem>>, vector<1x16xf32>,
        %scan3A_894 = arith.constant 2 : i32
        %scan3A_895 = arith.addi %scan3A_864, %scan3A_894 : i32
        %mul3A_896 = arith.constant 16 : i32
        %mul3A_897 = arith.muli %scan3A_895, %mul3A_896 : i32
        %get3A_898 = arith.constant 0 : i32
        %get3A_899 = arith.index_cast %get3A_898 : i32 to index
        %get3A_900 = arith.index_cast %mul3A_897 : i32 to index
        %get3A_901 = tpu.vector_load %arg6[%get3A_899, %get3A_900] {strides = array<i32>} : memref<1x4096xf32, #tpu.memory_space<vmem>>, vector<1x16xf32>,
        %get3A_902 = vector.shape_cast %get3A_901 : vector<1x16xf32> to vector<16xf32>
        %mul3A_903 = arith.mulf %get3A_902, %add3A_837 : vector<16xf32>
        %swap3A_904 = arith.constant 0 : i32
        %swap3A_905 = arith.index_cast %swap3A_904 : i32 to index
        %swap3A_906 = arith.index_cast %mul3A_897 : i32 to index
        %swap3A_907 = tpu.vector_load %arg6[%swap3A_905, %swap3A_906] {strides = array<i32>} : memref<1x4096xf32, #tpu.memory_space<vmem>>, vector<1x16xf32>,
        %swap3A_908 = vector.shape_cast %swap3A_907 : vector<1x16xf32> to vector<16xf32>
        %swap3A_909 = vector.shape_cast %mul3A_903 : vector<16xf32> to vector<1x16xf32>
        tpu.vector_store %arg6[%swap3A_905, %swap3A_906], %swap3A_909 {strides = array<i32>} : memref<1x4096xf32, #tpu.memory_space<vmem>>, vector<1x16xf32>,
        %scan3A_910 = arith.constant 3 : i32
        %scan3A_911 = arith.addi %scan3A_864, %scan3A_910 : i32
        %mul3A_912 = arith.constant 16 : i32
        %mul3A_913 = arith.muli %scan3A_911, %mul3A_912 : i32
        %get3A_914 = arith.constant 0 : i32
        %get3A_915 = arith.index_cast %get3A_914 : i32 to index
        %get3A_916 = arith.index_cast %mul3A_913 : i32 to index
        %get3A_917 = tpu.vector_load %arg6[%get3A_915, %get3A_916] {strides = array<i32>} : memref<1x4096xf32, #tpu.memory_space<vmem>>, vector<1x16xf32>,
        %get3A_918 = vector.shape_cast %get3A_917 : vector<1x16xf32> to vector<16xf32>
        %mul3A_919 = arith.mulf %get3A_918, %add3A_837 : vector<16xf32>
        %swap3A_920 = arith.constant 0 : i32
        %swap3A_921 = arith.index_cast %swap3A_920 : i32 to index
        %swap3A_922 = arith.index_cast %mul3A_913 : i32 to index
        %swap3A_923 = tpu.vector_load %arg6[%swap3A_921, %swap3A_922] {strides = array<i32>} : memref<1x4096xf32, #tpu.memory_space<vmem>>, vector<1x16xf32>,
        %swap3A_924 = vector.shape_cast %swap3A_923 : vector<1x16xf32> to vector<16xf32>
        %swap3A_925 = vector.shape_cast %mul3A_919 : vector<16xf32> to vector<1x16xf32>
        tpu.vector_store %arg6[%swap3A_921, %swap3A_922], %swap3A_925 {strides = array<i32>} : memref<1x4096xf32, #tpu.memory_space<vmem>>, vector<1x16xf32>,
        %scan3A_926 = arith.constant 4 : i32
        %scan3A_927 = arith.addi %scan3A_864, %scan3A_926 : i32
        %mul3A_928 = arith.constant 16 : i32
        %mul3A_929 = arith.muli %scan3A_927, %mul3A_928 : i32
        %get3A_930 = arith.constant 0 : i32
        %get3A_931 = arith.index_cast %get3A_930 : i32 to index
        %get3A_932 = arith.index_cast %mul3A_929 : i32 to index
        %get3A_933 = tpu.vector_load %arg6[%get3A_931, %get3A_932] {strides = array<i32>} : memref<1x4096xf32, #tpu.memory_space<vmem>>, vector<1x16xf32>,
        %get3A_934 = vector.shape_cast %get3A_933 : vector<1x16xf32> to vector<16xf32>
        %mul3A_935 = arith.mulf %get3A_934, %add3A_837 : vector<16xf32>
        %swap3A_936 = arith.constant 0 : i32
        %swap3A_937 = arith.index_cast %swap3A_936 : i32 to index
        %swap3A_938 = arith.index_cast %mul3A_929 : i32 to index
        %swap3A_939 = tpu.vector_load %arg6[%swap3A_937, %swap3A_938] {strides = array<i32>} : memref<1x4096xf32, #tpu.memory_space<vmem>>, vector<1x16xf32>,
        %swap3A_940 = vector.shape_cast %swap3A_939 : vector<1x16xf32> to vector<16xf32>
        %swap3A_941 = vector.shape_cast %mul3A_935 : vector<16xf32> to vector<1x16xf32>
        tpu.vector_store %arg6[%swap3A_937, %swap3A_938], %swap3A_941 {strides = array<i32>} : memref<1x4096xf32, #tpu.memory_space<vmem>>, vector<1x16xf32>,
        %scan3A_942 = arith.constant 5 : i32
        %scan3A_943 = arith.addi %scan3A_864, %scan3A_942 : i32
        %mul3A_944 = arith.constant 16 : i32
        %mul3A_945 = arith.muli %scan3A_943, %mul3A_944 : i32
        %get3A_946 = arith.constant 0 : i32
        %get3A_947 = arith.index_cast %get3A_946 : i32 to index
        %get3A_948 = arith.index_cast %mul3A_945 : i32 to index
        %get3A_949 = tpu.vector_load %arg6[%get3A_947, %get3A_948] {strides = array<i32>} : memref<1x4096xf32, #tpu.memory_space<vmem>>, vector<1x16xf32>,
        %get3A_950 = vector.shape_cast %get3A_949 : vector<1x16xf32> to vector<16xf32>
        %mul3A_951 = arith.mulf %get3A_950, %add3A_837 : vector<16xf32>
        %swap3A_952 = arith.constant 0 : i32
        %swap3A_953 = arith.index_cast %swap3A_952 : i32 to index
        %swap3A_954 = arith.index_cast %mul3A_945 : i32 to index
        %swap3A_955 = tpu.vector_load %arg6[%swap3A_953, %swap3A_954] {strides = array<i32>} : memref<1x4096xf32, #tpu.memory_space<vmem>>, vector<1x16xf32>,
        %swap3A_956 = vector.shape_cast %swap3A_955 : vector<1x16xf32> to vector<16xf32>
        %swap3A_957 = vector.shape_cast %mul3A_951 : vector<16xf32> to vector<1x16xf32>
        tpu.vector_store %arg6[%swap3A_953, %swap3A_954], %swap3A_957 {strides = array<i32>} : memref<1x4096xf32, #tpu.memory_space<vmem>>, vector<1x16xf32>,
        %scan3A_958 = arith.constant 6 : i32
        %scan3A_959 = arith.addi %scan3A_864, %scan3A_958 : i32
        %mul3A_960 = arith.constant 16 : i32
        %mul3A_961 = arith.muli %scan3A_959, %mul3A_960 : i32
        %get3A_962 = arith.constant 0 : i32
        %get3A_963 = arith.index_cast %get3A_962 : i32 to index
        %get3A_964 = arith.index_cast %mul3A_961 : i32 to index
        %get3A_965 = tpu.vector_load %arg6[%get3A_963, %get3A_964] {strides = array<i32>} : memref<1x4096xf32, #tpu.memory_space<vmem>>, vector<1x16xf32>,
        %get3A_966 = vector.shape_cast %get3A_965 : vector<1x16xf32> to vector<16xf32>
        %mul3A_967 = arith.mulf %get3A_966, %add3A_837 : vector<16xf32>
        %swap3A_968 = arith.constant 0 : i32
        %swap3A_969 = arith.index_cast %swap3A_968 : i32 to index
        %swap3A_970 = arith.index_cast %mul3A_961 : i32 to index
        %swap3A_971 = tpu.vector_load %arg6[%swap3A_969, %swap3A_970] {strides = array<i32>} : memref<1x4096xf32, #tpu.memory_space<vmem>>, vector<1x16xf32>,
        %swap3A_972 = vector.shape_cast %swap3A_971 : vector<1x16xf32> to vector<16xf32>
        %swap3A_973 = vector.shape_cast %mul3A_967 : vector<16xf32> to vector<1x16xf32>
        tpu.vector_store %arg6[%swap3A_969, %swap3A_970], %swap3A_973 {strides = array<i32>} : memref<1x4096xf32, #tpu.memory_space<vmem>>, vector<1x16xf32>,
        %scan3A_974 = arith.constant 7 : i32
        %scan3A_975 = arith.addi %scan3A_864, %scan3A_974 : i32
        %mul3A_976 = arith.constant 16 : i32
        %mul3A_977 = arith.muli %scan3A_975, %mul3A_976 : i32
        %get3A_978 = arith.constant 0 : i32
        %get3A_979 = arith.index_cast %get3A_978 : i32 to index
        %get3A_980 = arith.index_cast %mul3A_977 : i32 to index
        %get3A_981 = tpu.vector_load %arg6[%get3A_979, %get3A_980] {strides = array<i32>} : memref<1x4096xf32, #tpu.memory_space<vmem>>, vector<1x16xf32>,
        %get3A_982 = vector.shape_cast %get3A_981 : vector<1x16xf32> to vector<16xf32>
        %mul3A_983 = arith.mulf %get3A_982, %add3A_837 : vector<16xf32>
        %swap3A_984 = arith.constant 0 : i32
        %swap3A_985 = arith.index_cast %swap3A_984 : i32 to index
        %swap3A_986 = arith.index_cast %mul3A_977 : i32 to index
        %swap3A_987 = tpu.vector_load %arg6[%swap3A_985, %swap3A_986] {strides = array<i32>} : memref<1x4096xf32, #tpu.memory_space<vmem>>, vector<1x16xf32>,
        %swap3A_988 = vector.shape_cast %swap3A_987 : vector<1x16xf32> to vector<16xf32>
        %swap3A_989 = vector.shape_cast %mul3A_983 : vector<16xf32> to vector<1x16xf32>
        tpu.vector_store %arg6[%swap3A_985, %swap3A_986], %swap3A_989 {strides = array<i32>} : memref<1x4096xf32, #tpu.memory_space<vmem>>, vector<1x16xf32>,
      }
      %scan3A_855 = arith.constant 256 : i32
      %dma_start3A_856 = arith.constant 0 : i32
      %dma_start3A_857 = tpu.memref_slice %arg4[%add3A, %dma_start3A_856] : memref<8x4096xf32, #tpu.memory_space<hbm>> -> memref<1x4096xf32, #tpu.memory_space<hbm>>
      %dma_start3A_858 = arith.constant 0 : i32
      %dma_start3A_859 = tpu.memref_slice %arg4[%add3A, %dma_start3A_858] : memref<8x4096xf32, #tpu.memory_space<hbm>> -> memref<1x4096xf32, #tpu.memory_space<hbm>>
      tpu.enqueue_dma source(%arg6 : memref<1x4096xf32, #tpu.memory_space<vmem>>) target(%dma_start3A_859 : memref<1x4096xf32, #tpu.memory_space<hbm>>) target_semaphore(%arg9 : memref<!tpu.dma_semaphore, #tpu.memory_space<semaphore_mem>>)
      %dma_wait3A_860 = arith.constant 0 : i32
      %dma_wait3A_861 = tpu.memref_slice %arg4[%add3A, %dma_wait3A_860] : memref<8x4096xf32, #tpu.memory_space<hbm>> -> memref<1x4096xf32, #tpu.memory_space<hbm>>
      %dma_wait3A_862 = arith.constant 0 : i32
      %dma_wait3A_863 = tpu.memref_slice %arg4[%add3A, %dma_wait3A_862] : memref<8x4096xf32, #tpu.memory_space<hbm>> -> memref<1x4096xf32, #tpu.memory_space<hbm>>
      tpu.wait_dma2 semaphore(%arg9 : memref<!tpu.dma_semaphore, #tpu.memory_space<semaphore_mem>>) src(%arg6 : memref<1x4096xf32, #tpu.memory_space<vmem>>) dst(%dma_wait3A_863 : memref<1x4096xf32, #tpu.memory_space<hbm>>)
    } else {
    }
    return
  }
}

module attributes {stable_mosaic.version = 14 : i64} {
  func.func @_tc_broadcast_body(%arg0: i32, %arg1: memref<1x1x4096xf32, #tpu.memory_space<vmem>>, %arg2: memref<256x4096xf32, #tpu.memory_space<vmem>>) attributes {dimension_semantics = [#tpu.dimension_semantics<arbitrary>], iteration_bounds = array<i64: 16>, scalar_prefetch = 0 : i64, scratch_operands = 0 : i64, tpu.core_type = #tpu.core_type<tc>, window_params = [{transform_indices = @transform_0, window_bounds = array<i64: 1, 1, 4096>}, {transform_indices = @transform_1, window_bounds = array<i64: 256, 4096>}]} {
    %get3A = arith.constant 0 : index
    %get3A_0 = arith.constant 0 : index
    %get3A_1 = arith.constant 0 : index
    %get3A_2 = vector.load %arg1[%get3A, %get3A_0, %get3A_1] : memref<1x1x4096xf32, #tpu.memory_space<vmem>>, vector<1x1x4096xf32>
    %get3A_3 = vector.shape_cast %get3A_2 : vector<1x1x4096xf32> to vector<1x4096xf32>
    %broadcast_in_dim3A = vector.shape_cast %get3A_3 : vector<1x4096xf32> to vector<1x4096xf32>
    %broadcast_in_dim3A_4 = vector.broadcast %broadcast_in_dim3A : vector<1x4096xf32> to vector<256x4096xf32>
    %swap3A = arith.constant 0 : index
    %swap3A_5 = arith.constant 0 : index
    %swap3A_6 = vector.load %arg2[%swap3A, %swap3A_5] : memref<256x4096xf32, #tpu.memory_space<vmem>>, vector<256x4096xf32>
    tpu.vector_store %arg2[%swap3A, %swap3A_5], %broadcast_in_dim3A_4 {strides = array<i32>} : memref<256x4096xf32, #tpu.memory_space<vmem>>, vector<256x4096xf32>,
    return
  }
  func.func @transform_0(%arg0: i32) -> (i32, i32, i32) {
    %jit3A = arith.constant 2 : i32
    %div3A = arith.divsi %arg0, %jit3A : i32
    %sign3A = arith.constant 0 : i32
    %sign3A_0 = arith.cmpi sgt, %arg0, %sign3A : i32
    %sign3A_1 = arith.extui %sign3A_0 : i1 to i32
    %sign3A_2 = arith.constant 0 : i32
    %sign3A_3 = arith.cmpi slt, %arg0, %sign3A_2 : i32
    %sign3A_4 = arith.extui %sign3A_3 : i1 to i32
    %sign3A_5 = arith.subi %sign3A_1, %sign3A_4 : i32
    %sign3A_6 = arith.constant 0 : i32
    %sign3A_7 = arith.cmpi sgt, %jit3A, %sign3A_6 : i32
    %sign3A_8 = arith.extui %sign3A_7 : i1 to i32
    %sign3A_9 = arith.constant 0 : i32
    %sign3A_10 = arith.cmpi slt, %jit3A, %sign3A_9 : i32
    %sign3A_11 = arith.extui %sign3A_10 : i1 to i32
    %sign3A_12 = arith.subi %sign3A_8, %sign3A_11 : i32
    %ne3A = arith.cmpi ne, %sign3A_5, %sign3A_12 : i32
    %rem3A = arith.remsi %arg0, %jit3A : i32
    %ne3A_13 = arith.constant 0 : i32
    %ne3A_14 = arith.cmpi ne, %rem3A, %ne3A_13 : i32
    %and3A = arith.andi %ne3A, %ne3A_14 : i1
    %sub3A = arith.constant 1 : i32
    %sub3A_15 = arith.subi %div3A, %sub3A : i32
    %select_n3A = arith.select %and3A, %sub3A_15, %div3A : i32
    %c0_i32 = arith.constant 0 : i32
    %c0_i32_16 = arith.constant 0 : i32
    %c0_i32_17 = arith.constant 0 : i32
    return %select_n3A, %c0_i32, %c0_i32_16 : i32, i32, i32
  }
  func.func @transform_1(%arg0: i32) -> (i32, i32) {
    %c0_i32 = arith.constant 0 : i32
    %c0_i32_0 = arith.constant 0 : i32
    return %arg0, %c0_i32 : i32, i32
  }
}

</mosaic_0001>

<sc_bundles>
// kernel: kernel.4.cloned.1.call-start
scs
__scs_entry_jumppad:
0x0: {  	(pc) =	sbr.rel $0x88, $3  }
0x1: {  	(tag) =	ssettag $0x0;
	lr =	simm.s32 $0x1  }
0x2: {  	[smem:$0x3F9F] =	sst lr;
	_ =	strace $0xD0000000  }
0x3: {  	_ = 	snop  }
0x4: {  	_ = 	snop  }
0x5: {  	_ = 	snop  }
0x6: {  	_ = 	snop  }
0x7: {  	_ = 	snop  }
__scs_overlays_trampoline_lowered:
0x8: {  	[smem:$0x3FAE] =	sst s0  }
0x9: {  	[smem:$0x3FAF] =	sst s1  }
0xa: {  	[smem:$0x3FB0] =	sst s2  }
0xb: {  	[smem:$0x3FB1] =	sst s3  }
0xc: {  	[smem:$0x3FB2] =	sst s4  }
0xd: {  	[smem:$0x3FB3] =	sst s5  }
0xe: {  	[smem:$0x3FB4] =	sst s6  }
0xf: {  	[smem:$0x3FB5] =	sst s7  }
0x10: {  	[smem:$0x3FB6] =	sst s8  }
0x11: {  	[smem:$0x3FB7] =	sst s9;
	s0 =	simm.s32 @!p0 $0x0  }
0x12: {  	s1 =	sld [smem:$0x3F9D];
	s0 =	simm.s32 @p0 $0x1  }
0x13: {  	[smem:$0x3FB8] =	sst s0;
	s0 =	simm.s32 @!p1 $0x0  }
0x14: {  	s2 =	sld [smem:$0x3F9C];
	s0 =	simm.s32 @p1 $0x1  }
0x15: {  	[smem:$0x3FB9] =	sst s0;
	s0 =	simm.s32 @!p2 $0x0  }
0x16: {  	s3 =	sld [smem:$0x3FDB];
	s0 =	simm.s32 @p2 $0x1  }
0x17: {  	s4 =	simm.s32 $0x1BF5;
	[smem:$0x3FBB] =	sst s0  }
0x18: {  	s0 =	sld [smem:$0x3F9E];
	_ =	swait.ge [sflag:s4], $0x0  }
0x19: {  	s7 =	sld [smem:$0x3F9F]  }
0x1a: {  	s8 =	sadd.s32 $0xFFFFE003, lr  }
0x1b: {  	s9 =	sadd.s32 $0xFFFFFEF7, lr;
	s5 =	simm.s32 $0xFFFFFFFF;
	p2 =	slt.u32 s8, $0xFFFFF086  }
0x1c: {  	p1 =	slt.u32 s9, $0xF7A;
	s5 =	simm.s32 @!p2 $0x0  }
0x1d: {  	s5 =	simm.s32 @p1 $0x1;
	p0 =	seq.s32 s7, s2  }
0x1e: {  	s7 =	smul.u32 @!p0 $0xF7A, s2;
	p2 =	seq.s32 @!p0 s5, $0x0  }
0x1f: {  	s9 =	smul.u32 $0xF7A, s1;
	s8 =	simm.s32 @!p0 $0x1BF5;
	p2 =	por !p2, p0  }
0x20: {  	[sflag:s8] =	ssyncset.s32 @!p0 $0xFFFFF086;
	s6 =	sadd.s32 @!p0 s3, s7;
	s7 =	simm.s32 @!p0 $0x108  }
0x21: {  	s3 =	sadd.s32 s3, s9;
	s6 =	sadd.s32 @!p0 $0x88, s6;
	s7 =	simm.s32 @p2 $0x1082  }
0x22: {  	[simem:s7], [sflag:s8] =	dma.local @!p0 [hbm:s6], $0xF7A  }
0x23: {  	s9 =	sor.u32 $0xD0000000, s2;
	s6 =	simm.s32 $0x108;
	_ =	swait.ge @!p0 [sflag:s8], $0x0  }
0x24: {  	s3 =	sadd.s32 $0x88, s3;
	s6 =	simm.s32 @!p1 $0x1082;
	[sflag:s4] =	ssyncset.s32 $0xFFFFF086  }
0x25: {  	[simem:s6], [sflag:s4] =	dma.local [hbm:s3], $0xF7A  }
0x26: {  	[smem:$0x3F9F] =	sst s1;
	(tag) =	ssettag s2;
	_ =	strace s9  }
0x27: {  	s1 =	sld [smem:$0x3FAF]  }
0x28: {  	s2 =	sld [smem:$0x3FB0]  }
0x29: {  	s4 =	sld [smem:$0x3FB2]  }
0x2a: {  	p0 =	seq.s32 s5, $0x0;
	s5 =	sld [smem:$0x3FB3]  }
0x2b: {  	s6 =	sld [smem:$0x3FB4]  }
0x2c: {  	s7 =	sld [smem:$0x3FB5]  }
0x2d: {  	s3 =	simm.s32 $0x108;
	s8 =	sld [smem:$0x3FB6]  }
0x2e: {  	s3 =	simm.s32 @!p0 $0x1082;
	s9 =	sld [smem:$0x3FB7]  }
0x2f: {  	lr =	sadd.s32 s0, s3;
	s0 =	sld [smem:$0x3FAE]  }
0x30: {  	s3 =	sld [smem:$0x3FB1]  }
0x31: {  	[smem:$0x3FBA] =	sst s10  }
0x32: {  	s10 =	sld [smem:$0x3FB8];
	_ =	sdelay $0x3  }
0x33: {  	p0 =	seq.s32 s10, $0x1;
	s10 =	sld [smem:$0x3FBA];
	_ =	sdelay $0x3  }
0x34: {  	[smem:$0x3FBA] =	sst s10  }
0x35: {  	s10 =	sld [smem:$0x3FB9];
	_ =	sdelay $0x3  }
0x36: {  	p1 =	seq.s32 s10, $0x1;
	s10 =	sld [smem:$0x3FBA];
	_ =	sdelay $0x3  }
0x37: {  	[smem:$0x3FBA] =	sst s10  }
0x38: {  	s10 =	sld [smem:$0x3FBB]  }
0x39: {  	_ = 	snop;
	(pc) =	sbr.ind lr, $3  }
0x3a: {  	_ = 	snop  }
0x3b: {  	_ = 	snop  }
0x3c: {  	p2 =	seq.s32 s10, $0x1;
	s10 =	sld [smem:$0x3FBA]  }
0x3d: {  	_ =	shalt  }
0x3e: {  	_ =	shalt  }
0x3f: {  	_ =	shalt  }
0x40: {  	_ =	shalt  }
0x41: {  	_ =	shalt  }
0x42: {  	_ =	shalt  }
0x43: {  	_ =	shalt  }
0x44: {  	_ =	shalt  }
0x45: {  	_ =	shalt  }
0x46: {  	_ =	shalt  }
0x47: {  	_ =	shalt  }
0x48: {  	_ =	shalt  }
0x49: {  	_ =	shalt  }
0x4a: {  	_ =	shalt  }
0x4b: {  	_ =	shalt  }
0x4c: {  	_ =	shalt  }
0x4d: {  	_ =	shalt  }
0x4e: {  	_ =	shalt  }
0x4f: {  	_ =	shalt  }
0x50: {  	_ =	shalt  }
0x51: {  	_ =	shalt  }
0x52: {  	_ =	shalt  }
0x53: {  	_ =	shalt  }
0x54: {  	_ =	shalt  }
0x55: {  	_ =	shalt  }
0x56: {  	_ =	shalt  }
0x57: {  	_ =	shalt  }
0x58: {  	_ =	shalt  }
0x59: {  	_ =	shalt  }
0x5a: {  	_ =	shalt  }
0x5b: {  	_ =	shalt  }
0x5c: {  	_ =	shalt  }
0x5d: {  	_ =	shalt  }
0x5e: {  	_ =	shalt  }
0x5f: {  	_ =	shalt  }
0x60: {  	_ =	shalt  }
0x61: {  	_ =	shalt  }
0x62: {  	_ =	shalt  }
0x63: {  	_ =	shalt  }
0x64: {  	_ =	shalt  }
0x65: {  	_ =	shalt  }
0x66: {  	_ =	shalt  }
0x67: {  	_ =	shalt  }
0x68: {  	_ =	shalt  }
0x69: {  	_ =	shalt  }
0x6a: {  	_ =	shalt  }
0x6b: {  	_ =	shalt  }
0x6c: {  	_ =	shalt  }
0x6d: {  	_ =	shalt  }
0x6e: {  	_ =	shalt  }
0x6f: {  	_ =	shalt  }
0x70: {  	_ =	shalt  }
0x71: {  	_ =	shalt  }
0x72: {  	_ =	shalt  }
0x73: {  	_ =	shalt  }
0x74: {  	_ =	shalt  }
0x75: {  	_ =	shalt  }
0x76: {  	_ =	shalt  }
0x77: {  	_ =	shalt  }
0x78: {  	_ =	shalt  }
0x79: {  	_ =	shalt  }
0x7a: {  	_ =	shalt  }
0x7b: {  	_ =	shalt  }
0x7c: {  	_ =	shalt  }
0x7d: {  	_ =	shalt  }
0x7e: {  	_ =	shalt  }
0x7f: {  	_ =	shalt  }
0x80: {  	_ =	shalt  }
0x81: {  	_ =	shalt  }
0x82: {  	_ =	shalt  }
0x83: {  	_ =	shalt  }
0x84: {  	_ =	shalt  }
0x85: {  	_ =	shalt  }
0x86: {  	_ =	shalt  }
0x87: {  	_ =	shalt  }
.Lfunc_end0:
.L_simem_size_0:
called_computation_lowered:
.L_overlay_start_0:
0x88: {  	s0 =	sld [smem:$0x3FD9]  }
0x89: {  	s1 =	sld [smem:$0x3FFE];
	_ =	sdelay $0x3  }
0x8a: {  	s0 =	sadd.s32 s1, s0  }
0x8b: {  	[smem:$0x3FC6] =	sst s0  }
0x8c: {  	_ = 	snop  }
0x8d: {  	s0 =	sld [smem:$0x3FC9]  }
0x8e: {  	s17 =	sld [smem:$0x3FC8]  }
0x8f: {  	s2 =	sld [smem:$0x3FD0];
	(tm) =	ssettm $0x1  }
0x90: {  	s3 =	sld [smem:$0x3FFB];
	_ =	sdelay $0x3  }
0x91: {  	_ =	strace s3  }
0x92: {  	s3 =	sld [smem:$0x3FFC];
	_ =	sdelay $0x3  }
0x93: {  	_ =	strace s3  }
0x94: {  	s3 =	sld [smem:$0x3FFD];
	_ =	sdelay $0x3  }
0x95: {  	_ =	strace s3  }
0x96: {  	_ =	strace $0x8FFFFFFF  }
0x97: {  	s18 =	sld [smem:$0x3FDB];
	_ =	sdelay $0x1  }
0x98: {  	s4 =	simm.s32 $_scs_section_size  }
0x99: {  	s5 =	simm.s32 $_size__tile_overlayer_lowered;
	s6 =	simm.s32 $_tile_overlayer_lowered  }
0x9a: {  	s21 =	simm.s32 $0x1BFF;
	s20 =	sshll.u32 s6, $0x1;
	s3 =	sadd.s32 s4, s18  }
0x9b: {  	s7 =	simm.s32 $0x0;
	s19 =	sshll.u32 s5, $0x1;
	s5 =	sadd.s32 s20, s3  }
0x9c: {  	[timem:s7], [sflag:s21] =	dma.local [hbm:s5], s19  }
0x9d: {  	_ =	swait.ge [sflag:s21], s19  }
0x9e: {  	s4 =	ssub.s32 $0x0, s19;
	[sflag:s21] =	ssyncset.done $0x0  }
0x9f: {  	[sflag:s21] =	ssyncadd.s32 s4;
	_ =	sdelay $0x1  }
0xa0: {  	s22 =	simm.s32 $0x1B8B  }
0xa1: {  	_ =	swait.ge [sflag:s22], $0x1  }
0xa2: {  	[sflag:s22] =	ssyncset.done $0x0  }
0xa3: {  	s23 =	simm.s32 $0x1B8E;
	[sflag:s22] =	ssyncadd.s32 $0xFFFFFFFF  }
0xa4: {  	s24 =	simm.s32 $execute0_lowered;
	[smem:$0x3FD2] =	sst s23  }
0xa5: {  	s4 =	sshll.u32 s24, $0x1;
	_ =	strace $0x80000046;
	[dreg:$0x1] =	wrdreg $0xFFFFFFFF  }
0xa6: {  	s25 =	simm.s32 $_size_execute0_lowered;
	s3 =	sadd.s32 s3, s4;
	[dreg:$0x0] =	wrdreg $0x0  }
0xa7: {  	s4 =	sshll.u32 s25, $0x1;
	[dreg:$0x2] =	wrdreg s3  }
0xa8: {  	[dreg:$0x3] =	wrdreg s4  }
0xa9: {  	[dreg:$0x4] =	wrdreg $0xC0  }
0xaa: {  	_ =	task [dreg:s7], $0x5FFFF  }
0xab: {  	[dreg:$0x1] =	wrdreg $0xFFFFFFFF  }
0xac: {  	[dreg:$0x0] =	wrdreg $0x60  }
0xad: {  	[dreg:$0x2] =	wrdreg s0  }
0xae: {  	[dreg:$0x3] =	wrdreg s17  }
0xaf: {  	[dreg:$0x4] =	wrdreg s2  }
0xb0: {  	[dreg:$0x5] =	wrdreg $0x9  }
0xb1: {  	_ =	task.clear_ibuf [dreg:s7], $0x6FFFF;
	_ =	strace $0x90000046  }
0xb2: {  	s26 =	simm.s32 $0x9;
	_ =	strace $0x80000048  }
0xb3: {  	_ =	swait.ge [sflag:s26], $0x1  }
0xb4: {  	[sflag:s26] =	ssyncadd.s32 $0xFFFFFFFF  }
0xb5: {  	_ =	strace $0x90000048  }
0xb6: {  	_ =	sfence  }
0xb7: {  	s28 =	sld [smem:$0x0];
	_ =	sdelay $0x1  }
0xb8: {  	s29 =	srdreg.scid  }
0xb9: {  	s30 =	sshll.u32 s29, $0xD;
	s31 =	sshrl.u32 s29, $0x2  }
0xba: {  	s1 =	sand.u32 $0x1, s29;
	s2 =	sand.u32 $0x4000, s30;
	s0 =	sadd.s32 s31, s28  }
0xbb: {  	s1 =	sor.u32 s2, s1;
	s0 =	sshll.u32 s0, $0x11  }
0xbc: {  	s0 =	sor.u32 s0, s1  }
0xbd: {  	s0 =	sadd.s32 $0x8F2B, s0  }
0xbe: {  	[sflag:s0] =	ssyncadd.remote.s32 $0x1  }
0xbf: {  	_ =	sfence.sel $0xFFFF  }
0xc0: {  	[dreg:$0x0] =	wrdreg $0xFFFFFFFF;
	(pc) =	sbr.abs _section_cstart, $3  }
0xc1: {  	[dreg:$0x1] =	wrdreg $0xFFFFFFFF  }
0xc2: {  	_ =	task.clear_ibuf [dreg:s7], $0x2FFFF;
	_ =	strace $0x9FFFFFFF  }
0xc3: {  	(tm) =	ssettm $0x7FFFFFFF  }
tec
execute0_lowered:
.L_overlay_start_1:
0x0: {  	(tag) =	ssettag $0x1  }
0x1: {  	s1 =	stileid.u32  }
0x2: {  	p0 =	sgt.u32 s1, $0x7  }
.Ltmp0:
0x3: {  	s2 =	rddreg [dreg:$0x0];
	(pc) =	sbr.rel @p0 .LBB2_20-.Ltmp0, $4  }
0x4: {  	s4 =	rddreg [dreg:$0x1]  }
0x5: {  	s3 =	rddreg [dreg:$0x2];
	s5 =	simm.s32 $0x0  }
0x6: {  	[smem:$0x7FF] =	sst s5  }
0x7: {  	s0 =	rddreg [dreg:$0x3];
	_ =	strace $0x80000047  }
0x8: {  	v0 =	vimm.f32 $1.500000000e+01;
	vm8 =	vcmask $0x300  }
0x9: {  	vm6 =	vcmask $0x704;
	v0 =	vsel vm8, $0x0, v0  }
0xa: {  	vm0 =	vcmask $0xB08;
	v0 =	vsel vm6, $0x3F800000, v0  }
0xb: {  	[tilespmem:s5], [sflag:$0x3] =	stream.linear.gather [hbm4b:s4+s5], $0x1000, $0x38;
	v0 =	vsel vm0, $0x40000000, v0;
	vm0 =	vcmask $0xF0C;
	[tilespmem:$0x2080] =	vst v63  }
0xc: {  	s19 =	simm.s32 $0x3;
	v0 =	vsel vm0, $0x40400000, v0;
	vm0 =	vcmask $0x1310  }
0xd: {  	vm3 =	vcmask $0x1714;
	_ =	swait.ge [sflag:s19], $0x1000;
	v0 =	vsel vm0, $0x40800000, v0  }
0xe: {  	vm5 =	vcmask $0x1B18;
	[sflag:s19] =	ssyncset.done $0x0;
	v0 =	vsel vm3, $0x40A00000, v0  }
0xf: {  	vm4 =	vcmask $0x1F1C;
	s20 =	simm.s32 $0x40;
	[sflag:s19] =	ssyncadd.s32 $0xFFFFF000;
	v1 =	vsel vm5, $0x40C00000, v0  }
0x10: {  	vm7 =	vcmask $0x2320;
	v6 =	vld [tilespmem:s20+$0xFFFFFFC0];
	v1 =	vsel vm4, $0x40E00000, v1  }
0x11: {  	p0 =	seq.s32 s1, $0x0;
	s6 =	simm.f32 $1.000000000e+00;
	vm9 =	vcmask $0x2724;
	vm10 =	vcmask $0x2B28;
	v1 =	vsel vm7, $0x41000000, v1  }
0x12: {  	vm11 =	vcmask $0x2F2C;
	vm12 =	vcmask $0x3330;
	s6 =	simm.s32 @!p0 $0x0;
	v3 =	vsel vm9, $0x41100000, v1  }
0x13: {  	s5 =	simm.f32 $1.000000000e+00;
	s4 =	simm.f32 $1.000000000e+00;
	vm13 =	vcmask $0x3734;
	v0 =	vmov s6;
	v3 =	vsel vm10, $0x41200000, v3  }
0x14: {  	s7 =	simm.s32 $0x0;
	v10 =	vimm.f32 $-Inf;
	s8 =	simm.s32 $0x10;
	p0 =	seq.s32 s1, $0x1;
	v2 =	vsub.f32 $1.000000000e+00, v0;
	v4 =	vsel vm11, $0x41300000, v3  }
0x15: {  	vm14 =	vcmask $0x3B38;
	s21 =	scvt.s32.f32 s7;
	s5 =	simm.s32 @!p0 $0x0;
	p0 =	seq.s32 s1, $0x2;
	v8 =	vld [tilespmem:s20+$0xFFFFFFD0];
	vm0 =	vgt.f32 v6, v10;
	v5 =	vsel vm12, $0x41400000, v4  }
0x16: {  	s4 =	simm.s32 @!p0 $0x0;
	p0 =	seq.s32 s1, $0x3;
	v1 =	vmul.f32 $0.0e+00, v2;
	v2 =	vmov s5;
	s5 =	simm.f32 $1.000000000e+00;
	v7 =	vsel vm13, $0x41500000, v5  }
0x17: {  	v13 =	vimm.f32 $0.0e+00;
	s7 =	simm.f32 $1.000000000e+00;
	v12 =	vld [tilespmem:s20+$0xFFFFFFE0];
	v14 =	vsel vm0, v6, v10;
	s5 =	simm.s32 @!p0 $0x0;
	p0 =	seq.s32 s1, $0x4;
	v16 =	vsel vm14, $0x41600000, v7  }
0x18: {  	s23 =	simm.s32 $0x20;
	s22 =	scvt.s32.f32 s8;
	v3 =	vsub.f32 $1.000000000e+00, v2;
	s7 =	simm.s32 @!p0 $0x0;
	v4 =	vmov s4;
	v11 =	vadd.f32 s21, v16  }
0x19: {  	s24 =	scvt.s32.f32 s23;
	v15 =	vld [tilespmem:s20+$0xFFFFFFF0];
	v10 =	vmov s7;
	v5 =	vsub.f32 $1.000000000e+00, v4;
	v7 =	vmov s5  }
0x1a: {  	s25 =	simm.s32 $0x30;
	p0 =	seq.s32 s1, $0x5;
	s5 =	simm.f32 $1.000000000e+00;
	v11 =	vsel vm0, v11, v13;
	v13 =	vadd.f32 s22, v16;
	vm0 =	vgt.f32 v8, v14  }
0x1b: {  	s28 =	simm.s32 $0x40;
	s26 =	scvt.s32.f32 s25;
	v19 =	vld [tilespmem:s20+$0x0];
	v9 =	vsub.f32 $1.000000000e+00, v7;
	s5 =	simm.s32 @!p0 $0x0;
	v18 =	vadd.f32 s24, v16;
	v8 =	vsel vm0, v8, v14  }
0x1c: {  	v6 =	vmov s5;
	s5 =	scvt.s32.f32 s28;
	v13 =	vsel vm0, v13, v11;
	vm0 =	vgt.f32 v12, v8  }
0x1d: {  	s29 =	simm.s32 $0x50;
	v17 =	vld [tilespmem:s20+$0x10];
	s7 =	simm.f32 $1.000000000e+00;
	p0 =	seq.s32 s1, $0x6;
	v20 =	vsel vm0, v12, v8;
	v13 =	vsel vm0, v18, v13;
	v18 =	vadd.f32 s26, v16  }
0x1e: {  	s8 =	simm.f32 $1.000000000e+00;
	s7 =	simm.s32 @!p0 $0x0;
	p0 =	seq.s32 s1, $0x7;
	v14 =	vsub.f32 $1.000000000e+00, v10;
	v23 =	vadd.f32 s5, v16;
	vm0 =	vgt.f32 v15, v20  }
0x1f: {  	s9 =	scvt.s32.f32 s29;
	s8 =	simm.s32 @!p0 $0x0;
	v11 =	vsub.f32 $1.000000000e+00, v6;
	v20 =	vsel vm0, v15, v20;
	v21 =	vsel vm0, v18, v13;
	v18 =	vld [tilespmem:s20+$0x20]  }
0x20: {  	s30 =	sshll.u32 s1, $0x4;
	s31 =	simm.s32 $0x60;
	v12 =	vmov s7;
	v8 =	vmov s8;
	vm0 =	vgt.f32 v19, v20  }
0x21: {  	s3 =	sadd.s32 s3, s30;
	s6 =	simm.s32 $0xC0;
	s8 =	scvt.s32.f32 s31;
	v22 =	vsel vm0, v19, v20;
	v20 =	vsel vm0, v23, v21;
	v21 =	vadd.f32 s9, v16;
	v19 =	vld [tilespmem:s20+$0x30]  }
0x22: {  	s4 =	sadd.s32 $0x800, s2;
	s5 =	simm.s32 $0x70;
	s7 =	simm.s32 $0x0;
	v15 =	vsub.f32 $1.000000000e+00, v12;
	v13 =	vsub.f32 $1.000000000e+00, v8;
	vm15 =	vgt.f32 v17, v22  }
.LBB2_2:
0x23: {  	v23 =	vld [tilespmem:s6+$0xFFFFFFC0];
	s7 =	sadd.s32 $0x8, s7;
	v17 =	vsel vm15, v17, v22;
	v20 =	vsel vm15, v21, v20;
	v21 =	vadd.f32 s8, v16;
	s8 =	scvt.s32.f32 s5;
	s5 =	sadd.s32 $0x80, s5  }
0x24: {  	s9 =	sadd.s32 $0xFFFFFF90, s5;
	p0 =	slt.u32 s7, $0xF8;
	vm0 =	vgt.f32 v18, v17  }
0x25: {  	s9 =	scvt.s32.f32 s9;
	v22 =	vld [tilespmem:s6+$0xFFFFFFD0];
	v17 =	vsel vm0, v18, v17;
	v18 =	vsel vm0, v21, v20;
	v20 =	vadd.f32 s8, v16  }
0x26: {  	s8 =	sadd.s32 $0xFFFFFFA0, s5;
	vm0 =	vgt.f32 v19, v17  }
0x27: {  	s8 =	scvt.s32.f32 s8;
	v21 =	vadd.f32 s9, v16;
	v24 =	vld [tilespmem:s6+$0xFFFFFFE0];
	v17 =	vsel vm0, v19, v17;
	v18 =	vsel vm0, v20, v18  }
0x28: {  	s9 =	sadd.s32 $0xFFFFFFB0, s5;
	vm0 =	vgt.f32 v23, v17  }
0x29: {  	v19 =	vadd.f32 s8, v16;
	s8 =	scvt.s32.f32 s9;
	v17 =	vsel vm0, v23, v17;
	v18 =	vsel vm0, v21, v18;
	v20 =	vld [tilespmem:s6+$0xFFFFFFF0]  }
0x2a: {  	s9 =	sadd.s32 $0xFFFFFFC0, s5;
	vm0 =	vgt.f32 v22, v17  }
0x2b: {  	v17 =	vsel vm0, v22, v17;
	v18 =	vsel vm0, v19, v18;
	v19 =	vadd.f32 s8, v16;
	s8 =	scvt.s32.f32 s9;
	v21 =	vld [tilespmem:s6+$0x0]  }
0x2c: {  	s9 =	sadd.s32 $0xFFFFFFD0, s5;
	vm0 =	vgt.f32 v24, v17  }
0x2d: {  	v22 =	vsel vm0, v24, v17;
	v18 =	vsel vm0, v19, v18;
	v19 =	vadd.f32 s8, v16;
	s8 =	scvt.s32.f32 s9;
	v17 =	vld [tilespmem:s6+$0x10]  }
.Ltmp1:
0x2e: {  	s9 =	sadd.s32 $0xFFFFFFE0, s5;
	vm0 =	vgt.f32 v20, v22;
	(pc) =	sbr.rel @p0 .LBB2_2-.Ltmp1, $4  }
0x2f: {  	v20 =	vsel vm0, v20, v22;
	v19 =	vsel vm0, v19, v18;
	v23 =	vadd.f32 s8, v16;
	s8 =	scvt.s32.f32 s9;
	v18 =	vld [tilespmem:s6+$0x20]  }
0x30: {  	s9 =	sadd.s32 $0xFFFFFFF0, s5;
	vm0 =	vgt.f32 v21, v20  }
0x31: {  	v22 =	vsel vm0, v21, v20;
	v20 =	vsel vm0, v23, v19;
	v21 =	vadd.f32 s8, v16;
	s8 =	scvt.s32.f32 s9;
	v19 =	vld [tilespmem:s6+$0x30]  }
0x32: {  	s6 =	sadd.s32 $0x80, s6;
	vm15 =	vgt.f32 v17, v22  }
0x33: {  	v23 =	vimm.s32 $0xEFCDAB89;
	v24 =	vimm.s32 $0x67452301  }
0x34: {  	v23 =	vunpack.c.l.s4.s8 v23;
	v24 =	vunpack.c.l.s4.s8 v24  }
0x35: {  	v17 =	vsel vm15, v17, v22  }
0x36: {  	s5 =	scvt.s32.f32 s5;
	vm0 =	vgt.f32 v18, v17;
	v22 =	vunpack.c.0.s8.s32 v23;
	v23 =	vunpack.c.0.s8.s32 v24  }
0x37: {  	v20 =	vsel vm15, v21, v20;
	v21 =	vadd.f32 s8, v16;
	v17 =	vsel vm0, v18, v17  }
0x38: {  	v16 =	vadd.f32 s5, v16;
	vm15 =	vgt.f32 v19, v17;
	v18 =	vcombine.low v23, v22  }
0x39: {  	v17 =	vsel vm15, v19, v17;
	v19 =	vsel vm0, v21, v20  }
0x3a: {  	v16 =	vsel vm15, v16, v19;
	v19 =	vimm.s32 $0xDCFE98BA;
	v18 =	vand.u32 $0xF, v18  }
0x3b: {  	v22 =	vimm.s32 $0x54761032;
	v20 =	vperm.xlane v17, v18;
	v18 =	vperm.xlane v16, v18  }
0x3c: {  	v21 =	vimm.f32 $0.0e+00;
	v19 =	vunpack.c.l.s4.s8 v19;
	v22 =	vunpack.c.l.s4.s8 v22  }
0x3d: {  	vm0 =	vgt.f32 v20, v17;
	vm15 =	veq.f32 v20, v17;
	vm1 =	vlt.f32 v18, v16  }
0x3e: {  	v23 =	vsel vm0, $0x3F800000, v21;
	vm0 =	vmand vm15, vm1  }
0x3f: {  	v19 =	vunpack.c.0.s8.s32 v19;
	v22 =	vunpack.c.0.s8.s32 v22;
	v24 =	vsel vm0, $0x3F800000, v21  }
0x40: {  	v23 =	vadd.f32 v24, v23  }
0x41: {  	v19 =	vcombine.low v22, v19  }
0x42: {  	v22 =	vimm.s32 $0x32107654;
	vm0 =	vgt.f32 v23, v21  }
0x43: {  	v19 =	vand.u32 $0xF, v19;
	v17 =	vsel vm0, v20, v17;
	v16 =	vsel vm0, v18, v16  }
0x44: {  	v20 =	vperm.xlane v17, v19;
	v18 =	vperm.xlane v16, v19;
	v19 =	vimm.s32 $0xBA98FEDC  }
0x45: {  	v22 =	vunpack.c.l.s4.s8 v22;
	v19 =	vunpack.c.l.s4.s8 v19  }
0x46: {  	vm0 =	vgt.f32 v20, v17;
	vm1 =	veq.f32 v20, v17;
	vm15 =	vlt.f32 v18, v16  }
0x47: {  	v23 =	vsel vm0, $0x3F800000, v21;
	vm0 =	vmand vm1, vm15  }
0x48: {  	v22 =	vunpack.c.0.s8.s32 v22;
	v19 =	vunpack.c.0.s8.s32 v19;
	v24 =	vsel vm0, $0x3F800000, v21  }
0x49: {  	v23 =	vadd.f32 v24, v23  }
0x4a: {  	v19 =	vcombine.low v22, v19  }
0x4b: {  	vm0 =	vgt.f32 v23, v21  }
0x4c: {  	v22 =	vimm.f32 $1.500000000e+01;
	v19 =	vand.u32 $0xF, v19;
	v17 =	vsel vm0, v20, v17  }
0x4d: {  	v24 =	vimm.s32 $0x76543210;
	v18 =	vsel vm0, v18, v16;
	v20 =	vperm.xlane v17, v19  }
0x4e: {  	v22 =	vsel vm8, $0x0, v22;
	v24 =	vunpack.c.l.s4.s8 v24;
	v19 =	vperm.xlane v18, v19  }
0x4f: {  	v23 =	vimm.s32 $0xFEDCBA98;
	v22 =	vsel vm6, $0x3F800000, v22;
	vm0 =	vgt.f32 v20, v17  }
0x50: {  	vm1 =	vlt.f32 v19, v18;
	v16 =	vsel vm0, $0x3F800000, v21;
	vm0 =	veq.f32 v20, v17  }
0x51: {  	v23 =	vunpack.c.l.s4.s8 v23;
	vm0 =	vmand vm0, vm1;
	vm1 =	vcmask $0xB08  }
0x52: {  	v22 =	vsel vm1, $0x40000000, v22;
	v25 =	vsel vm0, $0x3F800000, v21;
	vm0 =	vcmask $0xF0C  }
0x53: {  	v23 =	vunpack.c.0.s8.s32 v23;
	v22 =	vsel vm0, $0x40400000, v22;
	vm0 =	vcmask $0x1310  }
0x54: {  	v24 =	vunpack.c.0.s8.s32 v24;
	v16 =	vadd.f32 v25, v16;
	v22 =	vsel vm0, $0x40800000, v22  }
0x55: {  	v23 =	vand.u32 $0xF, v23;
	v22 =	vsel vm3, $0x40A00000, v22  }
0x56: {  	v23 =	vcombine.low v23, v24;
	vm0 =	vgt.f32 v16, v21;
	v22 =	vsel vm5, $0x40C00000, v22  }
0x57: {  	v16 =	vsel vm0, v20, v17;
	v19 =	vsel vm0, v19, v18;
	v18 =	vsel vm4, $0x40E00000, v22  }
0x58: {  	v17 =	vperm.xlane v16, v23;
	v22 =	vperm.xlane v19, v23;
	v18 =	vsel vm7, $0x41000000, v18  }
0x59: {  	v18 =	vsel vm9, $0x41100000, v18  }
0x5a: {  	vm0 =	veq.f32 v17, v16;
	vm1 =	vlt.f32 v22, v19;
	v18 =	vsel vm10, $0x41200000, v18  }
0x5b: {  	vm0 =	vmand vm0, vm1;
	vm1 =	vgt.f32 v17, v16;
	v18 =	vsel vm11, $0x41300000, v18  }
0x5c: {  	s6 =	simm.s32 $0x40;
	s18 =	simm.s32 $0x0;
	v20 =	vsel vm1, $0x3F800000, v21;
	v23 =	vsel vm0, $0x3F800000, v21;
	v24 =	vsel vm12, $0x41400000, v18  }
0x5d: {  	s7 =	simm.s32 $0x10;
	s5 =	scvt.s32.f32 s18;
	v18 =	vadd.f32 v23, v20;
	v23 =	vld [tilespmem:s6+$0xFFFFFFC0];
	v20 =	vsel vm13, $0x41500000, v24  }
0x5e: {  	s19 =	scvt.s32.f32 s7;
	v25 =	vld [tilespmem:s6+$0xFFFFFFD0];
	v20 =	vsel vm14, $0x41600000, v20  }
0x5f: {  	s20 =	simm.s32 $0x20;
	vm0 =	vgt.f32 v18, v21;
	v24 =	vadd.f32 s5, v20  }
0x60: {  	s21 =	scvt.s32.f32 s20;
	v19 =	vsel vm0, v22, v19;
	v22 =	vadd.f32 s19, v20  }
0x61: {  	v27 =	vimm.f32 $-Inf;
	v26 =	vld [tilespmem:s6+$0xFFFFFFE0];
	vm0 =	veq.f32 v24, v19  }
0x62: {  	s22 =	simm.s32 $0x30;
	v28 =	vadd.f32 s21, v20;
	v23 =	vsel vm0, $0xFF800000, v23;
	vm0 =	veq.f32 v22, v19  }
0x63: {  	s24 =	simm.s32 $0x40;
	s23 =	scvt.s32.f32 s22;
	v29 =	vld [tilespmem:s6+$0xFFFFFFF0];
	v25 =	vsel vm0, $0xFF800000, v25;
	vm0 =	vgt.f32 v23, v27  }
0x64: {  	s25 =	scvt.s32.f32 s24;
	vm1 =	veq.f32 v28, v19;
	[tilespmem:s6+$0xFFFFFFC0] =	vst v23;
	v23 =	vsel vm0, v23, v27  }
0x65: {  	v30 =	vld [tilespmem:s6+$0x0];
	v27 =	vadd.f32 s23, v20;
	v24 =	vsel vm0, v24, v21;
	vm0 =	vgt.f32 v25, v23  }
0x66: {  	s26 =	simm.s32 $0x50;
	v26 =	vsel vm1, $0xFF800000, v26;
	v21 =	vadd.f32 s25, v20;
	v23 =	vsel vm0, v25, v23  }
0x67: {  	s28 =	scvt.s32.f32 s26;
	[tilespmem:s6+$0xFFFFFFD0] =	vst v25;
	vm1 =	veq.f32 v27, v19;
	v22 =	vsel vm0, v22, v24;
	v25 =	vld [tilespmem:s6+$0x10];
	vm0 =	vgt.f32 v26, v23  }
0x68: {  	s29 =	simm.s32 $0x60;
	[tilespmem:s6+$0xFFFFFFE0] =	vst v26;
	v29 =	vsel vm1, $0xFF800000, v29;
	v23 =	vsel vm0, v26, v23;
	v26 =	vsel vm0, v28, v22  }
0x69: {  	s30 =	scvt.s32.f32 s29;
	v24 =	vld [tilespmem:s6+$0x20];
	vm0 =	veq.f32 v21, v19;
	v22 =	vadd.f32 s28, v20;
	vm1 =	vgt.f32 v29, v23  }
0x6a: {  	s31 =	simm.s32 $0x70;
	s8 =	simm.s32 $0xF0;
	[tilespmem:s6+$0xFFFFFFF0] =	vst v29;
	v28 =	vsel vm0, $0xFF800000, v30;
	v29 =	vsel vm1, v29, v23;
	v27 =	vsel vm1, v27, v26  }
0x6b: {  	s7 =	simm.s32 $0x0;
	s9 =	scvt.s32.f32 s31;
	s5 =	simm.s32 $0x40;
	[tilespmem:s6+$0x0] =	vst v28;
	vm0 =	veq.f32 v22, v19;
	v23 =	vadd.f32 s30, v20;
	v26 =	vld [tilespmem:s6+$0x30];
	vm15 =	vgt.f32 v28, v29  }
.LBB2_4:
0x6c: {  	s10 =	sadd.s32 $0xFFFFFF90, s8;
	s7 =	sadd.s32 $0x8, s7;
	v28 =	vsel vm15, v28, v29;
	v21 =	vsel vm15, v21, v27;
	v25 =	vsel vm0, $0xFF800000, v25;
	s6 =	sadd.s32 $0x80, s6  }
0x6d: {  	s10 =	scvt.s32.f32 s10;
	v27 =	vld [tilespmem:s6+$0xFFFFFFC0];
	p0 =	slt.u32 s7, $0xF8;
	[tilespmem:s5+$0x10] =	vst v25;
	vm0 =	vgt.f32 v25, v28;
	vm1 =	veq.f32 v23, v19;
	v29 =	vadd.f32 s9, v20  }
0x6e: {  	s9 =	sadd.s32 $0xFFFFFFA0, s8;
	v25 =	vsel vm0, v25, v28;
	v21 =	vsel vm0, v22, v21;
	v22 =	vsel vm1, $0xFF800000, v24  }
0x6f: {  	s9 =	scvt.s32.f32 s9;
	v24 =	vadd.f32 s10, v20;
	v28 =	vld [tilespmem:s6+$0xFFFFFFD0];
	[tilespmem:s5+$0x20] =	vst v22;
	vm0 =	vgt.f32 v22, v25;
	vm1 =	veq.f32 v29, v19  }
0x70: {  	s10 =	sadd.s32 $0xFFFFFFB0, s8;
	v22 =	vsel vm0, v22, v25;
	v21 =	vsel vm0, v23, v21;
	v23 =	vsel vm1, $0xFF800000, v26  }
0x71: {  	v25 =	vadd.f32 s9, v20;
	s9 =	scvt.s32.f32 s10;
	vm0 =	veq.f32 v24, v19;
	v26 =	vld [tilespmem:s6+$0xFFFFFFE0];
	[tilespmem:s5+$0x30] =	vst v23;
	vm1 =	vgt.f32 v23, v22;
	s5 =	smov.u32 s6  }
0x72: {  	s10 =	sadd.s32 $0xFFFFFFC0, s8;
	v27 =	vsel vm0, $0xFF800000, v27;
	v22 =	vsel vm1, v23, v22;
	v21 =	vsel vm1, v29, v21  }
0x73: {  	vm1 =	veq.f32 v25, v19;
	v23 =	vadd.f32 s9, v20;
	s9 =	scvt.s32.f32 s10;
	[tilespmem:s6+$0xFFFFFFC0] =	vst v27;
	vm0 =	vgt.f32 v27, v22;
	v29 =	vld [tilespmem:s6+$0xFFFFFFF0]  }
0x74: {  	s10 =	sadd.s32 $0xFFFFFFD0, s8;
	v22 =	vsel vm0, v27, v22;
	v21 =	vsel vm0, v24, v21;
	v24 =	vsel vm1, $0xFF800000, v28  }
0x75: {  	vm1 =	veq.f32 v23, v19;
	v27 =	vadd.f32 s9, v20;
	s9 =	scvt.s32.f32 s10;
	[tilespmem:s6+$0xFFFFFFD0] =	vst v24;
	vm0 =	vgt.f32 v24, v22;
	v28 =	vld [tilespmem:s6+$0x0]  }
0x76: {  	s10 =	sadd.s32 $0xFFFFFFE0, s8;
	v22 =	vsel vm0, v24, v22;
	v24 =	vsel vm0, v25, v21;
	v26 =	vsel vm1, $0xFF800000, v26  }
.Ltmp2:
0x77: {  	vm1 =	veq.f32 v27, v19;
	v21 =	vadd.f32 s9, v20;
	s9 =	scvt.s32.f32 s10;
	[tilespmem:s6+$0xFFFFFFE0] =	vst v26;
	vm0 =	vgt.f32 v26, v22;
	v25 =	vld [tilespmem:s6+$0x10];
	(pc) =	sbr.rel @p0 .LBB2_4-.Ltmp2, $4  }
0x78: {  	s10 =	sadd.s32 $0xFFFFFFF0, s8;
	v26 =	vsel vm0, v26, v22;
	v23 =	vsel vm0, v23, v24;
	v29 =	vsel vm1, $0xFF800000, v29  }
0x79: {  	vm1 =	veq.f32 v21, v19;
	v22 =	vadd.f32 s9, v20;
	s9 =	scvt.s32.f32 s10;
	[tilespmem:s6+$0xFFFFFFF0] =	vst v29;
	vm0 =	vgt.f32 v29, v26;
	v24 =	vld [tilespmem:s6+$0x20]  }
0x7a: {  	v29 =	vsel vm0, v29, v26;
	v27 =	vsel vm0, v27, v23;
	v28 =	vsel vm1, $0xFF800000, v28  }
0x7b: {  	vm0 =	veq.f32 v22, v19;
	v23 =	vadd.f32 s9, v20;
	s9 =	scvt.s32.f32 s8;
	s8 =	sadd.s32 $0x80, s8;
	[tilespmem:s6+$0x0] =	vst v28;
	vm15 =	vgt.f32 v28, v29;
	v26 =	vld [tilespmem:s6+$0x30]  }
0x7c: {  	v28 =	vsel vm15, v28, v29;
	v25 =	vsel vm0, $0xFF800000, v25;
	v29 =	vimm.s32 $0xEFCDAB89  }
0x7d: {  	v30 =	vimm.s32 $0x67452301;
	vm0 =	vgt.f32 v25, v28;
	v29 =	vunpack.c.l.s4.s8 v29  }
0x7e: {  	v30 =	vunpack.c.l.s4.s8 v30;
	vm1 =	veq.f32 v23, v19;
	v20 =	vadd.f32 s9, v20  }
0x7f: {  	v28 =	vsel vm0, v25, v28;
	v24 =	vsel vm1, $0xFF800000, v24;
	v29 =	vunpack.c.0.s8.s32 v29  }
0x80: {  	v30 =	vunpack.c.0.s8.s32 v30;
	vm1 =	vgt.f32 v24, v28;
	vm2 =	veq.f32 v20, v19  }
0x81: {  	v21 =	vsel vm15, v21, v27;
	v26 =	vsel vm2, $0xFF800000, v26;
	v28 =	vsel vm1, v24, v28  }
0x82: {  	v21 =	vsel vm0, v22, v21;
	v29 =	vcombine.low v30, v29;
	vm2 =	vgt.f32 v26, v28  }
0x83: {  	v21 =	vsel vm1, v23, v21;
	v22 =	vsel vm2, v26, v28  }
0x84: {  	v20 =	vsel vm2, v20, v21;
	v28 =	vimm.s32 $0xDCFE98BA;
	v27 =	vand.u32 $0xF, v29  }
0x85: {  	v29 =	vimm.s32 $0x54761032;
	v23 =	vperm.xlane v22, v27;
	v21 =	vperm.xlane v20, v27  }
0x86: {  	v28 =	vunpack.c.l.s4.s8 v28;
	v27 =	vimm.f32 $0.0e+00;
	v29 =	vunpack.c.l.s4.s8 v29  }
0x87: {  	vm0 =	vgt.f32 v23, v22;
	vm1 =	veq.f32 v23, v22;
	vm2 =	vlt.f32 v21, v20  }
0x88: {  	v30 =	vsel vm0, $0x3F800000, v27;
	vm0 =	vmand vm1, vm2  }
0x89: {  	v28 =	vunpack.c.0.s8.s32 v28;
	v29 =	vunpack.c.0.s8.s32 v29;
	v31 =	vsel vm0, $0x3F800000, v27  }
0x8a: {  	v30 =	vadd.f32 v31, v30  }
0x8b: {  	v28 =	vcombine.low v29, v28  }
0x8c: {  	v29 =	vimm.s32 $0x32107654;
	vm0 =	vgt.f32 v30, v27  }
0x8d: {  	v22 =	vsel vm0, v23, v22;
	v23 =	vand.u32 $0xF, v28;
	v20 =	vsel vm0, v21, v20  }
0x8e: {  	v28 =	vperm.xlane v22, v23;
	v21 =	vperm.xlane v20, v23;
	v23 =	vimm.s32 $0xBA98FEDC  }
0x8f: {  	v29 =	vunpack.c.l.s4.s8 v29;
	v23 =	vunpack.c.l.s4.s8 v23  }
0x90: {  	vm0 =	vgt.f32 v28, v22;
	vm1 =	veq.f32 v28, v22;
	vm2 =	vlt.f32 v21, v20  }
0x91: {  	v30 =	vsel vm0, $0x3F800000, v27;
	vm0 =	vmand vm1, vm2  }
0x92: {  	v29 =	vunpack.c.0.s8.s32 v29;
	v23 =	vunpack.c.0.s8.s32 v23;
	v31 =	vsel vm0, $0x3F800000, v27  }
0x93: {  	v30 =	vadd.f32 v31, v30  }
0x94: {  	v23 =	vcombine.low v29, v23  }
0x95: {  	vm0 =	vgt.f32 v30, v27  }
0x96: {  	v29 =	vimm.f32 $1.500000000e+01;
	v23 =	vand.u32 $0xF, v23;
	v22 =	vsel vm0, v28, v22  }
0x97: {  	v31 =	vimm.s32 $0x76543210;
	v21 =	vsel vm0, v21, v20;
	v28 =	vperm.xlane v22, v23  }
0x98: {  	v29 =	vsel vm8, $0x0, v29;
	v31 =	vunpack.c.l.s4.s8 v31;
	v23 =	vperm.xlane v21, v23  }
0x99: {  	v30 =	vimm.s32 $0xFEDCBA98;
	v29 =	vsel vm6, $0x3F800000, v29;
	vm0 =	vgt.f32 v28, v22  }
0x9a: {  	vm1 =	vlt.f32 v23, v21;
	v20 =	vsel vm0, $0x3F800000, v27;
	vm0 =	veq.f32 v28, v22  }
0x9b: {  	v30 =	vunpack.c.l.s4.s8 v30;
	vm0 =	vmand vm0, vm1;
	vm1 =	vcmask $0xB08  }
0x9c: {  	v29 =	vsel vm1, $0x40000000, v29;
	v32 =	vsel vm0, $0x3F800000, v27;
	vm0 =	vcmask $0xF0C  }
0x9d: {  	v30 =	vunpack.c.0.s8.s32 v30;
	v29 =	vsel vm0, $0x40400000, v29;
	vm0 =	vcmask $0x1310  }
0x9e: {  	v31 =	vunpack.c.0.s8.s32 v31;
	v20 =	vadd.f32 v32, v20;
	v29 =	vsel vm0, $0x40800000, v29  }
0x9f: {  	v30 =	vand.u32 $0xF, v30;
	v29 =	vsel vm3, $0x40A00000, v29  }
0xa0: {  	v30 =	vcombine.low v30, v31;
	vm0 =	vgt.f32 v20, v27;
	v29 =	vsel vm5, $0x40C00000, v29  }
0xa1: {  	v20 =	vsel vm0, v28, v22;
	v23 =	vsel vm0, v23, v21;
	v22 =	vsel vm4, $0x40E00000, v29  }
0xa2: {  	v21 =	vperm.xlane v20, v30;
	v28 =	vperm.xlane v23, v30;
	v22 =	vsel vm7, $0x41000000, v22  }
0xa3: {  	v22 =	vsel vm9, $0x41100000, v22  }
0xa4: {  	[tilespmem:s5+$0x10] =	vst v25;
	vm0 =	veq.f32 v21, v20;
	vm1 =	vlt.f32 v28, v23;
	v22 =	vsel vm10, $0x41200000, v22  }
0xa5: {  	[tilespmem:s5+$0x20] =	vst v24;
	vm0 =	vmand vm0, vm1;
	vm1 =	vgt.f32 v21, v20;
	v22 =	vsel vm11, $0x41300000, v22  }
0xa6: {  	s6 =	simm.s32 $0x40;
	s19 =	simm.s32 $0x0;
	[tilespmem:s5+$0x30] =	vst v26;
	v24 =	vsel vm1, $0x3F800000, v27;
	v25 =	vsel vm0, $0x3F800000, v27;
	v26 =	vsel vm12, $0x41400000, v22  }
0xa7: {  	s7 =	simm.s32 $0x10;
	s5 =	scvt.s32.f32 s19;
	v22 =	vadd.f32 v25, v24;
	v25 =	vld [tilespmem:s6+$0xFFFFFFC0];
	v24 =	vsel vm13, $0x41500000, v26  }
0xa8: {  	s20 =	scvt.s32.f32 s7;
	v29 =	vld [tilespmem:s6+$0xFFFFFFD0];
	v24 =	vsel vm14, $0x41600000, v24  }
0xa9: {  	vm0 =	vgt.f32 v22, v27;
	v26 =	vadd.f32 s5, v24  }
0xaa: {  	s21 =	simm.s32 $0x20;
	v23 =	vsel vm0, v28, v23;
	v28 =	vadd.f32 s20, v24  }
0xab: {  	s23 =	simm.s32 $0x30;
	s22 =	scvt.s32.f32 s21;
	v30 =	vld [tilespmem:s6+$0xFFFFFFE0];
	vm0 =	veq.f32 v26, v23  }
0xac: {  	s24 =	scvt.s32.f32 s23;
	v31 =	vimm.f32 $-Inf;
	v25 =	vsel vm0, $0xFF800000, v25;
	vm0 =	veq.f32 v28, v23  }
0xad: {  	v33 =	vld [tilespmem:s6+$0xFFFFFFF0];
	v63 =	vadd.f32 s22, v24;
	v29 =	vsel vm0, $0xFF800000, v29;
	vm0 =	vgt.f32 v25, v31  }
0xae: {  	s25 =	simm.s32 $0x40;
	[tilespmem:s6+$0xFFFFFFC0] =	vst v25;
	v25 =	vsel vm0, v25, v31;
	v31 =	vadd.f32 s24, v24  }
0xaf: {  	s26 =	scvt.s32.f32 s25;
	v34 =	vld [tilespmem:s6+$0x0];
	vm1 =	veq.f32 v63, v23;
	v26 =	vsel vm0, v26, v27;
	vm0 =	vgt.f32 v29, v25  }
0xb0: {  	s28 =	simm.s32 $0x50;
	v27 =	vsel vm1, $0xFF800000, v30;
	v30 =	vsel vm0, v29, v25;
	vm1 =	veq.f32 v31, v23  }
0xb1: {  	s29 =	scvt.s32.f32 s28;
	[tilespmem:s6+$0xFFFFFFD0] =	vst v29;
	v25 =	vadd.f32 s26, v24;
	v26 =	vsel vm0, v28, v26;
	v29 =	vld [tilespmem:s6+$0x10];
	vm0 =	vgt.f32 v27, v30  }
0xb2: {  	s30 =	simm.s32 $0x60;
	[tilespmem:s6+$0xFFFFFFE0] =	vst v27;
	v33 =	vsel vm1, $0xFF800000, v33;
	v27 =	vsel vm0, v27, v30;
	v30 =	vsel vm0, v63, v26  }
0xb3: {  	s31 =	scvt.s32.f32 s30;
	v28 =	vld [tilespmem:s6+$0x20];
	vm0 =	veq.f32 v25, v23;
	v26 =	vadd.f32 s29, v24;
	vm1 =	vgt.f32 v33, v27  }
0xb4: {  	s8 =	simm.s32 $0x70;
	s7 =	simm.s32 $0x0;
	[tilespmem:s6+$0xFFFFFFF0] =	vst v33;
	v32 =	vsel vm0, $0xFF800000, v34;
	v33 =	vsel vm1, v33, v27;
	v31 =	vsel vm1, v31, v30  }
0xb5: {  	s9 =	scvt.s32.f32 s8;
	s8 =	simm.s32 $0xF0;
	s5 =	simm.s32 $0x40;
	[tilespmem:s6+$0x0] =	vst v32;
	vm0 =	veq.f32 v26, v23;
	v27 =	vadd.f32 s31, v24;
	v30 =	vld [tilespmem:s6+$0x30];
	vm15 =	vgt.f32 v32, v33  }
.LBB2_6:
0xb6: {  	s10 =	sadd.s32 $0xFFFFFF90, s8;
	s7 =	sadd.s32 $0x8, s7;
	v32 =	vsel vm15, v32, v33;
	v25 =	vsel vm15, v25, v31;
	v29 =	vsel vm0, $0xFF800000, v29;
	s6 =	sadd.s32 $0x80, s6  }
0xb7: {  	s10 =	scvt.s32.f32 s10;
	v31 =	vld [tilespmem:s6+$0xFFFFFFC0];
	p0 =	slt.u32 s7, $0xF8;
	[tilespmem:s5+$0x10] =	vst v29;
	vm0 =	vgt.f32 v29, v32;
	vm1 =	veq.f32 v27, v23;
	v33 =	vadd.f32 s9, v24  }
0xb8: {  	s9 =	sadd.s32 $0xFFFFFFA0, s8;
	v29 =	vsel vm0, v29, v32;
	v25 =	vsel vm0, v26, v25;
	v26 =	vsel vm1, $0xFF800000, v28  }
0xb9: {  	s9 =	scvt.s32.f32 s9;
	v28 =	vadd.f32 s10, v24;
	v32 =	vld [tilespmem:s6+$0xFFFFFFD0];
	[tilespmem:s5+$0x20] =	vst v26;
	vm0 =	vgt.f32 v26, v29;
	vm1 =	veq.f32 v33, v23  }
0xba: {  	s10 =	sadd.s32 $0xFFFFFFB0, s8;
	v26 =	vsel vm0, v26, v29;
	v25 =	vsel vm0, v27, v25;
	v27 =	vsel vm1, $0xFF800000, v30  }
0xbb: {  	v29 =	vadd.f32 s9, v24;
	s9 =	scvt.s32.f32 s10;
	vm0 =	veq.f32 v28, v23;
	v30 =	vld [tilespmem:s6+$0xFFFFFFE0];
	[tilespmem:s5+$0x30] =	vst v27;
	vm1 =	vgt.f32 v27, v26;
	s5 =	smov.u32 s6  }
0xbc: {  	s10 =	sadd.s32 $0xFFFFFFC0, s8;
	v31 =	vsel vm0, $0xFF800000, v31;
	v26 =	vsel vm1, v27, v26;
	v25 =	vsel vm1, v33, v25  }
0xbd: {  	vm1 =	veq.f32 v29, v23;
	v27 =	vadd.f32 s9, v24;
	s9 =	scvt.s32.f32 s10;
	[tilespmem:s6+$0xFFFFFFC0] =	vst v31;
	vm0 =	vgt.f32 v31, v26;
	v33 =	vld [tilespmem:s6+$0xFFFFFFF0]  }
0xbe: {  	s10 =	sadd.s32 $0xFFFFFFD0, s8;
	v26 =	vsel vm0, v31, v26;
	v25 =	vsel vm0, v28, v25;
	v28 =	vsel vm1, $0xFF800000, v32  }
0xbf: {  	vm1 =	veq.f32 v27, v23;
	v31 =	vadd.f32 s9, v24;
	s9 =	scvt.s32.f32 s10;
	[tilespmem:s6+$0xFFFFFFD0] =	vst v28;
	vm0 =	vgt.f32 v28, v26;
	v32 =	vld [tilespmem:s6+$0x0]  }
0xc0: {  	s10 =	sadd.s32 $0xFFFFFFE0, s8;
	v26 =	vsel vm0, v28, v26;
	v28 =	vsel vm0, v29, v25;
	v30 =	vsel vm1, $0xFF800000, v30  }
.Ltmp3:
0xc1: {  	vm1 =	veq.f32 v31, v23;
	v25 =	vadd.f32 s9, v24;
	s9 =	scvt.s32.f32 s10;
	[tilespmem:s6+$0xFFFFFFE0] =	vst v30;
	vm0 =	vgt.f32 v30, v26;
	v29 =	vld [tilespmem:s6+$0x10];
	(pc) =	sbr.rel @p0 .LBB2_6-.Ltmp3, $4  }
0xc2: {  	s10 =	sadd.s32 $0xFFFFFFF0, s8;
	v30 =	vsel vm0, v30, v26;
	v27 =	vsel vm0, v27, v28;
	v33 =	vsel vm1, $0xFF800000, v33  }
0xc3: {  	vm1 =	veq.f32 v25, v23;
	v26 =	vadd.f32 s9, v24;
	s9 =	scvt.s32.f32 s10;
	[tilespmem:s6+$0xFFFFFFF0] =	vst v33;
	vm0 =	vgt.f32 v33, v30;
	v28 =	vld [tilespmem:s6+$0x20]  }
0xc4: {  	v33 =	vsel vm0, v33, v30;
	v31 =	vsel vm0, v31, v27;
	v32 =	vsel vm1, $0xFF800000, v32  }
0xc5: {  	vm0 =	veq.f32 v26, v23;
	v27 =	vadd.f32 s9, v24;
	s9 =	scvt.s32.f32 s8;
	s8 =	sadd.s32 $0x80, s8;
	[tilespmem:s6+$0x0] =	vst v32;
	vm15 =	vgt.f32 v32, v33;
	v30 =	vld [tilespmem:s6+$0x30]  }
0xc6: {  	v32 =	vsel vm15, v32, v33;
	v29 =	vsel vm0, $0xFF800000, v29  }
0xc7: {  	v45 =	vimm.s32 $0xEFCDAB89;
	v34 =	vimm.s32 $0x67452301;
	v25 =	vsel vm15, v25, v31  }
0xc8: {  	vm0 =	vgt.f32 v29, v32;
	v33 =	vunpack.c.l.s4.s8 v45;
	v34 =	vunpack.c.l.s4.s8 v34  }
0xc9: {  	vm1 =	veq.f32 v27, v23;
	v24 =	vadd.f32 s9, v24;
	v32 =	vsel vm0, v29, v32  }
0xca: {  	v28 =	vsel vm1, $0xFF800000, v28;
	v33 =	vunpack.c.0.s8.s32 v33;
	v34 =	vunpack.c.0.s8.s32 v34  }
0xcb: {  	v25 =	vsel vm0, v26, v25;
	vm1 =	vgt.f32 v28, v32;
	vm2 =	veq.f32 v24, v23  }
0xcc: {  	v30 =	vsel vm2, $0xFF800000, v30;
	v32 =	vsel vm1, v28, v32;
	v33 =	vcombine.low v34, v33  }
0xcd: {  	v46 =	vimm.s32 $0xDCFE98BA;
	v25 =	vsel vm1, v27, v25;
	vm2 =	vgt.f32 v30, v32  }
0xce: {  	v26 =	vsel vm2, v30, v32;
	v24 =	vsel vm2, v24, v25;
	v31 =	vand.u32 $0xF, v33  }
0xcf: {  	v47 =	vimm.s32 $0x54761032;
	v27 =	vperm.xlane v26, v31;
	v25 =	vperm.xlane v24, v31  }
0xd0: {  	v32 =	vunpack.c.l.s4.s8 v46;
	v33 =	vunpack.c.l.s4.s8 v47;
	v31 =	vimm.f32 $0.0e+00  }
0xd1: {  	vm0 =	vgt.f32 v27, v26;
	vm1 =	veq.f32 v27, v26;
	vm2 =	vlt.f32 v25, v24  }
0xd2: {  	v48 =	vsel vm0, $0x3F800000, v31;
	vm0 =	vmand vm1, vm2  }
0xd3: {  	v32 =	vunpack.c.0.s8.s32 v32;
	v33 =	vunpack.c.0.s8.s32 v33;
	v35 =	vsel vm0, $0x3F800000, v31  }
0xd4: {  	v34 =	vadd.f32 v35, v48  }
0xd5: {  	v32 =	vcombine.low v33, v32  }
0xd6: {  	v49 =	vimm.s32 $0x32107654;
	vm0 =	vgt.f32 v34, v31  }
0xd7: {  	v26 =	vsel vm0, v27, v26;
	v27 =	vand.u32 $0xF, v32;
	v24 =	vsel vm0, v25, v24  }
0xd8: {  	v32 =	vperm.xlane v26, v27;
	v25 =	vperm.xlane v24, v27;
	v27 =	vimm.s32 $0xBA98FEDC  }
0xd9: {  	v33 =	vunpack.c.l.s4.s8 v49;
	v27 =	vunpack.c.l.s4.s8 v27  }
0xda: {  	vm0 =	vgt.f32 v32, v26;
	vm1 =	veq.f32 v32, v26;
	vm2 =	vlt.f32 v25, v24  }
0xdb: {  	v50 =	vsel vm0, $0x3F800000, v31;
	vm0 =	vmand vm1, vm2  }
0xdc: {  	v33 =	vunpack.c.0.s8.s32 v33;
	v27 =	vunpack.c.0.s8.s32 v27;
	v51 =	vsel vm0, $0x3F800000, v31  }
0xdd: {  	v34 =	vadd.f32 v51, v50  }
0xde: {  	v27 =	vcombine.low v33, v27  }
0xdf: {  	vm0 =	vgt.f32 v34, v31  }
0xe0: {  	v52 =	vimm.f32 $1.500000000e+01;
	v27 =	vand.u32 $0xF, v27;
	v26 =	vsel vm0, v32, v26  }
0xe1: {  	v53 =	vimm.s32 $0xFEDCBA98;
	v25 =	vsel vm0, v25, v24;
	v32 =	vperm.xlane v26, v27  }
0xe2: {  	v54 =	vimm.s32 $0x76543210;
	v33 =	vsel vm8, $0x0, v52;
	v27 =	vperm.xlane v25, v27  }
0xe3: {  	v35 =	vunpack.c.l.s4.s8 v54;
	v33 =	vsel vm6, $0x3F800000, v33;
	vm0 =	vgt.f32 v32, v26  }
0xe4: {  	vm1 =	vlt.f32 v27, v25;
	v24 =	vsel vm0, $0x3F800000, v31;
	vm0 =	veq.f32 v32, v26  }
0xe5: {  	v34 =	vunpack.c.l.s4.s8 v53;
	vm0 =	vmand vm0, vm1;
	vm1 =	vcmask $0xB08  }
0xe6: {  	v33 =	vsel vm1, $0x40000000, v33;
	v36 =	vsel vm0, $0x3F800000, v31;
	vm0 =	vcmask $0xF0C  }
0xe7: {  	v34 =	vunpack.c.0.s8.s32 v34;
	v33 =	vsel vm0, $0x40400000, v33;
	vm0 =	vcmask $0x1310  }
0xe8: {  	v35 =	vunpack.c.0.s8.s32 v35;
	v24 =	vadd.f32 v36, v24;
	v33 =	vsel vm0, $0x40800000, v33  }
0xe9: {  	v34 =	vand.u32 $0xF, v34;
	v33 =	vsel vm3, $0x40A00000, v33  }
0xea: {  	v34 =	vcombine.low v34, v35;
	vm0 =	vgt.f32 v24, v31;
	v33 =	vsel vm5, $0x40C00000, v33  }
0xeb: {  	v24 =	vsel vm0, v32, v26;
	v27 =	vsel vm0, v27, v25;
	v26 =	vsel vm4, $0x40E00000, v33  }
0xec: {  	v25 =	vperm.xlane v24, v34;
	v55 =	vperm.xlane v27, v34;
	v26 =	vsel vm7, $0x41000000, v26  }
0xed: {  	v26 =	vsel vm9, $0x41100000, v26  }
0xee: {  	[tilespmem:s5+$0x10] =	vst v29;
	vm0 =	veq.f32 v25, v24;
	vm1 =	vlt.f32 v55, v27;
	v26 =	vsel vm10, $0x41200000, v26  }
0xef: {  	[tilespmem:s5+$0x20] =	vst v28;
	vm0 =	vmand vm0, vm1;
	vm1 =	vgt.f32 v25, v24;
	v26 =	vsel vm11, $0x41300000, v26  }
0xf0: {  	s6 =	simm.s32 $0x40;
	s19 =	simm.s32 $0x0;
	[tilespmem:s5+$0x30] =	vst v30;
	v28 =	vsel vm1, $0x3F800000, v31;
	v29 =	vsel vm0, $0x3F800000, v31;
	v30 =	vsel vm12, $0x41400000, v26  }
0xf1: {  	s7 =	simm.s32 $0x10;
	s5 =	scvt.s32.f32 s19;
	v26 =	vadd.f32 v29, v28;
	v29 =	vld [tilespmem:s6+$0xFFFFFFC0];
	v28 =	vsel vm13, $0x41500000, v30  }
0xf2: {  	s20 =	scvt.s32.f32 s7;
	v56 =	vld [tilespmem:s6+$0xFFFFFFD0];
	v28 =	vsel vm14, $0x41600000, v28  }
0xf3: {  	vm0 =	vgt.f32 v26, v31;
	v30 =	vadd.f32 s5, v28  }
0xf4: {  	s21 =	simm.s32 $0x20;
	v27 =	vsel vm0, v55, v27;
	v57 =	vadd.f32 s20, v28  }
0xf5: {  	s23 =	simm.s32 $0x30;
	s22 =	scvt.s32.f32 s21;
	v58 =	vld [tilespmem:s6+$0xFFFFFFE0];
	vm0 =	veq.f32 v30, v27  }
0xf6: {  	v59 =	vimm.f32 $-Inf;
	s24 =	scvt.s32.f32 s23;
	v29 =	vsel vm0, $0xFF800000, v29;
	vm0 =	veq.f32 v57, v27  }
0xf7: {  	v37 =	vld [tilespmem:s6+$0xFFFFFFF0];
	v60 =	vadd.f32 s22, v28;
	v33 =	vsel vm0, $0xFF800000, v56;
	vm0 =	vgt.f32 v29, v59  }
0xf8: {  	s25 =	simm.s32 $0x40;
	v61 =	vadd.f32 s24, v28;
	[tilespmem:s6+$0xFFFFFFC0] =	vst v29;
	v29 =	vsel vm0, v29, v59  }
0xf9: {  	s26 =	scvt.s32.f32 s25;
	v38 =	vld [tilespmem:s6+$0x0];
	vm1 =	veq.f32 v60, v27;
	v30 =	vsel vm0, v30, v31;
	vm0 =	vgt.f32 v33, v29  }
0xfa: {  	s28 =	simm.s32 $0x50;
	v31 =	vsel vm1, $0xFF800000, v58;
	vm1 =	veq.f32 v61, v27;
	v62 =	vsel vm0, v33, v29  }
0xfb: {  	s29 =	scvt.s32.f32 s28;
	[tilespmem:s6+$0xFFFFFFD0] =	vst v33;
	v29 =	vadd.f32 s26, v28;
	v30 =	vsel vm0, v57, v30;
	v33 =	vld [tilespmem:s6+$0x10];
	vm0 =	vgt.f32 v31, v62  }
0xfc: {  	s30 =	simm.s32 $0x60;
	[tilespmem:s6+$0xFFFFFFE0] =	vst v31;
	v37 =	vsel vm1, $0xFF800000, v37;
	v31 =	vsel vm0, v31, v62;
	v63 =	vsel vm0, v60, v30  }
0xfd: {  	s31 =	scvt.s32.f32 s30;
	v32 =	vld [tilespmem:s6+$0x20];
	vm0 =	veq.f32 v29, v27;
	v30 =	vadd.f32 s29, v28;
	vm1 =	vgt.f32 v37, v31  }
0xfe: {  	s8 =	simm.s32 $0x70;
	s7 =	simm.s32 $0x0;
	[tilespmem:s6+$0xFFFFFFF0] =	vst v37;
	v36 =	vsel vm0, $0xFF800000, v38;
	v37 =	vsel vm1, v37, v31;
	v35 =	vsel vm1, v61, v63  }
0xff: {  	s9 =	scvt.s32.f32 s8;
	s8 =	simm.s32 $0xF0;
	v34 =	vld [tilespmem:s6+$0x30];
	s5 =	simm.s32 $0x40;
	[tilespmem:s6+$0x0] =	vst v36;
	vm0 =	veq.f32 v30, v27;
	v31 =	vadd.f32 s31, v28;
	vm15 =	vgt.f32 v36, v37  }
.LBB2_8:
0x100: {  	s10 =	sadd.s32 $0xFFFFFF90, s8;
	s7 =	sadd.s32 $0x8, s7;
	v36 =	vsel vm15, v36, v37;
	v29 =	vsel vm15, v29, v35;
	v33 =	vsel vm0, $0xFF800000, v33;
	s6 =	sadd.s32 $0x80, s6  }
0x101: {  	s10 =	scvt.s32.f32 s10;
	v35 =	vld [tilespmem:s6+$0xFFFFFFC0];
	p0 =	slt.u32 s7, $0xF8;
	[tilespmem:s5+$0x10] =	vst v33;
	vm0 =	vgt.f32 v33, v36;
	vm1 =	veq.f32 v31, v27;
	v37 =	vadd.f32 s9, v28  }
0x102: {  	s9 =	sadd.s32 $0xFFFFFFA0, s8;
	v33 =	vsel vm0, v33, v36;
	v29 =	vsel vm0, v30, v29;
	v30 =	vsel vm1, $0xFF800000, v32  }
0x103: {  	s9 =	scvt.s32.f32 s9;
	v32 =	vadd.f32 s10, v28;
	v36 =	vld [tilespmem:s6+$0xFFFFFFD0];
	[tilespmem:s5+$0x20] =	vst v30;
	vm0 =	vgt.f32 v30, v33;
	vm1 =	veq.f32 v37, v27  }
0x104: {  	s10 =	sadd.s32 $0xFFFFFFB0, s8;
	v30 =	vsel vm0, v30, v33;
	v29 =	vsel vm0, v31, v29;
	v31 =	vsel vm1, $0xFF800000, v34  }
0x105: {  	v33 =	vadd.f32 s9, v28;
	s9 =	scvt.s32.f32 s10;
	vm0 =	veq.f32 v32, v27;
	v34 =	vld [tilespmem:s6+$0xFFFFFFE0];
	[tilespmem:s5+$0x30] =	vst v31;
	vm1 =	vgt.f32 v31, v30;
	s5 =	smov.u32 s6  }
0x106: {  	s10 =	sadd.s32 $0xFFFFFFC0, s8;
	v35 =	vsel vm0, $0xFF800000, v35;
	v30 =	vsel vm1, v31, v30;
	v29 =	vsel vm1, v37, v29  }
0x107: {  	vm1 =	veq.f32 v33, v27;
	v31 =	vadd.f32 s9, v28;
	s9 =	scvt.s32.f32 s10;
	[tilespmem:s6+$0xFFFFFFC0] =	vst v35;
	vm0 =	vgt.f32 v35, v30;
	v37 =	vld [tilespmem:s6+$0xFFFFFFF0]  }
0x108: {  	s10 =	sadd.s32 $0xFFFFFFD0, s8;
	v30 =	vsel vm0, v35, v30;
	v29 =	vsel vm0, v32, v29;
	v32 =	vsel vm1, $0xFF800000, v36  }
0x109: {  	vm1 =	veq.f32 v31, v27;
	v35 =	vadd.f32 s9, v28;
	s9 =	scvt.s32.f32 s10;
	[tilespmem:s6+$0xFFFFFFD0] =	vst v32;
	vm0 =	vgt.f32 v32, v30;
	v36 =	vld [tilespmem:s6+$0x0]  }
0x10a: {  	s10 =	sadd.s32 $0xFFFFFFE0, s8;
	v30 =	vsel vm0, v32, v30;
	v32 =	vsel vm0, v33, v29;
	v34 =	vsel vm1, $0xFF800000, v34  }
.Ltmp4:
0x10b: {  	vm1 =	veq.f32 v35, v27;
	v29 =	vadd.f32 s9, v28;
	s9 =	scvt.s32.f32 s10;
	[tilespmem:s6+$0xFFFFFFE0] =	vst v34;
	vm0 =	vgt.f32 v34, v30;
	v33 =	vld [tilespmem:s6+$0x10];
	(pc) =	sbr.rel @p0 .LBB2_8-.Ltmp4, $4  }
0x10c: {  	s10 =	sadd.s32 $0xFFFFFFF0, s8;
	v34 =	vsel vm0, v34, v30;
	v31 =	vsel vm0, v31, v32;
	v37 =	vsel vm1, $0xFF800000, v37  }
0x10d: {  	vm1 =	veq.f32 v29, v27;
	v30 =	vadd.f32 s9, v28;
	s9 =	scvt.s32.f32 s10;
	[tilespmem:s6+$0xFFFFFFF0] =	vst v37;
	vm0 =	vgt.f32 v37, v34;
	v32 =	vld [tilespmem:s6+$0x20]  }
0x10e: {  	v37 =	vsel vm0, v37, v34;
	v35 =	vsel vm0, v35, v31;
	v36 =	vsel vm1, $0xFF800000, v36  }
0x10f: {  	vm0 =	veq.f32 v30, v27;
	v31 =	vadd.f32 s9, v28;
	s9 =	scvt.s32.f32 s8;
	s8 =	sadd.s32 $0x80, s8;
	[tilespmem:s6+$0x0] =	vst v36;
	vm15 =	vgt.f32 v36, v37;
	v34 =	vld [tilespmem:s6+$0x30]  }
0x110: {  	v36 =	vsel vm15, v36, v37;
	v33 =	vsel vm0, $0xFF800000, v33  }
0x111: {  	v59 =	vimm.s32 $0xEFCDAB89;
	v38 =	vimm.s32 $0x67452301;
	v29 =	vsel vm15, v29, v35  }
0x112: {  	vm0 =	vgt.f32 v33, v36;
	v37 =	vunpack.c.l.s4.s8 v59;
	v38 =	vunpack.c.l.s4.s8 v38  }
0x113: {  	vm1 =	veq.f32 v31, v27;
	v28 =	vadd.f32 s9, v28;
	v36 =	vsel vm0, v33, v36  }
0x114: {  	v32 =	vsel vm1, $0xFF800000, v32;
	v37 =	vunpack.c.0.s8.s32 v37;
	v38 =	vunpack.c.0.s8.s32 v38  }
0x115: {  	v29 =	vsel vm0, v30, v29;
	vm1 =	vgt.f32 v32, v36;
	vm2 =	veq.f32 v28, v27  }
0x116: {  	v34 =	vsel vm2, $0xFF800000, v34;
	v36 =	vsel vm1, v32, v36;
	v37 =	vcombine.low v38, v37  }
0x117: {  	v61 =	vimm.s32 $0xDCFE98BA;
	v29 =	vsel vm1, v31, v29;
	vm2 =	vgt.f32 v34, v36  }
0x118: {  	v30 =	vsel vm2, v34, v36;
	v28 =	vsel vm2, v28, v29;
	v60 =	vand.u32 $0xF, v37  }
0x119: {  	v62 =	vimm.s32 $0x54761032;
	v31 =	vperm.xlane v30, v60;
	v29 =	vperm.xlane v28, v60  }
0x11a: {  	v35 =	vimm.f32 $0.0e+00;
	v36 =	vunpack.c.l.s4.s8 v61;
	v37 =	vunpack.c.l.s4.s8 v62  }
0x11b: {  	vm0 =	vgt.f32 v31, v30;
	vm1 =	veq.f32 v31, v30;
	vm2 =	vlt.f32 v29, v28  }
0x11c: {  	v63 =	vsel vm0, $0x3F800000, v35;
	vm0 =	vmand vm1, vm2  }
0x11d: {  	v36 =	vunpack.c.0.s8.s32 v36;
	v37 =	vunpack.c.0.s8.s32 v37;
	v39 =	vsel vm0, $0x3F800000, v35  }
0x11e: {  	v38 =	vadd.f32 v39, v63  }
0x11f: {  	v36 =	vcombine.low v37, v36  }
0x120: {  	v42 =	vimm.s32 $0x32107654;
	vm0 =	vgt.f32 v38, v35  }
0x121: {  	v30 =	vsel vm0, v31, v30;
	v31 =	vand.u32 $0xF, v36;
	v28 =	vsel vm0, v29, v28  }
0x122: {  	v36 =	vperm.xlane v30, v31;
	v29 =	vperm.xlane v28, v31;
	v31 =	vimm.s32 $0xBA98FEDC  }
0x123: {  	v37 =	vunpack.c.l.s4.s8 v42;
	v31 =	vunpack.c.l.s4.s8 v31  }
0x124: {  	vm0 =	vgt.f32 v36, v30;
	vm1 =	veq.f32 v36, v30;
	vm2 =	vlt.f32 v29, v28  }
0x125: {  	v43 =	vsel vm0, $0x3F800000, v35;
	vm0 =	vmand vm1, vm2  }
0x126: {  	v37 =	vunpack.c.0.s8.s32 v37;
	v31 =	vunpack.c.0.s8.s32 v31;
	v44 =	vsel vm0, $0x3F800000, v35  }
0x127: {  	v38 =	vadd.f32 v44, v43  }
0x128: {  	v31 =	vcombine.low v37, v31  }
0x129: {  	vm0 =	vgt.f32 v38, v35  }
0x12a: {  	v45 =	vimm.f32 $1.500000000e+01;
	v31 =	vand.u32 $0xF, v31;
	v30 =	vsel vm0, v36, v30  }
0x12b: {  	v46 =	vimm.s32 $0xFEDCBA98;
	v29 =	vsel vm0, v29, v28;
	v36 =	vperm.xlane v30, v31  }
0x12c: {  	v47 =	vimm.s32 $0x76543210;
	v37 =	vsel vm8, $0x0, v45;
	v31 =	vperm.xlane v29, v31  }
0x12d: {  	v39 =	vunpack.c.l.s4.s8 v47;
	v37 =	vsel vm6, $0x3F800000, v37;
	vm0 =	vgt.f32 v36, v30  }
0x12e: {  	vm1 =	vlt.f32 v31, v29;
	v28 =	vsel vm0, $0x3F800000, v35;
	vm0 =	veq.f32 v36, v30  }
0x12f: {  	v38 =	vunpack.c.l.s4.s8 v46;
	vm0 =	vmand vm0, vm1;
	vm1 =	vcmask $0xB08  }
0x130: {  	v37 =	vsel vm1, $0x40000000, v37;
	v40 =	vsel vm0, $0x3F800000, v35;
	vm0 =	vcmask $0xF0C  }
0x131: {  	v38 =	vunpack.c.0.s8.s32 v38;
	v37 =	vsel vm0, $0x40400000, v37;
	vm0 =	vcmask $0x1310  }
0x132: {  	v39 =	vunpack.c.0.s8.s32 v39;
	v28 =	vadd.f32 v40, v28;
	v37 =	vsel vm0, $0x40800000, v37  }
0x133: {  	v38 =	vand.u32 $0xF, v38;
	v37 =	vsel vm3, $0x40A00000, v37  }
0x134: {  	v38 =	vcombine.low v38, v39;
	vm0 =	vgt.f32 v28, v35;
	v37 =	vsel vm5, $0x40C00000, v37  }
0x135: {  	v28 =	vsel vm0, v36, v30;
	v31 =	vsel vm0, v31, v29;
	v30 =	vsel vm4, $0x40E00000, v37  }
0x136: {  	v29 =	vperm.xlane v28, v38;
	v48 =	vperm.xlane v31, v38;
	v30 =	vsel vm7, $0x41000000, v30  }
0x137: {  	v30 =	vsel vm9, $0x41100000, v30  }
0x138: {  	[tilespmem:s5+$0x10] =	vst v33;
	vm0 =	veq.f32 v29, v28;
	vm1 =	vlt.f32 v48, v31;
	v30 =	vsel vm10, $0x41200000, v30  }
0x139: {  	[tilespmem:s5+$0x20] =	vst v32;
	vm0 =	vmand vm0, vm1;
	vm1 =	vgt.f32 v29, v28;
	v30 =	vsel vm11, $0x41300000, v30  }
0x13a: {  	s6 =	simm.s32 $0x40;
	s19 =	simm.s32 $0x0;
	[tilespmem:s5+$0x30] =	vst v34;
	v49 =	vsel vm1, $0x3F800000, v35;
	v50 =	vsel vm0, $0x3F800000, v35;
	v51 =	vsel vm12, $0x41400000, v30  }
0x13b: {  	s7 =	simm.s32 $0x10;
	s5 =	scvt.s32.f32 s19;
	v53 =	vld [tilespmem:s6+$0xFFFFFFC0];
	v30 =	vadd.f32 v50, v49;
	v52 =	vsel vm13, $0x41500000, v51  }
0x13c: {  	s20 =	scvt.s32.f32 s7;
	v55 =	vld [tilespmem:s6+$0xFFFFFFD0];
	v32 =	vsel vm14, $0x41600000, v52  }
0x13d: {  	vm0 =	vgt.f32 v30, v35;
	v54 =	vadd.f32 s5, v32  }
0x13e: {  	s21 =	simm.s32 $0x20;
	v31 =	vsel vm0, v48, v31;
	v56 =	vadd.f32 s20, v32  }
0x13f: {  	s23 =	simm.s32 $0x30;
	s22 =	scvt.s32.f32 s21;
	v57 =	vld [tilespmem:s6+$0xFFFFFFE0];
	vm0 =	veq.f32 v54, v31  }
0x140: {  	v58 =	vimm.f32 $-Inf;
	s24 =	scvt.s32.f32 s23;
	v33 =	vsel vm0, $0xFF800000, v53;
	vm0 =	veq.f32 v56, v31  }
0x141: {  	v41 =	vld [tilespmem:s6+$0xFFFFFFF0];
	v59 =	vadd.f32 s22, v32;
	v37 =	vsel vm0, $0xFF800000, v55;
	vm0 =	vgt.f32 v33, v58  }
0x142: {  	s25 =	simm.s32 $0x40;
	v60 =	vadd.f32 s24, v32;
	[tilespmem:s6+$0xFFFFFFC0] =	vst v33;
	v33 =	vsel vm0, v33, v58  }
0x143: {  	s26 =	scvt.s32.f32 s25;
	v42 =	vld [tilespmem:s6+$0x0];
	vm1 =	veq.f32 v59, v31;
	v34 =	vsel vm0, v54, v35;
	vm0 =	vgt.f32 v37, v33  }
0x144: {  	s28 =	simm.s32 $0x50;
	v61 =	vsel vm1, $0xFF800000, v57;
	vm1 =	veq.f32 v60, v31;
	v62 =	vsel vm0, v37, v33  }
0x145: {  	s29 =	scvt.s32.f32 s28;
	[tilespmem:s6+$0xFFFFFFD0] =	vst v37;
	v33 =	vadd.f32 s26, v32;
	v34 =	vsel vm0, v56, v34;
	v37 =	vld [tilespmem:s6+$0x10];
	vm0 =	vgt.f32 v61, v62  }
0x146: {  	s30 =	simm.s32 $0x60;
	v41 =	vsel vm1, $0xFF800000, v41;
	v35 =	vsel vm0, v61, v62;
	v63 =	vsel vm0, v59, v34  }
0x147: {  	s31 =	scvt.s32.f32 s30;
	v36 =	vld [tilespmem:s6+$0x20];
	[tilespmem:s6+$0xFFFFFFE0] =	vst v61;
	vm0 =	veq.f32 v33, v31;
	v34 =	vadd.f32 s29, v32;
	vm1 =	vgt.f32 v41, v35  }
0x148: {  	s8 =	simm.s32 $0x70;
	s7 =	simm.s32 $0x0;
	[tilespmem:s6+$0xFFFFFFF0] =	vst v41;
	v40 =	vsel vm0, $0xFF800000, v42;
	v41 =	vsel vm1, v41, v35;
	v39 =	vsel vm1, v60, v63  }
0x149: {  	s9 =	scvt.s32.f32 s8;
	s8 =	simm.s32 $0xF0;
	v38 =	vld [tilespmem:s6+$0x30];
	s5 =	simm.s32 $0x40;
	[tilespmem:s6+$0x0] =	vst v40;
	vm0 =	veq.f32 v34, v31;
	v35 =	vadd.f32 s31, v32;
	vm15 =	vgt.f32 v40, v41  }
.LBB2_10:
0x14a: {  	s10 =	sadd.s32 $0xFFFFFF90, s8;
	s7 =	sadd.s32 $0x8, s7;
	v40 =	vsel vm15, v40, v41;
	v33 =	vsel vm15, v33, v39;
	v37 =	vsel vm0, $0xFF800000, v37;
	s6 =	sadd.s32 $0x80, s6  }
0x14b: {  	s10 =	scvt.s32.f32 s10;
	v39 =	vld [tilespmem:s6+$0xFFFFFFC0];
	p0 =	slt.u32 s7, $0xF8;
	[tilespmem:s5+$0x10] =	vst v37;
	vm0 =	vgt.f32 v37, v40;
	vm1 =	veq.f32 v35, v31;
	v41 =	vadd.f32 s9, v32  }
0x14c: {  	s9 =	sadd.s32 $0xFFFFFFA0, s8;
	v37 =	vsel vm0, v37, v40;
	v33 =	vsel vm0, v34, v33;
	v34 =	vsel vm1, $0xFF800000, v36  }
0x14d: {  	s9 =	scvt.s32.f32 s9;
	v36 =	vadd.f32 s10, v32;
	v40 =	vld [tilespmem:s6+$0xFFFFFFD0];
	[tilespmem:s5+$0x20] =	vst v34;
	vm0 =	vgt.f32 v34, v37;
	vm1 =	veq.f32 v41, v31  }
0x14e: {  	s10 =	sadd.s32 $0xFFFFFFB0, s8;
	v34 =	vsel vm0, v34, v37;
	v33 =	vsel vm0, v35, v33;
	v35 =	vsel vm1, $0xFF800000, v38  }
0x14f: {  	v37 =	vadd.f32 s9, v32;
	s9 =	scvt.s32.f32 s10;
	vm0 =	veq.f32 v36, v31;
	v38 =	vld [tilespmem:s6+$0xFFFFFFE0];
	[tilespmem:s5+$0x30] =	vst v35;
	vm1 =	vgt.f32 v35, v34;
	s5 =	smov.u32 s6  }
0x150: {  	s10 =	sadd.s32 $0xFFFFFFC0, s8;
	v39 =	vsel vm0, $0xFF800000, v39;
	v34 =	vsel vm1, v35, v34;
	v33 =	vsel vm1, v41, v33  }
0x151: {  	vm1 =	veq.f32 v37, v31;
	v35 =	vadd.f32 s9, v32;
	s9 =	scvt.s32.f32 s10;
	[tilespmem:s6+$0xFFFFFFC0] =	vst v39;
	vm0 =	vgt.f32 v39, v34;
	v41 =	vld [tilespmem:s6+$0xFFFFFFF0]  }
0x152: {  	s10 =	sadd.s32 $0xFFFFFFD0, s8;
	v34 =	vsel vm0, v39, v34;
	v33 =	vsel vm0, v36, v33;
	v36 =	vsel vm1, $0xFF800000, v40  }
0x153: {  	vm1 =	veq.f32 v35, v31;
	v39 =	vadd.f32 s9, v32;
	s9 =	scvt.s32.f32 s10;
	[tilespmem:s6+$0xFFFFFFD0] =	vst v36;
	vm0 =	vgt.f32 v36, v34;
	v40 =	vld [tilespmem:s6+$0x0]  }
0x154: {  	s10 =	sadd.s32 $0xFFFFFFE0, s8;
	v34 =	vsel vm0, v36, v34;
	v36 =	vsel vm0, v37, v33;
	v38 =	vsel vm1, $0xFF800000, v38  }
.Ltmp5:
0x155: {  	vm1 =	veq.f32 v39, v31;
	v33 =	vadd.f32 s9, v32;
	s9 =	scvt.s32.f32 s10;
	[tilespmem:s6+$0xFFFFFFE0] =	vst v38;
	vm0 =	vgt.f32 v38, v34;
	v37 =	vld [tilespmem:s6+$0x10];
	(pc) =	sbr.rel @p0 .LBB2_10-.Ltmp5, $4  }
0x156: {  	s10 =	sadd.s32 $0xFFFFFFF0, s8;
	v38 =	vsel vm0, v38, v34;
	v35 =	vsel vm0, v35, v36;
	v41 =	vsel vm1, $0xFF800000, v41  }
0x157: {  	vm1 =	veq.f32 v33, v31;
	v34 =	vadd.f32 s9, v32;
	s9 =	scvt.s32.f32 s10;
	[tilespmem:s6+$0xFFFFFFF0] =	vst v41;
	vm0 =	vgt.f32 v41, v38;
	v36 =	vld [tilespmem:s6+$0x20]  }
0x158: {  	v41 =	vsel vm0, v41, v38;
	v39 =	vsel vm0, v39, v35;
	v40 =	vsel vm1, $0xFF800000, v40  }
0x159: {  	vm0 =	veq.f32 v34, v31;
	v35 =	vadd.f32 s9, v32;
	s9 =	scvt.s32.f32 s8;
	s8 =	sadd.s32 $0x80, s8;
	[tilespmem:s6+$0x0] =	vst v40;
	vm15 =	vgt.f32 v40, v41;
	v38 =	vld [tilespmem:s6+$0x30]  }
0x15a: {  	v40 =	vsel vm15, v40, v41;
	v37 =	vsel vm0, $0xFF800000, v37  }
0x15b: {  	v50 =	vimm.s32 $0xEFCDAB89;
	v42 =	vimm.s32 $0x67452301;
	v33 =	vsel vm15, v33, v39  }
0x15c: {  	vm0 =	vgt.f32 v37, v40;
	v41 =	vunpack.c.l.s4.s8 v50;
	v42 =	vunpack.c.l.s4.s8 v42  }
0x15d: {  	vm1 =	veq.f32 v35, v31;
	v32 =	vadd.f32 s9, v32;
	v40 =	vsel vm0, v37, v40  }
0x15e: {  	v36 =	vsel vm1, $0xFF800000, v36;
	v41 =	vunpack.c.0.s8.s32 v41;
	v42 =	vunpack.c.0.s8.s32 v42  }
0x15f: {  	v33 =	vsel vm0, v34, v33;
	vm1 =	vgt.f32 v36, v40;
	vm2 =	veq.f32 v32, v31  }
0x160: {  	v38 =	vsel vm2, $0xFF800000, v38;
	v40 =	vsel vm1, v36, v40;
	v41 =	vcombine.low v42, v41  }
0x161: {  	v54 =	vimm.s32 $0xDCFE98BA;
	v33 =	vsel vm1, v35, v33;
	vm2 =	vgt.f32 v38, v40  }
0x162: {  	v51 =	vsel vm2, v38, v40;
	v32 =	vsel vm2, v32, v33;
	v52 =	vand.u32 $0xF, v41  }
0x163: {  	v55 =	vimm.s32 $0x54761032;
	v53 =	vperm.xlane v51, v52;
	v33 =	vperm.xlane v32, v52  }
0x164: {  	v39 =	vimm.f32 $0.0e+00;
	v40 =	vunpack.c.l.s4.s8 v54;
	v41 =	vunpack.c.l.s4.s8 v55  }
0x165: {  	vm0 =	vgt.f32 v53, v51;
	vm1 =	veq.f32 v53, v51;
	vm2 =	vlt.f32 v33, v32  }
0x166: {  	v56 =	vsel vm0, $0x3F800000, v39;
	vm0 =	vmand vm1, vm2  }
0x167: {  	v40 =	vunpack.c.0.s8.s32 v40;
	v41 =	vunpack.c.0.s8.s32 v41;
	v43 =	vsel vm0, $0x3F800000, v39  }
0x168: {  	v42 =	vadd.f32 v43, v56  }
0x169: {  	v40 =	vcombine.low v41, v40  }
0x16a: {  	v58 =	vimm.s32 $0xBA98FEDC;
	vm0 =	vgt.f32 v42, v39  }
0x16b: {  	v57 =	vand.u32 $0xF, v40;
	v34 =	vsel vm0, v53, v51;
	v32 =	vsel vm0, v33, v32  }
0x16c: {  	v59 =	vimm.s32 $0x32107654;
	v40 =	vperm.xlane v34, v57;
	v33 =	vperm.xlane v32, v57  }
0x16d: {  	v35 =	vunpack.c.l.s4.s8 v58;
	v41 =	vunpack.c.l.s4.s8 v59  }
0x16e: {  	vm0 =	vgt.f32 v40, v34;
	vm1 =	veq.f32 v40, v34;
	vm2 =	vlt.f32 v33, v32  }
0x16f: {  	v60 =	vsel vm0, $0x3F800000, v39;
	vm0 =	vmand vm1, vm2  }
0x170: {  	v35 =	vunpack.c.0.s8.s32 v35;
	v41 =	vunpack.c.0.s8.s32 v41;
	v61 =	vsel vm0, $0x3F800000, v39  }
0x171: {  	v42 =	vadd.f32 v61, v60  }
0x172: {  	v35 =	vcombine.low v41, v35  }
0x173: {  	vm0 =	vgt.f32 v42, v39  }
0x174: {  	v63 =	vimm.f32 $1.500000000e+01;
	v35 =	vand.u32 $0xF, v35;
	v34 =	vsel vm0, v40, v34  }
0x175: {  	v45 =	vimm.s32 $0xFEDCBA98;
	v33 =	vsel vm0, v33, v32;
	v40 =	vperm.xlane v34, v35  }
0x176: {  	v46 =	vimm.s32 $0x76543210;
	v41 =	vsel vm8, $0x0, v63;
	v35 =	vperm.xlane v33, v35  }
0x177: {  	v43 =	vunpack.c.l.s4.s8 v46;
	v41 =	vsel vm6, $0x3F800000, v41;
	vm0 =	vgt.f32 v40, v34  }
0x178: {  	vm1 =	vlt.f32 v35, v33;
	v62 =	vsel vm0, $0x3F800000, v39;
	vm0 =	veq.f32 v40, v34  }
0x179: {  	v42 =	vunpack.c.l.s4.s8 v45;
	vm0 =	vmand vm0, vm1;
	vm1 =	vcmask $0xB08  }
0x17a: {  	v41 =	vsel vm1, $0x40000000, v41;
	v44 =	vsel vm0, $0x3F800000, v39;
	vm0 =	vcmask $0xF0C  }
0x17b: {  	v42 =	vunpack.c.0.s8.s32 v42;
	v41 =	vsel vm0, $0x40400000, v41;
	vm0 =	vcmask $0x1310  }
0x17c: {  	v43 =	vunpack.c.0.s8.s32 v43;
	v32 =	vadd.f32 v44, v62;
	v41 =	vsel vm0, $0x40800000, v41  }
0x17d: {  	v42 =	vand.u32 $0xF, v42;
	v41 =	vsel vm3, $0x40A00000, v41  }
0x17e: {  	v42 =	vcombine.low v42, v43;
	vm0 =	vgt.f32 v32, v39;
	v41 =	vsel vm5, $0x40C00000, v41  }
0x17f: {  	v32 =	vsel vm0, v40, v34;
	v35 =	vsel vm0, v35, v33;
	v47 =	vsel vm4, $0x40E00000, v41  }
0x180: {  	v33 =	vperm.xlane v32, v42;
	v48 =	vperm.xlane v35, v42;
	v34 =	vsel vm7, $0x41000000, v47  }
0x181: {  	v34 =	vsel vm9, $0x41100000, v34  }
0x182: {  	[tilespmem:s5+$0x10] =	vst v37;
	vm0 =	veq.f32 v33, v32;
	vm1 =	vlt.f32 v48, v35;
	v34 =	vsel vm10, $0x41200000, v34  }
0x183: {  	[tilespmem:s5+$0x20] =	vst v36;
	vm0 =	vmand vm0, vm1;
	vm1 =	vgt.f32 v33, v32;
	v34 =	vsel vm11, $0x41300000, v34  }
0x184: {  	s6 =	simm.s32 $0x40;
	s19 =	simm.s32 $0x0;
	[tilespmem:s5+$0x30] =	vst v38;
	v49 =	vsel vm1, $0x3F800000, v39;
	v50 =	vsel vm0, $0x3F800000, v39;
	v51 =	vsel vm12, $0x41400000, v34  }
0x185: {  	s7 =	simm.s32 $0x10;
	s5 =	scvt.s32.f32 s19;
	v53 =	vld [tilespmem:s6+$0xFFFFFFC0];
	v34 =	vadd.f32 v50, v49;
	v52 =	vsel vm13, $0x41500000, v51  }
0x186: {  	s20 =	scvt.s32.f32 s7;
	v55 =	vld [tilespmem:s6+$0xFFFFFFD0];
	v36 =	vsel vm14, $0x41600000, v52  }
0x187: {  	vm0 =	vgt.f32 v34, v39;
	v54 =	vadd.f32 s5, v36  }
0x188: {  	s21 =	simm.s32 $0x20;
	v35 =	vsel vm0, v48, v35;
	v56 =	vadd.f32 s20, v36  }
0x189: {  	s23 =	simm.s32 $0x30;
	s22 =	scvt.s32.f32 s21;
	v57 =	vld [tilespmem:s6+$0xFFFFFFE0];
	vm0 =	veq.f32 v54, v35  }
0x18a: {  	s24 =	scvt.s32.f32 s23;
	v58 =	vimm.f32 $-Inf;
	v37 =	vsel vm0, $0xFF800000, v53;
	vm0 =	veq.f32 v56, v35  }
0x18b: {  	v45 =	vld [tilespmem:s6+$0xFFFFFFF0];
	v59 =	vadd.f32 s22, v36;
	v41 =	vsel vm0, $0xFF800000, v55;
	vm0 =	vgt.f32 v37, v58  }
0x18c: {  	s25 =	simm.s32 $0x40;
	v60 =	vadd.f32 s24, v36;
	[tilespmem:s6+$0xFFFFFFC0] =	vst v37;
	v37 =	vsel vm0, v37, v58  }
0x18d: {  	s26 =	scvt.s32.f32 s25;
	v46 =	vld [tilespmem:s6+$0x0];
	vm1 =	veq.f32 v59, v35;
	v38 =	vsel vm0, v54, v39;
	vm0 =	vgt.f32 v41, v37  }
0x18e: {  	s28 =	simm.s32 $0x50;
	v61 =	vsel vm1, $0xFF800000, v57;
	vm1 =	veq.f32 v60, v35;
	v62 =	vsel vm0, v41, v37  }
0x18f: {  	s29 =	scvt.s32.f32 s28;
	[tilespmem:s6+$0xFFFFFFD0] =	vst v41;
	v37 =	vadd.f32 s26, v36;
	v38 =	vsel vm0, v56, v38;
	v41 =	vld [tilespmem:s6+$0x10];
	vm0 =	vgt.f32 v61, v62  }
0x190: {  	s30 =	simm.s32 $0x60;
	v45 =	vsel vm1, $0xFF800000, v45;
	v39 =	vsel vm0, v61, v62;
	v63 =	vsel vm0, v59, v38  }
0x191: {  	s31 =	scvt.s32.f32 s30;
	v40 =	vld [tilespmem:s6+$0x20];
	[tilespmem:s6+$0xFFFFFFE0] =	vst v61;
	vm0 =	veq.f32 v37, v35;
	v38 =	vadd.f32 s29, v36;
	vm1 =	vgt.f32 v45, v39  }
0x192: {  	s8 =	simm.s32 $0x70;
	s7 =	simm.s32 $0x0;
	[tilespmem:s6+$0xFFFFFFF0] =	vst v45;
	v44 =	vsel vm0, $0xFF800000, v46;
	v45 =	vsel vm1, v45, v39;
	v43 =	vsel vm1, v60, v63  }
0x193: {  	s9 =	scvt.s32.f32 s8;
	s8 =	simm.s32 $0xF0;
	v42 =	vld [tilespmem:s6+$0x30];
	s5 =	simm.s32 $0x40;
	[tilespmem:s6+$0x0] =	vst v44;
	vm0 =	veq.f32 v38, v35;
	v39 =	vadd.f32 s31, v36;
	vm15 =	vgt.f32 v44, v45  }
.LBB2_12:
0x194: {  	s10 =	sadd.s32 $0xFFFFFF90, s8;
	s7 =	sadd.s32 $0x8, s7;
	v44 =	vsel vm15, v44, v45;
	v37 =	vsel vm15, v37, v43;
	v41 =	vsel vm0, $0xFF800000, v41;
	s6 =	sadd.s32 $0x80, s6  }
0x195: {  	s10 =	scvt.s32.f32 s10;
	v43 =	vld [tilespmem:s6+$0xFFFFFFC0];
	p0 =	slt.u32 s7, $0xF8;
	[tilespmem:s5+$0x10] =	vst v41;
	vm0 =	vgt.f32 v41, v44;
	vm1 =	veq.f32 v39, v35;
	v45 =	vadd.f32 s9, v36  }
0x196: {  	s9 =	sadd.s32 $0xFFFFFFA0, s8;
	v41 =	vsel vm0, v41, v44;
	v37 =	vsel vm0, v38, v37;
	v38 =	vsel vm1, $0xFF800000, v40  }
0x197: {  	s9 =	scvt.s32.f32 s9;
	v40 =	vadd.f32 s10, v36;
	v44 =	vld [tilespmem:s6+$0xFFFFFFD0];
	[tilespmem:s5+$0x20] =	vst v38;
	vm0 =	vgt.f32 v38, v41;
	vm1 =	veq.f32 v45, v35  }
0x198: {  	s10 =	sadd.s32 $0xFFFFFFB0, s8;
	v38 =	vsel vm0, v38, v41;
	v37 =	vsel vm0, v39, v37;
	v39 =	vsel vm1, $0xFF800000, v42  }
0x199: {  	v41 =	vadd.f32 s9, v36;
	s9 =	scvt.s32.f32 s10;
	vm0 =	veq.f32 v40, v35;
	v42 =	vld [tilespmem:s6+$0xFFFFFFE0];
	[tilespmem:s5+$0x30] =	vst v39;
	vm1 =	vgt.f32 v39, v38;
	s5 =	smov.u32 s6  }
0x19a: {  	s10 =	sadd.s32 $0xFFFFFFC0, s8;
	v43 =	vsel vm0, $0xFF800000, v43;
	v38 =	vsel vm1, v39, v38;
	v37 =	vsel vm1, v45, v37  }
0x19b: {  	vm1 =	veq.f32 v41, v35;
	v39 =	vadd.f32 s9, v36;
	s9 =	scvt.s32.f32 s10;
	[tilespmem:s6+$0xFFFFFFC0] =	vst v43;
	vm0 =	vgt.f32 v43, v38;
	v45 =	vld [tilespmem:s6+$0xFFFFFFF0]  }
0x19c: {  	s10 =	sadd.s32 $0xFFFFFFD0, s8;
	v38 =	vsel vm0, v43, v38;
	v37 =	vsel vm0, v40, v37;
	v40 =	vsel vm1, $0xFF800000, v44  }
0x19d: {  	vm1 =	veq.f32 v39, v35;
	v43 =	vadd.f32 s9, v36;
	s9 =	scvt.s32.f32 s10;
	[tilespmem:s6+$0xFFFFFFD0] =	vst v40;
	vm0 =	vgt.f32 v40, v38;
	v44 =	vld [tilespmem:s6+$0x0]  }
0x19e: {  	s10 =	sadd.s32 $0xFFFFFFE0, s8;
	v38 =	vsel vm0, v40, v38;
	v40 =	vsel vm0, v41, v37;
	v42 =	vsel vm1, $0xFF800000, v42  }
.Ltmp6:
0x19f: {  	vm1 =	veq.f32 v43, v35;
	v37 =	vadd.f32 s9, v36;
	s9 =	scvt.s32.f32 s10;
	[tilespmem:s6+$0xFFFFFFE0] =	vst v42;
	vm0 =	vgt.f32 v42, v38;
	v41 =	vld [tilespmem:s6+$0x10];
	(pc) =	sbr.rel @p0 .LBB2_12-.Ltmp6, $4  }
0x1a0: {  	s10 =	sadd.s32 $0xFFFFFFF0, s8;
	v42 =	vsel vm0, v42, v38;
	v39 =	vsel vm0, v39, v40;
	v45 =	vsel vm1, $0xFF800000, v45  }
0x1a1: {  	vm1 =	veq.f32 v37, v35;
	v38 =	vadd.f32 s9, v36;
	s9 =	scvt.s32.f32 s10;
	[tilespmem:s6+$0xFFFFFFF0] =	vst v45;
	vm0 =	vgt.f32 v45, v42;
	v40 =	vld [tilespmem:s6+$0x20]  }
0x1a2: {  	v45 =	vsel vm0, v45, v42;
	v43 =	vsel vm0, v43, v39;
	v44 =	vsel vm1, $0xFF800000, v44  }
0x1a3: {  	vm0 =	veq.f32 v38, v35;
	v39 =	vadd.f32 s9, v36;
	s9 =	scvt.s32.f32 s8;
	s8 =	sadd.s32 $0x80, s8;
	[tilespmem:s6+$0x0] =	vst v44;
	vm15 =	vgt.f32 v44, v45;
	v42 =	vld [tilespmem:s6+$0x30]  }
0x1a4: {  	v44 =	vsel vm15, v44, v45;
	v41 =	vsel vm0, $0xFF800000, v41  }
0x1a5: {  	v48 =	vimm.s32 $0xEFCDAB89;
	v46 =	vimm.s32 $0x67452301;
	v37 =	vsel vm15, v37, v43  }
0x1a6: {  	vm0 =	vgt.f32 v41, v44;
	v45 =	vunpack.c.l.s4.s8 v48;
	v46 =	vunpack.c.l.s4.s8 v46  }
0x1a7: {  	vm1 =	veq.f32 v39, v35;
	v36 =	vadd.f32 s9, v36;
	v44 =	vsel vm0, v41, v44  }
0x1a8: {  	v40 =	vsel vm1, $0xFF800000, v40;
	v45 =	vunpack.c.0.s8.s32 v45;
	v46 =	vunpack.c.0.s8.s32 v46  }
0x1a9: {  	v37 =	vsel vm0, v38, v37;
	vm1 =	vgt.f32 v40, v44;
	vm2 =	veq.f32 v36, v35  }
0x1aa: {  	v42 =	vsel vm2, $0xFF800000, v42;
	v44 =	vsel vm1, v40, v44;
	v45 =	vcombine.low v46, v45  }
0x1ab: {  	v52 =	vimm.s32 $0xDCFE98BA;
	v37 =	vsel vm1, v39, v37;
	vm2 =	vgt.f32 v42, v44  }
0x1ac: {  	v49 =	vsel vm2, v42, v44;
	v36 =	vsel vm2, v36, v37;
	v50 =	vand.u32 $0xF, v45  }
0x1ad: {  	v53 =	vimm.s32 $0x54761032;
	v51 =	vperm.xlane v49, v50;
	v37 =	vperm.xlane v36, v50  }
0x1ae: {  	v43 =	vimm.f32 $0.0e+00;
	v44 =	vunpack.c.l.s4.s8 v52;
	v45 =	vunpack.c.l.s4.s8 v53  }
0x1af: {  	vm0 =	vgt.f32 v51, v49;
	vm1 =	veq.f32 v51, v49;
	vm2 =	vlt.f32 v37, v36  }
0x1b0: {  	v54 =	vsel vm0, $0x3F800000, v43;
	vm0 =	vmand vm1, vm2  }
0x1b1: {  	v44 =	vunpack.c.0.s8.s32 v44;
	v45 =	vunpack.c.0.s8.s32 v45;
	v47 =	vsel vm0, $0x3F800000, v43  }
0x1b2: {  	v46 =	vadd.f32 v47, v54  }
0x1b3: {  	v44 =	vcombine.low v45, v44  }
0x1b4: {  	v56 =	vimm.s32 $0xBA98FEDC;
	vm0 =	vgt.f32 v46, v43  }
0x1b5: {  	v55 =	vand.u32 $0xF, v44;
	v38 =	vsel vm0, v51, v49;
	v36 =	vsel vm0, v37, v36  }
0x1b6: {  	v57 =	vimm.s32 $0x32107654;
	v44 =	vperm.xlane v38, v55;
	v37 =	vperm.xlane v36, v55  }
0x1b7: {  	v39 =	vunpack.c.l.s4.s8 v56;
	v45 =	vunpack.c.l.s4.s8 v57  }
0x1b8: {  	vm0 =	vgt.f32 v44, v38;
	vm1 =	veq.f32 v44, v38;
	vm2 =	vlt.f32 v37, v36  }
0x1b9: {  	v58 =	vsel vm0, $0x3F800000, v43;
	vm0 =	vmand vm1, vm2  }
0x1ba: {  	v39 =	vunpack.c.0.s8.s32 v39;
	v45 =	vunpack.c.0.s8.s32 v45;
	v59 =	vsel vm0, $0x3F800000, v43  }
0x1bb: {  	v46 =	vadd.f32 v59, v58  }
0x1bc: {  	v39 =	vcombine.low v45, v39  }
0x1bd: {  	vm0 =	vgt.f32 v46, v43  }
0x1be: {  	v61 =	vimm.f32 $1.500000000e+01;
	v39 =	vand.u32 $0xF, v39;
	v38 =	vsel vm0, v44, v38  }
0x1bf: {  	v62 =	vimm.s32 $0xFEDCBA98;
	v37 =	vsel vm0, v37, v36;
	v44 =	vperm.xlane v38, v39  }
0x1c0: {  	v63 =	vimm.s32 $0x76543210;
	v45 =	vsel vm8, $0x0, v61;
	v39 =	vperm.xlane v37, v39  }
0x1c1: {  	v47 =	vunpack.c.l.s4.s8 v63;
	v45 =	vsel vm6, $0x3F800000, v45;
	vm0 =	vgt.f32 v44, v38  }
0x1c2: {  	vm1 =	vlt.f32 v39, v37;
	v60 =	vsel vm0, $0x3F800000, v43;
	vm0 =	veq.f32 v44, v38  }
0x1c3: {  	v46 =	vunpack.c.l.s4.s8 v62;
	vm0 =	vmand vm0, vm1;
	vm1 =	vcmask $0xB08  }
0x1c4: {  	v45 =	vsel vm1, $0x40000000, v45;
	v48 =	vsel vm0, $0x3F800000, v43;
	vm0 =	vcmask $0xF0C  }
0x1c5: {  	v46 =	vunpack.c.0.s8.s32 v46;
	v45 =	vsel vm0, $0x40400000, v45;
	vm0 =	vcmask $0x1310  }
0x1c6: {  	v47 =	vunpack.c.0.s8.s32 v47;
	v36 =	vadd.f32 v48, v60;
	v45 =	vsel vm0, $0x40800000, v45  }
0x1c7: {  	v46 =	vand.u32 $0xF, v46;
	v45 =	vsel vm3, $0x40A00000, v45  }
0x1c8: {  	v46 =	vcombine.low v46, v47;
	vm0 =	vgt.f32 v36, v43;
	v45 =	vsel vm5, $0x40C00000, v45  }
0x1c9: {  	v36 =	vsel vm0, v44, v38;
	v39 =	vsel vm0, v39, v37;
	v48 =	vsel vm4, $0x40E00000, v45  }
0x1ca: {  	v37 =	vperm.xlane v36, v46;
	v49 =	vperm.xlane v39, v46;
	v38 =	vsel vm7, $0x41000000, v48  }
0x1cb: {  	v38 =	vsel vm9, $0x41100000, v38  }
0x1cc: {  	[tilespmem:s5+$0x10] =	vst v41;
	vm0 =	veq.f32 v37, v36;
	vm1 =	vlt.f32 v49, v39;
	v38 =	vsel vm10, $0x41200000, v38  }
0x1cd: {  	[tilespmem:s5+$0x20] =	vst v40;
	vm0 =	vmand vm0, vm1;
	vm1 =	vgt.f32 v37, v36;
	v38 =	vsel vm11, $0x41300000, v38  }
0x1ce: {  	s6 =	simm.s32 $0x40;
	s19 =	simm.s32 $0x0;
	[tilespmem:s5+$0x30] =	vst v42;
	v50 =	vsel vm1, $0x3F800000, v43;
	v51 =	vsel vm0, $0x3F800000, v43;
	v52 =	vsel vm12, $0x41400000, v38  }
0x1cf: {  	s7 =	simm.s32 $0x10;
	s5 =	scvt.s32.f32 s19;
	v54 =	vld [tilespmem:s6+$0xFFFFFFC0];
	v38 =	vadd.f32 v51, v50;
	v53 =	vsel vm13, $0x41500000, v52  }
0x1d0: {  	s20 =	scvt.s32.f32 s7;
	v56 =	vld [tilespmem:s6+$0xFFFFFFD0];
	v40 =	vsel vm14, $0x41600000, v53  }
0x1d1: {  	vm0 =	vgt.f32 v38, v43;
	v55 =	vadd.f32 s5, v40  }
0x1d2: {  	s21 =	simm.s32 $0x20;
	v39 =	vsel vm0, v49, v39;
	v57 =	vadd.f32 s20, v40  }
0x1d3: {  	s23 =	simm.s32 $0x30;
	s22 =	scvt.s32.f32 s21;
	v58 =	vld [tilespmem:s6+$0xFFFFFFE0];
	vm0 =	veq.f32 v55, v39  }
0x1d4: {  	s24 =	scvt.s32.f32 s23;
	v59 =	vimm.f32 $-Inf;
	v41 =	vsel vm0, $0xFF800000, v54;
	vm0 =	veq.f32 v57, v39  }
0x1d5: {  	v60 =	vadd.f32 s22, v40;
	v49 =	vld [tilespmem:s6+$0xFFFFFFF0];
	v45 =	vsel vm0, $0xFF800000, v56;
	vm0 =	vgt.f32 v41, v59  }
0x1d6: {  	s25 =	simm.s32 $0x40;
	v61 =	vadd.f32 s24, v40;
	[tilespmem:s6+$0xFFFFFFC0] =	vst v41;
	v41 =	vsel vm0, v41, v59  }
0x1d7: {  	s26 =	scvt.s32.f32 s25;
	v50 =	vld [tilespmem:s6+$0x0];
	vm1 =	veq.f32 v60, v39;
	v42 =	vsel vm0, v55, v43;
	vm0 =	vgt.f32 v45, v41  }
0x1d8: {  	s28 =	simm.s32 $0x50;
	v62 =	vsel vm1, $0xFF800000, v58;
	vm1 =	veq.f32 v61, v39;
	[tilespmem:s6+$0xFFFFFFD0] =	vst v45;
	v45 =	vsel vm0, v45, v41  }
0x1d9: {  	s29 =	scvt.s32.f32 s28;
	v44 =	vld [tilespmem:s6+$0x10];
	v41 =	vadd.f32 s26, v40;
	v42 =	vsel vm0, v57, v42;
	vm0 =	vgt.f32 v62, v45  }
0x1da: {  	s30 =	simm.s32 $0x60;
	v63 =	vsel vm1, $0xFF800000, v49;
	v43 =	vsel vm0, v62, v45;
	v51 =	vsel vm0, v60, v42  }
0x1db: {  	s31 =	scvt.s32.f32 s30;
	[tilespmem:s6+$0xFFFFFFE0] =	vst v62;
	vm0 =	veq.f32 v41, v39;
	v42 =	vadd.f32 s29, v40;
	v45 =	vld [tilespmem:s6+$0x20];
	vm1 =	vgt.f32 v63, v43  }
0x1dc: {  	s8 =	simm.s32 $0x70;
	s7 =	simm.s32 $0x0;
	[tilespmem:s6+$0xFFFFFFF0] =	vst v63;
	v48 =	vsel vm0, $0xFF800000, v50;
	v49 =	vsel vm1, v63, v43;
	v47 =	vsel vm1, v61, v51  }
0x1dd: {  	s9 =	scvt.s32.f32 s8;
	s8 =	simm.s32 $0xF0;
	v46 =	vld [tilespmem:s6+$0x30];
	s5 =	simm.s32 $0x40;
	[tilespmem:s6+$0x0] =	vst v48;
	vm0 =	veq.f32 v42, v39;
	v43 =	vadd.f32 s31, v40;
	vm15 =	vgt.f32 v48, v49  }
.LBB2_14:
0x1de: {  	s10 =	sadd.s32 $0xFFFFFF90, s8;
	s7 =	sadd.s32 $0x8, s7;
	v48 =	vsel vm15, v48, v49;
	v41 =	vsel vm15, v41, v47;
	v44 =	vsel vm0, $0xFF800000, v44;
	s6 =	sadd.s32 $0x80, s6  }
0x1df: {  	s10 =	scvt.s32.f32 s10;
	v47 =	vld [tilespmem:s6+$0xFFFFFFC0];
	p0 =	slt.u32 s7, $0xF8;
	[tilespmem:s5+$0x10] =	vst v44;
	vm0 =	vgt.f32 v44, v48;
	vm1 =	veq.f32 v43, v39;
	v49 =	vadd.f32 s9, v40  }
0x1e0: {  	s9 =	sadd.s32 $0xFFFFFFA0, s8;
	v44 =	vsel vm0, v44, v48;
	v41 =	vsel vm0, v42, v41;
	v42 =	vsel vm1, $0xFF800000, v45  }
0x1e1: {  	s9 =	scvt.s32.f32 s9;
	v45 =	vadd.f32 s10, v40;
	v48 =	vld [tilespmem:s6+$0xFFFFFFD0];
	[tilespmem:s5+$0x20] =	vst v42;
	vm0 =	vgt.f32 v42, v44;
	vm1 =	veq.f32 v49, v39  }
0x1e2: {  	s10 =	sadd.s32 $0xFFFFFFB0, s8;
	v42 =	vsel vm0, v42, v44;
	v41 =	vsel vm0, v43, v41;
	v43 =	vsel vm1, $0xFF800000, v46  }
0x1e3: {  	v44 =	vadd.f32 s9, v40;
	s9 =	scvt.s32.f32 s10;
	vm0 =	veq.f32 v45, v39;
	v46 =	vld [tilespmem:s6+$0xFFFFFFE0];
	[tilespmem:s5+$0x30] =	vst v43;
	vm1 =	vgt.f32 v43, v42;
	s5 =	smov.u32 s6  }
0x1e4: {  	s10 =	sadd.s32 $0xFFFFFFC0, s8;
	v47 =	vsel vm0, $0xFF800000, v47;
	v42 =	vsel vm1, v43, v42;
	v41 =	vsel vm1, v49, v41  }
0x1e5: {  	vm1 =	veq.f32 v44, v39;
	v43 =	vadd.f32 s9, v40;
	s9 =	scvt.s32.f32 s10;
	[tilespmem:s6+$0xFFFFFFC0] =	vst v47;
	vm0 =	vgt.f32 v47, v42;
	v49 =	vld [tilespmem:s6+$0xFFFFFFF0]  }
0x1e6: {  	s10 =	sadd.s32 $0xFFFFFFD0, s8;
	v42 =	vsel vm0, v47, v42;
	v41 =	vsel vm0, v45, v41;
	v45 =	vsel vm1, $0xFF800000, v48  }
0x1e7: {  	vm1 =	veq.f32 v43, v39;
	v47 =	vadd.f32 s9, v40;
	s9 =	scvt.s32.f32 s10;
	[tilespmem:s6+$0xFFFFFFD0] =	vst v45;
	vm0 =	vgt.f32 v45, v42;
	v48 =	vld [tilespmem:s6+$0x0]  }
0x1e8: {  	s10 =	sadd.s32 $0xFFFFFFE0, s8;
	v42 =	vsel vm0, v45, v42;
	v45 =	vsel vm0, v44, v41;
	v46 =	vsel vm1, $0xFF800000, v46  }
.Ltmp7:
0x1e9: {  	vm1 =	veq.f32 v47, v39;
	v41 =	vadd.f32 s9, v40;
	s9 =	scvt.s32.f32 s10;
	[tilespmem:s6+$0xFFFFFFE0] =	vst v46;
	vm0 =	vgt.f32 v46, v42;
	v44 =	vld [tilespmem:s6+$0x10];
	(pc) =	sbr.rel @p0 .LBB2_14-.Ltmp7, $4  }
0x1ea: {  	s10 =	sadd.s32 $0xFFFFFFF0, s8;
	v46 =	vsel vm0, v46, v42;
	v43 =	vsel vm0, v43, v45;
	v49 =	vsel vm1, $0xFF800000, v49  }
0x1eb: {  	vm1 =	veq.f32 v41, v39;
	v42 =	vadd.f32 s9, v40;
	s9 =	scvt.s32.f32 s10;
	[tilespmem:s6+$0xFFFFFFF0] =	vst v49;
	vm0 =	vgt.f32 v49, v46;
	v45 =	vld [tilespmem:s6+$0x20]  }
0x1ec: {  	v49 =	vsel vm0, v49, v46;
	v47 =	vsel vm0, v47, v43;
	v48 =	vsel vm1, $0xFF800000, v48  }
0x1ed: {  	vm0 =	veq.f32 v42, v39;
	v43 =	vadd.f32 s9, v40;
	s9 =	scvt.s32.f32 s8;
	s8 =	sadd.s32 $0x80, s8;
	[tilespmem:s6+$0x0] =	vst v48;
	vm15 =	vgt.f32 v48, v49;
	v46 =	vld [tilespmem:s6+$0x30]  }
0x1ee: {  	v44 =	vsel vm0, $0xFF800000, v44;
	v48 =	vsel vm15, v48, v49  }
0x1ef: {  	v55 =	vimm.s32 $0xEFCDAB89;
	v50 =	vimm.s32 $0x67452301;
	v41 =	vsel vm15, v41, v47  }
0x1f0: {  	v49 =	vunpack.c.l.s4.s8 v55;
	v50 =	vunpack.c.l.s4.s8 v50;
	vm0 =	veq.f32 v43, v39  }
0x1f1: {  	v40 =	vadd.f32 s9, v40;
	v45 =	vsel vm0, $0xFF800000, v45;
	vm0 =	vgt.f32 v44, v48  }
0x1f2: {  	v48 =	vsel vm0, v44, v48;
	v49 =	vunpack.c.0.s8.s32 v49;
	v50 =	vunpack.c.0.s8.s32 v50  }
0x1f3: {  	vm2 =	veq.f32 v40, v39;
	v41 =	vsel vm0, v42, v41;
	vm1 =	vgt.f32 v45, v48  }
0x1f4: {  	v46 =	vsel vm2, $0xFF800000, v46;
	v49 =	vcombine.low v50, v49;
	v48 =	vsel vm1, v45, v48  }
0x1f5: {  	v59 =	vimm.s32 $0xDCFE98BA;
	v41 =	vsel vm1, v43, v41;
	vm2 =	vgt.f32 v46, v48  }
0x1f6: {  	v56 =	vsel vm2, v46, v48;
	v57 =	vand.u32 $0xF, v49;
	v40 =	vsel vm2, v40, v41  }
0x1f7: {  	v60 =	vimm.s32 $0x54761032;
	v58 =	vperm.xlane v56, v57;
	v41 =	vperm.xlane v40, v57  }
0x1f8: {  	v47 =	vunpack.c.l.s4.s8 v59;
	v48 =	vimm.f32 $0.0e+00;
	v49 =	vunpack.c.l.s4.s8 v60  }
0x1f9: {  	vm0 =	vgt.f32 v58, v56;
	vm1 =	veq.f32 v58, v56;
	vm2 =	vlt.f32 v41, v40  }
0x1fa: {  	v61 =	vsel vm0, $0x3F800000, v48;
	vm0 =	vmand vm1, vm2  }
0x1fb: {  	v47 =	vunpack.c.0.s8.s32 v47;
	v49 =	vunpack.c.0.s8.s32 v49;
	v51 =	vsel vm0, $0x3F800000, v48  }
0x1fc: {  	v50 =	vadd.f32 v51, v61  }
0x1fd: {  	v47 =	vcombine.low v49, v47  }
0x1fe: {  	vm0 =	vgt.f32 v50, v48  }
0x1ff: {  	v62 =	vand.u32 $0xF, v47;
	v42 =	vsel vm0, v58, v56;
	v40 =	vsel vm0, v41, v40  }
0x200: {  	v54 =	vimm.s32 $0x32107654;
	v63 =	vperm.xlane v42, v62;
	v43 =	vperm.xlane v40, v62  }
0x201: {  	v53 =	vimm.s32 $0xBA98FEDC;
	v49 =	vunpack.c.l.s4.s8 v54  }
0x202: {  	v47 =	vunpack.c.l.s4.s8 v53;
	vm1 =	veq.f32 v63, v42;
	vm2 =	vlt.f32 v43, v40  }
0x203: {  	v49 =	vunpack.c.0.s8.s32 v49;
	vm0 =	vgt.f32 v63, v42;
	vm1 =	vmand vm1, vm2  }
0x204: {  	v47 =	vunpack.c.0.s8.s32 v47;
	v55 =	vsel vm0, $0x3F800000, v48;
	v56 =	vsel vm1, $0x3F800000, v48  }
0x205: {  	v50 =	vadd.f32 v56, v55  }
0x206: {  	v47 =	vcombine.low v49, v47  }
0x207: {  	vm0 =	vgt.f32 v50, v48  }
0x208: {  	v60 =	vimm.s32 $0xFEDCBA98;
	v57 =	vand.u32 $0xF, v47;
	v41 =	vsel vm0, v63, v42  }
0x209: {  	v61 =	vimm.s32 $0x76543210;
	v43 =	vsel vm0, v43, v40;
	v47 =	vperm.xlane v41, v57  }
0x20a: {  	v51 =	vunpack.c.l.s4.s8 v61;
	v58 =	vimm.f32 $1.500000000e+01;
	v42 =	vperm.xlane v43, v57  }
0x20b: {  	v50 =	vunpack.c.l.s4.s8 v60;
	v40 =	vsel vm8, $0x0, v58;
	vm0 =	vgt.f32 v47, v41  }
0x20c: {  	vm1 =	vlt.f32 v42, v43;
	v59 =	vsel vm0, $0x3F800000, v48;
	vm0 =	veq.f32 v47, v41  }
0x20d: {  	v40 =	vsel vm6, $0x3F800000, v40;
	vm0 =	vmand vm0, vm1;
	vm1 =	vcmask $0xB08  }
0x20e: {  	v40 =	vsel vm1, $0x40000000, v40;
	v52 =	vsel vm0, $0x3F800000, v48;
	vm0 =	vcmask $0xF0C  }
0x20f: {  	v50 =	vunpack.c.0.s8.s32 v50;
	v40 =	vsel vm0, $0x40400000, v40;
	vm0 =	vcmask $0x1310  }
0x210: {  	v51 =	vunpack.c.0.s8.s32 v51;
	v49 =	vadd.f32 v52, v59;
	v40 =	vsel vm0, $0x40800000, v40  }
0x211: {  	v50 =	vand.u32 $0xF, v50;
	v40 =	vsel vm3, $0x40A00000, v40  }
0x212: {  	v63 =	vcombine.low v50, v51;
	vm0 =	vgt.f32 v49, v48;
	v62 =	vsel vm5, $0x40C00000, v40  }
0x213: {  	v40 =	vsel vm0, v47, v41;
	v43 =	vsel vm0, v42, v43;
	v53 =	vsel vm4, $0x40E00000, v62  }
0x214: {  	v41 =	vperm.xlane v40, v63;
	v55 =	vperm.xlane v43, v63;
	v54 =	vsel vm7, $0x41000000, v53  }
0x215: {  	v42 =	vsel vm9, $0x41100000, v54  }
0x216: {  	[tilespmem:s5+$0x10] =	vst v44;
	vm0 =	veq.f32 v41, v40;
	vm1 =	vlt.f32 v55, v43;
	v42 =	vsel vm10, $0x41200000, v42  }
0x217: {  	[tilespmem:s5+$0x20] =	vst v45;
	vm0 =	vmand vm0, vm1;
	vm1 =	vgt.f32 v41, v40;
	v42 =	vsel vm11, $0x41300000, v42  }
0x218: {  	s6 =	simm.s32 $0x40;
	s19 =	simm.s32 $0x0;
	[tilespmem:s5+$0x30] =	vst v46;
	v56 =	vsel vm1, $0x3F800000, v48;
	v57 =	vsel vm0, $0x3F800000, v48;
	v58 =	vsel vm12, $0x41400000, v42  }
0x219: {  	s7 =	simm.s32 $0x10;
	s5 =	scvt.s32.f32 s19;
	v60 =	vld [tilespmem:s6+$0xFFFFFFC0];
	v42 =	vadd.f32 v57, v56;
	v59 =	vsel vm13, $0x41500000, v58  }
0x21a: {  	s20 =	scvt.s32.f32 s7;
	v62 =	vld [tilespmem:s6+$0xFFFFFFD0];
	v44 =	vsel vm14, $0x41600000, v59  }
0x21b: {  	vm0 =	vgt.f32 v42, v48;
	v61 =	vadd.f32 s5, v44  }
0x21c: {  	s21 =	simm.s32 $0x20;
	v43 =	vsel vm0, v55, v43;
	v63 =	vadd.f32 s20, v44  }
0x21d: {  	s23 =	simm.s32 $0x30;
	s22 =	scvt.s32.f32 s21;
	v57 =	vld [tilespmem:s6+$0xFFFFFFE0];
	vm0 =	veq.f32 v61, v43  }
0x21e: {  	s24 =	scvt.s32.f32 s23;
	v58 =	vimm.f32 $-Inf;
	v45 =	vsel vm0, $0xFF800000, v60;
	vm0 =	veq.f32 v63, v43  }
0x21f: {  	v53 =	vld [tilespmem:s6+$0xFFFFFFF0];
	v59 =	vadd.f32 s22, v44;
	v49 =	vsel vm0, $0xFF800000, v62;
	vm0 =	vgt.f32 v45, v58  }
0x220: {  	s25 =	simm.s32 $0x40;
	v60 =	vadd.f32 s24, v44;
	[tilespmem:s6+$0xFFFFFFC0] =	vst v45;
	v45 =	vsel vm0, v45, v58  }
0x221: {  	s26 =	scvt.s32.f32 s25;
	v54 =	vld [tilespmem:s6+$0x0];
	vm1 =	veq.f32 v59, v43;
	v46 =	vsel vm0, v61, v48;
	vm0 =	vgt.f32 v49, v45  }
0x222: {  	s28 =	simm.s32 $0x50;
	v61 =	vsel vm1, $0xFF800000, v57;
	vm1 =	veq.f32 v60, v43;
	v62 =	vsel vm0, v49, v45  }
0x223: {  	s30 =	simm.s32 $0x60;
	s29 =	scvt.s32.f32 s28;
	[tilespmem:s6+$0xFFFFFFD0] =	vst v49;
	v45 =	vadd.f32 s26, v44;
	v46 =	vsel vm0, v63, v46;
	v49 =	vld [tilespmem:s6+$0x10];
	vm0 =	vgt.f32 v61, v62  }
0x224: {  	s31 =	scvt.s32.f32 s30;
	v63 =	vsel vm1, $0xFF800000, v53;
	v50 =	vsel vm0, v61, v62;
	v55 =	vsel vm0, v59, v46  }
0x225: {  	v48 =	vld [tilespmem:s6+$0x20];
	[tilespmem:s6+$0xFFFFFFE0] =	vst v61;
	vm0 =	veq.f32 v45, v43;
	v46 =	vadd.f32 s29, v44;
	vm1 =	vgt.f32 v63, v50  }
0x226: {  	s8 =	simm.s32 $0x70;
	s7 =	simm.s32 $0x0;
	v47 =	vadd.f32 s31, v44;
	[tilespmem:s6+$0xFFFFFFF0] =	vst v63;
	v52 =	vsel vm0, $0xFF800000, v54;
	v53 =	vsel vm1, v63, v50  }
0x227: {  	s9 =	scvt.s32.f32 s8;
	s8 =	simm.s32 $0xF0;
	s5 =	simm.s32 $0x40;
	v51 =	vsel vm1, v60, v55;
	[tilespmem:s6+$0x0] =	vst v52;
	vm1 =	veq.f32 v46, v43;
	v50 =	vld [tilespmem:s6+$0x30];
	vm0 =	vgt.f32 v52, v53  }
.LBB2_16:
0x228: {  	s10 =	sadd.s32 $0xFFFFFF90, s8;
	s7 =	sadd.s32 $0x8, s7;
	v52 =	vsel vm0, v52, v53;
	v45 =	vsel vm0, v45, v51;
	v49 =	vsel vm1, $0xFF800000, v49;
	s6 =	sadd.s32 $0x80, s6  }
0x229: {  	s10 =	scvt.s32.f32 s10;
	v51 =	vld [tilespmem:s6+$0xFFFFFFC0];
	p0 =	slt.u32 s7, $0xF8;
	[tilespmem:s5+$0x10] =	vst v49;
	vm0 =	vgt.f32 v49, v52;
	vm1 =	veq.f32 v47, v43;
	v53 =	vadd.f32 s9, v44  }
0x22a: {  	s9 =	sadd.s32 $0xFFFFFFA0, s8;
	v49 =	vsel vm0, v49, v52;
	v45 =	vsel vm0, v46, v45;
	v46 =	vsel vm1, $0xFF800000, v48  }
0x22b: {  	s9 =	scvt.s32.f32 s9;
	v48 =	vadd.f32 s10, v44;
	v52 =	vld [tilespmem:s6+$0xFFFFFFD0];
	[tilespmem:s5+$0x20] =	vst v46;
	vm0 =	vgt.f32 v46, v49;
	vm1 =	veq.f32 v53, v43  }
0x22c: {  	s10 =	sadd.s32 $0xFFFFFFB0, s8;
	v46 =	vsel vm0, v46, v49;
	v45 =	vsel vm0, v47, v45;
	v47 =	vsel vm1, $0xFF800000, v50  }
0x22d: {  	v49 =	vadd.f32 s9, v44;
	s9 =	scvt.s32.f32 s10;
	vm0 =	veq.f32 v48, v43;
	v50 =	vld [tilespmem:s6+$0xFFFFFFE0];
	[tilespmem:s5+$0x30] =	vst v47;
	vm1 =	vgt.f32 v47, v46;
	s5 =	smov.u32 s6  }
0x22e: {  	s10 =	sadd.s32 $0xFFFFFFC0, s8;
	v51 =	vsel vm0, $0xFF800000, v51;
	v46 =	vsel vm1, v47, v46;
	v45 =	vsel vm1, v53, v45  }
0x22f: {  	vm1 =	veq.f32 v49, v43;
	v47 =	vadd.f32 s9, v44;
	s9 =	scvt.s32.f32 s10;
	[tilespmem:s6+$0xFFFFFFC0] =	vst v51;
	vm0 =	vgt.f32 v51, v46;
	v53 =	vld [tilespmem:s6+$0xFFFFFFF0]  }
0x230: {  	s10 =	sadd.s32 $0xFFFFFFD0, s8;
	v46 =	vsel vm0, v51, v46;
	v45 =	vsel vm0, v48, v45;
	v48 =	vsel vm1, $0xFF800000, v52  }
0x231: {  	vm1 =	veq.f32 v47, v43;
	v51 =	vadd.f32 s9, v44;
	s9 =	scvt.s32.f32 s10;
	[tilespmem:s6+$0xFFFFFFD0] =	vst v48;
	vm0 =	vgt.f32 v48, v46;
	v52 =	vld [tilespmem:s6+$0x0]  }
0x232: {  	s10 =	sadd.s32 $0xFFFFFFE0, s8;
	v46 =	vsel vm0, v48, v46;
	v48 =	vsel vm0, v49, v45;
	v50 =	vsel vm1, $0xFF800000, v50  }
.Ltmp8:
0x233: {  	vm1 =	veq.f32 v51, v43;
	v45 =	vadd.f32 s9, v44;
	s9 =	scvt.s32.f32 s10;
	[tilespmem:s6+$0xFFFFFFE0] =	vst v50;
	vm0 =	vgt.f32 v50, v46;
	v49 =	vld [tilespmem:s6+$0x10];
	(pc) =	sbr.rel @p0 .LBB2_16-.Ltmp8, $4  }
0x234: {  	s10 =	sadd.s32 $0xFFFFFFF0, s8;
	v50 =	vsel vm0, v50, v46;
	v47 =	vsel vm0, v47, v48;
	v53 =	vsel vm1, $0xFF800000, v53  }
0x235: {  	vm1 =	veq.f32 v45, v43;
	v46 =	vadd.f32 s9, v44;
	s9 =	scvt.s32.f32 s10;
	[tilespmem:s6+$0xFFFFFFF0] =	vst v53;
	vm0 =	vgt.f32 v53, v50;
	v48 =	vld [tilespmem:s6+$0x20]  }
0x236: {  	v53 =	vsel vm0, v53, v50;
	v51 =	vsel vm0, v51, v47;
	v52 =	vsel vm1, $0xFF800000, v52  }
0x237: {  	vm1 =	veq.f32 v46, v43;
	v47 =	vadd.f32 s9, v44;
	s9 =	scvt.s32.f32 s8;
	s8 =	sadd.s32 $0x80, s8;
	[tilespmem:s6+$0x0] =	vst v52;
	vm0 =	vgt.f32 v52, v53;
	v50 =	vld [tilespmem:s6+$0x30]  }
0x238: {  	v52 =	vsel vm0, v52, v53;
	v49 =	vsel vm1, $0xFF800000, v49;
	v60 =	vimm.s32 $0xEFCDAB89  }
0x239: {  	v54 =	vimm.s32 $0x67452301;
	v45 =	vsel vm0, v45, v51;
	v57 =	vimm.s32 $0xDCFE98BA  }
0x23a: {  	vm1 =	vgt.f32 v49, v52;
	v53 =	vunpack.c.l.s4.s8 v60;
	v54 =	vunpack.c.l.s4.s8 v54  }
0x23b: {  	vm2 =	veq.f32 v47, v43;
	v44 =	vadd.f32 s9, v44;
	v52 =	vsel vm1, v49, v52  }
0x23c: {  	v48 =	vsel vm2, $0xFF800000, v48;
	v53 =	vunpack.c.0.s8.s32 v53;
	v54 =	vunpack.c.0.s8.s32 v54  }
0x23d: {  	v45 =	vsel vm1, v46, v45;
	vm2 =	vgt.f32 v48, v52;
	vm3 =	veq.f32 v44, v43  }
0x23e: {  	v50 =	vsel vm3, $0xFF800000, v50;
	v52 =	vsel vm2, v48, v52;
	v53 =	vcombine.low v54, v53  }
0x23f: {  	v19 =	vmul.f32 v19, v0;
	v45 =	vsel vm2, v47, v45;
	vm13 =	vgt.f32 v50, v52  }
0x240: {  	v61 =	vsel vm13, v50, v52;
	v45 =	vsel vm13, v44, v45;
	v62 =	vand.u32 $0xF, v53  }
0x241: {  	v58 =	vimm.s32 $0x54761032;
	v63 =	vperm.xlane v61, v62;
	v51 =	vperm.xlane v45, v62  }
0x242: {  	v19 =	vadd.f32 v19, v1;
	v44 =	vimm.f32 $0.0e+00;
	v52 =	vunpack.c.l.s4.s8 v57  }
0x243: {  	v53 =	vunpack.c.l.s4.s8 v58;
	vm15 =	veq.f32 v63, v61;
	vm4 =	vlt.f32 v51, v45  }
0x244: {  	v52 =	vunpack.c.0.s8.s32 v52;
	vm14 =	vgt.f32 v63, v61;
	vm5 =	vmand vm15, vm4  }
0x245: {  	v53 =	vunpack.c.0.s8.s32 v53;
	v59 =	vsel vm14, $0x3F800000, v44;
	v55 =	vsel vm5, $0x3F800000, v44  }
0x246: {  	v23 =	vmul.f32 v23, v2;
	v19 =	vmul.f32 v19, v3;
	v54 =	vadd.f32 v55, v59  }
0x247: {  	v52 =	vcombine.low v53, v52  }
0x248: {  	v27 =	vmul.f32 v27, v4;
	v19 =	vadd.f32 v23, v19;
	vm6 =	vgt.f32 v54, v44  }
0x249: {  	v60 =	vand.u32 $0xF, v52;
	v46 =	vsel vm6, v63, v61;
	v45 =	vsel vm6, v51, v45  }
0x24a: {  	v62 =	vimm.s32 $0x32107654;
	v52 =	vperm.xlane v46, v60;
	v47 =	vperm.xlane v45, v60  }
0x24b: {  	v19 =	vmul.f32 v19, v5;
	v53 =	vunpack.c.l.s4.s8 v62;
	v61 =	vimm.s32 $0xBA98FEDC  }
0x24c: {  	v51 =	vunpack.c.l.s4.s8 v61;
	vm8 =	veq.f32 v52, v46;
	vm9 =	vlt.f32 v47, v45  }
0x24d: {  	v53 =	vunpack.c.0.s8.s32 v53;
	vm7 =	vgt.f32 v52, v46;
	vm10 =	vmand vm8, vm9  }
0x24e: {  	v51 =	vunpack.c.0.s8.s32 v51;
	v63 =	vsel vm7, $0x3F800000, v44;
	v57 =	vsel vm10, $0x3F800000, v44  }
0x24f: {  	v19 =	vadd.f32 v27, v19;
	v23 =	vadd.f32 v57, v63  }
0x250: {  	v51 =	vcombine.low v53, v51  }
0x251: {  	v58 =	vmul.f32 v31, v7;
	v19 =	vmul.f32 v19, v9;
	vm11 =	vgt.f32 v23, v44  }
0x252: {  	v60 =	vand.u32 $0xF, v51;
	v59 =	vsel vm11, v52, v46;
	v45 =	vsel vm11, v47, v45  }
0x253: {  	v46 =	vperm.xlane v59, v60;
	v31 =	vperm.xlane v45, v60  }
0x254: {  	v62 =	vimm.s32 $0x76543210;
	v19 =	vadd.f32 v58, v19;
	v61 =	vimm.s32 $0xFEDCBA98  }
0x255: {  	v23 =	vunpack.c.l.s4.s8 v61;
	vm12 =	veq.f32 v46, v59;
	vm13 =	vlt.f32 v31, v45  }
0x256: {  	v47 =	vunpack.c.l.s4.s8 v62;
	vm14 =	vgt.f32 v46, v59;
	vm0 =	vmand vm12, vm13  }
0x257: {  	v23 =	vunpack.c.0.s8.s32 v23;
	v63 =	vsel vm14, $0x3F800000, v44;
	v56 =	vsel vm0, $0x3F800000, v44  }
0x258: {  	v47 =	vunpack.c.0.s8.s32 v47;
	v51 =	vadd.f32 v56, v63  }
0x259: {  	v35 =	vmul.f32 v35, v10;
	v19 =	vmul.f32 v19, v14;
	v23 =	vand.u32 $0xF, v23  }
0x25a: {  	v23 =	vcombine.low v23, v47;
	vm15 =	vgt.f32 v51, v44  }
0x25b: {  	v19 =	vadd.f32 v35, v19;
	v27 =	vsel vm15, v46, v59;
	v31 =	vsel vm15, v31, v45  }
0x25c: {  	v57 =	vperm.xlane v27, v23;
	v23 =	vperm.xlane v31, v23  }
0x25d: {  	v39 =	vmul.f32 v39, v6;
	v19 =	vmul.f32 v19, v11  }
0x25e: {  	vm4 =	veq.f32 v57, v27;
	vm5 =	vlt.f32 v23, v31  }
0x25f: {  	v19 =	vadd.f32 v39, v19;
	vm6 =	vgt.f32 v57, v27;
	vm0 =	vmand vm4, vm5  }
0x260: {  	v58 =	vsel vm6, $0x3F800000, v44;
	v59 =	vsel vm0, $0x3F800000, v44  }
0x261: {  	v19 =	vmul.f32 v19, v15;
	v60 =	vmul.f32 v43, v12;
	v39 =	vadd.f32 v59, v58;
	_ =	sdelay $0x1  }
0x262: {  	v19 =	vadd.f32 v60, v19;
	vm7 =	vgt.f32 v39, v44  }
0x263: {  	v23 =	vsel vm7, v23, v31  }
0x264: {  	vm8 =	vgt.f32 v18, v44;
	v19 =	vmul.f32 v19, v13;
	v61 =	vmul.f32 v23, v8  }
0x265: {  	v16 =	vsel vm8, v17, v16  }
0x266: {  	v0 =	vmul.f32 v16, v0;
	v62 =	vadd.f32 v61, v19;
	_ =	sdelay $0x1  }
0x267: {  	[tilespmem:s5+$0x10] =	vst v49;
	vm9 =	vgt.f32 v22, v44;
	v0 =	vadd.f32 v0, v1;
	v1 =	vtrunc.f32 v62  }
0x268: {  	[tilespmem:s5+$0x20] =	vst v48;
	v63 =	vsel vm9, v21, v20;
	v1 =	vcvt.f32.s32 v1  }
0x269: {  	[tilespmem:s5+$0x30] =	vst v50;
	v0 =	vmul.f32 v0, v3;
	v2 =	vmul.f32 v63, v2  }
0x26a: {  	[tilespmem:$0x2000] =	vst v1  }
0x26b: {  	vm10 =	vgt.f32 v26, v44;
	v0 =	vadd.f32 v2, v0;
	v1 =	vld.msk [tilespmem:$0x2000], $0x1  }
0x26c: {  	v2 =	vsel vm10, v25, v24  }
0x26d: {  	v2 =	vmul.f32 v2, v4;
	v0 =	vmul.f32 v0, v5  }
0x26e: {  	vm11 =	vgt.f32 v30, v44  }
0x26f: {  	v0 =	vadd.f32 v2, v0;
	v2 =	vsel vm11, v29, v28  }
0x270: {  	vm12 =	vgt.f32 v34, v44;
	v2 =	vmul.f32 v2, v7;
	v3 =	vshll.u32 v1, $0x5  }
0x271: {  	v0 =	vmul.f32 v0, v9;
	v1 =	vand.u32 $0x7, v1;
	v3 =	vand.u32 $0xFFFFFF00, v3  }
0x272: {  	v4 =	vlaneseq.u32;
	v1 =	vor.u32 v1, v3;
	v3 =	vimm.s32 $0x0  }
0x273: {  	v0 =	vadd.f32 v2, v0;
	v1 =	vperm.xlane v1, v3;
	v3 =	vmul.u32 $0x8, v4  }
0x274: {  	v2 =	vsel vm12, v33, v32  }
0x275: {  	v2 =	vmul.f32 v2, v10;
	v0 =	vmul.f32 v0, v14;
	v1 =	vadd.s32 v3, v1;
	_ =	sdelay $0x1  }
0x276: {  	vm13 =	vgt.f32 v38, v44;
	v0 =	vadd.f32 v2, v0  }
0x277: {  	v2 =	vsel vm13, v37, v36  }
0x278: {  	s29 =	simm.s32 $0x0;
	s6 =	simm.s32 $0x1000;
	vm14 =	vmmov $0xffff;
	v2 =	vmul.f32 v2, v6;
	v0 =	vmul.f32 v0, v11  }
0x279: {  	[tilespmem:s6], [sflag:$0x1] =	stream.indirect_vreg.gather [hbm4b:s2+s29], $0x80, v1, vm14, $0xb8;
	[tilespmem:$0x2080] =	vst v63  }
0x27a: {  	s30 =	simm.s32 $0x1800;
	s31 =	simm.s32 $0x1;
	vm15 =	vgt.f32 v42, v44;
	v0 =	vadd.f32 v2, v0  }
0x27b: {  	[tilespmem:s30], [sflag:$0x1] =	stream.indirect_vreg.gather [hbm4b:s4+s29], $0x80, v1, vm14, $0xb8;
	v1 =	vsel vm15, v41, v40;
	[tilespmem:$0x2080] =	vst v63  }
0x27c: {  	v0 =	vmul.f32 v0, v15;
	v1 =	vmul.f32 v1, v12;
	_ =	swait.ge [sflag:s31], $0x1000  }
0x27d: {  	[sflag:s31] =	ssyncset.done $0x0  }
0x27e: {  	s2 =	simm.s32 $0x1040;
	v0 =	vadd.f32 v1, v0;
	[sflag:s31] =	ssyncadd.s32 $0xFFFFF000  }
0x27f: {  	v1 =	vsel vm7, v57, v27;
	v2 =	vld [tilespmem:s2+$0xFFFFFFC0]  }
0x280: {  	v1 =	vmul.f32 v1, v8;
	v0 =	vmul.f32 v0, v13  }
0x281: {  	v5 =	vld [tilespmem:s2+$0xFFFFFFD0]  }
0x282: {  	v7 =	vld [tilespmem:s2+$0xFFFFFFE0];
	v0 =	vadd.f32 v1, v0  }
0x283: {  	v3 =	vld [tilespmem:s2+$0x0]  }
0x284: {  	v1 =	vld [tilespmem:s2+$0x10];
	v6 =	vmul.f32 v2, v0  }
0x285: {  	v4 =	vld [tilespmem:s2+$0x20]  }
0x286: {  	v2 =	vld [tilespmem:s2+$0x30];
	[tilespmem:s2+$0xFFFFFFC0] =	vst v6;
	v6 =	vmul.f32 v5, v0  }
0x287: {  	s5 =	simm.s32 $0x10C0;
	s4 =	simm.s32 $0x0;
	v7 =	vmul.f32 v7, v0;
	v5 =	vld [tilespmem:s2+$0xFFFFFFF0]  }
.LBB2_18:
0x288: {  	v8 =	vld [tilespmem:s5+$0xFFFFFFC0];
	[tilespmem:s2+$0xFFFFFFD0] =	vst v6;
	v3 =	vmul.f32 v3, v0  }
0x289: {  	s4 =	sadd.s32 $0x8, s4;
	v6 =	vld [tilespmem:s5+$0xFFFFFFD0];
	[tilespmem:s2+$0xFFFFFFE0] =	vst v7;
	v1 =	vmul.f32 v1, v0  }
0x28a: {  	p0 =	slt.u32 s4, $0xF8;
	v7 =	vld [tilespmem:s5+$0xFFFFFFE0];
	[tilespmem:s2+$0x0] =	vst v3;
	v4 =	vmul.f32 v4, v0  }
.Ltmp9:
0x28b: {  	v3 =	vld [tilespmem:s5+$0x0];
	[tilespmem:s2+$0x10] =	vst v1;
	v2 =	vmul.f32 v2, v0;
	(pc) =	sbr.rel @p0 .LBB2_18-.Ltmp9, $4  }
0x28c: {  	v1 =	vld [tilespmem:s5+$0x10];
	v5 =	vmul.f32 v5, v0;
	[tilespmem:s2+$0x20] =	vst v4  }
0x28d: {  	v8 =	vmul.f32 v8, v0;
	v4 =	vld [tilespmem:s5+$0x20];
	[tilespmem:s2+$0x30] =	vst v2  }
0x28e: {  	v6 =	vmul.f32 v6, v0;
	v2 =	vld [tilespmem:s5+$0x30];
	[tilespmem:s2+$0xFFFFFFF0] =	vst v5;
	s2 =	smov.u32 s5  }
0x28f: {  	s5 =	sadd.s32 $0x80, s5;
	[tilespmem:s2+$0xFFFFFFC0] =	vst v8;
	v7 =	vmul.f32 v7, v0;
	v5 =	vld [tilespmem:s2+$0xFFFFFFF0]  }
0x290: {  	[tilespmem:s2+$0xFFFFFFD0] =	vst v6;
	v3 =	vmul.f32 v3, v0  }
0x291: {  	[tilespmem:s2+$0xFFFFFFE0] =	vst v7;
	v1 =	vmul.f32 v1, v0  }
0x292: {  	[tilespmem:s2+$0x0] =	vst v3;
	v61 =	vmul.f32 v4, v0  }
0x293: {  	[tilespmem:s2+$0x10] =	vst v1;
	v62 =	vmul.f32 v2, v0  }
0x294: {  	v63 =	vmul.f32 v5, v0;
	[tilespmem:s2+$0x20] =	vst v61  }
0x295: {  	s30 =	simm.s32 $0x80;
	[tilespmem:s2+$0x30] =	vst v62  }
0x296: {  	s4 =	simm.s32 $0x400;
	s5 =	simm.s32 $0x1000;
	s31 =	simm.s32 $0x2;
	[tilespmem:s2+$0xFFFFFFF0] =	vst v63  }
0x297: {  	[hbm4b:s3+s30] =	stream.strided.scatter [tilespmem:s5], [sflag:$0x2], $0x1000, s4, s30, $0x38;
	[tilespmem:$0x2080] =	vst v63  }
0x298: {  	_ =	swait.ge [sflag:s31], $0x1000  }
0x299: {  	[sflag:s31] =	ssyncset.done $0x0  }
0x29a: {  	[sflag:s31] =	ssyncadd.s32 $0xFFFFF000  }
.LBB2_20:
0x29b: {  	_ =	sfence.sel $0x180000  }
0x29c: {  	[bflag:$0x0] =	sbarrier.arrive $0xFFFF  }
0x29d: {  	p0 =	sne.s32 s1, $0x0;
	_ =	strace $0x90000047  }
0x29e: {  	s0 =	sadd.s32 @!p0 $0x100000, s0;
	[bflag:$0x2] =	sbarrier.arrive $0xFFFF  }
0x29f: {  	[sflag:s0] =	ssyncadd.tile.s32 @!p0 $0x1;
	_ =	shalt  }
.Lfunc_end2:
_tile_overlayer_lowered:
.L_overlay_start_2:
0x2a0: {  	(tag) =	ssettag $0x2  }
0x2a1: {  	s0 =	rddreg [dreg:$0x0];
	s2 =	stileid.u32  }
0x2a2: {  	s1 =	rddreg [dreg:$0x1];
	p0 =	sne.s32 s2, $0x0  }
0x2a3: {  	s3 =	rddreg [dreg:$0x2];
	[bflag:$0x3] =	sbarrier.arrive $0xFFFF;
	s2 =	simm.s32 @!p0 $0x1C03  }
0x2a4: {  	[timem:s3], [sflag:s2] =	dma.local @!p0 [hbm:s0], s1  }
0x2a5: {  	s0 =	simm.s32 @!p0 $0x3  }
0x2a6: {  	_ =	swait.ge @!p0 [sflag:s0], s1  }
0x2a7: {  	s1 =	ssub.s32 @!p0 $0x0, s1;
	[sflag:s0] =	ssyncset.done @!p0 $0x0  }
0x2a8: {  	[sflag:s0] =	ssyncadd.s32 @!p0 s1  }
0x2a9: {  	[bflag:$0x3] =	sbarrier.arrive $0xFFFF  }
0x2aa: {  	_ =	shalt  }

</sc_bundles>
